<compile_context>
chip_gen: v7x
topology: tpu7x:2x2x1
jax: 0.10.2.dev20260603
libtpu: 0.0.44.dev20260713+nightly
codegen_flags: <defaults>
</compile_context>

<pallas_src>
import functools

import jax
import jax.numpy as jnp
from jax import lax
from jax.experimental import pallas as pl
from jax.experimental.pallas import tpu as pltpu
from jax.experimental.pallas import tpu_sc as plsc

F32 = jnp.float32

N = 10000
E = 320000
F = 128
H = 5
HP = 16
NC = 2
NS = 16
NW = NC * NS
EPW = E // NW
C = 80
NCHUNK = EPW // C
NP = 10240
RPT = NP // NS
PPR = 14
PR = 768
PRT = PR // NS
HALF = NP // 2
EPS = E // NS
NCH2 = EPS // C
AR = 5248
ART = AR // NS

BN = 400
NB = N // BN
BM = 80
NBM = N // BM


def _pre_body(x_ref, wlt_ref, bl_ref, wrt_ref, br_ref, att_ref,
              xl_ref, xr_ref, exs_ref):
    x = x_ref[...]
    xl = jnp.dot(x, wlt_ref[...], preferred_element_type=F32) + bl_ref[...]
    xr = jnp.dot(x, wrt_ref[...], preferred_element_type=F32) + br_ref[...]
    xl_ref[...] = xl
    xr_ref[...] = xr
    z = xl + xr
    p = jnp.maximum(z, 0.2 * z) * att_ref[...]
    cols = [jnp.exp(jnp.sum(p[:, h * F:(h + 1) * F], axis=1, keepdims=True))
            for h in range(H)]
    cols.append(jnp.zeros((BN, HP - H), F32))
    exs_ref[...] = jnp.concatenate(cols, axis=1)


def _pre_call(x, wlt, bl2, wrt, br2, att2):
    return pl.pallas_call(
        _pre_body,
        grid=(NB,),
        in_specs=[
            pl.BlockSpec((BN, F), lambda i: (i, 0)),
            pl.BlockSpec((F, H * F), lambda i: (0, 0)),
            pl.BlockSpec((1, H * F), lambda i: (0, 0)),
            pl.BlockSpec((F, H * F), lambda i: (0, 0)),
            pl.BlockSpec((1, H * F), lambda i: (0, 0)),
            pl.BlockSpec((1, H * F), lambda i: (0, 0)),
        ],
        out_specs=[
            pl.BlockSpec((BN, H * F), lambda i: (i, 0)),
            pl.BlockSpec((BN, H * F), lambda i: (i, 0)),
            pl.BlockSpec((BN, HP), lambda i: (i, 0)),
        ],
        out_shape=[
            jax.ShapeDtypeStruct((N, H * F), F32),
            jax.ShapeDtypeStruct((N, H * F), F32),
            jax.ShapeDtypeStruct((N, HP), F32),
        ],
    )(x, wlt, bl2, wrt, br2, att2)


_MESH = plsc.VectorSubcoreMesh(core_axis_name="c", subcore_axis_name="s")


@functools.partial(
    pl.kernel,
    out_type=(
        jax.ShapeDtypeStruct((E, HP), F32),
        jax.ShapeDtypeStruct((NC * NP, HP), F32),
    ),
    mesh=_MESH,
    compiler_params=pltpu.CompilerParams(needs_layout_passes=False),
    scratch_types=[
        pltpu.VMEM((H * F,), F32),
        pltpu.VMEM((C,), jnp.int32),
        pltpu.VMEM((C,), jnp.int32),
        pltpu.VMEM((C,), jnp.int32),
        pltpu.VMEM((C, H * F), F32),
        pltpu.VMEM((C, H * F), F32),
        pltpu.VMEM((C, HP), F32),
        pltpu.VMEM((C, F), F32),
        pltpu.VMEM_SHARED((PR, F), F32),
        pltpu.SemaphoreType.DMA,
        pltpu.SemaphoreType.DMA,
    ],
)
def _pass1(xl_hbm, xr_hbm, src_hbm, dst_hbm, attf_hbm,
           ex_hbm, dout_hbm,
           att_v, src_v, dst_v, rowidx_v, xl_rows, xr_rows, ex_buf, exp_buf,
           spmem_d, sem0, sem1):
    c = lax.axis_index("c")
    s = lax.axis_index("s")
    wid = s * NC + c
    ebase = wid * EPW

    pltpu.sync_copy(attf_hbm, att_v)

    def _zrow(i, carry):
        for k in range(F // 16):
            exp_buf[i, pl.ds(k * 16, 16)] = jnp.zeros((16,), F32)
        return carry
    lax.fori_loop(0, C, _zrow, 0)
    pltpu.sync_copy(exp_buf.at[pl.ds(0, PRT)], spmem_d.at[pl.ds(s * PRT, PRT)])
    plsc.subcore_barrier()

    lane = lax.iota(jnp.int32, 16)

    def _chunk(g, carry):
        base = ebase + g * C
        pltpu.sync_copy(src_hbm.at[pl.ds(base, C)], src_v)
        pltpu.sync_copy(dst_hbm.at[pl.ds(base, C)], dst_v)
        cp1 = pltpu.async_copy(xl_hbm.at[src_v], xl_rows, sem0)
        cp2 = pltpu.async_copy(xr_hbm.at[dst_v], xr_rows, sem1)
        for t in range(C // 16):
            dv = dst_v[pl.ds(t * 16, 16)]
            rowidx_v[pl.ds(t * 16, 16)] = dv // PPR
        cp1.wait()
        cp2.wait()

        def _edge(e, ecarry):
            lvec = jnp.zeros((16,), F32)
            for h in range(H):
                acc = None
                for k in range(F // 16):
                    o = h * F + k * 16
                    zl = xl_rows[e, pl.ds(o, 16)]
                    zr = xr_rows[e, pl.ds(o, 16)]
                    z = zl + zr
                    t = jnp.maximum(z, 0.2 * z) * att_v[pl.ds(o, 16)]
                    acc = t if acc is None else acc + t
                lvec = jnp.where(lane == h, jnp.sum(acc), lvec)
            exv = jnp.exp(lvec)
            ex_buf[e] = exv
            grp = (e // 16) * 16
            dv = dst_v[pl.ds(grp, 16)]
            slotv = (dv % PPR) * 8
            slot = jnp.sum(jnp.where(lane == (e - grp), slotv, 0))
            for k in range(F // 16):
                exp_buf[e, pl.ds(k * 16, 16)] = jnp.zeros((16,), F32)
            exp_buf[e, pl.ds(slot, 16)] = jnp.where(lane < 8, exv, 0.0)
            return ecarry
        lax.fori_loop(0, C, _edge, 0)

        pltpu.sync_copy(ex_buf, ex_hbm.at[pl.ds(base, C)])
        pltpu.sync_copy(exp_buf.at[pl.ds(0, C)], spmem_d.at[rowidx_v],
                        add=True)
        return carry
    lax.fori_loop(0, NCHUNK, _chunk, 0)

    plsc.subcore_barrier()
    start_row = (s * RPT // PPR) // 8 * 8
    nrows = RPT // PPR + 16
    pltpu.sync_copy(spmem_d.at[pl.ds(start_row, nrows)],
                    exp_buf.at[pl.ds(0, nrows)])

    def _unp(i, carry):
        node = s * RPT + i
        row = node // PPR - start_row
        off = (node % PPR) * 8
        v = exp_buf[row, pl.ds(off, 16)]
        ex_buf[i % C] = jnp.where(lane < 8, v, 0.0)
        return carry

    for j in range(RPT // C):
        lax.fori_loop(j * C, (j + 1) * C, _unp, 0)
        pltpu.sync_copy(ex_buf, dout_hbm.at[pl.ds(c * NP + s * RPT + j * C, C)])


def _mid_body(d0_ref, d1_ref, exs_ref, recd_ref):
    denom = d0_ref[...] + d1_ref[...] + exs_ref[...]
    recd = 1.0 / (H * denom + H * 1e-16)
    recd_ref[...] = jnp.concatenate([recd, jnp.zeros((BM, F - HP), F32)],
                                    axis=1)


def _mid_call(dout, exs):
    return pl.pallas_call(
        _mid_body,
        grid=(NBM,),
        in_specs=[
            pl.BlockSpec((BM, HP), lambda i: (i, 0)),
            pl.BlockSpec((BM, HP), lambda i: (i + NP // BM, 0)),
            pl.BlockSpec((BM, HP), lambda i: (i, 0)),
        ],
        out_specs=pl.BlockSpec((BM, F), lambda i: (i, 0)),
        out_shape=jax.ShapeDtypeStruct((N, F), F32),
    )(dout, dout, exs)


@functools.partial(
    pl.kernel,
    out_type=jax.ShapeDtypeStruct((NP, F), F32),
    mesh=_MESH,
    compiler_params=pltpu.CompilerParams(needs_layout_passes=False),
    scratch_types=[
        pltpu.VMEM((C,), jnp.int32),
        pltpu.VMEM((C,), jnp.int32),
        pltpu.VMEM((C,), jnp.int32),
        pltpu.VMEM((C, H * F), F32),
        pltpu.VMEM((C, HP), F32),
        pltpu.VMEM((C, F), F32),
        pltpu.VMEM((C, F), F32),
        pltpu.VMEM_SHARED((AR, F), F32),
        pltpu.SemaphoreType.DMA,
        pltpu.SemaphoreType.DMA,
    ],
)
def _pass2(xl_hbm, src_hbm, dst_hbm, ex_hbm, recd_hbm,
           acc_hbm,
           src_v, dst_v, rowidx_v, xl_rows, exb, rcb, v_buf,
           spmem_a, sem0, sem1):
    c = lax.axis_index("c")
    s = lax.axis_index("s")
    ebase = s * EPS
    lo = c * HALF

    def _zrow(i, carry):
        for k in range(F // 16):
            v_buf[i, pl.ds(k * 16, 16)] = jnp.zeros((16,), F32)
        return carry
    lax.fori_loop(0, C, _zrow, 0)
    for j in range(ART // C):
        pltpu.sync_copy(v_buf, spmem_a.at[pl.ds(s * ART + j * C, C)])
    pltpu.sync_copy(v_buf.at[pl.ds(0, 8)],
                    spmem_a.at[pl.ds(s * ART + (ART // C) * C, 8)])
    plsc.subcore_barrier()

    def _chunk(g, carry):
        base = ebase + g * C
        pltpu.sync_copy(src_hbm.at[pl.ds(base, C)], src_v)
        pltpu.sync_copy(dst_hbm.at[pl.ds(base, C)], dst_v)
        cp1 = pltpu.async_copy(xl_hbm.at[src_v], xl_rows, sem0)
        cp2 = pltpu.async_copy(recd_hbm.at[dst_v], rcb, sem1)
        pltpu.sync_copy(ex_hbm.at[pl.ds(base, C)], exb)
        for t in range(C // 16):
            dv = dst_v[pl.ds(t * 16, 16)]
            inh = (dv >= lo) & (dv < lo + HALF)
            rowidx_v[pl.ds(t * 16, 16)] = jnp.where(inh, dv - lo, HALF)
        cp1.wait()
        cp2.wait()

        def _edge(e, ecarry):
            wv = exb[e] * rcb[e, pl.ds(0, 16)]
            w = [wv[h] for h in range(H)]
            for k in range(F // 16):
                v = w[0] * xl_rows[e, pl.ds(k * 16, 16)]
                for h in range(1, H):
                    v = v + w[h] * xl_rows[e, pl.ds(h * F + k * 16, 16)]
                v_buf[e, pl.ds(k * 16, 16)] = v
            return ecarry
        lax.fori_loop(0, C, _edge, 0)

        pltpu.sync_copy(v_buf, spmem_a.at[rowidx_v], add=True)
        return carry
    lax.fori_loop(0, NCH2, _chunk, 0)

    plsc.subcore_barrier()
    pltpu.sync_copy(spmem_a.at[pl.ds(s * (HALF // NS), HALF // NS)],
                    acc_hbm.at[pl.ds(lo + s * (HALF // NS), HALF // NS)])


def _epi_body(x_ref, a_ref, exs_ref, recd_ref, xl_ref,
              bias_ref, g_ref, b_ref, out_ref):
    out = a_ref[...]
    sr = exs_ref[...] * recd_ref[:, 0:HP]
    xl = xl_ref[...]
    for h in range(H):
        out = out + sr[:, h:h + 1] * xl[:, h * F:(h + 1) * F]
    y = x_ref[...] + out + bias_ref[...]
    mu = jnp.mean(y, axis=1, keepdims=True)
    d = y - mu
    var = jnp.mean(d * d, axis=1, keepdims=True)
    out_ref[...] = d * jax.lax.rsqrt(var + 1e-5) * g_ref[...] + b_ref[...]


def _epi_call(x, acc, exs, recd, xl, bias2, g2, b2):
    return pl.pallas_call(
        _epi_body,
        grid=(NBM,),
        in_specs=[
            pl.BlockSpec((BM, F), lambda i: (i, 0)),
            pl.BlockSpec((BM, F), lambda i: (i, 0)),
            pl.BlockSpec((BM, HP), lambda i: (i, 0)),
            pl.BlockSpec((BM, F), lambda i: (i, 0)),
            pl.BlockSpec((BM, H * F), lambda i: (i, 0)),
            pl.BlockSpec((1, F), lambda i: (0, 0)),
            pl.BlockSpec((1, F), lambda i: (0, 0)),
            pl.BlockSpec((1, F), lambda i: (0, 0)),
        ],
        out_specs=pl.BlockSpec((BM, F), lambda i: (i, 0)),
        out_shape=jax.ShapeDtypeStruct((N, F), F32),
    )(x, acc, exs, recd, xl, bias2, g2, b2)


def kernel(features, edge_index, Wl, bl, Wr, br, att, conv_bias,
           ln_gamma, ln_beta):
    wlt = Wl.T
    wrt = Wr.T
    bl2 = bl.reshape(1, H * F)
    br2 = br.reshape(1, H * F)
    att2 = att.reshape(1, H * F)
    attf = att.reshape(H * F)

    xl, xr, exs = _pre_call(features, wlt, bl2, wrt, br2, att2)

    src = edge_index[0]
    dst = edge_index[1]
    ex, dout = _pass1(xl, xr, src, dst, attf)
    recd = _mid_call(dout, exs)
    acc = _pass2(xl, src, dst, ex, recd)
    out = _epi_call(features, acc, exs, recd, xl,
                    conv_bias.reshape(1, F),
                    ln_gamma.reshape(1, F),
                    ln_beta.reshape(1, F))
    return out

# --- scband reference (transcript-rebuilt; emitter-appended) ---
"""Pipeline reference for scband-mdgatlayer-88880053223741 (READ-ONLY COPY).

The authoritative reference and input builder live on the scoring server;
editing this copy changes nothing except your own understanding.
"""

import jax, jax.numpy as jnp
import numpy as np

N = 10000
E = 320000
F = 128
H = 5


def setup_inputs(seed: int = 0) -> dict:
    key = jax.random.key(seed)
    ks = jax.random.split(key, 12)
    features = jax.random.normal(ks[0], (N, F), dtype=jnp.float32)
    edge_index = jax.random.randint(ks[1], (2, E), 0, N, dtype=jnp.int32)
    # GATv2Conv params (heads=H, out_channels=F, concat=False, share_weights=False)
    Wl = jax.random.normal(ks[2], (H * F, F), dtype=jnp.float32) * 0.05
    bl = jax.random.normal(ks[3], (H * F,), dtype=jnp.float32) * 0.05
    Wr = jax.random.normal(ks[4], (H * F, F), dtype=jnp.float32) * 0.05
    br = jax.random.normal(ks[5], (H * F,), dtype=jnp.float32) * 0.05
    att = jax.random.normal(ks[6], (H, F), dtype=jnp.float32) * 0.05
    conv_bias = jax.random.normal(ks[7], (F,), dtype=jnp.float32) * 0.05
    # LayerNorm params
    ln_gamma = jnp.ones((F,), dtype=jnp.float32)
    ln_beta = jnp.zeros((F,), dtype=jnp.float32)
    return {"features": features, "edge_index": edge_index, "Wl": Wl, "bl": bl,
            "Wr": Wr, "br": br, "att": att, "conv_bias": conv_bias,
            "ln_gamma": ln_gamma, "ln_beta": ln_beta}


def _layer_norm(x, g, b, eps=1e-5):
    mu = jnp.mean(x, axis=-1, keepdims=True)
    var = jnp.var(x, axis=-1, keepdims=True)
    return (x - mu) / jnp.sqrt(var + eps) * g + b


def _gatv2_conv(x, edge_index, Wl, bl, Wr, br, att, conv_bias):
    # GATv2Conv: heads=H, out_channels=F, add_self_loops=True, concat=False (mean over heads)
    n = x.shape[0]
    loops = jnp.arange(n, dtype=edge_index.dtype)
    src = jnp.concatenate([edge_index[0], loops])  # source nodes (messages flow src->dst)
    dst = jnp.concatenate([edge_index[1], loops])
    xl = (x @ Wl.T + bl).reshape(n, H, F)
    xr = (x @ Wr.T + br).reshape(n, H, F)
    e = jax.nn.leaky_relu(xl[src] + xr[dst], negative_slope=0.2)  # [Etot, H, F]
    logits = jnp.sum(e * att[None, :, :], axis=-1)  # [Etot, H]
    m = jax.lax.stop_gradient(jax.ops.segment_max(logits, dst, num_segments=n))
    ex = jnp.exp(logits - m[dst])
    denom = jax.ops.segment_sum(ex, dst, num_segments=n)
    alpha = ex / (denom[dst] + 1e-16)
    # dropout(p=0.5) on alpha is identity in eval mode
    out = jax.ops.segment_sum(xl[src] * alpha[..., None], dst, num_segments=n)  # [n, H, F]
    return jnp.mean(out, axis=1) + conv_bias


def reference(features, edge_index, Wl, bl, Wr, br, att, conv_bias, ln_gamma, ln_beta):
    # norm_first=False, use_residual=True: x = LayerNorm(x + conv(x, edge_index))
    conv_out = _gatv2_conv(features, edge_index, Wl, bl, Wr, br, att, conv_bias)
    return _layer_norm(features + conv_out, ln_gamma, ln_beta)

if __name__ == "__main__":
    import jax
    _d = setup_inputs()
    print(jax.jit(kernel)(*tuple(_d.values())))

</pallas_src>

<mosaic_0001>
#map = affine_map<(d0, d1) -> (0, 0)>
#map1 = affine_map<(d0, d1) -> (0)>
module attributes {stable_mosaic.version = 14 : i64} {
  func.func @_pass1(%arg0: i32, %arg1: i32, %arg2: memref<10000x640xf32, #tpu.memory_space<hbm>>, %arg3: memref<10000x640xf32, #tpu.memory_space<hbm>>, %arg4: memref<320000xi32, #tpu.memory_space<hbm>>, %arg5: memref<320000xi32, #tpu.memory_space<hbm>>, %arg6: memref<640xf32, #tpu.memory_space<hbm>>, %arg7: memref<320000x16xf32, #tpu.memory_space<hbm>>, %arg8: memref<20480x16xf32, #tpu.memory_space<hbm>>, %arg9: memref<640xf32, #tpu.memory_space<vmem>>, %arg10: memref<80xi32, #tpu.memory_space<vmem>>, %arg11: memref<80xi32, #tpu.memory_space<vmem>>, %arg12: memref<80xi32, #tpu.memory_space<vmem>>, %arg13: memref<80x640xf32, #tpu.memory_space<vmem>>, %arg14: memref<80x640xf32, #tpu.memory_space<vmem>>, %arg15: memref<80x16xf32, #tpu.memory_space<vmem>>, %arg16: memref<80x128xf32, #tpu.memory_space<vmem>>, %arg17: memref<768x128xf32, #tpu.memory_space<vmem_shared>>, %arg18: memref<!tpu.dma_semaphore, #tpu.memory_space<semaphore_mem>>, %arg19: memref<!tpu.dma_semaphore, #tpu.memory_space<semaphore_mem>>) attributes {dimension_semantics = [#tpu.dimension_semantics<core_parallel>, #tpu.dimension_semantics<subcore_parallel>], iteration_bounds = array<i64: 2, 16>, scalar_prefetch = 0 : i64, scratch_operands = 11 : i64, tpu.core_type = #tpu.core_type<sc_vector_subcore>, window_params = [{transform_indices = #map}, {transform_indices = #map}, {transform_indices = #map1}, {transform_indices = #map1}, {transform_indices = #map1}, {transform_indices = #map}, {transform_indices = #map}]} {
    %mul3A = arith.constant 2 : i32
    %mul3A_0 = arith.muli %arg1, %mul3A : i32
    %add3A = arith.addi %mul3A_0, %arg0 : i32
    %mul3A_1 = arith.constant 10000 : i32
    %mul3A_2 = arith.muli %add3A, %mul3A_1 : i32
    "tpu.region"() ({
      %run_scoped3A = tpu.sem_alloc : memref<!tpu.dma_semaphore, #tpu.memory_space<semaphore_mem>>
      tpu.enqueue_dma source(%arg6 : memref<640xf32, #tpu.memory_space<hbm>>) target(%arg9 : memref<640xf32, #tpu.memory_space<vmem>>) target_semaphore(%run_scoped3A : memref<!tpu.dma_semaphore, #tpu.memory_space<semaphore_mem>>)
      tpu.wait_dma2 semaphore(%run_scoped3A : memref<!tpu.dma_semaphore, #tpu.memory_space<semaphore_mem>>) src(%arg6 : memref<640xf32, #tpu.memory_space<hbm>>) dst(%arg9 : memref<640xf32, #tpu.memory_space<vmem>>)
      tpu.yield
    }) : () -> ()
    %scan3A = arith.constant 0 : i32
    %scan3A_3 = arith.constant 0 : i32
    %scan3A_4 = arith.constant 80 : i32
    %scan3A_5 = arith.addi %scan3A_3, %scan3A_4 : i32
    %scan3A_6 = arith.constant 1 : i32
    scf.for %scan3A_165 = %scan3A_3 to %scan3A_5 step %scan3A_6  : i32 {
      %broadcast_in_dim3A = arith.constant 0.000000e+00 : f32
      %broadcast_in_dim3A_166 = vector.broadcast %broadcast_in_dim3A : f32 to vector<16xf32>
      %swap3A = arith.index_cast %scan3A_165 : i32 to index
      %swap3A_167 = arith.constant 0 : index
      %swap3A_168 = tpu.vector_load %arg16[%swap3A, %swap3A_167] {strides = array<i32>} : memref<80x128xf32, #tpu.memory_space<vmem>>, vector<16xf32>,
      tpu.vector_store %arg16[%swap3A, %swap3A_167], %broadcast_in_dim3A_166 {strides = array<i32>} : memref<80x128xf32, #tpu.memory_space<vmem>>, vector<16xf32>,
      %broadcast_in_dim3A_169 = arith.constant 0.000000e+00 : f32
      %broadcast_in_dim3A_170 = vector.broadcast %broadcast_in_dim3A_169 : f32 to vector<16xf32>
      %swap3A_171 = arith.index_cast %scan3A_165 : i32 to index
      %swap3A_172 = arith.constant 16 : index
      %swap3A_173 = tpu.vector_load %arg16[%swap3A_171, %swap3A_172] {strides = array<i32>} : memref<80x128xf32, #tpu.memory_space<vmem>>, vector<16xf32>,
      tpu.vector_store %arg16[%swap3A_171, %swap3A_172], %broadcast_in_dim3A_170 {strides = array<i32>} : memref<80x128xf32, #tpu.memory_space<vmem>>, vector<16xf32>,
      %broadcast_in_dim3A_174 = arith.constant 0.000000e+00 : f32
      %broadcast_in_dim3A_175 = vector.broadcast %broadcast_in_dim3A_174 : f32 to vector<16xf32>
      %swap3A_176 = arith.index_cast %scan3A_165 : i32 to index
      %swap3A_177 = arith.constant 32 : index
      %swap3A_178 = tpu.vector_load %arg16[%swap3A_176, %swap3A_177] {strides = array<i32>} : memref<80x128xf32, #tpu.memory_space<vmem>>, vector<16xf32>,
      tpu.vector_store %arg16[%swap3A_176, %swap3A_177], %broadcast_in_dim3A_175 {strides = array<i32>} : memref<80x128xf32, #tpu.memory_space<vmem>>, vector<16xf32>,
      %broadcast_in_dim3A_179 = arith.constant 0.000000e+00 : f32
      %broadcast_in_dim3A_180 = vector.broadcast %broadcast_in_dim3A_179 : f32 to vector<16xf32>
      %swap3A_181 = arith.index_cast %scan3A_165 : i32 to index
      %swap3A_182 = arith.constant 48 : index
      %swap3A_183 = tpu.vector_load %arg16[%swap3A_181, %swap3A_182] {strides = array<i32>} : memref<80x128xf32, #tpu.memory_space<vmem>>, vector<16xf32>,
      tpu.vector_store %arg16[%swap3A_181, %swap3A_182], %broadcast_in_dim3A_180 {strides = array<i32>} : memref<80x128xf32, #tpu.memory_space<vmem>>, vector<16xf32>,
      %broadcast_in_dim3A_184 = arith.constant 0.000000e+00 : f32
      %broadcast_in_dim3A_185 = vector.broadcast %broadcast_in_dim3A_184 : f32 to vector<16xf32>
      %swap3A_186 = arith.index_cast %scan3A_165 : i32 to index
      %swap3A_187 = arith.constant 64 : index
      %swap3A_188 = tpu.vector_load %arg16[%swap3A_186, %swap3A_187] {strides = array<i32>} : memref<80x128xf32, #tpu.memory_space<vmem>>, vector<16xf32>,
      tpu.vector_store %arg16[%swap3A_186, %swap3A_187], %broadcast_in_dim3A_185 {strides = array<i32>} : memref<80x128xf32, #tpu.memory_space<vmem>>, vector<16xf32>,
      %broadcast_in_dim3A_189 = arith.constant 0.000000e+00 : f32
      %broadcast_in_dim3A_190 = vector.broadcast %broadcast_in_dim3A_189 : f32 to vector<16xf32>
      %swap3A_191 = arith.index_cast %scan3A_165 : i32 to index
      %swap3A_192 = arith.constant 80 : index
      %swap3A_193 = tpu.vector_load %arg16[%swap3A_191, %swap3A_192] {strides = array<i32>} : memref<80x128xf32, #tpu.memory_space<vmem>>, vector<16xf32>,
      tpu.vector_store %arg16[%swap3A_191, %swap3A_192], %broadcast_in_dim3A_190 {strides = array<i32>} : memref<80x128xf32, #tpu.memory_space<vmem>>, vector<16xf32>,
      %broadcast_in_dim3A_194 = arith.constant 0.000000e+00 : f32
      %broadcast_in_dim3A_195 = vector.broadcast %broadcast_in_dim3A_194 : f32 to vector<16xf32>
      %swap3A_196 = arith.index_cast %scan3A_165 : i32 to index
      %swap3A_197 = arith.constant 96 : index
      %swap3A_198 = tpu.vector_load %arg16[%swap3A_196, %swap3A_197] {strides = array<i32>} : memref<80x128xf32, #tpu.memory_space<vmem>>, vector<16xf32>,
      tpu.vector_store %arg16[%swap3A_196, %swap3A_197], %broadcast_in_dim3A_195 {strides = array<i32>} : memref<80x128xf32, #tpu.memory_space<vmem>>, vector<16xf32>,
      %broadcast_in_dim3A_199 = arith.constant 0.000000e+00 : f32
      %broadcast_in_dim3A_200 = vector.broadcast %broadcast_in_dim3A_199 : f32 to vector<16xf32>
      %swap3A_201 = arith.index_cast %scan3A_165 : i32 to index
      %swap3A_202 = arith.constant 112 : index
      %swap3A_203 = tpu.vector_load %arg16[%swap3A_201, %swap3A_202] {strides = array<i32>} : memref<80x128xf32, #tpu.memory_space<vmem>>, vector<16xf32>,
      tpu.vector_store %arg16[%swap3A_201, %swap3A_202], %broadcast_in_dim3A_200 {strides = array<i32>} : memref<80x128xf32, #tpu.memory_space<vmem>>, vector<16xf32>,
    }
    %scan3A_7 = arith.constant 80 : i32
    %mul3A_8 = arith.constant 48 : i32
    %mul3A_9 = arith.muli %arg1, %mul3A_8 : i32
    "tpu.region"() ({
      %run_scoped3A = tpu.sem_alloc : memref<!tpu.dma_semaphore, #tpu.memory_space<semaphore_mem>>
      %dma_start3A = arith.constant 0 : i32
      %dma_start3A_165 = arith.constant 0 : i32
      %dma_start3A_166 = tpu.memref_slice %arg16[%dma_start3A, %dma_start3A_165] : memref<80x128xf32, #tpu.memory_space<vmem>> -> memref<48x128xf32, #tpu.memory_space<vmem>>
      %dma_start3A_167 = arith.constant 0 : i32
      %dma_start3A_168 = tpu.memref_slice %arg17[%mul3A_9, %dma_start3A_167] : memref<768x128xf32, #tpu.memory_space<vmem_shared>> -> memref<48x128xf32, #tpu.memory_space<vmem_shared>>
      %dma_start3A_169 = arith.constant 0 : i32
      %dma_start3A_170 = tpu.memref_slice %arg17[%mul3A_9, %dma_start3A_169] : memref<768x128xf32, #tpu.memory_space<vmem_shared>> -> memref<48x128xf32, #tpu.memory_space<vmem_shared>>
      %dma_start3A_171 = arith.constant 0 : i32
      %dma_start3A_172 = arith.constant 0 : i32
      %dma_start3A_173 = tpu.memref_slice %arg16[%dma_start3A_171, %dma_start3A_172] : memref<80x128xf32, #tpu.memory_space<vmem>> -> memref<48x128xf32, #tpu.memory_space<vmem>>
      tpu.enqueue_dma source(%dma_start3A_173 : memref<48x128xf32, #tpu.memory_space<vmem>>) target(%dma_start3A_170 : memref<48x128xf32, #tpu.memory_space<vmem_shared>>) target_semaphore(%run_scoped3A : memref<!tpu.dma_semaphore, #tpu.memory_space<semaphore_mem>>)
      %dma_wait3A = arith.constant 0 : i32
      %dma_wait3A_174 = arith.constant 0 : i32
      %dma_wait3A_175 = tpu.memref_slice %arg16[%dma_wait3A, %dma_wait3A_174] : memref<80x128xf32, #tpu.memory_space<vmem>> -> memref<48x128xf32, #tpu.memory_space<vmem>>
      %dma_wait3A_176 = arith.constant 0 : i32
      %dma_wait3A_177 = tpu.memref_slice %arg17[%mul3A_9, %dma_wait3A_176] : memref<768x128xf32, #tpu.memory_space<vmem_shared>> -> memref<48x128xf32, #tpu.memory_space<vmem_shared>>
      %dma_wait3A_178 = arith.constant 0 : i32
      %dma_wait3A_179 = tpu.memref_slice %arg17[%mul3A_9, %dma_wait3A_178] : memref<768x128xf32, #tpu.memory_space<vmem_shared>> -> memref<48x128xf32, #tpu.memory_space<vmem_shared>>
      %dma_wait3A_180 = arith.constant 0 : i32
      %dma_wait3A_181 = arith.constant 0 : i32
      %dma_wait3A_182 = tpu.memref_slice %arg16[%dma_wait3A_180, %dma_wait3A_181] : memref<80x128xf32, #tpu.memory_space<vmem>> -> memref<48x128xf32, #tpu.memory_space<vmem>>
      tpu.wait_dma2 semaphore(%run_scoped3A : memref<!tpu.dma_semaphore, #tpu.memory_space<semaphore_mem>>) src(%dma_wait3A_182 : memref<48x128xf32, #tpu.memory_space<vmem>>) dst(%dma_wait3A_179 : memref<48x128xf32, #tpu.memory_space<vmem_shared>>)
      tpu.yield
    }) : () -> ()
    %barrier3A = arith.constant 0 : index
    tpu.barrier barrier_id(%barrier3A)
    %iota3A = tpu.iota {dimensions = array<i32: 0>} : vector<16xi32>
    %scan3A_10 = arith.constant 0 : i32
    %scan3A_11 = arith.constant 0 : i32
    %scan3A_12 = arith.constant 125 : i32
    %scan3A_13 = arith.addi %scan3A_11, %scan3A_12 : i32
    %scan3A_14 = arith.constant 1 : i32
    scf.for %scan3A_165 = %scan3A_11 to %scan3A_13 step %scan3A_14  : i32 {
      %mul3A_166 = arith.constant 80 : i32
      %mul3A_167 = arith.muli %scan3A_165, %mul3A_166 : i32
      %add3A_168 = arith.addi %mul3A_2, %mul3A_167 : i32
      "tpu.region"() ({
        %run_scoped3A = tpu.sem_alloc : memref<!tpu.dma_semaphore, #tpu.memory_space<semaphore_mem>>
        %dma_start3A_358 = tpu.memref_slice %arg4[%add3A_168] : memref<320000xi32, #tpu.memory_space<hbm>> -> memref<80xi32, #tpu.memory_space<hbm>>
        %dma_start3A_359 = tpu.memref_slice %arg4[%add3A_168] : memref<320000xi32, #tpu.memory_space<hbm>> -> memref<80xi32, #tpu.memory_space<hbm>>
        tpu.enqueue_dma source(%dma_start3A_359 : memref<80xi32, #tpu.memory_space<hbm>>) target(%arg10 : memref<80xi32, #tpu.memory_space<vmem>>) target_semaphore(%run_scoped3A : memref<!tpu.dma_semaphore, #tpu.memory_space<semaphore_mem>>)
        %dma_wait3A_360 = tpu.memref_slice %arg4[%add3A_168] : memref<320000xi32, #tpu.memory_space<hbm>> -> memref<80xi32, #tpu.memory_space<hbm>>
        %dma_wait3A_361 = tpu.memref_slice %arg4[%add3A_168] : memref<320000xi32, #tpu.memory_space<hbm>> -> memref<80xi32, #tpu.memory_space<hbm>>
        tpu.wait_dma2 semaphore(%run_scoped3A : memref<!tpu.dma_semaphore, #tpu.memory_space<semaphore_mem>>) src(%dma_wait3A_361 : memref<80xi32, #tpu.memory_space<hbm>>) dst(%arg10 : memref<80xi32, #tpu.memory_space<vmem>>)
        tpu.yield
      }) : () -> ()
      "tpu.region"() ({
        %run_scoped3A = tpu.sem_alloc : memref<!tpu.dma_semaphore, #tpu.memory_space<semaphore_mem>>
        %dma_start3A_358 = tpu.memref_slice %arg5[%add3A_168] : memref<320000xi32, #tpu.memory_space<hbm>> -> memref<80xi32, #tpu.memory_space<hbm>>
        %dma_start3A_359 = tpu.memref_slice %arg5[%add3A_168] : memref<320000xi32, #tpu.memory_space<hbm>> -> memref<80xi32, #tpu.memory_space<hbm>>
        tpu.enqueue_dma source(%dma_start3A_359 : memref<80xi32, #tpu.memory_space<hbm>>) target(%arg11 : memref<80xi32, #tpu.memory_space<vmem>>) target_semaphore(%run_scoped3A : memref<!tpu.dma_semaphore, #tpu.memory_space<semaphore_mem>>)
        %dma_wait3A_360 = tpu.memref_slice %arg5[%add3A_168] : memref<320000xi32, #tpu.memory_space<hbm>> -> memref<80xi32, #tpu.memory_space<hbm>>
        %dma_wait3A_361 = tpu.memref_slice %arg5[%add3A_168] : memref<320000xi32, #tpu.memory_space<hbm>> -> memref<80xi32, #tpu.memory_space<hbm>>
        tpu.wait_dma2 semaphore(%run_scoped3A : memref<!tpu.dma_semaphore, #tpu.memory_space<semaphore_mem>>) src(%dma_wait3A_361 : memref<80xi32, #tpu.memory_space<hbm>>) dst(%arg11 : memref<80xi32, #tpu.memory_space<vmem>>)
        tpu.yield
      }) : () -> ()
      %dma_start3A = arith.constant 0 : i32
      %dma_start3A_169 = arith.constant 0 : i32
      %dma_start3A_170 = tpu.memref_slice %arg2[%dma_start3A, %dma_start3A_169] : memref<10000x640xf32, #tpu.memory_space<hbm>> -> memref<10000x640xf32, #tpu.memory_space<hbm>>
      tpu.enqueue_indirect_dma source(%dma_start3A_170 : memref<10000x640xf32, #tpu.memory_space<hbm>>) target(%arg13 : memref<80x640xf32, #tpu.memory_space<vmem>>) offsets(%arg10 : memref<80xi32, #tpu.memory_space<vmem>>) semaphore(%arg18 : memref<!tpu.dma_semaphore, #tpu.memory_space<semaphore_mem>>)
      %dma_start3A_171 = arith.constant 0 : i32
      %dma_start3A_172 = arith.constant 0 : i32
      %dma_start3A_173 = tpu.memref_slice %arg3[%dma_start3A_171, %dma_start3A_172] : memref<10000x640xf32, #tpu.memory_space<hbm>> -> memref<10000x640xf32, #tpu.memory_space<hbm>>
      tpu.enqueue_indirect_dma source(%dma_start3A_173 : memref<10000x640xf32, #tpu.memory_space<hbm>>) target(%arg14 : memref<80x640xf32, #tpu.memory_space<vmem>>) offsets(%arg11 : memref<80xi32, #tpu.memory_space<vmem>>) semaphore(%arg19 : memref<!tpu.dma_semaphore, #tpu.memory_space<semaphore_mem>>)
      %get3A = arith.constant 0 : index
      %get3A_174 = tpu.vector_load %arg11[%get3A] {strides = array<i32>} : memref<80xi32, #tpu.memory_space<vmem>>, vector<16xi32>,
      %jit3A_175 = arith.constant 14 : i32
      %div3A_176 = vector.broadcast %jit3A_175 : i32 to vector<16xi32>
      %div3A_177 = arith.divsi %get3A_174, %div3A_176 : vector<16xi32>
      %sign3A_178 = arith.constant 0 : i32
      %sign3A_179 = vector.broadcast %sign3A_178 : i32 to vector<16xi32>
      %sign3A_180 = arith.cmpi sgt, %get3A_174, %sign3A_179 : vector<16xi32>
      %sign3A_181 = arith.extui %sign3A_180 : vector<16xi1> to vector<16xi32>
      %sign3A_182 = arith.constant 0 : i32
      %sign3A_183 = vector.broadcast %sign3A_182 : i32 to vector<16xi32>
      %sign3A_184 = arith.cmpi slt, %get3A_174, %sign3A_183 : vector<16xi32>
      %sign3A_185 = arith.extui %sign3A_184 : vector<16xi1> to vector<16xi32>
      %sign3A_186 = arith.subi %sign3A_181, %sign3A_185 : vector<16xi32>
      %sign3A_187 = arith.constant 0 : i32
      %sign3A_188 = arith.cmpi sgt, %jit3A_175, %sign3A_187 : i32
      %sign3A_189 = arith.extui %sign3A_188 : i1 to i32
      %sign3A_190 = arith.constant 0 : i32
      %sign3A_191 = arith.cmpi slt, %jit3A_175, %sign3A_190 : i32
      %sign3A_192 = arith.extui %sign3A_191 : i1 to i32
      %sign3A_193 = arith.subi %sign3A_189, %sign3A_192 : i32
      %ne3A_194 = vector.broadcast %sign3A_193 : i32 to vector<16xi32>
      %ne3A_195 = arith.cmpi ne, %sign3A_186, %ne3A_194 : vector<16xi32>
      %rem3A_196 = vector.broadcast %jit3A_175 : i32 to vector<16xi32>
      %rem3A_197 = arith.remsi %get3A_174, %rem3A_196 : vector<16xi32>
      %ne3A_198 = arith.constant 0 : i32
      %ne3A_199 = vector.broadcast %ne3A_198 : i32 to vector<16xi32>
      %ne3A_200 = arith.cmpi ne, %rem3A_197, %ne3A_199 : vector<16xi32>
      %and3A_201 = arith.andi %ne3A_195, %ne3A_200 : vector<16xi1>
      %sub3A_202 = arith.constant 1 : i32
      %sub3A_203 = vector.broadcast %sub3A_202 : i32 to vector<16xi32>
      %sub3A_204 = arith.subi %div3A_177, %sub3A_203 : vector<16xi32>
      %select_n3A_205 = arith.select %and3A_201, %sub3A_204, %div3A_177 : vector<16xi1>, vector<16xi32>
      %swap3A = arith.constant 0 : index
      %swap3A_206 = tpu.vector_load %arg12[%swap3A] {strides = array<i32>} : memref<80xi32, #tpu.memory_space<vmem>>, vector<16xi32>,
      tpu.vector_store %arg12[%swap3A], %select_n3A_205 {strides = array<i32>} : memref<80xi32, #tpu.memory_space<vmem>>, vector<16xi32>,
      %get3A_207 = arith.constant 16 : index
      %get3A_208 = tpu.vector_load %arg11[%get3A_207] {strides = array<i32>} : memref<80xi32, #tpu.memory_space<vmem>>, vector<16xi32>,
      %jit3A_209 = arith.constant 14 : i32
      %div3A_210 = vector.broadcast %jit3A_209 : i32 to vector<16xi32>
      %div3A_211 = arith.divsi %get3A_208, %div3A_210 : vector<16xi32>
      %sign3A_212 = arith.constant 0 : i32
      %sign3A_213 = vector.broadcast %sign3A_212 : i32 to vector<16xi32>
      %sign3A_214 = arith.cmpi sgt, %get3A_208, %sign3A_213 : vector<16xi32>
      %sign3A_215 = arith.extui %sign3A_214 : vector<16xi1> to vector<16xi32>
      %sign3A_216 = arith.constant 0 : i32
      %sign3A_217 = vector.broadcast %sign3A_216 : i32 to vector<16xi32>
      %sign3A_218 = arith.cmpi slt, %get3A_208, %sign3A_217 : vector<16xi32>
      %sign3A_219 = arith.extui %sign3A_218 : vector<16xi1> to vector<16xi32>
      %sign3A_220 = arith.subi %sign3A_215, %sign3A_219 : vector<16xi32>
      %sign3A_221 = arith.constant 0 : i32
      %sign3A_222 = arith.cmpi sgt, %jit3A_209, %sign3A_221 : i32
      %sign3A_223 = arith.extui %sign3A_222 : i1 to i32
      %sign3A_224 = arith.constant 0 : i32
      %sign3A_225 = arith.cmpi slt, %jit3A_209, %sign3A_224 : i32
      %sign3A_226 = arith.extui %sign3A_225 : i1 to i32
      %sign3A_227 = arith.subi %sign3A_223, %sign3A_226 : i32
      %ne3A_228 = vector.broadcast %sign3A_227 : i32 to vector<16xi32>
      %ne3A_229 = arith.cmpi ne, %sign3A_220, %ne3A_228 : vector<16xi32>
      %rem3A_230 = vector.broadcast %jit3A_209 : i32 to vector<16xi32>
      %rem3A_231 = arith.remsi %get3A_208, %rem3A_230 : vector<16xi32>
      %ne3A_232 = arith.constant 0 : i32
      %ne3A_233 = vector.broadcast %ne3A_232 : i32 to vector<16xi32>
      %ne3A_234 = arith.cmpi ne, %rem3A_231, %ne3A_233 : vector<16xi32>
      %and3A_235 = arith.andi %ne3A_229, %ne3A_234 : vector<16xi1>
      %sub3A_236 = arith.constant 1 : i32
      %sub3A_237 = vector.broadcast %sub3A_236 : i32 to vector<16xi32>
      %sub3A_238 = arith.subi %div3A_211, %sub3A_237 : vector<16xi32>
      %select_n3A_239 = arith.select %and3A_235, %sub3A_238, %div3A_211 : vector<16xi1>, vector<16xi32>
      %swap3A_240 = arith.constant 16 : index
      %swap3A_241 = tpu.vector_load %arg12[%swap3A_240] {strides = array<i32>} : memref<80xi32, #tpu.memory_space<vmem>>, vector<16xi32>,
      tpu.vector_store %arg12[%swap3A_240], %select_n3A_239 {strides = array<i32>} : memref<80xi32, #tpu.memory_space<vmem>>, vector<16xi32>,
      %get3A_242 = arith.constant 32 : index
      %get3A_243 = tpu.vector_load %arg11[%get3A_242] {strides = array<i32>} : memref<80xi32, #tpu.memory_space<vmem>>, vector<16xi32>,
      %jit3A_244 = arith.constant 14 : i32
      %div3A_245 = vector.broadcast %jit3A_244 : i32 to vector<16xi32>
      %div3A_246 = arith.divsi %get3A_243, %div3A_245 : vector<16xi32>
      %sign3A_247 = arith.constant 0 : i32
      %sign3A_248 = vector.broadcast %sign3A_247 : i32 to vector<16xi32>
      %sign3A_249 = arith.cmpi sgt, %get3A_243, %sign3A_248 : vector<16xi32>
      %sign3A_250 = arith.extui %sign3A_249 : vector<16xi1> to vector<16xi32>
      %sign3A_251 = arith.constant 0 : i32
      %sign3A_252 = vector.broadcast %sign3A_251 : i32 to vector<16xi32>
      %sign3A_253 = arith.cmpi slt, %get3A_243, %sign3A_252 : vector<16xi32>
      %sign3A_254 = arith.extui %sign3A_253 : vector<16xi1> to vector<16xi32>
      %sign3A_255 = arith.subi %sign3A_250, %sign3A_254 : vector<16xi32>
      %sign3A_256 = arith.constant 0 : i32
      %sign3A_257 = arith.cmpi sgt, %jit3A_244, %sign3A_256 : i32
      %sign3A_258 = arith.extui %sign3A_257 : i1 to i32
      %sign3A_259 = arith.constant 0 : i32
      %sign3A_260 = arith.cmpi slt, %jit3A_244, %sign3A_259 : i32
      %sign3A_261 = arith.extui %sign3A_260 : i1 to i32
      %sign3A_262 = arith.subi %sign3A_258, %sign3A_261 : i32
      %ne3A_263 = vector.broadcast %sign3A_262 : i32 to vector<16xi32>
      %ne3A_264 = arith.cmpi ne, %sign3A_255, %ne3A_263 : vector<16xi32>
      %rem3A_265 = vector.broadcast %jit3A_244 : i32 to vector<16xi32>
      %rem3A_266 = arith.remsi %get3A_243, %rem3A_265 : vector<16xi32>
      %ne3A_267 = arith.constant 0 : i32
      %ne3A_268 = vector.broadcast %ne3A_267 : i32 to vector<16xi32>
      %ne3A_269 = arith.cmpi ne, %rem3A_266, %ne3A_268 : vector<16xi32>
      %and3A_270 = arith.andi %ne3A_264, %ne3A_269 : vector<16xi1>
      %sub3A_271 = arith.constant 1 : i32
      %sub3A_272 = vector.broadcast %sub3A_271 : i32 to vector<16xi32>
      %sub3A_273 = arith.subi %div3A_246, %sub3A_272 : vector<16xi32>
      %select_n3A_274 = arith.select %and3A_270, %sub3A_273, %div3A_246 : vector<16xi1>, vector<16xi32>
      %swap3A_275 = arith.constant 32 : index
      %swap3A_276 = tpu.vector_load %arg12[%swap3A_275] {strides = array<i32>} : memref<80xi32, #tpu.memory_space<vmem>>, vector<16xi32>,
      tpu.vector_store %arg12[%swap3A_275], %select_n3A_274 {strides = array<i32>} : memref<80xi32, #tpu.memory_space<vmem>>, vector<16xi32>,
      %get3A_277 = arith.constant 48 : index
      %get3A_278 = tpu.vector_load %arg11[%get3A_277] {strides = array<i32>} : memref<80xi32, #tpu.memory_space<vmem>>, vector<16xi32>,
      %jit3A_279 = arith.constant 14 : i32
      %div3A_280 = vector.broadcast %jit3A_279 : i32 to vector<16xi32>
      %div3A_281 = arith.divsi %get3A_278, %div3A_280 : vector<16xi32>
      %sign3A_282 = arith.constant 0 : i32
      %sign3A_283 = vector.broadcast %sign3A_282 : i32 to vector<16xi32>
      %sign3A_284 = arith.cmpi sgt, %get3A_278, %sign3A_283 : vector<16xi32>
      %sign3A_285 = arith.extui %sign3A_284 : vector<16xi1> to vector<16xi32>
      %sign3A_286 = arith.constant 0 : i32
      %sign3A_287 = vector.broadcast %sign3A_286 : i32 to vector<16xi32>
      %sign3A_288 = arith.cmpi slt, %get3A_278, %sign3A_287 : vector<16xi32>
      %sign3A_289 = arith.extui %sign3A_288 : vector<16xi1> to vector<16xi32>
      %sign3A_290 = arith.subi %sign3A_285, %sign3A_289 : vector<16xi32>
      %sign3A_291 = arith.constant 0 : i32
      %sign3A_292 = arith.cmpi sgt, %jit3A_279, %sign3A_291 : i32
      %sign3A_293 = arith.extui %sign3A_292 : i1 to i32
      %sign3A_294 = arith.constant 0 : i32
      %sign3A_295 = arith.cmpi slt, %jit3A_279, %sign3A_294 : i32
      %sign3A_296 = arith.extui %sign3A_295 : i1 to i32
      %sign3A_297 = arith.subi %sign3A_293, %sign3A_296 : i32
      %ne3A_298 = vector.broadcast %sign3A_297 : i32 to vector<16xi32>
      %ne3A_299 = arith.cmpi ne, %sign3A_290, %ne3A_298 : vector<16xi32>
      %rem3A_300 = vector.broadcast %jit3A_279 : i32 to vector<16xi32>
      %rem3A_301 = arith.remsi %get3A_278, %rem3A_300 : vector<16xi32>
      %ne3A_302 = arith.constant 0 : i32
      %ne3A_303 = vector.broadcast %ne3A_302 : i32 to vector<16xi32>
      %ne3A_304 = arith.cmpi ne, %rem3A_301, %ne3A_303 : vector<16xi32>
      %and3A_305 = arith.andi %ne3A_299, %ne3A_304 : vector<16xi1>
      %sub3A_306 = arith.constant 1 : i32
      %sub3A_307 = vector.broadcast %sub3A_306 : i32 to vector<16xi32>
      %sub3A_308 = arith.subi %div3A_281, %sub3A_307 : vector<16xi32>
      %select_n3A_309 = arith.select %and3A_305, %sub3A_308, %div3A_281 : vector<16xi1>, vector<16xi32>
      %swap3A_310 = arith.constant 48 : index
      %swap3A_311 = tpu.vector_load %arg12[%swap3A_310] {strides = array<i32>} : memref<80xi32, #tpu.memory_space<vmem>>, vector<16xi32>,
      tpu.vector_store %arg12[%swap3A_310], %select_n3A_309 {strides = array<i32>} : memref<80xi32, #tpu.memory_space<vmem>>, vector<16xi32>,
      %get3A_312 = arith.constant 64 : index
      %get3A_313 = tpu.vector_load %arg11[%get3A_312] {strides = array<i32>} : memref<80xi32, #tpu.memory_space<vmem>>, vector<16xi32>,
      %jit3A_314 = arith.constant 14 : i32
      %div3A_315 = vector.broadcast %jit3A_314 : i32 to vector<16xi32>
      %div3A_316 = arith.divsi %get3A_313, %div3A_315 : vector<16xi32>
      %sign3A_317 = arith.constant 0 : i32
      %sign3A_318 = vector.broadcast %sign3A_317 : i32 to vector<16xi32>
      %sign3A_319 = arith.cmpi sgt, %get3A_313, %sign3A_318 : vector<16xi32>
      %sign3A_320 = arith.extui %sign3A_319 : vector<16xi1> to vector<16xi32>
      %sign3A_321 = arith.constant 0 : i32
      %sign3A_322 = vector.broadcast %sign3A_321 : i32 to vector<16xi32>
      %sign3A_323 = arith.cmpi slt, %get3A_313, %sign3A_322 : vector<16xi32>
      %sign3A_324 = arith.extui %sign3A_323 : vector<16xi1> to vector<16xi32>
      %sign3A_325 = arith.subi %sign3A_320, %sign3A_324 : vector<16xi32>
      %sign3A_326 = arith.constant 0 : i32
      %sign3A_327 = arith.cmpi sgt, %jit3A_314, %sign3A_326 : i32
      %sign3A_328 = arith.extui %sign3A_327 : i1 to i32
      %sign3A_329 = arith.constant 0 : i32
      %sign3A_330 = arith.cmpi slt, %jit3A_314, %sign3A_329 : i32
      %sign3A_331 = arith.extui %sign3A_330 : i1 to i32
      %sign3A_332 = arith.subi %sign3A_328, %sign3A_331 : i32
      %ne3A_333 = vector.broadcast %sign3A_332 : i32 to vector<16xi32>
      %ne3A_334 = arith.cmpi ne, %sign3A_325, %ne3A_333 : vector<16xi32>
      %rem3A_335 = vector.broadcast %jit3A_314 : i32 to vector<16xi32>
      %rem3A_336 = arith.remsi %get3A_313, %rem3A_335 : vector<16xi32>
      %ne3A_337 = arith.constant 0 : i32
      %ne3A_338 = vector.broadcast %ne3A_337 : i32 to vector<16xi32>
      %ne3A_339 = arith.cmpi ne, %rem3A_336, %ne3A_338 : vector<16xi32>
      %and3A_340 = arith.andi %ne3A_334, %ne3A_339 : vector<16xi1>
      %sub3A_341 = arith.constant 1 : i32
      %sub3A_342 = vector.broadcast %sub3A_341 : i32 to vector<16xi32>
      %sub3A_343 = arith.subi %div3A_316, %sub3A_342 : vector<16xi32>
      %select_n3A_344 = arith.select %and3A_340, %sub3A_343, %div3A_316 : vector<16xi1>, vector<16xi32>
      %swap3A_345 = arith.constant 64 : index
      %swap3A_346 = tpu.vector_load %arg12[%swap3A_345] {strides = array<i32>} : memref<80xi32, #tpu.memory_space<vmem>>, vector<16xi32>,
      tpu.vector_store %arg12[%swap3A_345], %select_n3A_344 {strides = array<i32>} : memref<80xi32, #tpu.memory_space<vmem>>, vector<16xi32>,
      %dma_wait3A = arith.constant 0 : i32
      %dma_wait3A_347 = arith.constant 0 : i32
      %dma_wait3A_348 = tpu.memref_slice %arg2[%dma_wait3A, %dma_wait3A_347] : memref<10000x640xf32, #tpu.memory_space<hbm>> -> memref<10000x640xf32, #tpu.memory_space<hbm>>
      tpu.wait_indirect_dma semaphore(%arg18 : memref<!tpu.dma_semaphore, #tpu.memory_space<semaphore_mem>>) src(%dma_wait3A_348 : memref<10000x640xf32, #tpu.memory_space<hbm>>) dst(%arg13 : memref<80x640xf32, #tpu.memory_space<vmem>>)
      %dma_wait3A_349 = arith.constant 0 : i32
      %dma_wait3A_350 = arith.constant 0 : i32
      %dma_wait3A_351 = tpu.memref_slice %arg3[%dma_wait3A_349, %dma_wait3A_350] : memref<10000x640xf32, #tpu.memory_space<hbm>> -> memref<10000x640xf32, #tpu.memory_space<hbm>>
      tpu.wait_indirect_dma semaphore(%arg19 : memref<!tpu.dma_semaphore, #tpu.memory_space<semaphore_mem>>) src(%dma_wait3A_351 : memref<10000x640xf32, #tpu.memory_space<hbm>>) dst(%arg14 : memref<80x640xf32, #tpu.memory_space<vmem>>)
      %scan3A_352 = arith.constant 0 : i32
      %scan3A_353 = arith.constant 0 : i32
      %scan3A_354 = arith.constant 80 : i32
      %scan3A_355 = arith.addi %scan3A_353, %scan3A_354 : i32
      %scan3A_356 = arith.constant 1 : i32
      scf.for %scan3A_358 = %scan3A_353 to %scan3A_355 step %scan3A_356  : i32 {
        %broadcast_in_dim3A = arith.constant 0.000000e+00 : f32
        %broadcast_in_dim3A_359 = vector.broadcast %broadcast_in_dim3A : f32 to vector<16xf32>
        %get3A_360 = arith.index_cast %scan3A_358 : i32 to index
        %get3A_361 = arith.constant 0 : index
        %get3A_362 = tpu.vector_load %arg13[%get3A_360, %get3A_361] {strides = array<i32>} : memref<80x640xf32, #tpu.memory_space<vmem>>, vector<16xf32>,
        %get3A_363 = arith.index_cast %scan3A_358 : i32 to index
        %get3A_364 = arith.constant 0 : index
        %get3A_365 = tpu.vector_load %arg14[%get3A_363, %get3A_364] {strides = array<i32>} : memref<80x640xf32, #tpu.memory_space<vmem>>, vector<16xf32>,
        %add3A_366 = arith.addf %get3A_362, %get3A_365 : vector<16xf32>
        %mul3A_367 = arith.constant 2.000000e-01 : f32
        %mul3A_368 = vector.broadcast %mul3A_367 : f32 to vector<16xf32>
        %mul3A_369 = arith.mulf %mul3A_368, %add3A_366 : vector<16xf32>
        %max3A = arith.maximumf %add3A_366, %mul3A_369 : vector<16xf32>
        %get3A_370 = arith.constant 0 : index
        %get3A_371 = tpu.vector_load %arg9[%get3A_370] {strides = array<i32>} : memref<640xf32, #tpu.memory_space<vmem>>, vector<16xf32>,
        %mul3A_372 = arith.mulf %max3A, %get3A_371 : vector<16xf32>
        %get3A_373 = arith.index_cast %scan3A_358 : i32 to index
        %get3A_374 = arith.constant 16 : index
        %get3A_375 = tpu.vector_load %arg13[%get3A_373, %get3A_374] {strides = array<i32>} : memref<80x640xf32, #tpu.memory_space<vmem>>, vector<16xf32>,
        %get3A_376 = arith.index_cast %scan3A_358 : i32 to index
        %get3A_377 = arith.constant 16 : index
        %get3A_378 = tpu.vector_load %arg14[%get3A_376, %get3A_377] {strides = array<i32>} : memref<80x640xf32, #tpu.memory_space<vmem>>, vector<16xf32>,
        %add3A_379 = arith.addf %get3A_375, %get3A_378 : vector<16xf32>
        %mul3A_380 = arith.constant 2.000000e-01 : f32
        %mul3A_381 = vector.broadcast %mul3A_380 : f32 to vector<16xf32>
        %mul3A_382 = arith.mulf %mul3A_381, %add3A_379 : vector<16xf32>
        %max3A_383 = arith.maximumf %add3A_379, %mul3A_382 : vector<16xf32>
        %get3A_384 = arith.constant 16 : index
        %get3A_385 = tpu.vector_load %arg9[%get3A_384] {strides = array<i32>} : memref<640xf32, #tpu.memory_space<vmem>>, vector<16xf32>,
        %mul3A_386 = arith.mulf %max3A_383, %get3A_385 : vector<16xf32>
        %add3A_387 = arith.addf %mul3A_372, %mul3A_386 : vector<16xf32>
        %get3A_388 = arith.index_cast %scan3A_358 : i32 to index
        %get3A_389 = arith.constant 32 : index
        %get3A_390 = tpu.vector_load %arg13[%get3A_388, %get3A_389] {strides = array<i32>} : memref<80x640xf32, #tpu.memory_space<vmem>>, vector<16xf32>,
        %get3A_391 = arith.index_cast %scan3A_358 : i32 to index
        %get3A_392 = arith.constant 32 : index
        %get3A_393 = tpu.vector_load %arg14[%get3A_391, %get3A_392] {strides = array<i32>} : memref<80x640xf32, #tpu.memory_space<vmem>>, vector<16xf32>,
        %add3A_394 = arith.addf %get3A_390, %get3A_393 : vector<16xf32>
        %mul3A_395 = arith.constant 2.000000e-01 : f32
        %mul3A_396 = vector.broadcast %mul3A_395 : f32 to vector<16xf32>
        %mul3A_397 = arith.mulf %mul3A_396, %add3A_394 : vector<16xf32>
        %max3A_398 = arith.maximumf %add3A_394, %mul3A_397 : vector<16xf32>
        %get3A_399 = arith.constant 32 : index
        %get3A_400 = tpu.vector_load %arg9[%get3A_399] {strides = array<i32>} : memref<640xf32, #tpu.memory_space<vmem>>, vector<16xf32>,
        %mul3A_401 = arith.mulf %max3A_398, %get3A_400 : vector<16xf32>
        %add3A_402 = arith.addf %add3A_387, %mul3A_401 : vector<16xf32>
        %get3A_403 = arith.index_cast %scan3A_358 : i32 to index
        %get3A_404 = arith.constant 48 : index
        %get3A_405 = tpu.vector_load %arg13[%get3A_403, %get3A_404] {strides = array<i32>} : memref<80x640xf32, #tpu.memory_space<vmem>>, vector<16xf32>,
        %get3A_406 = arith.index_cast %scan3A_358 : i32 to index
        %get3A_407 = arith.constant 48 : index
        %get3A_408 = tpu.vector_load %arg14[%get3A_406, %get3A_407] {strides = array<i32>} : memref<80x640xf32, #tpu.memory_space<vmem>>, vector<16xf32>,
        %add3A_409 = arith.addf %get3A_405, %get3A_408 : vector<16xf32>
        %mul3A_410 = arith.constant 2.000000e-01 : f32
        %mul3A_411 = vector.broadcast %mul3A_410 : f32 to vector<16xf32>
        %mul3A_412 = arith.mulf %mul3A_411, %add3A_409 : vector<16xf32>
        %max3A_413 = arith.maximumf %add3A_409, %mul3A_412 : vector<16xf32>
        %get3A_414 = arith.constant 48 : index
        %get3A_415 = tpu.vector_load %arg9[%get3A_414] {strides = array<i32>} : memref<640xf32, #tpu.memory_space<vmem>>, vector<16xf32>,
        %mul3A_416 = arith.mulf %max3A_413, %get3A_415 : vector<16xf32>
        %add3A_417 = arith.addf %add3A_402, %mul3A_416 : vector<16xf32>
        %get3A_418 = arith.index_cast %scan3A_358 : i32 to index
        %get3A_419 = arith.constant 64 : index
        %get3A_420 = tpu.vector_load %arg13[%get3A_418, %get3A_419] {strides = array<i32>} : memref<80x640xf32, #tpu.memory_space<vmem>>, vector<16xf32>,
        %get3A_421 = arith.index_cast %scan3A_358 : i32 to index
        %get3A_422 = arith.constant 64 : index
        %get3A_423 = tpu.vector_load %arg14[%get3A_421, %get3A_422] {strides = array<i32>} : memref<80x640xf32, #tpu.memory_space<vmem>>, vector<16xf32>,
        %add3A_424 = arith.addf %get3A_420, %get3A_423 : vector<16xf32>
        %mul3A_425 = arith.constant 2.000000e-01 : f32
        %mul3A_426 = vector.broadcast %mul3A_425 : f32 to vector<16xf32>
        %mul3A_427 = arith.mulf %mul3A_426, %add3A_424 : vector<16xf32>
        %max3A_428 = arith.maximumf %add3A_424, %mul3A_427 : vector<16xf32>
        %get3A_429 = arith.constant 64 : index
        %get3A_430 = tpu.vector_load %arg9[%get3A_429] {strides = array<i32>} : memref<640xf32, #tpu.memory_space<vmem>>, vector<16xf32>,
        %mul3A_431 = arith.mulf %max3A_428, %get3A_430 : vector<16xf32>
        %add3A_432 = arith.addf %add3A_417, %mul3A_431 : vector<16xf32>
        %get3A_433 = arith.index_cast %scan3A_358 : i32 to index
        %get3A_434 = arith.constant 80 : index
        %get3A_435 = tpu.vector_load %arg13[%get3A_433, %get3A_434] {strides = array<i32>} : memref<80x640xf32, #tpu.memory_space<vmem>>, vector<16xf32>,
        %get3A_436 = arith.index_cast %scan3A_358 : i32 to index
        %get3A_437 = arith.constant 80 : index
        %get3A_438 = tpu.vector_load %arg14[%get3A_436, %get3A_437] {strides = array<i32>} : memref<80x640xf32, #tpu.memory_space<vmem>>, vector<16xf32>,
        %add3A_439 = arith.addf %get3A_435, %get3A_438 : vector<16xf32>
        %mul3A_440 = arith.constant 2.000000e-01 : f32
        %mul3A_441 = vector.broadcast %mul3A_440 : f32 to vector<16xf32>
        %mul3A_442 = arith.mulf %mul3A_441, %add3A_439 : vector<16xf32>
        %max3A_443 = arith.maximumf %add3A_439, %mul3A_442 : vector<16xf32>
        %get3A_444 = arith.constant 80 : index
        %get3A_445 = tpu.vector_load %arg9[%get3A_444] {strides = array<i32>} : memref<640xf32, #tpu.memory_space<vmem>>, vector<16xf32>,
        %mul3A_446 = arith.mulf %max3A_443, %get3A_445 : vector<16xf32>
        %add3A_447 = arith.addf %add3A_432, %mul3A_446 : vector<16xf32>
        %get3A_448 = arith.index_cast %scan3A_358 : i32 to index
        %get3A_449 = arith.constant 96 : index
        %get3A_450 = tpu.vector_load %arg13[%get3A_448, %get3A_449] {strides = array<i32>} : memref<80x640xf32, #tpu.memory_space<vmem>>, vector<16xf32>,
        %get3A_451 = arith.index_cast %scan3A_358 : i32 to index
        %get3A_452 = arith.constant 96 : index
        %get3A_453 = tpu.vector_load %arg14[%get3A_451, %get3A_452] {strides = array<i32>} : memref<80x640xf32, #tpu.memory_space<vmem>>, vector<16xf32>,
        %add3A_454 = arith.addf %get3A_450, %get3A_453 : vector<16xf32>
        %mul3A_455 = arith.constant 2.000000e-01 : f32
        %mul3A_456 = vector.broadcast %mul3A_455 : f32 to vector<16xf32>
        %mul3A_457 = arith.mulf %mul3A_456, %add3A_454 : vector<16xf32>
        %max3A_458 = arith.maximumf %add3A_454, %mul3A_457 : vector<16xf32>
        %get3A_459 = arith.constant 96 : index
        %get3A_460 = tpu.vector_load %arg9[%get3A_459] {strides = array<i32>} : memref<640xf32, #tpu.memory_space<vmem>>, vector<16xf32>,
        %mul3A_461 = arith.mulf %max3A_458, %get3A_460 : vector<16xf32>
        %add3A_462 = arith.addf %add3A_447, %mul3A_461 : vector<16xf32>
        %get3A_463 = arith.index_cast %scan3A_358 : i32 to index
        %get3A_464 = arith.constant 112 : index
        %get3A_465 = tpu.vector_load %arg13[%get3A_463, %get3A_464] {strides = array<i32>} : memref<80x640xf32, #tpu.memory_space<vmem>>, vector<16xf32>,
        %get3A_466 = arith.index_cast %scan3A_358 : i32 to index
        %get3A_467 = arith.constant 112 : index
        %get3A_468 = tpu.vector_load %arg14[%get3A_466, %get3A_467] {strides = array<i32>} : memref<80x640xf32, #tpu.memory_space<vmem>>, vector<16xf32>,
        %add3A_469 = arith.addf %get3A_465, %get3A_468 : vector<16xf32>
        %mul3A_470 = arith.constant 2.000000e-01 : f32
        %mul3A_471 = vector.broadcast %mul3A_470 : f32 to vector<16xf32>
        %mul3A_472 = arith.mulf %mul3A_471, %add3A_469 : vector<16xf32>
        %max3A_473 = arith.maximumf %add3A_469, %mul3A_472 : vector<16xf32>
        %get3A_474 = arith.constant 112 : index
        %get3A_475 = tpu.vector_load %arg9[%get3A_474] {strides = array<i32>} : memref<640xf32, #tpu.memory_space<vmem>>, vector<16xf32>,
        %mul3A_476 = arith.mulf %max3A_473, %get3A_475 : vector<16xf32>
        %add3A_477 = arith.addf %add3A_462, %mul3A_476 : vector<16xf32>
        %eq3A = arith.constant 0 : i32
        %eq3A_478 = vector.broadcast %eq3A : i32 to vector<16xi32>
        %eq3A_479 = arith.cmpi eq, %iota3A, %eq3A_478 : vector<16xi32>
        %reduce_sum3A = arith.constant true
        %reduce_sum3A_480 = vector.broadcast %reduce_sum3A : i1 to vector<16xi1>
        %reduce_sum3A_481 = tpu.scan <sum>, %add3A_477 masked %reduce_sum3A_480 : vector<16xf32>, vector<16xi1> -> vector<16xf32>
        %reduce_sum3A_482 = vector.extract %reduce_sum3A_481[15] : f32 from vector<16xf32>
        %broadcast_in_dim3A_483 = vector.broadcast %reduce_sum3A_482 : f32 to vector<16xf32>
        %select_n3A_484 = arith.select %eq3A_479, %broadcast_in_dim3A_483, %broadcast_in_dim3A_359 : vector<16xi1>, vector<16xf32>
        %get3A_485 = arith.index_cast %scan3A_358 : i32 to index
        %get3A_486 = arith.constant 128 : index
        %get3A_487 = tpu.vector_load %arg13[%get3A_485, %get3A_486] {strides = array<i32>} : memref<80x640xf32, #tpu.memory_space<vmem>>, vector<16xf32>,
        %get3A_488 = arith.index_cast %scan3A_358 : i32 to index
        %get3A_489 = arith.constant 128 : index
        %get3A_490 = tpu.vector_load %arg14[%get3A_488, %get3A_489] {strides = array<i32>} : memref<80x640xf32, #tpu.memory_space<vmem>>, vector<16xf32>,
        %add3A_491 = arith.addf %get3A_487, %get3A_490 : vector<16xf32>
        %mul3A_492 = arith.constant 2.000000e-01 : f32
        %mul3A_493 = vector.broadcast %mul3A_492 : f32 to vector<16xf32>
        %mul3A_494 = arith.mulf %mul3A_493, %add3A_491 : vector<16xf32>
        %max3A_495 = arith.maximumf %add3A_491, %mul3A_494 : vector<16xf32>
        %get3A_496 = arith.constant 128 : index
        %get3A_497 = tpu.vector_load %arg9[%get3A_496] {strides = array<i32>} : memref<640xf32, #tpu.memory_space<vmem>>, vector<16xf32>,
        %mul3A_498 = arith.mulf %max3A_495, %get3A_497 : vector<16xf32>
        %get3A_499 = arith.index_cast %scan3A_358 : i32 to index
        %get3A_500 = arith.constant 144 : index
        %get3A_501 = tpu.vector_load %arg13[%get3A_499, %get3A_500] {strides = array<i32>} : memref<80x640xf32, #tpu.memory_space<vmem>>, vector<16xf32>,
        %get3A_502 = arith.index_cast %scan3A_358 : i32 to index
        %get3A_503 = arith.constant 144 : index
        %get3A_504 = tpu.vector_load %arg14[%get3A_502, %get3A_503] {strides = array<i32>} : memref<80x640xf32, #tpu.memory_space<vmem>>, vector<16xf32>,
        %add3A_505 = arith.addf %get3A_501, %get3A_504 : vector<16xf32>
        %mul3A_506 = arith.constant 2.000000e-01 : f32
        %mul3A_507 = vector.broadcast %mul3A_506 : f32 to vector<16xf32>
        %mul3A_508 = arith.mulf %mul3A_507, %add3A_505 : vector<16xf32>
        %max3A_509 = arith.maximumf %add3A_505, %mul3A_508 : vector<16xf32>
        %get3A_510 = arith.constant 144 : index
        %get3A_511 = tpu.vector_load %arg9[%get3A_510] {strides = array<i32>} : memref<640xf32, #tpu.memory_space<vmem>>, vector<16xf32>,
        %mul3A_512 = arith.mulf %max3A_509, %get3A_511 : vector<16xf32>
        %add3A_513 = arith.addf %mul3A_498, %mul3A_512 : vector<16xf32>
        %get3A_514 = arith.index_cast %scan3A_358 : i32 to index
        %get3A_515 = arith.constant 160 : index
        %get3A_516 = tpu.vector_load %arg13[%get3A_514, %get3A_515] {strides = array<i32>} : memref<80x640xf32, #tpu.memory_space<vmem>>, vector<16xf32>,
        %get3A_517 = arith.index_cast %scan3A_358 : i32 to index
        %get3A_518 = arith.constant 160 : index
        %get3A_519 = tpu.vector_load %arg14[%get3A_517, %get3A_518] {strides = array<i32>} : memref<80x640xf32, #tpu.memory_space<vmem>>, vector<16xf32>,
        %add3A_520 = arith.addf %get3A_516, %get3A_519 : vector<16xf32>
        %mul3A_521 = arith.constant 2.000000e-01 : f32
        %mul3A_522 = vector.broadcast %mul3A_521 : f32 to vector<16xf32>
        %mul3A_523 = arith.mulf %mul3A_522, %add3A_520 : vector<16xf32>
        %max3A_524 = arith.maximumf %add3A_520, %mul3A_523 : vector<16xf32>
        %get3A_525 = arith.constant 160 : index
        %get3A_526 = tpu.vector_load %arg9[%get3A_525] {strides = array<i32>} : memref<640xf32, #tpu.memory_space<vmem>>, vector<16xf32>,
        %mul3A_527 = arith.mulf %max3A_524, %get3A_526 : vector<16xf32>
        %add3A_528 = arith.addf %add3A_513, %mul3A_527 : vector<16xf32>
        %get3A_529 = arith.index_cast %scan3A_358 : i32 to index
        %get3A_530 = arith.constant 176 : index
        %get3A_531 = tpu.vector_load %arg13[%get3A_529, %get3A_530] {strides = array<i32>} : memref<80x640xf32, #tpu.memory_space<vmem>>, vector<16xf32>,
        %get3A_532 = arith.index_cast %scan3A_358 : i32 to index
        %get3A_533 = arith.constant 176 : index
        %get3A_534 = tpu.vector_load %arg14[%get3A_532, %get3A_533] {strides = array<i32>} : memref<80x640xf32, #tpu.memory_space<vmem>>, vector<16xf32>,
        %add3A_535 = arith.addf %get3A_531, %get3A_534 : vector<16xf32>
        %mul3A_536 = arith.constant 2.000000e-01 : f32
        %mul3A_537 = vector.broadcast %mul3A_536 : f32 to vector<16xf32>
        %mul3A_538 = arith.mulf %mul3A_537, %add3A_535 : vector<16xf32>
        %max3A_539 = arith.maximumf %add3A_535, %mul3A_538 : vector<16xf32>
        %get3A_540 = arith.constant 176 : index
        %get3A_541 = tpu.vector_load %arg9[%get3A_540] {strides = array<i32>} : memref<640xf32, #tpu.memory_space<vmem>>, vector<16xf32>,
        %mul3A_542 = arith.mulf %max3A_539, %get3A_541 : vector<16xf32>
        %add3A_543 = arith.addf %add3A_528, %mul3A_542 : vector<16xf32>
        %get3A_544 = arith.index_cast %scan3A_358 : i32 to index
        %get3A_545 = arith.constant 192 : index
        %get3A_546 = tpu.vector_load %arg13[%get3A_544, %get3A_545] {strides = array<i32>} : memref<80x640xf32, #tpu.memory_space<vmem>>, vector<16xf32>,
        %get3A_547 = arith.index_cast %scan3A_358 : i32 to index
        %get3A_548 = arith.constant 192 : index
        %get3A_549 = tpu.vector_load %arg14[%get3A_547, %get3A_548] {strides = array<i32>} : memref<80x640xf32, #tpu.memory_space<vmem>>, vector<16xf32>,
        %add3A_550 = arith.addf %get3A_546, %get3A_549 : vector<16xf32>
        %mul3A_551 = arith.constant 2.000000e-01 : f32
        %mul3A_552 = vector.broadcast %mul3A_551 : f32 to vector<16xf32>
        %mul3A_553 = arith.mulf %mul3A_552, %add3A_550 : vector<16xf32>
        %max3A_554 = arith.maximumf %add3A_550, %mul3A_553 : vector<16xf32>
        %get3A_555 = arith.constant 192 : index
        %get3A_556 = tpu.vector_load %arg9[%get3A_555] {strides = array<i32>} : memref<640xf32, #tpu.memory_space<vmem>>, vector<16xf32>,
        %mul3A_557 = arith.mulf %max3A_554, %get3A_556 : vector<16xf32>
        %add3A_558 = arith.addf %add3A_543, %mul3A_557 : vector<16xf32>
        %get3A_559 = arith.index_cast %scan3A_358 : i32 to index
        %get3A_560 = arith.constant 208 : index
        %get3A_561 = tpu.vector_load %arg13[%get3A_559, %get3A_560] {strides = array<i32>} : memref<80x640xf32, #tpu.memory_space<vmem>>, vector<16xf32>,
        %get3A_562 = arith.index_cast %scan3A_358 : i32 to index
        %get3A_563 = arith.constant 208 : index
        %get3A_564 = tpu.vector_load %arg14[%get3A_562, %get3A_563] {strides = array<i32>} : memref<80x640xf32, #tpu.memory_space<vmem>>, vector<16xf32>,
        %add3A_565 = arith.addf %get3A_561, %get3A_564 : vector<16xf32>
        %mul3A_566 = arith.constant 2.000000e-01 : f32
        %mul3A_567 = vector.broadcast %mul3A_566 : f32 to vector<16xf32>
        %mul3A_568 = arith.mulf %mul3A_567, %add3A_565 : vector<16xf32>
        %max3A_569 = arith.maximumf %add3A_565, %mul3A_568 : vector<16xf32>
        %get3A_570 = arith.constant 208 : index
        %get3A_571 = tpu.vector_load %arg9[%get3A_570] {strides = array<i32>} : memref<640xf32, #tpu.memory_space<vmem>>, vector<16xf32>,
        %mul3A_572 = arith.mulf %max3A_569, %get3A_571 : vector<16xf32>
        %add3A_573 = arith.addf %add3A_558, %mul3A_572 : vector<16xf32>
        %get3A_574 = arith.index_cast %scan3A_358 : i32 to index
        %get3A_575 = arith.constant 224 : index
        %get3A_576 = tpu.vector_load %arg13[%get3A_574, %get3A_575] {strides = array<i32>} : memref<80x640xf32, #tpu.memory_space<vmem>>, vector<16xf32>,
        %get3A_577 = arith.index_cast %scan3A_358 : i32 to index
        %get3A_578 = arith.constant 224 : index
        %get3A_579 = tpu.vector_load %arg14[%get3A_577, %get3A_578] {strides = array<i32>} : memref<80x640xf32, #tpu.memory_space<vmem>>, vector<16xf32>,
        %add3A_580 = arith.addf %get3A_576, %get3A_579 : vector<16xf32>
        %mul3A_581 = arith.constant 2.000000e-01 : f32
        %mul3A_582 = vector.broadcast %mul3A_581 : f32 to vector<16xf32>
        %mul3A_583 = arith.mulf %mul3A_582, %add3A_580 : vector<16xf32>
        %max3A_584 = arith.maximumf %add3A_580, %mul3A_583 : vector<16xf32>
        %get3A_585 = arith.constant 224 : index
        %get3A_586 = tpu.vector_load %arg9[%get3A_585] {strides = array<i32>} : memref<640xf32, #tpu.memory_space<vmem>>, vector<16xf32>,
        %mul3A_587 = arith.mulf %max3A_584, %get3A_586 : vector<16xf32>
        %add3A_588 = arith.addf %add3A_573, %mul3A_587 : vector<16xf32>
        %get3A_589 = arith.index_cast %scan3A_358 : i32 to index
        %get3A_590 = arith.constant 240 : index
        %get3A_591 = tpu.vector_load %arg13[%get3A_589, %get3A_590] {strides = array<i32>} : memref<80x640xf32, #tpu.memory_space<vmem>>, vector<16xf32>,
        %get3A_592 = arith.index_cast %scan3A_358 : i32 to index
        %get3A_593 = arith.constant 240 : index
        %get3A_594 = tpu.vector_load %arg14[%get3A_592, %get3A_593] {strides = array<i32>} : memref<80x640xf32, #tpu.memory_space<vmem>>, vector<16xf32>,
        %add3A_595 = arith.addf %get3A_591, %get3A_594 : vector<16xf32>
        %mul3A_596 = arith.constant 2.000000e-01 : f32
        %mul3A_597 = vector.broadcast %mul3A_596 : f32 to vector<16xf32>
        %mul3A_598 = arith.mulf %mul3A_597, %add3A_595 : vector<16xf32>
        %max3A_599 = arith.maximumf %add3A_595, %mul3A_598 : vector<16xf32>
        %get3A_600 = arith.constant 240 : index
        %get3A_601 = tpu.vector_load %arg9[%get3A_600] {strides = array<i32>} : memref<640xf32, #tpu.memory_space<vmem>>, vector<16xf32>,
        %mul3A_602 = arith.mulf %max3A_599, %get3A_601 : vector<16xf32>
        %add3A_603 = arith.addf %add3A_588, %mul3A_602 : vector<16xf32>
        %eq3A_604 = arith.constant 1 : i32
        %eq3A_605 = vector.broadcast %eq3A_604 : i32 to vector<16xi32>
        %eq3A_606 = arith.cmpi eq, %iota3A, %eq3A_605 : vector<16xi32>
        %reduce_sum3A_607 = arith.constant true
        %reduce_sum3A_608 = vector.broadcast %reduce_sum3A_607 : i1 to vector<16xi1>
        %reduce_sum3A_609 = tpu.scan <sum>, %add3A_603 masked %reduce_sum3A_608 : vector<16xf32>, vector<16xi1> -> vector<16xf32>
        %reduce_sum3A_610 = vector.extract %reduce_sum3A_609[15] : f32 from vector<16xf32>
        %broadcast_in_dim3A_611 = vector.broadcast %reduce_sum3A_610 : f32 to vector<16xf32>
        %select_n3A_612 = arith.select %eq3A_606, %broadcast_in_dim3A_611, %select_n3A_484 : vector<16xi1>, vector<16xf32>
        %get3A_613 = arith.index_cast %scan3A_358 : i32 to index
        %get3A_614 = arith.constant 256 : index
        %get3A_615 = tpu.vector_load %arg13[%get3A_613, %get3A_614] {strides = array<i32>} : memref<80x640xf32, #tpu.memory_space<vmem>>, vector<16xf32>,
        %get3A_616 = arith.index_cast %scan3A_358 : i32 to index
        %get3A_617 = arith.constant 256 : index
        %get3A_618 = tpu.vector_load %arg14[%get3A_616, %get3A_617] {strides = array<i32>} : memref<80x640xf32, #tpu.memory_space<vmem>>, vector<16xf32>,
        %add3A_619 = arith.addf %get3A_615, %get3A_618 : vector<16xf32>
        %mul3A_620 = arith.constant 2.000000e-01 : f32
        %mul3A_621 = vector.broadcast %mul3A_620 : f32 to vector<16xf32>
        %mul3A_622 = arith.mulf %mul3A_621, %add3A_619 : vector<16xf32>
        %max3A_623 = arith.maximumf %add3A_619, %mul3A_622 : vector<16xf32>
        %get3A_624 = arith.constant 256 : index
        %get3A_625 = tpu.vector_load %arg9[%get3A_624] {strides = array<i32>} : memref<640xf32, #tpu.memory_space<vmem>>, vector<16xf32>,
        %mul3A_626 = arith.mulf %max3A_623, %get3A_625 : vector<16xf32>
        %get3A_627 = arith.index_cast %scan3A_358 : i32 to index
        %get3A_628 = arith.constant 272 : index
        %get3A_629 = tpu.vector_load %arg13[%get3A_627, %get3A_628] {strides = array<i32>} : memref<80x640xf32, #tpu.memory_space<vmem>>, vector<16xf32>,
        %get3A_630 = arith.index_cast %scan3A_358 : i32 to index
        %get3A_631 = arith.constant 272 : index
        %get3A_632 = tpu.vector_load %arg14[%get3A_630, %get3A_631] {strides = array<i32>} : memref<80x640xf32, #tpu.memory_space<vmem>>, vector<16xf32>,
        %add3A_633 = arith.addf %get3A_629, %get3A_632 : vector<16xf32>
        %mul3A_634 = arith.constant 2.000000e-01 : f32
        %mul3A_635 = vector.broadcast %mul3A_634 : f32 to vector<16xf32>
        %mul3A_636 = arith.mulf %mul3A_635, %add3A_633 : vector<16xf32>
        %max3A_637 = arith.maximumf %add3A_633, %mul3A_636 : vector<16xf32>
        %get3A_638 = arith.constant 272 : index
        %get3A_639 = tpu.vector_load %arg9[%get3A_638] {strides = array<i32>} : memref<640xf32, #tpu.memory_space<vmem>>, vector<16xf32>,
        %mul3A_640 = arith.mulf %max3A_637, %get3A_639 : vector<16xf32>
        %add3A_641 = arith.addf %mul3A_626, %mul3A_640 : vector<16xf32>
        %get3A_642 = arith.index_cast %scan3A_358 : i32 to index
        %get3A_643 = arith.constant 288 : index
        %get3A_644 = tpu.vector_load %arg13[%get3A_642, %get3A_643] {strides = array<i32>} : memref<80x640xf32, #tpu.memory_space<vmem>>, vector<16xf32>,
        %get3A_645 = arith.index_cast %scan3A_358 : i32 to index
        %get3A_646 = arith.constant 288 : index
        %get3A_647 = tpu.vector_load %arg14[%get3A_645, %get3A_646] {strides = array<i32>} : memref<80x640xf32, #tpu.memory_space<vmem>>, vector<16xf32>,
        %add3A_648 = arith.addf %get3A_644, %get3A_647 : vector<16xf32>
        %mul3A_649 = arith.constant 2.000000e-01 : f32
        %mul3A_650 = vector.broadcast %mul3A_649 : f32 to vector<16xf32>
        %mul3A_651 = arith.mulf %mul3A_650, %add3A_648 : vector<16xf32>
        %max3A_652 = arith.maximumf %add3A_648, %mul3A_651 : vector<16xf32>
        %get3A_653 = arith.constant 288 : index
        %get3A_654 = tpu.vector_load %arg9[%get3A_653] {strides = array<i32>} : memref<640xf32, #tpu.memory_space<vmem>>, vector<16xf32>,
        %mul3A_655 = arith.mulf %max3A_652, %get3A_654 : vector<16xf32>
        %add3A_656 = arith.addf %add3A_641, %mul3A_655 : vector<16xf32>
        %get3A_657 = arith.index_cast %scan3A_358 : i32 to index
        %get3A_658 = arith.constant 304 : index
        %get3A_659 = tpu.vector_load %arg13[%get3A_657, %get3A_658] {strides = array<i32>} : memref<80x640xf32, #tpu.memory_space<vmem>>, vector<16xf32>,
        %get3A_660 = arith.index_cast %scan3A_358 : i32 to index
        %get3A_661 = arith.constant 304 : index
        %get3A_662 = tpu.vector_load %arg14[%get3A_660, %get3A_661] {strides = array<i32>} : memref<80x640xf32, #tpu.memory_space<vmem>>, vector<16xf32>,
        %add3A_663 = arith.addf %get3A_659, %get3A_662 : vector<16xf32>
        %mul3A_664 = arith.constant 2.000000e-01 : f32
        %mul3A_665 = vector.broadcast %mul3A_664 : f32 to vector<16xf32>
        %mul3A_666 = arith.mulf %mul3A_665, %add3A_663 : vector<16xf32>
        %max3A_667 = arith.maximumf %add3A_663, %mul3A_666 : vector<16xf32>
        %get3A_668 = arith.constant 304 : index
        %get3A_669 = tpu.vector_load %arg9[%get3A_668] {strides = array<i32>} : memref<640xf32, #tpu.memory_space<vmem>>, vector<16xf32>,
        %mul3A_670 = arith.mulf %max3A_667, %get3A_669 : vector<16xf32>
        %add3A_671 = arith.addf %add3A_656, %mul3A_670 : vector<16xf32>
        %get3A_672 = arith.index_cast %scan3A_358 : i32 to index
        %get3A_673 = arith.constant 320 : index
        %get3A_674 = tpu.vector_load %arg13[%get3A_672, %get3A_673] {strides = array<i32>} : memref<80x640xf32, #tpu.memory_space<vmem>>, vector<16xf32>,
        %get3A_675 = arith.index_cast %scan3A_358 : i32 to index
        %get3A_676 = arith.constant 320 : index
        %get3A_677 = tpu.vector_load %arg14[%get3A_675, %get3A_676] {strides = array<i32>} : memref<80x640xf32, #tpu.memory_space<vmem>>, vector<16xf32>,
        %add3A_678 = arith.addf %get3A_674, %get3A_677 : vector<16xf32>
        %mul3A_679 = arith.constant 2.000000e-01 : f32
        %mul3A_680 = vector.broadcast %mul3A_679 : f32 to vector<16xf32>
        %mul3A_681 = arith.mulf %mul3A_680, %add3A_678 : vector<16xf32>
        %max3A_682 = arith.maximumf %add3A_678, %mul3A_681 : vector<16xf32>
        %get3A_683 = arith.constant 320 : index
        %get3A_684 = tpu.vector_load %arg9[%get3A_683] {strides = array<i32>} : memref<640xf32, #tpu.memory_space<vmem>>, vector<16xf32>,
        %mul3A_685 = arith.mulf %max3A_682, %get3A_684 : vector<16xf32>
        %add3A_686 = arith.addf %add3A_671, %mul3A_685 : vector<16xf32>
        %get3A_687 = arith.index_cast %scan3A_358 : i32 to index
        %get3A_688 = arith.constant 336 : index
        %get3A_689 = tpu.vector_load %arg13[%get3A_687, %get3A_688] {strides = array<i32>} : memref<80x640xf32, #tpu.memory_space<vmem>>, vector<16xf32>,
        %get3A_690 = arith.index_cast %scan3A_358 : i32 to index
        %get3A_691 = arith.constant 336 : index
        %get3A_692 = tpu.vector_load %arg14[%get3A_690, %get3A_691] {strides = array<i32>} : memref<80x640xf32, #tpu.memory_space<vmem>>, vector<16xf32>,
        %add3A_693 = arith.addf %get3A_689, %get3A_692 : vector<16xf32>
        %mul3A_694 = arith.constant 2.000000e-01 : f32
        %mul3A_695 = vector.broadcast %mul3A_694 : f32 to vector<16xf32>
        %mul3A_696 = arith.mulf %mul3A_695, %add3A_693 : vector<16xf32>
        %max3A_697 = arith.maximumf %add3A_693, %mul3A_696 : vector<16xf32>
        %get3A_698 = arith.constant 336 : index
        %get3A_699 = tpu.vector_load %arg9[%get3A_698] {strides = array<i32>} : memref<640xf32, #tpu.memory_space<vmem>>, vector<16xf32>,
        %mul3A_700 = arith.mulf %max3A_697, %get3A_699 : vector<16xf32>
        %add3A_701 = arith.addf %add3A_686, %mul3A_700 : vector<16xf32>
        %get3A_702 = arith.index_cast %scan3A_358 : i32 to index
        %get3A_703 = arith.constant 352 : index
        %get3A_704 = tpu.vector_load %arg13[%get3A_702, %get3A_703] {strides = array<i32>} : memref<80x640xf32, #tpu.memory_space<vmem>>, vector<16xf32>,
        %get3A_705 = arith.index_cast %scan3A_358 : i32 to index
        %get3A_706 = arith.constant 352 : index
        %get3A_707 = tpu.vector_load %arg14[%get3A_705, %get3A_706] {strides = array<i32>} : memref<80x640xf32, #tpu.memory_space<vmem>>, vector<16xf32>,
        %add3A_708 = arith.addf %get3A_704, %get3A_707 : vector<16xf32>
        %mul3A_709 = arith.constant 2.000000e-01 : f32
        %mul3A_710 = vector.broadcast %mul3A_709 : f32 to vector<16xf32>
        %mul3A_711 = arith.mulf %mul3A_710, %add3A_708 : vector<16xf32>
        %max3A_712 = arith.maximumf %add3A_708, %mul3A_711 : vector<16xf32>
        %get3A_713 = arith.constant 352 : index
        %get3A_714 = tpu.vector_load %arg9[%get3A_713] {strides = array<i32>} : memref<640xf32, #tpu.memory_space<vmem>>, vector<16xf32>,
        %mul3A_715 = arith.mulf %max3A_712, %get3A_714 : vector<16xf32>
        %add3A_716 = arith.addf %add3A_701, %mul3A_715 : vector<16xf32>
        %get3A_717 = arith.index_cast %scan3A_358 : i32 to index
        %get3A_718 = arith.constant 368 : index
        %get3A_719 = tpu.vector_load %arg13[%get3A_717, %get3A_718] {strides = array<i32>} : memref<80x640xf32, #tpu.memory_space<vmem>>, vector<16xf32>,
        %get3A_720 = arith.index_cast %scan3A_358 : i32 to index
        %get3A_721 = arith.constant 368 : index
        %get3A_722 = tpu.vector_load %arg14[%get3A_720, %get3A_721] {strides = array<i32>} : memref<80x640xf32, #tpu.memory_space<vmem>>, vector<16xf32>,
        %add3A_723 = arith.addf %get3A_719, %get3A_722 : vector<16xf32>
        %mul3A_724 = arith.constant 2.000000e-01 : f32
        %mul3A_725 = vector.broadcast %mul3A_724 : f32 to vector<16xf32>
        %mul3A_726 = arith.mulf %mul3A_725, %add3A_723 : vector<16xf32>
        %max3A_727 = arith.maximumf %add3A_723, %mul3A_726 : vector<16xf32>
        %get3A_728 = arith.constant 368 : index
        %get3A_729 = tpu.vector_load %arg9[%get3A_728] {strides = array<i32>} : memref<640xf32, #tpu.memory_space<vmem>>, vector<16xf32>,
        %mul3A_730 = arith.mulf %max3A_727, %get3A_729 : vector<16xf32>
        %add3A_731 = arith.addf %add3A_716, %mul3A_730 : vector<16xf32>
        %eq3A_732 = arith.constant 2 : i32
        %eq3A_733 = vector.broadcast %eq3A_732 : i32 to vector<16xi32>
        %eq3A_734 = arith.cmpi eq, %iota3A, %eq3A_733 : vector<16xi32>
        %reduce_sum3A_735 = arith.constant true
        %reduce_sum3A_736 = vector.broadcast %reduce_sum3A_735 : i1 to vector<16xi1>
        %reduce_sum3A_737 = tpu.scan <sum>, %add3A_731 masked %reduce_sum3A_736 : vector<16xf32>, vector<16xi1> -> vector<16xf32>
        %reduce_sum3A_738 = vector.extract %reduce_sum3A_737[15] : f32 from vector<16xf32>
        %broadcast_in_dim3A_739 = vector.broadcast %reduce_sum3A_738 : f32 to vector<16xf32>
        %select_n3A_740 = arith.select %eq3A_734, %broadcast_in_dim3A_739, %select_n3A_612 : vector<16xi1>, vector<16xf32>
        %get3A_741 = arith.index_cast %scan3A_358 : i32 to index
        %get3A_742 = arith.constant 384 : index
        %get3A_743 = tpu.vector_load %arg13[%get3A_741, %get3A_742] {strides = array<i32>} : memref<80x640xf32, #tpu.memory_space<vmem>>, vector<16xf32>,
        %get3A_744 = arith.index_cast %scan3A_358 : i32 to index
        %get3A_745 = arith.constant 384 : index
        %get3A_746 = tpu.vector_load %arg14[%get3A_744, %get3A_745] {strides = array<i32>} : memref<80x640xf32, #tpu.memory_space<vmem>>, vector<16xf32>,
        %add3A_747 = arith.addf %get3A_743, %get3A_746 : vector<16xf32>
        %mul3A_748 = arith.constant 2.000000e-01 : f32
        %mul3A_749 = vector.broadcast %mul3A_748 : f32 to vector<16xf32>
        %mul3A_750 = arith.mulf %mul3A_749, %add3A_747 : vector<16xf32>
        %max3A_751 = arith.maximumf %add3A_747, %mul3A_750 : vector<16xf32>
        %get3A_752 = arith.constant 384 : index
        %get3A_753 = tpu.vector_load %arg9[%get3A_752] {strides = array<i32>} : memref<640xf32, #tpu.memory_space<vmem>>, vector<16xf32>,
        %mul3A_754 = arith.mulf %max3A_751, %get3A_753 : vector<16xf32>
        %get3A_755 = arith.index_cast %scan3A_358 : i32 to index
        %get3A_756 = arith.constant 400 : index
        %get3A_757 = tpu.vector_load %arg13[%get3A_755, %get3A_756] {strides = array<i32>} : memref<80x640xf32, #tpu.memory_space<vmem>>, vector<16xf32>,
        %get3A_758 = arith.index_cast %scan3A_358 : i32 to index
        %get3A_759 = arith.constant 400 : index
        %get3A_760 = tpu.vector_load %arg14[%get3A_758, %get3A_759] {strides = array<i32>} : memref<80x640xf32, #tpu.memory_space<vmem>>, vector<16xf32>,
        %add3A_761 = arith.addf %get3A_757, %get3A_760 : vector<16xf32>
        %mul3A_762 = arith.constant 2.000000e-01 : f32
        %mul3A_763 = vector.broadcast %mul3A_762 : f32 to vector<16xf32>
        %mul3A_764 = arith.mulf %mul3A_763, %add3A_761 : vector<16xf32>
        %max3A_765 = arith.maximumf %add3A_761, %mul3A_764 : vector<16xf32>
        %get3A_766 = arith.constant 400 : index
        %get3A_767 = tpu.vector_load %arg9[%get3A_766] {strides = array<i32>} : memref<640xf32, #tpu.memory_space<vmem>>, vector<16xf32>,
        %mul3A_768 = arith.mulf %max3A_765, %get3A_767 : vector<16xf32>
        %add3A_769 = arith.addf %mul3A_754, %mul3A_768 : vector<16xf32>
        %get3A_770 = arith.index_cast %scan3A_358 : i32 to index
        %get3A_771 = arith.constant 416 : index
        %get3A_772 = tpu.vector_load %arg13[%get3A_770, %get3A_771] {strides = array<i32>} : memref<80x640xf32, #tpu.memory_space<vmem>>, vector<16xf32>,
        %get3A_773 = arith.index_cast %scan3A_358 : i32 to index
        %get3A_774 = arith.constant 416 : index
        %get3A_775 = tpu.vector_load %arg14[%get3A_773, %get3A_774] {strides = array<i32>} : memref<80x640xf32, #tpu.memory_space<vmem>>, vector<16xf32>,
        %add3A_776 = arith.addf %get3A_772, %get3A_775 : vector<16xf32>
        %mul3A_777 = arith.constant 2.000000e-01 : f32
        %mul3A_778 = vector.broadcast %mul3A_777 : f32 to vector<16xf32>
        %mul3A_779 = arith.mulf %mul3A_778, %add3A_776 : vector<16xf32>
        %max3A_780 = arith.maximumf %add3A_776, %mul3A_779 : vector<16xf32>
        %get3A_781 = arith.constant 416 : index
        %get3A_782 = tpu.vector_load %arg9[%get3A_781] {strides = array<i32>} : memref<640xf32, #tpu.memory_space<vmem>>, vector<16xf32>,
        %mul3A_783 = arith.mulf %max3A_780, %get3A_782 : vector<16xf32>
        %add3A_784 = arith.addf %add3A_769, %mul3A_783 : vector<16xf32>
        %get3A_785 = arith.index_cast %scan3A_358 : i32 to index
        %get3A_786 = arith.constant 432 : index
        %get3A_787 = tpu.vector_load %arg13[%get3A_785, %get3A_786] {strides = array<i32>} : memref<80x640xf32, #tpu.memory_space<vmem>>, vector<16xf32>,
        %get3A_788 = arith.index_cast %scan3A_358 : i32 to index
        %get3A_789 = arith.constant 432 : index
        %get3A_790 = tpu.vector_load %arg14[%get3A_788, %get3A_789] {strides = array<i32>} : memref<80x640xf32, #tpu.memory_space<vmem>>, vector<16xf32>,
        %add3A_791 = arith.addf %get3A_787, %get3A_790 : vector<16xf32>
        %mul3A_792 = arith.constant 2.000000e-01 : f32
        %mul3A_793 = vector.broadcast %mul3A_792 : f32 to vector<16xf32>
        %mul3A_794 = arith.mulf %mul3A_793, %add3A_791 : vector<16xf32>
        %max3A_795 = arith.maximumf %add3A_791, %mul3A_794 : vector<16xf32>
        %get3A_796 = arith.constant 432 : index
        %get3A_797 = tpu.vector_load %arg9[%get3A_796] {strides = array<i32>} : memref<640xf32, #tpu.memory_space<vmem>>, vector<16xf32>,
        %mul3A_798 = arith.mulf %max3A_795, %get3A_797 : vector<16xf32>
        %add3A_799 = arith.addf %add3A_784, %mul3A_798 : vector<16xf32>
        %get3A_800 = arith.index_cast %scan3A_358 : i32 to index
        %get3A_801 = arith.constant 448 : index
        %get3A_802 = tpu.vector_load %arg13[%get3A_800, %get3A_801] {strides = array<i32>} : memref<80x640xf32, #tpu.memory_space<vmem>>, vector<16xf32>,
        %get3A_803 = arith.index_cast %scan3A_358 : i32 to index
        %get3A_804 = arith.constant 448 : index
        %get3A_805 = tpu.vector_load %arg14[%get3A_803, %get3A_804] {strides = array<i32>} : memref<80x640xf32, #tpu.memory_space<vmem>>, vector<16xf32>,
        %add3A_806 = arith.addf %get3A_802, %get3A_805 : vector<16xf32>
        %mul3A_807 = arith.constant 2.000000e-01 : f32
        %mul3A_808 = vector.broadcast %mul3A_807 : f32 to vector<16xf32>
        %mul3A_809 = arith.mulf %mul3A_808, %add3A_806 : vector<16xf32>
        %max3A_810 = arith.maximumf %add3A_806, %mul3A_809 : vector<16xf32>
        %get3A_811 = arith.constant 448 : index
        %get3A_812 = tpu.vector_load %arg9[%get3A_811] {strides = array<i32>} : memref<640xf32, #tpu.memory_space<vmem>>, vector<16xf32>,
        %mul3A_813 = arith.mulf %max3A_810, %get3A_812 : vector<16xf32>
        %add3A_814 = arith.addf %add3A_799, %mul3A_813 : vector<16xf32>
        %get3A_815 = arith.index_cast %scan3A_358 : i32 to index
        %get3A_816 = arith.constant 464 : index
        %get3A_817 = tpu.vector_load %arg13[%get3A_815, %get3A_816] {strides = array<i32>} : memref<80x640xf32, #tpu.memory_space<vmem>>, vector<16xf32>,
        %get3A_818 = arith.index_cast %scan3A_358 : i32 to index
        %get3A_819 = arith.constant 464 : index
        %get3A_820 = tpu.vector_load %arg14[%get3A_818, %get3A_819] {strides = array<i32>} : memref<80x640xf32, #tpu.memory_space<vmem>>, vector<16xf32>,
        %add3A_821 = arith.addf %get3A_817, %get3A_820 : vector<16xf32>
        %mul3A_822 = arith.constant 2.000000e-01 : f32
        %mul3A_823 = vector.broadcast %mul3A_822 : f32 to vector<16xf32>
        %mul3A_824 = arith.mulf %mul3A_823, %add3A_821 : vector<16xf32>
        %max3A_825 = arith.maximumf %add3A_821, %mul3A_824 : vector<16xf32>
        %get3A_826 = arith.constant 464 : index
        %get3A_827 = tpu.vector_load %arg9[%get3A_826] {strides = array<i32>} : memref<640xf32, #tpu.memory_space<vmem>>, vector<16xf32>,
        %mul3A_828 = arith.mulf %max3A_825, %get3A_827 : vector<16xf32>
        %add3A_829 = arith.addf %add3A_814, %mul3A_828 : vector<16xf32>
        %get3A_830 = arith.index_cast %scan3A_358 : i32 to index
        %get3A_831 = arith.constant 480 : index
        %get3A_832 = tpu.vector_load %arg13[%get3A_830, %get3A_831] {strides = array<i32>} : memref<80x640xf32, #tpu.memory_space<vmem>>, vector<16xf32>,
        %get3A_833 = arith.index_cast %scan3A_358 : i32 to index
        %get3A_834 = arith.constant 480 : index
        %get3A_835 = tpu.vector_load %arg14[%get3A_833, %get3A_834] {strides = array<i32>} : memref<80x640xf32, #tpu.memory_space<vmem>>, vector<16xf32>,
        %add3A_836 = arith.addf %get3A_832, %get3A_835 : vector<16xf32>
        %mul3A_837 = arith.constant 2.000000e-01 : f32
        %mul3A_838 = vector.broadcast %mul3A_837 : f32 to vector<16xf32>
        %mul3A_839 = arith.mulf %mul3A_838, %add3A_836 : vector<16xf32>
        %max3A_840 = arith.maximumf %add3A_836, %mul3A_839 : vector<16xf32>
        %get3A_841 = arith.constant 480 : index
        %get3A_842 = tpu.vector_load %arg9[%get3A_841] {strides = array<i32>} : memref<640xf32, #tpu.memory_space<vmem>>, vector<16xf32>,
        %mul3A_843 = arith.mulf %max3A_840, %get3A_842 : vector<16xf32>
        %add3A_844 = arith.addf %add3A_829, %mul3A_843 : vector<16xf32>
        %get3A_845 = arith.index_cast %scan3A_358 : i32 to index
        %get3A_846 = arith.constant 496 : index
        %get3A_847 = tpu.vector_load %arg13[%get3A_845, %get3A_846] {strides = array<i32>} : memref<80x640xf32, #tpu.memory_space<vmem>>, vector<16xf32>,
        %get3A_848 = arith.index_cast %scan3A_358 : i32 to index
        %get3A_849 = arith.constant 496 : index
        %get3A_850 = tpu.vector_load %arg14[%get3A_848, %get3A_849] {strides = array<i32>} : memref<80x640xf32, #tpu.memory_space<vmem>>, vector<16xf32>,
        %add3A_851 = arith.addf %get3A_847, %get3A_850 : vector<16xf32>
        %mul3A_852 = arith.constant 2.000000e-01 : f32
        %mul3A_853 = vector.broadcast %mul3A_852 : f32 to vector<16xf32>
        %mul3A_854 = arith.mulf %mul3A_853, %add3A_851 : vector<16xf32>
        %max3A_855 = arith.maximumf %add3A_851, %mul3A_854 : vector<16xf32>
        %get3A_856 = arith.constant 496 : index
        %get3A_857 = tpu.vector_load %arg9[%get3A_856] {strides = array<i32>} : memref<640xf32, #tpu.memory_space<vmem>>, vector<16xf32>,
        %mul3A_858 = arith.mulf %max3A_855, %get3A_857 : vector<16xf32>
        %add3A_859 = arith.addf %add3A_844, %mul3A_858 : vector<16xf32>
        %eq3A_860 = arith.constant 3 : i32
        %eq3A_861 = vector.broadcast %eq3A_860 : i32 to vector<16xi32>
        %eq3A_862 = arith.cmpi eq, %iota3A, %eq3A_861 : vector<16xi32>
        %reduce_sum3A_863 = arith.constant true
        %reduce_sum3A_864 = vector.broadcast %reduce_sum3A_863 : i1 to vector<16xi1>
        %reduce_sum3A_865 = tpu.scan <sum>, %add3A_859 masked %reduce_sum3A_864 : vector<16xf32>, vector<16xi1> -> vector<16xf32>
        %reduce_sum3A_866 = vector.extract %reduce_sum3A_865[15] : f32 from vector<16xf32>
        %broadcast_in_dim3A_867 = vector.broadcast %reduce_sum3A_866 : f32 to vector<16xf32>
        %select_n3A_868 = arith.select %eq3A_862, %broadcast_in_dim3A_867, %select_n3A_740 : vector<16xi1>, vector<16xf32>
        %get3A_869 = arith.index_cast %scan3A_358 : i32 to index
        %get3A_870 = arith.constant 512 : index
        %get3A_871 = tpu.vector_load %arg13[%get3A_869, %get3A_870] {strides = array<i32>} : memref<80x640xf32, #tpu.memory_space<vmem>>, vector<16xf32>,
        %get3A_872 = arith.index_cast %scan3A_358 : i32 to index
        %get3A_873 = arith.constant 512 : index
        %get3A_874 = tpu.vector_load %arg14[%get3A_872, %get3A_873] {strides = array<i32>} : memref<80x640xf32, #tpu.memory_space<vmem>>, vector<16xf32>,
        %add3A_875 = arith.addf %get3A_871, %get3A_874 : vector<16xf32>
        %mul3A_876 = arith.constant 2.000000e-01 : f32
        %mul3A_877 = vector.broadcast %mul3A_876 : f32 to vector<16xf32>
        %mul3A_878 = arith.mulf %mul3A_877, %add3A_875 : vector<16xf32>
        %max3A_879 = arith.maximumf %add3A_875, %mul3A_878 : vector<16xf32>
        %get3A_880 = arith.constant 512 : index
        %get3A_881 = tpu.vector_load %arg9[%get3A_880] {strides = array<i32>} : memref<640xf32, #tpu.memory_space<vmem>>, vector<16xf32>,
        %mul3A_882 = arith.mulf %max3A_879, %get3A_881 : vector<16xf32>
        %get3A_883 = arith.index_cast %scan3A_358 : i32 to index
        %get3A_884 = arith.constant 528 : index
        %get3A_885 = tpu.vector_load %arg13[%get3A_883, %get3A_884] {strides = array<i32>} : memref<80x640xf32, #tpu.memory_space<vmem>>, vector<16xf32>,
        %get3A_886 = arith.index_cast %scan3A_358 : i32 to index
        %get3A_887 = arith.constant 528 : index
        %get3A_888 = tpu.vector_load %arg14[%get3A_886, %get3A_887] {strides = array<i32>} : memref<80x640xf32, #tpu.memory_space<vmem>>, vector<16xf32>,
        %add3A_889 = arith.addf %get3A_885, %get3A_888 : vector<16xf32>
        %mul3A_890 = arith.constant 2.000000e-01 : f32
        %mul3A_891 = vector.broadcast %mul3A_890 : f32 to vector<16xf32>
        %mul3A_892 = arith.mulf %mul3A_891, %add3A_889 : vector<16xf32>
        %max3A_893 = arith.maximumf %add3A_889, %mul3A_892 : vector<16xf32>
        %get3A_894 = arith.constant 528 : index
        %get3A_895 = tpu.vector_load %arg9[%get3A_894] {strides = array<i32>} : memref<640xf32, #tpu.memory_space<vmem>>, vector<16xf32>,
        %mul3A_896 = arith.mulf %max3A_893, %get3A_895 : vector<16xf32>
        %add3A_897 = arith.addf %mul3A_882, %mul3A_896 : vector<16xf32>
        %get3A_898 = arith.index_cast %scan3A_358 : i32 to index
        %get3A_899 = arith.constant 544 : index
        %get3A_900 = tpu.vector_load %arg13[%get3A_898, %get3A_899] {strides = array<i32>} : memref<80x640xf32, #tpu.memory_space<vmem>>, vector<16xf32>,
        %get3A_901 = arith.index_cast %scan3A_358 : i32 to index
        %get3A_902 = arith.constant 544 : index
        %get3A_903 = tpu.vector_load %arg14[%get3A_901, %get3A_902] {strides = array<i32>} : memref<80x640xf32, #tpu.memory_space<vmem>>, vector<16xf32>,
        %add3A_904 = arith.addf %get3A_900, %get3A_903 : vector<16xf32>
        %mul3A_905 = arith.constant 2.000000e-01 : f32
        %mul3A_906 = vector.broadcast %mul3A_905 : f32 to vector<16xf32>
        %mul3A_907 = arith.mulf %mul3A_906, %add3A_904 : vector<16xf32>
        %max3A_908 = arith.maximumf %add3A_904, %mul3A_907 : vector<16xf32>
        %get3A_909 = arith.constant 544 : index
        %get3A_910 = tpu.vector_load %arg9[%get3A_909] {strides = array<i32>} : memref<640xf32, #tpu.memory_space<vmem>>, vector<16xf32>,
        %mul3A_911 = arith.mulf %max3A_908, %get3A_910 : vector<16xf32>
        %add3A_912 = arith.addf %add3A_897, %mul3A_911 : vector<16xf32>
        %get3A_913 = arith.index_cast %scan3A_358 : i32 to index
        %get3A_914 = arith.constant 560 : index
        %get3A_915 = tpu.vector_load %arg13[%get3A_913, %get3A_914] {strides = array<i32>} : memref<80x640xf32, #tpu.memory_space<vmem>>, vector<16xf32>,
        %get3A_916 = arith.index_cast %scan3A_358 : i32 to index
        %get3A_917 = arith.constant 560 : index
        %get3A_918 = tpu.vector_load %arg14[%get3A_916, %get3A_917] {strides = array<i32>} : memref<80x640xf32, #tpu.memory_space<vmem>>, vector<16xf32>,
        %add3A_919 = arith.addf %get3A_915, %get3A_918 : vector<16xf32>
        %mul3A_920 = arith.constant 2.000000e-01 : f32
        %mul3A_921 = vector.broadcast %mul3A_920 : f32 to vector<16xf32>
        %mul3A_922 = arith.mulf %mul3A_921, %add3A_919 : vector<16xf32>
        %max3A_923 = arith.maximumf %add3A_919, %mul3A_922 : vector<16xf32>
        %get3A_924 = arith.constant 560 : index
        %get3A_925 = tpu.vector_load %arg9[%get3A_924] {strides = array<i32>} : memref<640xf32, #tpu.memory_space<vmem>>, vector<16xf32>,
        %mul3A_926 = arith.mulf %max3A_923, %get3A_925 : vector<16xf32>
        %add3A_927 = arith.addf %add3A_912, %mul3A_926 : vector<16xf32>
        %get3A_928 = arith.index_cast %scan3A_358 : i32 to index
        %get3A_929 = arith.constant 576 : index
        %get3A_930 = tpu.vector_load %arg13[%get3A_928, %get3A_929] {strides = array<i32>} : memref<80x640xf32, #tpu.memory_space<vmem>>, vector<16xf32>,
        %get3A_931 = arith.index_cast %scan3A_358 : i32 to index
        %get3A_932 = arith.constant 576 : index
        %get3A_933 = tpu.vector_load %arg14[%get3A_931, %get3A_932] {strides = array<i32>} : memref<80x640xf32, #tpu.memory_space<vmem>>, vector<16xf32>,
        %add3A_934 = arith.addf %get3A_930, %get3A_933 : vector<16xf32>
        %mul3A_935 = arith.constant 2.000000e-01 : f32
        %mul3A_936 = vector.broadcast %mul3A_935 : f32 to vector<16xf32>
        %mul3A_937 = arith.mulf %mul3A_936, %add3A_934 : vector<16xf32>
        %max3A_938 = arith.maximumf %add3A_934, %mul3A_937 : vector<16xf32>
        %get3A_939 = arith.constant 576 : index
        %get3A_940 = tpu.vector_load %arg9[%get3A_939] {strides = array<i32>} : memref<640xf32, #tpu.memory_space<vmem>>, vector<16xf32>,
        %mul3A_941 = arith.mulf %max3A_938, %get3A_940 : vector<16xf32>
        %add3A_942 = arith.addf %add3A_927, %mul3A_941 : vector<16xf32>
        %get3A_943 = arith.index_cast %scan3A_358 : i32 to index
        %get3A_944 = arith.constant 592 : index
        %get3A_945 = tpu.vector_load %arg13[%get3A_943, %get3A_944] {strides = array<i32>} : memref<80x640xf32, #tpu.memory_space<vmem>>, vector<16xf32>,
        %get3A_946 = arith.index_cast %scan3A_358 : i32 to index
        %get3A_947 = arith.constant 592 : index
        %get3A_948 = tpu.vector_load %arg14[%get3A_946, %get3A_947] {strides = array<i32>} : memref<80x640xf32, #tpu.memory_space<vmem>>, vector<16xf32>,
        %add3A_949 = arith.addf %get3A_945, %get3A_948 : vector<16xf32>
        %mul3A_950 = arith.constant 2.000000e-01 : f32
        %mul3A_951 = vector.broadcast %mul3A_950 : f32 to vector<16xf32>
        %mul3A_952 = arith.mulf %mul3A_951, %add3A_949 : vector<16xf32>
        %max3A_953 = arith.maximumf %add3A_949, %mul3A_952 : vector<16xf32>
        %get3A_954 = arith.constant 592 : index
        %get3A_955 = tpu.vector_load %arg9[%get3A_954] {strides = array<i32>} : memref<640xf32, #tpu.memory_space<vmem>>, vector<16xf32>,
        %mul3A_956 = arith.mulf %max3A_953, %get3A_955 : vector<16xf32>
        %add3A_957 = arith.addf %add3A_942, %mul3A_956 : vector<16xf32>
        %get3A_958 = arith.index_cast %scan3A_358 : i32 to index
        %get3A_959 = arith.constant 608 : index
        %get3A_960 = tpu.vector_load %arg13[%get3A_958, %get3A_959] {strides = array<i32>} : memref<80x640xf32, #tpu.memory_space<vmem>>, vector<16xf32>,
        %get3A_961 = arith.index_cast %scan3A_358 : i32 to index
        %get3A_962 = arith.constant 608 : index
        %get3A_963 = tpu.vector_load %arg14[%get3A_961, %get3A_962] {strides = array<i32>} : memref<80x640xf32, #tpu.memory_space<vmem>>, vector<16xf32>,
        %add3A_964 = arith.addf %get3A_960, %get3A_963 : vector<16xf32>
        %mul3A_965 = arith.constant 2.000000e-01 : f32
        %mul3A_966 = vector.broadcast %mul3A_965 : f32 to vector<16xf32>
        %mul3A_967 = arith.mulf %mul3A_966, %add3A_964 : vector<16xf32>
        %max3A_968 = arith.maximumf %add3A_964, %mul3A_967 : vector<16xf32>
        %get3A_969 = arith.constant 608 : index
        %get3A_970 = tpu.vector_load %arg9[%get3A_969] {strides = array<i32>} : memref<640xf32, #tpu.memory_space<vmem>>, vector<16xf32>,
        %mul3A_971 = arith.mulf %max3A_968, %get3A_970 : vector<16xf32>
        %add3A_972 = arith.addf %add3A_957, %mul3A_971 : vector<16xf32>
        %get3A_973 = arith.index_cast %scan3A_358 : i32 to index
        %get3A_974 = arith.constant 624 : index
        %get3A_975 = tpu.vector_load %arg13[%get3A_973, %get3A_974] {strides = array<i32>} : memref<80x640xf32, #tpu.memory_space<vmem>>, vector<16xf32>,
        %get3A_976 = arith.index_cast %scan3A_358 : i32 to index
        %get3A_977 = arith.constant 624 : index
        %get3A_978 = tpu.vector_load %arg14[%get3A_976, %get3A_977] {strides = array<i32>} : memref<80x640xf32, #tpu.memory_space<vmem>>, vector<16xf32>,
        %add3A_979 = arith.addf %get3A_975, %get3A_978 : vector<16xf32>
        %mul3A_980 = arith.constant 2.000000e-01 : f32
        %mul3A_981 = vector.broadcast %mul3A_980 : f32 to vector<16xf32>
        %mul3A_982 = arith.mulf %mul3A_981, %add3A_979 : vector<16xf32>
        %max3A_983 = arith.maximumf %add3A_979, %mul3A_982 : vector<16xf32>
        %get3A_984 = arith.constant 624 : index
        %get3A_985 = tpu.vector_load %arg9[%get3A_984] {strides = array<i32>} : memref<640xf32, #tpu.memory_space<vmem>>, vector<16xf32>,
        %mul3A_986 = arith.mulf %max3A_983, %get3A_985 : vector<16xf32>
        %add3A_987 = arith.addf %add3A_972, %mul3A_986 : vector<16xf32>
        %eq3A_988 = arith.constant 4 : i32
        %eq3A_989 = vector.broadcast %eq3A_988 : i32 to vector<16xi32>
        %eq3A_990 = arith.cmpi eq, %iota3A, %eq3A_989 : vector<16xi32>
        %reduce_sum3A_991 = arith.constant true
        %reduce_sum3A_992 = vector.broadcast %reduce_sum3A_991 : i1 to vector<16xi1>
        %reduce_sum3A_993 = tpu.scan <sum>, %add3A_987 masked %reduce_sum3A_992 : vector<16xf32>, vector<16xi1> -> vector<16xf32>
        %reduce_sum3A_994 = vector.extract %reduce_sum3A_993[15] : f32 from vector<16xf32>
        %broadcast_in_dim3A_995 = vector.broadcast %reduce_sum3A_994 : f32 to vector<16xf32>
        %select_n3A_996 = arith.select %eq3A_990, %broadcast_in_dim3A_995, %select_n3A_868 : vector<16xi1>, vector<16xf32>
        %exp3A = math.exp %select_n3A_996 : vector<16xf32>
        %swap3A_997 = arith.index_cast %scan3A_358 : i32 to index
        %swap3A_998 = arith.constant 0 : index
        %swap3A_999 = tpu.vector_load %arg15[%swap3A_997, %swap3A_998] {strides = array<i32>} : memref<80x16xf32, #tpu.memory_space<vmem>>, vector<16xf32>,
        tpu.vector_store %arg15[%swap3A_997, %swap3A_998], %exp3A {strides = array<i32>} : memref<80x16xf32, #tpu.memory_space<vmem>>, vector<16xf32>,
        %jit3A_1000 = arith.constant 16 : i32
        %div3A_1001 = arith.divsi %scan3A_358, %jit3A_1000 : i32
        %sign3A_1002 = arith.constant 0 : i32
        %sign3A_1003 = arith.cmpi sgt, %scan3A_358, %sign3A_1002 : i32
        %sign3A_1004 = arith.extui %sign3A_1003 : i1 to i32
        %sign3A_1005 = arith.constant 0 : i32
        %sign3A_1006 = arith.cmpi slt, %scan3A_358, %sign3A_1005 : i32
        %sign3A_1007 = arith.extui %sign3A_1006 : i1 to i32
        %sign3A_1008 = arith.subi %sign3A_1004, %sign3A_1007 : i32
        %sign3A_1009 = arith.constant 0 : i32
        %sign3A_1010 = arith.cmpi sgt, %jit3A_1000, %sign3A_1009 : i32
        %sign3A_1011 = arith.extui %sign3A_1010 : i1 to i32
        %sign3A_1012 = arith.constant 0 : i32
        %sign3A_1013 = arith.cmpi slt, %jit3A_1000, %sign3A_1012 : i32
        %sign3A_1014 = arith.extui %sign3A_1013 : i1 to i32
        %sign3A_1015 = arith.subi %sign3A_1011, %sign3A_1014 : i32
        %ne3A_1016 = arith.cmpi ne, %sign3A_1008, %sign3A_1015 : i32
        %rem3A_1017 = arith.remsi %scan3A_358, %jit3A_1000 : i32
        %ne3A_1018 = arith.constant 0 : i32
        %ne3A_1019 = arith.cmpi ne, %rem3A_1017, %ne3A_1018 : i32
        %and3A_1020 = arith.andi %ne3A_1016, %ne3A_1019 : i1
        %sub3A_1021 = arith.constant 1 : i32
        %sub3A_1022 = arith.subi %div3A_1001, %sub3A_1021 : i32
        %select_n3A_1023 = arith.select %and3A_1020, %sub3A_1022, %div3A_1001 : i32
        %mul3A_1024 = arith.constant 16 : i32
        %mul3A_1025 = arith.muli %select_n3A_1023, %mul3A_1024 : i32
        %get3A_1026 = arith.index_cast %mul3A_1025 : i32 to index
        %get3A_1027 = tpu.vector_load %arg11[%get3A_1026] {strides = array<i32>} : memref<80xi32, #tpu.memory_space<vmem>>, vector<16xi32>,
        %jit3A_1028 = arith.constant 14 : i32
        %eq3A_1029 = arith.constant 0 : i32
        %eq3A_1030 = arith.cmpi eq, %jit3A_1028, %eq3A_1029 : i32
        %jit3A_1031 = arith.constant 1 : i32
        %select_n3A_1032 = arith.select %eq3A_1030, %jit3A_1031, %jit3A_1028 : i32
        %rem3A_1033 = vector.broadcast %select_n3A_1032 : i32 to vector<16xi32>
        %rem3A_1034 = arith.remsi %get3A_1027, %rem3A_1033 : vector<16xi32>
        %ne3A_1035 = arith.constant 0 : i32
        %ne3A_1036 = vector.broadcast %ne3A_1035 : i32 to vector<16xi32>
        %ne3A_1037 = arith.cmpi ne, %rem3A_1034, %ne3A_1036 : vector<16xi32>
        %lt3A = arith.constant 0 : i32
        %lt3A_1038 = vector.broadcast %lt3A : i32 to vector<16xi32>
        %lt3A_1039 = arith.cmpi slt, %rem3A_1034, %lt3A_1038 : vector<16xi32>
        %lt3A_1040 = arith.constant 0 : i32
        %lt3A_1041 = arith.cmpi slt, %select_n3A_1032, %lt3A_1040 : i32
        %ne3A_1042 = vector.broadcast %lt3A_1041 : i1 to vector<16xi1>
        %ne3A_1043 = vector.broadcast %ne3A_1042 : vector<16xi1> to vector<16xi1>
        %ne3A_1044 = arith.xori %lt3A_1039, %ne3A_1043 : vector<16xi1>
        %and3A_1045 = arith.andi %ne3A_1044, %ne3A_1037 : vector<16xi1>
        %add3A_1046 = vector.broadcast %select_n3A_1032 : i32 to vector<16xi32>
        %add3A_1047 = arith.addi %rem3A_1034, %add3A_1046 : vector<16xi32>
        %select_n3A_1048 = arith.select %and3A_1045, %add3A_1047, %rem3A_1034 : vector<16xi1>, vector<16xi32>
        %mul3A_1049 = arith.constant 8 : i32
        %mul3A_1050 = vector.broadcast %mul3A_1049 : i32 to vector<16xi32>
        %mul3A_1051 = arith.muli %select_n3A_1048, %mul3A_1050 : vector<16xi32>
        %sub3A_1052 = arith.subi %scan3A_358, %mul3A_1025 : i32
        %eq3A_1053 = vector.broadcast %sub3A_1052 : i32 to vector<16xi32>
        %eq3A_1054 = arith.cmpi eq, %iota3A, %eq3A_1053 : vector<16xi32>
        %jit3A_1055 = arith.constant 0 : i32
        %broadcast_in_dim3A_1056 = vector.broadcast %jit3A_1055 : i32 to vector<16xi32>
        %select_n3A_1057 = arith.select %eq3A_1054, %mul3A_1051, %broadcast_in_dim3A_1056 : vector<16xi1>, vector<16xi32>
        %reduce_sum3A_1058 = arith.constant true
        %reduce_sum3A_1059 = vector.broadcast %reduce_sum3A_1058 : i1 to vector<16xi1>
        %reduce_sum3A_1060 = tpu.scan <sum>, %select_n3A_1057 masked %reduce_sum3A_1059 : vector<16xi32>, vector<16xi1> -> vector<16xi32>
        %reduce_sum3A_1061 = vector.extract %reduce_sum3A_1060[15] : i32 from vector<16xi32>
        %broadcast_in_dim3A_1062 = arith.constant 0.000000e+00 : f32
        %broadcast_in_dim3A_1063 = vector.broadcast %broadcast_in_dim3A_1062 : f32 to vector<16xf32>
        %swap3A_1064 = arith.index_cast %scan3A_358 : i32 to index
        %swap3A_1065 = arith.constant 0 : index
        %swap3A_1066 = tpu.vector_load %arg16[%swap3A_1064, %swap3A_1065] {strides = array<i32>} : memref<80x128xf32, #tpu.memory_space<vmem>>, vector<16xf32>,
        tpu.vector_store %arg16[%swap3A_1064, %swap3A_1065], %broadcast_in_dim3A_1063 {strides = array<i32>} : memref<80x128xf32, #tpu.memory_space<vmem>>, vector<16xf32>,
        %broadcast_in_dim3A_1067 = arith.constant 0.000000e+00 : f32
        %broadcast_in_dim3A_1068 = vector.broadcast %broadcast_in_dim3A_1067 : f32 to vector<16xf32>
        %swap3A_1069 = arith.index_cast %scan3A_358 : i32 to index
        %swap3A_1070 = arith.constant 16 : index
        %swap3A_1071 = tpu.vector_load %arg16[%swap3A_1069, %swap3A_1070] {strides = array<i32>} : memref<80x128xf32, #tpu.memory_space<vmem>>, vector<16xf32>,
        tpu.vector_store %arg16[%swap3A_1069, %swap3A_1070], %broadcast_in_dim3A_1068 {strides = array<i32>} : memref<80x128xf32, #tpu.memory_space<vmem>>, vector<16xf32>,
        %broadcast_in_dim3A_1072 = arith.constant 0.000000e+00 : f32
        %broadcast_in_dim3A_1073 = vector.broadcast %broadcast_in_dim3A_1072 : f32 to vector<16xf32>
        %swap3A_1074 = arith.index_cast %scan3A_358 : i32 to index
        %swap3A_1075 = arith.constant 32 : index
        %swap3A_1076 = tpu.vector_load %arg16[%swap3A_1074, %swap3A_1075] {strides = array<i32>} : memref<80x128xf32, #tpu.memory_space<vmem>>, vector<16xf32>,
        tpu.vector_store %arg16[%swap3A_1074, %swap3A_1075], %broadcast_in_dim3A_1073 {strides = array<i32>} : memref<80x128xf32, #tpu.memory_space<vmem>>, vector<16xf32>,
        %broadcast_in_dim3A_1077 = arith.constant 0.000000e+00 : f32
        %broadcast_in_dim3A_1078 = vector.broadcast %broadcast_in_dim3A_1077 : f32 to vector<16xf32>
        %swap3A_1079 = arith.index_cast %scan3A_358 : i32 to index
        %swap3A_1080 = arith.constant 48 : index
        %swap3A_1081 = tpu.vector_load %arg16[%swap3A_1079, %swap3A_1080] {strides = array<i32>} : memref<80x128xf32, #tpu.memory_space<vmem>>, vector<16xf32>,
        tpu.vector_store %arg16[%swap3A_1079, %swap3A_1080], %broadcast_in_dim3A_1078 {strides = array<i32>} : memref<80x128xf32, #tpu.memory_space<vmem>>, vector<16xf32>,
        %broadcast_in_dim3A_1082 = arith.constant 0.000000e+00 : f32
        %broadcast_in_dim3A_1083 = vector.broadcast %broadcast_in_dim3A_1082 : f32 to vector<16xf32>
        %swap3A_1084 = arith.index_cast %scan3A_358 : i32 to index
        %swap3A_1085 = arith.constant 64 : index
        %swap3A_1086 = tpu.vector_load %arg16[%swap3A_1084, %swap3A_1085] {strides = array<i32>} : memref<80x128xf32, #tpu.memory_space<vmem>>, vector<16xf32>,
        tpu.vector_store %arg16[%swap3A_1084, %swap3A_1085], %broadcast_in_dim3A_1083 {strides = array<i32>} : memref<80x128xf32, #tpu.memory_space<vmem>>, vector<16xf32>,
        %broadcast_in_dim3A_1087 = arith.constant 0.000000e+00 : f32
        %broadcast_in_dim3A_1088 = vector.broadcast %broadcast_in_dim3A_1087 : f32 to vector<16xf32>
        %swap3A_1089 = arith.index_cast %scan3A_358 : i32 to index
        %swap3A_1090 = arith.constant 80 : index
        %swap3A_1091 = tpu.vector_load %arg16[%swap3A_1089, %swap3A_1090] {strides = array<i32>} : memref<80x128xf32, #tpu.memory_space<vmem>>, vector<16xf32>,
        tpu.vector_store %arg16[%swap3A_1089, %swap3A_1090], %broadcast_in_dim3A_1088 {strides = array<i32>} : memref<80x128xf32, #tpu.memory_space<vmem>>, vector<16xf32>,
        %broadcast_in_dim3A_1092 = arith.constant 0.000000e+00 : f32
        %broadcast_in_dim3A_1093 = vector.broadcast %broadcast_in_dim3A_1092 : f32 to vector<16xf32>
        %swap3A_1094 = arith.index_cast %scan3A_358 : i32 to index
        %swap3A_1095 = arith.constant 96 : index
        %swap3A_1096 = tpu.vector_load %arg16[%swap3A_1094, %swap3A_1095] {strides = array<i32>} : memref<80x128xf32, #tpu.memory_space<vmem>>, vector<16xf32>,
        tpu.vector_store %arg16[%swap3A_1094, %swap3A_1095], %broadcast_in_dim3A_1093 {strides = array<i32>} : memref<80x128xf32, #tpu.memory_space<vmem>>, vector<16xf32>,
        %broadcast_in_dim3A_1097 = arith.constant 0.000000e+00 : f32
        %broadcast_in_dim3A_1098 = vector.broadcast %broadcast_in_dim3A_1097 : f32 to vector<16xf32>
        %swap3A_1099 = arith.index_cast %scan3A_358 : i32 to index
        %swap3A_1100 = arith.constant 112 : index
        %swap3A_1101 = tpu.vector_load %arg16[%swap3A_1099, %swap3A_1100] {strides = array<i32>} : memref<80x128xf32, #tpu.memory_space<vmem>>, vector<16xf32>,
        tpu.vector_store %arg16[%swap3A_1099, %swap3A_1100], %broadcast_in_dim3A_1098 {strides = array<i32>} : memref<80x128xf32, #tpu.memory_space<vmem>>, vector<16xf32>,
        %lt3A_1102 = arith.constant 8 : i32
        %lt3A_1103 = vector.broadcast %lt3A_1102 : i32 to vector<16xi32>
        %lt3A_1104 = arith.cmpi slt, %iota3A, %lt3A_1103 : vector<16xi32>
        %jit3A_1105 = arith.constant 0.000000e+00 : f32
        %broadcast_in_dim3A_1106 = vector.broadcast %jit3A_1105 : f32 to vector<16xf32>
        %select_n3A_1107 = arith.select %lt3A_1104, %exp3A, %broadcast_in_dim3A_1106 : vector<16xi1>, vector<16xf32>
        %swap3A_1108 = arith.index_cast %scan3A_358 : i32 to index
        %swap3A_1109 = arith.index_cast %reduce_sum3A_1061 : i32 to index
        %swap3A_1110 = tpu.vector_load %arg16[%swap3A_1108, %swap3A_1109] {strides = array<i32>} : memref<80x128xf32, #tpu.memory_space<vmem>>, vector<16xf32>,
        tpu.vector_store %arg16[%swap3A_1108, %swap3A_1109], %select_n3A_1107 {strides = array<i32>} : memref<80x128xf32, #tpu.memory_space<vmem>>, vector<16xf32>,
      }
      %scan3A_357 = arith.constant 80 : i32
      "tpu.region"() ({
        %run_scoped3A = tpu.sem_alloc : memref<!tpu.dma_semaphore, #tpu.memory_space<semaphore_mem>>
        %dma_start3A_358 = arith.constant 0 : i32
        %dma_start3A_359 = tpu.memref_slice %arg7[%add3A_168, %dma_start3A_358] : memref<320000x16xf32, #tpu.memory_space<hbm>> -> memref<80x16xf32, #tpu.memory_space<hbm>>
        %dma_start3A_360 = arith.constant 0 : i32
        %dma_start3A_361 = tpu.memref_slice %arg7[%add3A_168, %dma_start3A_360] : memref<320000x16xf32, #tpu.memory_space<hbm>> -> memref<80x16xf32, #tpu.memory_space<hbm>>
        tpu.enqueue_dma source(%arg15 : memref<80x16xf32, #tpu.memory_space<vmem>>) target(%dma_start3A_361 : memref<80x16xf32, #tpu.memory_space<hbm>>) target_semaphore(%run_scoped3A : memref<!tpu.dma_semaphore, #tpu.memory_space<semaphore_mem>>)
        %dma_wait3A_362 = arith.constant 0 : i32
        %dma_wait3A_363 = tpu.memref_slice %arg7[%add3A_168, %dma_wait3A_362] : memref<320000x16xf32, #tpu.memory_space<hbm>> -> memref<80x16xf32, #tpu.memory_space<hbm>>
        %dma_wait3A_364 = arith.constant 0 : i32
        %dma_wait3A_365 = tpu.memref_slice %arg7[%add3A_168, %dma_wait3A_364] : memref<320000x16xf32, #tpu.memory_space<hbm>> -> memref<80x16xf32, #tpu.memory_space<hbm>>
        tpu.wait_dma2 semaphore(%run_scoped3A : memref<!tpu.dma_semaphore, #tpu.memory_space<semaphore_mem>>) src(%arg15 : memref<80x16xf32, #tpu.memory_space<vmem>>) dst(%dma_wait3A_365 : memref<80x16xf32, #tpu.memory_space<hbm>>)
        tpu.yield
      }) : () -> ()
      "tpu.region"() ({
        %run_scoped3A = tpu.sem_alloc : memref<!tpu.dma_semaphore, #tpu.memory_space<semaphore_mem>>
        %dma_start3A_358 = arith.constant 0 : i32
        %dma_start3A_359 = arith.constant 0 : i32
        %dma_start3A_360 = tpu.memref_slice %arg16[%dma_start3A_358, %dma_start3A_359] : memref<80x128xf32, #tpu.memory_space<vmem>> -> memref<80x128xf32, #tpu.memory_space<vmem>>
        %dma_start3A_361 = arith.constant 0 : i32
        %dma_start3A_362 = arith.constant 0 : i32
        %dma_start3A_363 = tpu.memref_slice %arg17[%dma_start3A_361, %dma_start3A_362] : memref<768x128xf32, #tpu.memory_space<vmem_shared>> -> memref<768x128xf32, #tpu.memory_space<vmem_shared>>
        tpu.enqueue_indirect_dma source(%dma_start3A_360 : memref<80x128xf32, #tpu.memory_space<vmem>>) target(%dma_start3A_363 : memref<768x128xf32, #tpu.memory_space<vmem_shared>>) offsets(%arg12 : memref<80xi32, #tpu.memory_space<vmem>>) semaphore(%run_scoped3A : memref<!tpu.dma_semaphore, #tpu.memory_space<semaphore_mem>>) {add = true}
        %dma_wait3A_364 = arith.constant 0 : i32
        %dma_wait3A_365 = arith.constant 0 : i32
        %dma_wait3A_366 = tpu.memref_slice %arg16[%dma_wait3A_364, %dma_wait3A_365] : memref<80x128xf32, #tpu.memory_space<vmem>> -> memref<80x128xf32, #tpu.memory_space<vmem>>
        %dma_wait3A_367 = arith.constant 0 : i32
        %dma_wait3A_368 = arith.constant 0 : i32
        %dma_wait3A_369 = tpu.memref_slice %arg17[%dma_wait3A_367, %dma_wait3A_368] : memref<768x128xf32, #tpu.memory_space<vmem_shared>> -> memref<768x128xf32, #tpu.memory_space<vmem_shared>>
        tpu.wait_indirect_dma semaphore(%run_scoped3A : memref<!tpu.dma_semaphore, #tpu.memory_space<semaphore_mem>>) src(%dma_wait3A_366 : memref<80x128xf32, #tpu.memory_space<vmem>>) dst(%dma_wait3A_369 : memref<768x128xf32, #tpu.memory_space<vmem_shared>>)
        tpu.yield
      }) : () -> ()
    }
    %scan3A_15 = arith.constant 125 : i32
    %barrier3A_16 = arith.constant 0 : index
    tpu.barrier barrier_id(%barrier3A_16)
    %mul3A_17 = arith.constant 640 : i32
    %mul3A_18 = arith.muli %arg1, %mul3A_17 : i32
    %jit3A = arith.constant 14 : i32
    %div3A = arith.divsi %mul3A_18, %jit3A : i32
    %sign3A = arith.constant 0 : i32
    %sign3A_19 = arith.cmpi sgt, %mul3A_18, %sign3A : i32
    %sign3A_20 = arith.extui %sign3A_19 : i1 to i32
    %sign3A_21 = arith.constant 0 : i32
    %sign3A_22 = arith.cmpi slt, %mul3A_18, %sign3A_21 : i32
    %sign3A_23 = arith.extui %sign3A_22 : i1 to i32
    %sign3A_24 = arith.subi %sign3A_20, %sign3A_23 : i32
    %sign3A_25 = arith.constant 0 : i32
    %sign3A_26 = arith.cmpi sgt, %jit3A, %sign3A_25 : i32
    %sign3A_27 = arith.extui %sign3A_26 : i1 to i32
    %sign3A_28 = arith.constant 0 : i32
    %sign3A_29 = arith.cmpi slt, %jit3A, %sign3A_28 : i32
    %sign3A_30 = arith.extui %sign3A_29 : i1 to i32
    %sign3A_31 = arith.subi %sign3A_27, %sign3A_30 : i32
    %ne3A = arith.cmpi ne, %sign3A_24, %sign3A_31 : i32
    %rem3A = arith.remsi %mul3A_18, %jit3A : i32
    %ne3A_32 = arith.constant 0 : i32
    %ne3A_33 = arith.cmpi ne, %rem3A, %ne3A_32 : i32
    %and3A = arith.andi %ne3A, %ne3A_33 : i1
    %sub3A = arith.constant 1 : i32
    %sub3A_34 = arith.subi %div3A, %sub3A : i32
    %select_n3A = arith.select %and3A, %sub3A_34, %div3A : i32
    %jit3A_35 = arith.constant 8 : i32
    %div3A_36 = arith.divsi %select_n3A, %jit3A_35 : i32
    %sign3A_37 = arith.constant 0 : i32
    %sign3A_38 = arith.cmpi sgt, %select_n3A, %sign3A_37 : i32
    %sign3A_39 = arith.extui %sign3A_38 : i1 to i32
    %sign3A_40 = arith.constant 0 : i32
    %sign3A_41 = arith.cmpi slt, %select_n3A, %sign3A_40 : i32
    %sign3A_42 = arith.extui %sign3A_41 : i1 to i32
    %sign3A_43 = arith.subi %sign3A_39, %sign3A_42 : i32
    %sign3A_44 = arith.constant 0 : i32
    %sign3A_45 = arith.cmpi sgt, %jit3A_35, %sign3A_44 : i32
    %sign3A_46 = arith.extui %sign3A_45 : i1 to i32
    %sign3A_47 = arith.constant 0 : i32
    %sign3A_48 = arith.cmpi slt, %jit3A_35, %sign3A_47 : i32
    %sign3A_49 = arith.extui %sign3A_48 : i1 to i32
    %sign3A_50 = arith.subi %sign3A_46, %sign3A_49 : i32
    %ne3A_51 = arith.cmpi ne, %sign3A_43, %sign3A_50 : i32
    %rem3A_52 = arith.remsi %select_n3A, %jit3A_35 : i32
    %ne3A_53 = arith.constant 0 : i32
    %ne3A_54 = arith.cmpi ne, %rem3A_52, %ne3A_53 : i32
    %and3A_55 = arith.andi %ne3A_51, %ne3A_54 : i1
    %sub3A_56 = arith.constant 1 : i32
    %sub3A_57 = arith.subi %div3A_36, %sub3A_56 : i32
    %select_n3A_58 = arith.select %and3A_55, %sub3A_57, %div3A_36 : i32
    %mul3A_59 = arith.constant 8 : i32
    %mul3A_60 = arith.muli %select_n3A_58, %mul3A_59 : i32
    "tpu.region"() ({
      %run_scoped3A = tpu.sem_alloc : memref<!tpu.dma_semaphore, #tpu.memory_space<semaphore_mem>>
      %dma_start3A = arith.constant 0 : i32
      %dma_start3A_165 = arith.constant 0 : i32
      %dma_start3A_166 = tpu.memref_slice %arg16[%dma_start3A, %dma_start3A_165] : memref<80x128xf32, #tpu.memory_space<vmem>> -> memref<61x128xf32, #tpu.memory_space<vmem>>
      %dma_start3A_167 = arith.constant 0 : i32
      %dma_start3A_168 = tpu.memref_slice %arg17[%mul3A_60, %dma_start3A_167] : memref<768x128xf32, #tpu.memory_space<vmem_shared>> -> memref<61x128xf32, #tpu.memory_space<vmem_shared>>
      %dma_start3A_169 = arith.constant 0 : i32
      %dma_start3A_170 = arith.constant 0 : i32
      %dma_start3A_171 = tpu.memref_slice %arg16[%dma_start3A_169, %dma_start3A_170] : memref<80x128xf32, #tpu.memory_space<vmem>> -> memref<61x128xf32, #tpu.memory_space<vmem>>
      %dma_start3A_172 = arith.constant 0 : i32
      %dma_start3A_173 = tpu.memref_slice %arg17[%mul3A_60, %dma_start3A_172] : memref<768x128xf32, #tpu.memory_space<vmem_shared>> -> memref<61x128xf32, #tpu.memory_space<vmem_shared>>
      tpu.enqueue_dma source(%dma_start3A_173 : memref<61x128xf32, #tpu.memory_space<vmem_shared>>) target(%dma_start3A_171 : memref<61x128xf32, #tpu.memory_space<vmem>>) target_semaphore(%run_scoped3A : memref<!tpu.dma_semaphore, #tpu.memory_space<semaphore_mem>>)
      %dma_wait3A = arith.constant 0 : i32
      %dma_wait3A_174 = arith.constant 0 : i32
      %dma_wait3A_175 = tpu.memref_slice %arg16[%dma_wait3A, %dma_wait3A_174] : memref<80x128xf32, #tpu.memory_space<vmem>> -> memref<61x128xf32, #tpu.memory_space<vmem>>
      %dma_wait3A_176 = arith.constant 0 : i32
      %dma_wait3A_177 = tpu.memref_slice %arg17[%mul3A_60, %dma_wait3A_176] : memref<768x128xf32, #tpu.memory_space<vmem_shared>> -> memref<61x128xf32, #tpu.memory_space<vmem_shared>>
      %dma_wait3A_178 = arith.constant 0 : i32
      %dma_wait3A_179 = arith.constant 0 : i32
      %dma_wait3A_180 = tpu.memref_slice %arg16[%dma_wait3A_178, %dma_wait3A_179] : memref<80x128xf32, #tpu.memory_space<vmem>> -> memref<61x128xf32, #tpu.memory_space<vmem>>
      %dma_wait3A_181 = arith.constant 0 : i32
      %dma_wait3A_182 = tpu.memref_slice %arg17[%mul3A_60, %dma_wait3A_181] : memref<768x128xf32, #tpu.memory_space<vmem_shared>> -> memref<61x128xf32, #tpu.memory_space<vmem_shared>>
      tpu.wait_dma2 semaphore(%run_scoped3A : memref<!tpu.dma_semaphore, #tpu.memory_space<semaphore_mem>>) src(%dma_wait3A_182 : memref<61x128xf32, #tpu.memory_space<vmem_shared>>) dst(%dma_wait3A_180 : memref<61x128xf32, #tpu.memory_space<vmem>>)
      tpu.yield
    }) : () -> ()
    %scan3A_61 = arith.constant 0 : i32
    %scan3A_62 = arith.constant 0 : i32
    %scan3A_63 = arith.constant 80 : i32
    %scan3A_64 = arith.addi %scan3A_62, %scan3A_63 : i32
    %scan3A_65 = arith.constant 1 : i32
    scf.for %scan3A_165 = %scan3A_62 to %scan3A_64 step %scan3A_65  : i32 {
      %mul3A_166 = arith.constant 640 : i32
      %mul3A_167 = arith.muli %arg1, %mul3A_166 : i32
      %add3A_168 = arith.addi %mul3A_167, %scan3A_165 : i32
      %jit3A_169 = arith.constant 14 : i32
      %div3A_170 = arith.divsi %add3A_168, %jit3A_169 : i32
      %sign3A_171 = arith.constant 0 : i32
      %sign3A_172 = arith.cmpi sgt, %add3A_168, %sign3A_171 : i32
      %sign3A_173 = arith.extui %sign3A_172 : i1 to i32
      %sign3A_174 = arith.constant 0 : i32
      %sign3A_175 = arith.cmpi slt, %add3A_168, %sign3A_174 : i32
      %sign3A_176 = arith.extui %sign3A_175 : i1 to i32
      %sign3A_177 = arith.subi %sign3A_173, %sign3A_176 : i32
      %sign3A_178 = arith.constant 0 : i32
      %sign3A_179 = arith.cmpi sgt, %jit3A_169, %sign3A_178 : i32
      %sign3A_180 = arith.extui %sign3A_179 : i1 to i32
      %sign3A_181 = arith.constant 0 : i32
      %sign3A_182 = arith.cmpi slt, %jit3A_169, %sign3A_181 : i32
      %sign3A_183 = arith.extui %sign3A_182 : i1 to i32
      %sign3A_184 = arith.subi %sign3A_180, %sign3A_183 : i32
      %ne3A_185 = arith.cmpi ne, %sign3A_177, %sign3A_184 : i32
      %rem3A_186 = arith.remsi %add3A_168, %jit3A_169 : i32
      %ne3A_187 = arith.constant 0 : i32
      %ne3A_188 = arith.cmpi ne, %rem3A_186, %ne3A_187 : i32
      %and3A_189 = arith.andi %ne3A_185, %ne3A_188 : i1
      %sub3A_190 = arith.constant 1 : i32
      %sub3A_191 = arith.subi %div3A_170, %sub3A_190 : i32
      %select_n3A_192 = arith.select %and3A_189, %sub3A_191, %div3A_170 : i32
      %sub3A_193 = arith.subi %select_n3A_192, %mul3A_60 : i32
      %jit3A_194 = arith.constant 14 : i32
      %eq3A = arith.constant 0 : i32
      %eq3A_195 = arith.cmpi eq, %jit3A_194, %eq3A : i32
      %jit3A_196 = arith.constant 1 : i32
      %select_n3A_197 = arith.select %eq3A_195, %jit3A_196, %jit3A_194 : i32
      %rem3A_198 = arith.remsi %add3A_168, %select_n3A_197 : i32
      %ne3A_199 = arith.constant 0 : i32
      %ne3A_200 = arith.cmpi ne, %rem3A_198, %ne3A_199 : i32
      %lt3A = arith.constant 0 : i32
      %lt3A_201 = arith.cmpi slt, %rem3A_198, %lt3A : i32
      %lt3A_202 = arith.constant 0 : i32
      %lt3A_203 = arith.cmpi slt, %select_n3A_197, %lt3A_202 : i32
      %ne3A_204 = arith.xori %lt3A_201, %lt3A_203 : i1
      %and3A_205 = arith.andi %ne3A_204, %ne3A_200 : i1
      %add3A_206 = arith.addi %rem3A_198, %select_n3A_197 : i32
      %select_n3A_207 = arith.select %and3A_205, %add3A_206, %rem3A_198 : i32
      %mul3A_208 = arith.constant 8 : i32
      %mul3A_209 = arith.muli %select_n3A_207, %mul3A_208 : i32
      %get3A = arith.index_cast %sub3A_193 : i32 to index
      %get3A_210 = arith.index_cast %mul3A_209 : i32 to index
      %get3A_211 = tpu.vector_load %arg16[%get3A, %get3A_210] {strides = array<i32>} : memref<80x128xf32, #tpu.memory_space<vmem>>, vector<16xf32>,
      %lt3A_212 = arith.constant 8 : i32
      %lt3A_213 = vector.broadcast %lt3A_212 : i32 to vector<16xi32>
      %lt3A_214 = arith.cmpi slt, %iota3A, %lt3A_213 : vector<16xi32>
      %jit3A_215 = arith.constant 0.000000e+00 : f32
      %broadcast_in_dim3A = vector.broadcast %jit3A_215 : f32 to vector<16xf32>
      %select_n3A_216 = arith.select %lt3A_214, %get3A_211, %broadcast_in_dim3A : vector<16xi1>, vector<16xf32>
      %jit3A_217 = arith.constant 80 : i32
      %eq3A_218 = arith.constant 0 : i32
      %eq3A_219 = arith.cmpi eq, %jit3A_217, %eq3A_218 : i32
      %jit3A_220 = arith.constant 1 : i32
      %select_n3A_221 = arith.select %eq3A_219, %jit3A_220, %jit3A_217 : i32
      %rem3A_222 = arith.remsi %scan3A_165, %select_n3A_221 : i32
      %ne3A_223 = arith.constant 0 : i32
      %ne3A_224 = arith.cmpi ne, %rem3A_222, %ne3A_223 : i32
      %lt3A_225 = arith.constant 0 : i32
      %lt3A_226 = arith.cmpi slt, %rem3A_222, %lt3A_225 : i32
      %lt3A_227 = arith.constant 0 : i32
      %lt3A_228 = arith.cmpi slt, %select_n3A_221, %lt3A_227 : i32
      %ne3A_229 = arith.xori %lt3A_226, %lt3A_228 : i1
      %and3A_230 = arith.andi %ne3A_229, %ne3A_224 : i1
      %add3A_231 = arith.addi %rem3A_222, %select_n3A_221 : i32
      %select_n3A_232 = arith.select %and3A_230, %add3A_231, %rem3A_222 : i32
      %swap3A = arith.index_cast %select_n3A_232 : i32 to index
      %swap3A_233 = arith.constant 0 : index
      %swap3A_234 = tpu.vector_load %arg15[%swap3A, %swap3A_233] {strides = array<i32>} : memref<80x16xf32, #tpu.memory_space<vmem>>, vector<16xf32>,
      tpu.vector_store %arg15[%swap3A, %swap3A_233], %select_n3A_216 {strides = array<i32>} : memref<80x16xf32, #tpu.memory_space<vmem>>, vector<16xf32>,
    }
    %scan3A_66 = arith.constant 80 : i32
    %mul3A_67 = arith.constant 10240 : i32
    %mul3A_68 = arith.muli %arg0, %mul3A_67 : i32
    %mul3A_69 = arith.constant 640 : i32
    %mul3A_70 = arith.muli %arg1, %mul3A_69 : i32
    %add3A_71 = arith.addi %mul3A_68, %mul3A_70 : i32
    %add3A_72 = arith.constant 0 : i32
    %add3A_73 = arith.addi %add3A_71, %add3A_72 : i32
    "tpu.region"() ({
      %run_scoped3A = tpu.sem_alloc : memref<!tpu.dma_semaphore, #tpu.memory_space<semaphore_mem>>
      %dma_start3A = arith.constant 0 : i32
      %dma_start3A_165 = tpu.memref_slice %arg8[%add3A_73, %dma_start3A] : memref<20480x16xf32, #tpu.memory_space<hbm>> -> memref<80x16xf32, #tpu.memory_space<hbm>>
      %dma_start3A_166 = arith.constant 0 : i32
      %dma_start3A_167 = tpu.memref_slice %arg8[%add3A_73, %dma_start3A_166] : memref<20480x16xf32, #tpu.memory_space<hbm>> -> memref<80x16xf32, #tpu.memory_space<hbm>>
      tpu.enqueue_dma source(%arg15 : memref<80x16xf32, #tpu.memory_space<vmem>>) target(%dma_start3A_167 : memref<80x16xf32, #tpu.memory_space<hbm>>) target_semaphore(%run_scoped3A : memref<!tpu.dma_semaphore, #tpu.memory_space<semaphore_mem>>)
      %dma_wait3A = arith.constant 0 : i32
      %dma_wait3A_168 = tpu.memref_slice %arg8[%add3A_73, %dma_wait3A] : memref<20480x16xf32, #tpu.memory_space<hbm>> -> memref<80x16xf32, #tpu.memory_space<hbm>>
      %dma_wait3A_169 = arith.constant 0 : i32
      %dma_wait3A_170 = tpu.memref_slice %arg8[%add3A_73, %dma_wait3A_169] : memref<20480x16xf32, #tpu.memory_space<hbm>> -> memref<80x16xf32, #tpu.memory_space<hbm>>
      tpu.wait_dma2 semaphore(%run_scoped3A : memref<!tpu.dma_semaphore, #tpu.memory_space<semaphore_mem>>) src(%arg15 : memref<80x16xf32, #tpu.memory_space<vmem>>) dst(%dma_wait3A_170 : memref<80x16xf32, #tpu.memory_space<hbm>>)
      tpu.yield
    }) : () -> ()
    %scan3A_74 = arith.constant 0 : i32
    %scan3A_75 = arith.constant 80 : i32
    %scan3A_76 = arith.constant 80 : i32
    %scan3A_77 = arith.addi %scan3A_75, %scan3A_76 : i32
    %scan3A_78 = arith.constant 1 : i32
    scf.for %scan3A_165 = %scan3A_75 to %scan3A_77 step %scan3A_78  : i32 {
      %mul3A_166 = arith.constant 640 : i32
      %mul3A_167 = arith.muli %arg1, %mul3A_166 : i32
      %add3A_168 = arith.addi %mul3A_167, %scan3A_165 : i32
      %jit3A_169 = arith.constant 14 : i32
      %div3A_170 = arith.divsi %add3A_168, %jit3A_169 : i32
      %sign3A_171 = arith.constant 0 : i32
      %sign3A_172 = arith.cmpi sgt, %add3A_168, %sign3A_171 : i32
      %sign3A_173 = arith.extui %sign3A_172 : i1 to i32
      %sign3A_174 = arith.constant 0 : i32
      %sign3A_175 = arith.cmpi slt, %add3A_168, %sign3A_174 : i32
      %sign3A_176 = arith.extui %sign3A_175 : i1 to i32
      %sign3A_177 = arith.subi %sign3A_173, %sign3A_176 : i32
      %sign3A_178 = arith.constant 0 : i32
      %sign3A_179 = arith.cmpi sgt, %jit3A_169, %sign3A_178 : i32
      %sign3A_180 = arith.extui %sign3A_179 : i1 to i32
      %sign3A_181 = arith.constant 0 : i32
      %sign3A_182 = arith.cmpi slt, %jit3A_169, %sign3A_181 : i32
      %sign3A_183 = arith.extui %sign3A_182 : i1 to i32
      %sign3A_184 = arith.subi %sign3A_180, %sign3A_183 : i32
      %ne3A_185 = arith.cmpi ne, %sign3A_177, %sign3A_184 : i32
      %rem3A_186 = arith.remsi %add3A_168, %jit3A_169 : i32
      %ne3A_187 = arith.constant 0 : i32
      %ne3A_188 = arith.cmpi ne, %rem3A_186, %ne3A_187 : i32
      %and3A_189 = arith.andi %ne3A_185, %ne3A_188 : i1
      %sub3A_190 = arith.constant 1 : i32
      %sub3A_191 = arith.subi %div3A_170, %sub3A_190 : i32
      %select_n3A_192 = arith.select %and3A_189, %sub3A_191, %div3A_170 : i32
      %sub3A_193 = arith.subi %select_n3A_192, %mul3A_60 : i32
      %jit3A_194 = arith.constant 14 : i32
      %eq3A = arith.constant 0 : i32
      %eq3A_195 = arith.cmpi eq, %jit3A_194, %eq3A : i32
      %jit3A_196 = arith.constant 1 : i32
      %select_n3A_197 = arith.select %eq3A_195, %jit3A_196, %jit3A_194 : i32
      %rem3A_198 = arith.remsi %add3A_168, %select_n3A_197 : i32
      %ne3A_199 = arith.constant 0 : i32
      %ne3A_200 = arith.cmpi ne, %rem3A_198, %ne3A_199 : i32
      %lt3A = arith.constant 0 : i32
      %lt3A_201 = arith.cmpi slt, %rem3A_198, %lt3A : i32
      %lt3A_202 = arith.constant 0 : i32
      %lt3A_203 = arith.cmpi slt, %select_n3A_197, %lt3A_202 : i32
      %ne3A_204 = arith.xori %lt3A_201, %lt3A_203 : i1
      %and3A_205 = arith.andi %ne3A_204, %ne3A_200 : i1
      %add3A_206 = arith.addi %rem3A_198, %select_n3A_197 : i32
      %select_n3A_207 = arith.select %and3A_205, %add3A_206, %rem3A_198 : i32
      %mul3A_208 = arith.constant 8 : i32
      %mul3A_209 = arith.muli %select_n3A_207, %mul3A_208 : i32
      %get3A = arith.index_cast %sub3A_193 : i32 to index
      %get3A_210 = arith.index_cast %mul3A_209 : i32 to index
      %get3A_211 = tpu.vector_load %arg16[%get3A, %get3A_210] {strides = array<i32>} : memref<80x128xf32, #tpu.memory_space<vmem>>, vector<16xf32>,
      %lt3A_212 = arith.constant 8 : i32
      %lt3A_213 = vector.broadcast %lt3A_212 : i32 to vector<16xi32>
      %lt3A_214 = arith.cmpi slt, %iota3A, %lt3A_213 : vector<16xi32>
      %jit3A_215 = arith.constant 0.000000e+00 : f32
      %broadcast_in_dim3A = vector.broadcast %jit3A_215 : f32 to vector<16xf32>
      %select_n3A_216 = arith.select %lt3A_214, %get3A_211, %broadcast_in_dim3A : vector<16xi1>, vector<16xf32>
      %jit3A_217 = arith.constant 80 : i32
      %eq3A_218 = arith.constant 0 : i32
      %eq3A_219 = arith.cmpi eq, %jit3A_217, %eq3A_218 : i32
      %jit3A_220 = arith.constant 1 : i32
      %select_n3A_221 = arith.select %eq3A_219, %jit3A_220, %jit3A_217 : i32
      %rem3A_222 = arith.remsi %scan3A_165, %select_n3A_221 : i32
      %ne3A_223 = arith.constant 0 : i32
      %ne3A_224 = arith.cmpi ne, %rem3A_222, %ne3A_223 : i32
      %lt3A_225 = arith.constant 0 : i32
      %lt3A_226 = arith.cmpi slt, %rem3A_222, %lt3A_225 : i32
      %lt3A_227 = arith.constant 0 : i32
      %lt3A_228 = arith.cmpi slt, %select_n3A_221, %lt3A_227 : i32
      %ne3A_229 = arith.xori %lt3A_226, %lt3A_228 : i1
      %and3A_230 = arith.andi %ne3A_229, %ne3A_224 : i1
      %add3A_231 = arith.addi %rem3A_222, %select_n3A_221 : i32
      %select_n3A_232 = arith.select %and3A_230, %add3A_231, %rem3A_222 : i32
      %swap3A = arith.index_cast %select_n3A_232 : i32 to index
      %swap3A_233 = arith.constant 0 : index
      %swap3A_234 = tpu.vector_load %arg15[%swap3A, %swap3A_233] {strides = array<i32>} : memref<80x16xf32, #tpu.memory_space<vmem>>, vector<16xf32>,
      tpu.vector_store %arg15[%swap3A, %swap3A_233], %select_n3A_216 {strides = array<i32>} : memref<80x16xf32, #tpu.memory_space<vmem>>, vector<16xf32>,
    }
    %scan3A_79 = arith.constant 80 : i32
    %mul3A_80 = arith.constant 10240 : i32
    %mul3A_81 = arith.muli %arg0, %mul3A_80 : i32
    %mul3A_82 = arith.constant 640 : i32
    %mul3A_83 = arith.muli %arg1, %mul3A_82 : i32
    %add3A_84 = arith.addi %mul3A_81, %mul3A_83 : i32
    %add3A_85 = arith.constant 80 : i32
    %add3A_86 = arith.addi %add3A_84, %add3A_85 : i32
    "tpu.region"() ({
      %run_scoped3A = tpu.sem_alloc : memref<!tpu.dma_semaphore, #tpu.memory_space<semaphore_mem>>
      %dma_start3A = arith.constant 0 : i32
      %dma_start3A_165 = tpu.memref_slice %arg8[%add3A_86, %dma_start3A] : memref<20480x16xf32, #tpu.memory_space<hbm>> -> memref<80x16xf32, #tpu.memory_space<hbm>>
      %dma_start3A_166 = arith.constant 0 : i32
      %dma_start3A_167 = tpu.memref_slice %arg8[%add3A_86, %dma_start3A_166] : memref<20480x16xf32, #tpu.memory_space<hbm>> -> memref<80x16xf32, #tpu.memory_space<hbm>>
      tpu.enqueue_dma source(%arg15 : memref<80x16xf32, #tpu.memory_space<vmem>>) target(%dma_start3A_167 : memref<80x16xf32, #tpu.memory_space<hbm>>) target_semaphore(%run_scoped3A : memref<!tpu.dma_semaphore, #tpu.memory_space<semaphore_mem>>)
      %dma_wait3A = arith.constant 0 : i32
      %dma_wait3A_168 = tpu.memref_slice %arg8[%add3A_86, %dma_wait3A] : memref<20480x16xf32, #tpu.memory_space<hbm>> -> memref<80x16xf32, #tpu.memory_space<hbm>>
      %dma_wait3A_169 = arith.constant 0 : i32
      %dma_wait3A_170 = tpu.memref_slice %arg8[%add3A_86, %dma_wait3A_169] : memref<20480x16xf32, #tpu.memory_space<hbm>> -> memref<80x16xf32, #tpu.memory_space<hbm>>
      tpu.wait_dma2 semaphore(%run_scoped3A : memref<!tpu.dma_semaphore, #tpu.memory_space<semaphore_mem>>) src(%arg15 : memref<80x16xf32, #tpu.memory_space<vmem>>) dst(%dma_wait3A_170 : memref<80x16xf32, #tpu.memory_space<hbm>>)
      tpu.yield
    }) : () -> ()
    %scan3A_87 = arith.constant 0 : i32
    %scan3A_88 = arith.constant 160 : i32
    %scan3A_89 = arith.constant 80 : i32
    %scan3A_90 = arith.addi %scan3A_88, %scan3A_89 : i32
    %scan3A_91 = arith.constant 1 : i32
    scf.for %scan3A_165 = %scan3A_88 to %scan3A_90 step %scan3A_91  : i32 {
      %mul3A_166 = arith.constant 640 : i32
      %mul3A_167 = arith.muli %arg1, %mul3A_166 : i32
      %add3A_168 = arith.addi %mul3A_167, %scan3A_165 : i32
      %jit3A_169 = arith.constant 14 : i32
      %div3A_170 = arith.divsi %add3A_168, %jit3A_169 : i32
      %sign3A_171 = arith.constant 0 : i32
      %sign3A_172 = arith.cmpi sgt, %add3A_168, %sign3A_171 : i32
      %sign3A_173 = arith.extui %sign3A_172 : i1 to i32
      %sign3A_174 = arith.constant 0 : i32
      %sign3A_175 = arith.cmpi slt, %add3A_168, %sign3A_174 : i32
      %sign3A_176 = arith.extui %sign3A_175 : i1 to i32
      %sign3A_177 = arith.subi %sign3A_173, %sign3A_176 : i32
      %sign3A_178 = arith.constant 0 : i32
      %sign3A_179 = arith.cmpi sgt, %jit3A_169, %sign3A_178 : i32
      %sign3A_180 = arith.extui %sign3A_179 : i1 to i32
      %sign3A_181 = arith.constant 0 : i32
      %sign3A_182 = arith.cmpi slt, %jit3A_169, %sign3A_181 : i32
      %sign3A_183 = arith.extui %sign3A_182 : i1 to i32
      %sign3A_184 = arith.subi %sign3A_180, %sign3A_183 : i32
      %ne3A_185 = arith.cmpi ne, %sign3A_177, %sign3A_184 : i32
      %rem3A_186 = arith.remsi %add3A_168, %jit3A_169 : i32
      %ne3A_187 = arith.constant 0 : i32
      %ne3A_188 = arith.cmpi ne, %rem3A_186, %ne3A_187 : i32
      %and3A_189 = arith.andi %ne3A_185, %ne3A_188 : i1
      %sub3A_190 = arith.constant 1 : i32
      %sub3A_191 = arith.subi %div3A_170, %sub3A_190 : i32
      %select_n3A_192 = arith.select %and3A_189, %sub3A_191, %div3A_170 : i32
      %sub3A_193 = arith.subi %select_n3A_192, %mul3A_60 : i32
      %jit3A_194 = arith.constant 14 : i32
      %eq3A = arith.constant 0 : i32
      %eq3A_195 = arith.cmpi eq, %jit3A_194, %eq3A : i32
      %jit3A_196 = arith.constant 1 : i32
      %select_n3A_197 = arith.select %eq3A_195, %jit3A_196, %jit3A_194 : i32
      %rem3A_198 = arith.remsi %add3A_168, %select_n3A_197 : i32
      %ne3A_199 = arith.constant 0 : i32
      %ne3A_200 = arith.cmpi ne, %rem3A_198, %ne3A_199 : i32
      %lt3A = arith.constant 0 : i32
      %lt3A_201 = arith.cmpi slt, %rem3A_198, %lt3A : i32
      %lt3A_202 = arith.constant 0 : i32
      %lt3A_203 = arith.cmpi slt, %select_n3A_197, %lt3A_202 : i32
      %ne3A_204 = arith.xori %lt3A_201, %lt3A_203 : i1
      %and3A_205 = arith.andi %ne3A_204, %ne3A_200 : i1
      %add3A_206 = arith.addi %rem3A_198, %select_n3A_197 : i32
      %select_n3A_207 = arith.select %and3A_205, %add3A_206, %rem3A_198 : i32
      %mul3A_208 = arith.constant 8 : i32
      %mul3A_209 = arith.muli %select_n3A_207, %mul3A_208 : i32
      %get3A = arith.index_cast %sub3A_193 : i32 to index
      %get3A_210 = arith.index_cast %mul3A_209 : i32 to index
      %get3A_211 = tpu.vector_load %arg16[%get3A, %get3A_210] {strides = array<i32>} : memref<80x128xf32, #tpu.memory_space<vmem>>, vector<16xf32>,
      %lt3A_212 = arith.constant 8 : i32
      %lt3A_213 = vector.broadcast %lt3A_212 : i32 to vector<16xi32>
      %lt3A_214 = arith.cmpi slt, %iota3A, %lt3A_213 : vector<16xi32>
      %jit3A_215 = arith.constant 0.000000e+00 : f32
      %broadcast_in_dim3A = vector.broadcast %jit3A_215 : f32 to vector<16xf32>
      %select_n3A_216 = arith.select %lt3A_214, %get3A_211, %broadcast_in_dim3A : vector<16xi1>, vector<16xf32>
      %jit3A_217 = arith.constant 80 : i32
      %eq3A_218 = arith.constant 0 : i32
      %eq3A_219 = arith.cmpi eq, %jit3A_217, %eq3A_218 : i32
      %jit3A_220 = arith.constant 1 : i32
      %select_n3A_221 = arith.select %eq3A_219, %jit3A_220, %jit3A_217 : i32
      %rem3A_222 = arith.remsi %scan3A_165, %select_n3A_221 : i32
      %ne3A_223 = arith.constant 0 : i32
      %ne3A_224 = arith.cmpi ne, %rem3A_222, %ne3A_223 : i32
      %lt3A_225 = arith.constant 0 : i32
      %lt3A_226 = arith.cmpi slt, %rem3A_222, %lt3A_225 : i32
      %lt3A_227 = arith.constant 0 : i32
      %lt3A_228 = arith.cmpi slt, %select_n3A_221, %lt3A_227 : i32
      %ne3A_229 = arith.xori %lt3A_226, %lt3A_228 : i1
      %and3A_230 = arith.andi %ne3A_229, %ne3A_224 : i1
      %add3A_231 = arith.addi %rem3A_222, %select_n3A_221 : i32
      %select_n3A_232 = arith.select %and3A_230, %add3A_231, %rem3A_222 : i32
      %swap3A = arith.index_cast %select_n3A_232 : i32 to index
      %swap3A_233 = arith.constant 0 : index
      %swap3A_234 = tpu.vector_load %arg15[%swap3A, %swap3A_233] {strides = array<i32>} : memref<80x16xf32, #tpu.memory_space<vmem>>, vector<16xf32>,
      tpu.vector_store %arg15[%swap3A, %swap3A_233], %select_n3A_216 {strides = array<i32>} : memref<80x16xf32, #tpu.memory_space<vmem>>, vector<16xf32>,
    }
    %scan3A_92 = arith.constant 80 : i32
    %mul3A_93 = arith.constant 10240 : i32
    %mul3A_94 = arith.muli %arg0, %mul3A_93 : i32
    %mul3A_95 = arith.constant 640 : i32
    %mul3A_96 = arith.muli %arg1, %mul3A_95 : i32
    %add3A_97 = arith.addi %mul3A_94, %mul3A_96 : i32
    %add3A_98 = arith.constant 160 : i32
    %add3A_99 = arith.addi %add3A_97, %add3A_98 : i32
    "tpu.region"() ({
      %run_scoped3A = tpu.sem_alloc : memref<!tpu.dma_semaphore, #tpu.memory_space<semaphore_mem>>
      %dma_start3A = arith.constant 0 : i32
      %dma_start3A_165 = tpu.memref_slice %arg8[%add3A_99, %dma_start3A] : memref<20480x16xf32, #tpu.memory_space<hbm>> -> memref<80x16xf32, #tpu.memory_space<hbm>>
      %dma_start3A_166 = arith.constant 0 : i32
      %dma_start3A_167 = tpu.memref_slice %arg8[%add3A_99, %dma_start3A_166] : memref<20480x16xf32, #tpu.memory_space<hbm>> -> memref<80x16xf32, #tpu.memory_space<hbm>>
      tpu.enqueue_dma source(%arg15 : memref<80x16xf32, #tpu.memory_space<vmem>>) target(%dma_start3A_167 : memref<80x16xf32, #tpu.memory_space<hbm>>) target_semaphore(%run_scoped3A : memref<!tpu.dma_semaphore, #tpu.memory_space<semaphore_mem>>)
      %dma_wait3A = arith.constant 0 : i32
      %dma_wait3A_168 = tpu.memref_slice %arg8[%add3A_99, %dma_wait3A] : memref<20480x16xf32, #tpu.memory_space<hbm>> -> memref<80x16xf32, #tpu.memory_space<hbm>>
      %dma_wait3A_169 = arith.constant 0 : i32
      %dma_wait3A_170 = tpu.memref_slice %arg8[%add3A_99, %dma_wait3A_169] : memref<20480x16xf32, #tpu.memory_space<hbm>> -> memref<80x16xf32, #tpu.memory_space<hbm>>
      tpu.wait_dma2 semaphore(%run_scoped3A : memref<!tpu.dma_semaphore, #tpu.memory_space<semaphore_mem>>) src(%arg15 : memref<80x16xf32, #tpu.memory_space<vmem>>) dst(%dma_wait3A_170 : memref<80x16xf32, #tpu.memory_space<hbm>>)
      tpu.yield
    }) : () -> ()
    %scan3A_100 = arith.constant 0 : i32
    %scan3A_101 = arith.constant 240 : i32
    %scan3A_102 = arith.constant 80 : i32
    %scan3A_103 = arith.addi %scan3A_101, %scan3A_102 : i32
    %scan3A_104 = arith.constant 1 : i32
    scf.for %scan3A_165 = %scan3A_101 to %scan3A_103 step %scan3A_104  : i32 {
      %mul3A_166 = arith.constant 640 : i32
      %mul3A_167 = arith.muli %arg1, %mul3A_166 : i32
      %add3A_168 = arith.addi %mul3A_167, %scan3A_165 : i32
      %jit3A_169 = arith.constant 14 : i32
      %div3A_170 = arith.divsi %add3A_168, %jit3A_169 : i32
      %sign3A_171 = arith.constant 0 : i32
      %sign3A_172 = arith.cmpi sgt, %add3A_168, %sign3A_171 : i32
      %sign3A_173 = arith.extui %sign3A_172 : i1 to i32
      %sign3A_174 = arith.constant 0 : i32
      %sign3A_175 = arith.cmpi slt, %add3A_168, %sign3A_174 : i32
      %sign3A_176 = arith.extui %sign3A_175 : i1 to i32
      %sign3A_177 = arith.subi %sign3A_173, %sign3A_176 : i32
      %sign3A_178 = arith.constant 0 : i32
      %sign3A_179 = arith.cmpi sgt, %jit3A_169, %sign3A_178 : i32
      %sign3A_180 = arith.extui %sign3A_179 : i1 to i32
      %sign3A_181 = arith.constant 0 : i32
      %sign3A_182 = arith.cmpi slt, %jit3A_169, %sign3A_181 : i32
      %sign3A_183 = arith.extui %sign3A_182 : i1 to i32
      %sign3A_184 = arith.subi %sign3A_180, %sign3A_183 : i32
      %ne3A_185 = arith.cmpi ne, %sign3A_177, %sign3A_184 : i32
      %rem3A_186 = arith.remsi %add3A_168, %jit3A_169 : i32
      %ne3A_187 = arith.constant 0 : i32
      %ne3A_188 = arith.cmpi ne, %rem3A_186, %ne3A_187 : i32
      %and3A_189 = arith.andi %ne3A_185, %ne3A_188 : i1
      %sub3A_190 = arith.constant 1 : i32
      %sub3A_191 = arith.subi %div3A_170, %sub3A_190 : i32
      %select_n3A_192 = arith.select %and3A_189, %sub3A_191, %div3A_170 : i32
      %sub3A_193 = arith.subi %select_n3A_192, %mul3A_60 : i32
      %jit3A_194 = arith.constant 14 : i32
      %eq3A = arith.constant 0 : i32
      %eq3A_195 = arith.cmpi eq, %jit3A_194, %eq3A : i32
      %jit3A_196 = arith.constant 1 : i32
      %select_n3A_197 = arith.select %eq3A_195, %jit3A_196, %jit3A_194 : i32
      %rem3A_198 = arith.remsi %add3A_168, %select_n3A_197 : i32
      %ne3A_199 = arith.constant 0 : i32
      %ne3A_200 = arith.cmpi ne, %rem3A_198, %ne3A_199 : i32
      %lt3A = arith.constant 0 : i32
      %lt3A_201 = arith.cmpi slt, %rem3A_198, %lt3A : i32
      %lt3A_202 = arith.constant 0 : i32
      %lt3A_203 = arith.cmpi slt, %select_n3A_197, %lt3A_202 : i32
      %ne3A_204 = arith.xori %lt3A_201, %lt3A_203 : i1
      %and3A_205 = arith.andi %ne3A_204, %ne3A_200 : i1
      %add3A_206 = arith.addi %rem3A_198, %select_n3A_197 : i32
      %select_n3A_207 = arith.select %and3A_205, %add3A_206, %rem3A_198 : i32
      %mul3A_208 = arith.constant 8 : i32
      %mul3A_209 = arith.muli %select_n3A_207, %mul3A_208 : i32
      %get3A = arith.index_cast %sub3A_193 : i32 to index
      %get3A_210 = arith.index_cast %mul3A_209 : i32 to index
      %get3A_211 = tpu.vector_load %arg16[%get3A, %get3A_210] {strides = array<i32>} : memref<80x128xf32, #tpu.memory_space<vmem>>, vector<16xf32>,
      %lt3A_212 = arith.constant 8 : i32
      %lt3A_213 = vector.broadcast %lt3A_212 : i32 to vector<16xi32>
      %lt3A_214 = arith.cmpi slt, %iota3A, %lt3A_213 : vector<16xi32>
      %jit3A_215 = arith.constant 0.000000e+00 : f32
      %broadcast_in_dim3A = vector.broadcast %jit3A_215 : f32 to vector<16xf32>
      %select_n3A_216 = arith.select %lt3A_214, %get3A_211, %broadcast_in_dim3A : vector<16xi1>, vector<16xf32>
      %jit3A_217 = arith.constant 80 : i32
      %eq3A_218 = arith.constant 0 : i32
      %eq3A_219 = arith.cmpi eq, %jit3A_217, %eq3A_218 : i32
      %jit3A_220 = arith.constant 1 : i32
      %select_n3A_221 = arith.select %eq3A_219, %jit3A_220, %jit3A_217 : i32
      %rem3A_222 = arith.remsi %scan3A_165, %select_n3A_221 : i32
      %ne3A_223 = arith.constant 0 : i32
      %ne3A_224 = arith.cmpi ne, %rem3A_222, %ne3A_223 : i32
      %lt3A_225 = arith.constant 0 : i32
      %lt3A_226 = arith.cmpi slt, %rem3A_222, %lt3A_225 : i32
      %lt3A_227 = arith.constant 0 : i32
      %lt3A_228 = arith.cmpi slt, %select_n3A_221, %lt3A_227 : i32
      %ne3A_229 = arith.xori %lt3A_226, %lt3A_228 : i1
      %and3A_230 = arith.andi %ne3A_229, %ne3A_224 : i1
      %add3A_231 = arith.addi %rem3A_222, %select_n3A_221 : i32
      %select_n3A_232 = arith.select %and3A_230, %add3A_231, %rem3A_222 : i32
      %swap3A = arith.index_cast %select_n3A_232 : i32 to index
      %swap3A_233 = arith.constant 0 : index
      %swap3A_234 = tpu.vector_load %arg15[%swap3A, %swap3A_233] {strides = array<i32>} : memref<80x16xf32, #tpu.memory_space<vmem>>, vector<16xf32>,
      tpu.vector_store %arg15[%swap3A, %swap3A_233], %select_n3A_216 {strides = array<i32>} : memref<80x16xf32, #tpu.memory_space<vmem>>, vector<16xf32>,
    }
    %scan3A_105 = arith.constant 80 : i32
    %mul3A_106 = arith.constant 10240 : i32
    %mul3A_107 = arith.muli %arg0, %mul3A_106 : i32
    %mul3A_108 = arith.constant 640 : i32
    %mul3A_109 = arith.muli %arg1, %mul3A_108 : i32
    %add3A_110 = arith.addi %mul3A_107, %mul3A_109 : i32
    %add3A_111 = arith.constant 240 : i32
    %add3A_112 = arith.addi %add3A_110, %add3A_111 : i32
    "tpu.region"() ({
      %run_scoped3A = tpu.sem_alloc : memref<!tpu.dma_semaphore, #tpu.memory_space<semaphore_mem>>
      %dma_start3A = arith.constant 0 : i32
      %dma_start3A_165 = tpu.memref_slice %arg8[%add3A_112, %dma_start3A] : memref<20480x16xf32, #tpu.memory_space<hbm>> -> memref<80x16xf32, #tpu.memory_space<hbm>>
      %dma_start3A_166 = arith.constant 0 : i32
      %dma_start3A_167 = tpu.memref_slice %arg8[%add3A_112, %dma_start3A_166] : memref<20480x16xf32, #tpu.memory_space<hbm>> -> memref<80x16xf32, #tpu.memory_space<hbm>>
      tpu.enqueue_dma source(%arg15 : memref<80x16xf32, #tpu.memory_space<vmem>>) target(%dma_start3A_167 : memref<80x16xf32, #tpu.memory_space<hbm>>) target_semaphore(%run_scoped3A : memref<!tpu.dma_semaphore, #tpu.memory_space<semaphore_mem>>)
      %dma_wait3A = arith.constant 0 : i32
      %dma_wait3A_168 = tpu.memref_slice %arg8[%add3A_112, %dma_wait3A] : memref<20480x16xf32, #tpu.memory_space<hbm>> -> memref<80x16xf32, #tpu.memory_space<hbm>>
      %dma_wait3A_169 = arith.constant 0 : i32
      %dma_wait3A_170 = tpu.memref_slice %arg8[%add3A_112, %dma_wait3A_169] : memref<20480x16xf32, #tpu.memory_space<hbm>> -> memref<80x16xf32, #tpu.memory_space<hbm>>
      tpu.wait_dma2 semaphore(%run_scoped3A : memref<!tpu.dma_semaphore, #tpu.memory_space<semaphore_mem>>) src(%arg15 : memref<80x16xf32, #tpu.memory_space<vmem>>) dst(%dma_wait3A_170 : memref<80x16xf32, #tpu.memory_space<hbm>>)
      tpu.yield
    }) : () -> ()
    %scan3A_113 = arith.constant 0 : i32
    %scan3A_114 = arith.constant 320 : i32
    %scan3A_115 = arith.constant 80 : i32
    %scan3A_116 = arith.addi %scan3A_114, %scan3A_115 : i32
    %scan3A_117 = arith.constant 1 : i32
    scf.for %scan3A_165 = %scan3A_114 to %scan3A_116 step %scan3A_117  : i32 {
      %mul3A_166 = arith.constant 640 : i32
      %mul3A_167 = arith.muli %arg1, %mul3A_166 : i32
      %add3A_168 = arith.addi %mul3A_167, %scan3A_165 : i32
      %jit3A_169 = arith.constant 14 : i32
      %div3A_170 = arith.divsi %add3A_168, %jit3A_169 : i32
      %sign3A_171 = arith.constant 0 : i32
      %sign3A_172 = arith.cmpi sgt, %add3A_168, %sign3A_171 : i32
      %sign3A_173 = arith.extui %sign3A_172 : i1 to i32
      %sign3A_174 = arith.constant 0 : i32
      %sign3A_175 = arith.cmpi slt, %add3A_168, %sign3A_174 : i32
      %sign3A_176 = arith.extui %sign3A_175 : i1 to i32
      %sign3A_177 = arith.subi %sign3A_173, %sign3A_176 : i32
      %sign3A_178 = arith.constant 0 : i32
      %sign3A_179 = arith.cmpi sgt, %jit3A_169, %sign3A_178 : i32
      %sign3A_180 = arith.extui %sign3A_179 : i1 to i32
      %sign3A_181 = arith.constant 0 : i32
      %sign3A_182 = arith.cmpi slt, %jit3A_169, %sign3A_181 : i32
      %sign3A_183 = arith.extui %sign3A_182 : i1 to i32
      %sign3A_184 = arith.subi %sign3A_180, %sign3A_183 : i32
      %ne3A_185 = arith.cmpi ne, %sign3A_177, %sign3A_184 : i32
      %rem3A_186 = arith.remsi %add3A_168, %jit3A_169 : i32
      %ne3A_187 = arith.constant 0 : i32
      %ne3A_188 = arith.cmpi ne, %rem3A_186, %ne3A_187 : i32
      %and3A_189 = arith.andi %ne3A_185, %ne3A_188 : i1
      %sub3A_190 = arith.constant 1 : i32
      %sub3A_191 = arith.subi %div3A_170, %sub3A_190 : i32
      %select_n3A_192 = arith.select %and3A_189, %sub3A_191, %div3A_170 : i32
      %sub3A_193 = arith.subi %select_n3A_192, %mul3A_60 : i32
      %jit3A_194 = arith.constant 14 : i32
      %eq3A = arith.constant 0 : i32
      %eq3A_195 = arith.cmpi eq, %jit3A_194, %eq3A : i32
      %jit3A_196 = arith.constant 1 : i32
      %select_n3A_197 = arith.select %eq3A_195, %jit3A_196, %jit3A_194 : i32
      %rem3A_198 = arith.remsi %add3A_168, %select_n3A_197 : i32
      %ne3A_199 = arith.constant 0 : i32
      %ne3A_200 = arith.cmpi ne, %rem3A_198, %ne3A_199 : i32
      %lt3A = arith.constant 0 : i32
      %lt3A_201 = arith.cmpi slt, %rem3A_198, %lt3A : i32
      %lt3A_202 = arith.constant 0 : i32
      %lt3A_203 = arith.cmpi slt, %select_n3A_197, %lt3A_202 : i32
      %ne3A_204 = arith.xori %lt3A_201, %lt3A_203 : i1
      %and3A_205 = arith.andi %ne3A_204, %ne3A_200 : i1
      %add3A_206 = arith.addi %rem3A_198, %select_n3A_197 : i32
      %select_n3A_207 = arith.select %and3A_205, %add3A_206, %rem3A_198 : i32
      %mul3A_208 = arith.constant 8 : i32
      %mul3A_209 = arith.muli %select_n3A_207, %mul3A_208 : i32
      %get3A = arith.index_cast %sub3A_193 : i32 to index
      %get3A_210 = arith.index_cast %mul3A_209 : i32 to index
      %get3A_211 = tpu.vector_load %arg16[%get3A, %get3A_210] {strides = array<i32>} : memref<80x128xf32, #tpu.memory_space<vmem>>, vector<16xf32>,
      %lt3A_212 = arith.constant 8 : i32
      %lt3A_213 = vector.broadcast %lt3A_212 : i32 to vector<16xi32>
      %lt3A_214 = arith.cmpi slt, %iota3A, %lt3A_213 : vector<16xi32>
      %jit3A_215 = arith.constant 0.000000e+00 : f32
      %broadcast_in_dim3A = vector.broadcast %jit3A_215 : f32 to vector<16xf32>
      %select_n3A_216 = arith.select %lt3A_214, %get3A_211, %broadcast_in_dim3A : vector<16xi1>, vector<16xf32>
      %jit3A_217 = arith.constant 80 : i32
      %eq3A_218 = arith.constant 0 : i32
      %eq3A_219 = arith.cmpi eq, %jit3A_217, %eq3A_218 : i32
      %jit3A_220 = arith.constant 1 : i32
      %select_n3A_221 = arith.select %eq3A_219, %jit3A_220, %jit3A_217 : i32
      %rem3A_222 = arith.remsi %scan3A_165, %select_n3A_221 : i32
      %ne3A_223 = arith.constant 0 : i32
      %ne3A_224 = arith.cmpi ne, %rem3A_222, %ne3A_223 : i32
      %lt3A_225 = arith.constant 0 : i32
      %lt3A_226 = arith.cmpi slt, %rem3A_222, %lt3A_225 : i32
      %lt3A_227 = arith.constant 0 : i32
      %lt3A_228 = arith.cmpi slt, %select_n3A_221, %lt3A_227 : i32
      %ne3A_229 = arith.xori %lt3A_226, %lt3A_228 : i1
      %and3A_230 = arith.andi %ne3A_229, %ne3A_224 : i1
      %add3A_231 = arith.addi %rem3A_222, %select_n3A_221 : i32
      %select_n3A_232 = arith.select %and3A_230, %add3A_231, %rem3A_222 : i32
      %swap3A = arith.index_cast %select_n3A_232 : i32 to index
      %swap3A_233 = arith.constant 0 : index
      %swap3A_234 = tpu.vector_load %arg15[%swap3A, %swap3A_233] {strides = array<i32>} : memref<80x16xf32, #tpu.memory_space<vmem>>, vector<16xf32>,
      tpu.vector_store %arg15[%swap3A, %swap3A_233], %select_n3A_216 {strides = array<i32>} : memref<80x16xf32, #tpu.memory_space<vmem>>, vector<16xf32>,
    }
    %scan3A_118 = arith.constant 80 : i32
    %mul3A_119 = arith.constant 10240 : i32
    %mul3A_120 = arith.muli %arg0, %mul3A_119 : i32
    %mul3A_121 = arith.constant 640 : i32
    %mul3A_122 = arith.muli %arg1, %mul3A_121 : i32
    %add3A_123 = arith.addi %mul3A_120, %mul3A_122 : i32
    %add3A_124 = arith.constant 320 : i32
    %add3A_125 = arith.addi %add3A_123, %add3A_124 : i32
    "tpu.region"() ({
      %run_scoped3A = tpu.sem_alloc : memref<!tpu.dma_semaphore, #tpu.memory_space<semaphore_mem>>
      %dma_start3A = arith.constant 0 : i32
      %dma_start3A_165 = tpu.memref_slice %arg8[%add3A_125, %dma_start3A] : memref<20480x16xf32, #tpu.memory_space<hbm>> -> memref<80x16xf32, #tpu.memory_space<hbm>>
      %dma_start3A_166 = arith.constant 0 : i32
      %dma_start3A_167 = tpu.memref_slice %arg8[%add3A_125, %dma_start3A_166] : memref<20480x16xf32, #tpu.memory_space<hbm>> -> memref<80x16xf32, #tpu.memory_space<hbm>>
      tpu.enqueue_dma source(%arg15 : memref<80x16xf32, #tpu.memory_space<vmem>>) target(%dma_start3A_167 : memref<80x16xf32, #tpu.memory_space<hbm>>) target_semaphore(%run_scoped3A : memref<!tpu.dma_semaphore, #tpu.memory_space<semaphore_mem>>)
      %dma_wait3A = arith.constant 0 : i32
      %dma_wait3A_168 = tpu.memref_slice %arg8[%add3A_125, %dma_wait3A] : memref<20480x16xf32, #tpu.memory_space<hbm>> -> memref<80x16xf32, #tpu.memory_space<hbm>>
      %dma_wait3A_169 = arith.constant 0 : i32
      %dma_wait3A_170 = tpu.memref_slice %arg8[%add3A_125, %dma_wait3A_169] : memref<20480x16xf32, #tpu.memory_space<hbm>> -> memref<80x16xf32, #tpu.memory_space<hbm>>
      tpu.wait_dma2 semaphore(%run_scoped3A : memref<!tpu.dma_semaphore, #tpu.memory_space<semaphore_mem>>) src(%arg15 : memref<80x16xf32, #tpu.memory_space<vmem>>) dst(%dma_wait3A_170 : memref<80x16xf32, #tpu.memory_space<hbm>>)
      tpu.yield
    }) : () -> ()
    %scan3A_126 = arith.constant 0 : i32
    %scan3A_127 = arith.constant 400 : i32
    %scan3A_128 = arith.constant 80 : i32
    %scan3A_129 = arith.addi %scan3A_127, %scan3A_128 : i32
    %scan3A_130 = arith.constant 1 : i32
    scf.for %scan3A_165 = %scan3A_127 to %scan3A_129 step %scan3A_130  : i32 {
      %mul3A_166 = arith.constant 640 : i32
      %mul3A_167 = arith.muli %arg1, %mul3A_166 : i32
      %add3A_168 = arith.addi %mul3A_167, %scan3A_165 : i32
      %jit3A_169 = arith.constant 14 : i32
      %div3A_170 = arith.divsi %add3A_168, %jit3A_169 : i32
      %sign3A_171 = arith.constant 0 : i32
      %sign3A_172 = arith.cmpi sgt, %add3A_168, %sign3A_171 : i32
      %sign3A_173 = arith.extui %sign3A_172 : i1 to i32
      %sign3A_174 = arith.constant 0 : i32
      %sign3A_175 = arith.cmpi slt, %add3A_168, %sign3A_174 : i32
      %sign3A_176 = arith.extui %sign3A_175 : i1 to i32
      %sign3A_177 = arith.subi %sign3A_173, %sign3A_176 : i32
      %sign3A_178 = arith.constant 0 : i32
      %sign3A_179 = arith.cmpi sgt, %jit3A_169, %sign3A_178 : i32
      %sign3A_180 = arith.extui %sign3A_179 : i1 to i32
      %sign3A_181 = arith.constant 0 : i32
      %sign3A_182 = arith.cmpi slt, %jit3A_169, %sign3A_181 : i32
      %sign3A_183 = arith.extui %sign3A_182 : i1 to i32
      %sign3A_184 = arith.subi %sign3A_180, %sign3A_183 : i32
      %ne3A_185 = arith.cmpi ne, %sign3A_177, %sign3A_184 : i32
      %rem3A_186 = arith.remsi %add3A_168, %jit3A_169 : i32
      %ne3A_187 = arith.constant 0 : i32
      %ne3A_188 = arith.cmpi ne, %rem3A_186, %ne3A_187 : i32
      %and3A_189 = arith.andi %ne3A_185, %ne3A_188 : i1
      %sub3A_190 = arith.constant 1 : i32
      %sub3A_191 = arith.subi %div3A_170, %sub3A_190 : i32
      %select_n3A_192 = arith.select %and3A_189, %sub3A_191, %div3A_170 : i32
      %sub3A_193 = arith.subi %select_n3A_192, %mul3A_60 : i32
      %jit3A_194 = arith.constant 14 : i32
      %eq3A = arith.constant 0 : i32
      %eq3A_195 = arith.cmpi eq, %jit3A_194, %eq3A : i32
      %jit3A_196 = arith.constant 1 : i32
      %select_n3A_197 = arith.select %eq3A_195, %jit3A_196, %jit3A_194 : i32
      %rem3A_198 = arith.remsi %add3A_168, %select_n3A_197 : i32
      %ne3A_199 = arith.constant 0 : i32
      %ne3A_200 = arith.cmpi ne, %rem3A_198, %ne3A_199 : i32
      %lt3A = arith.constant 0 : i32
      %lt3A_201 = arith.cmpi slt, %rem3A_198, %lt3A : i32
      %lt3A_202 = arith.constant 0 : i32
      %lt3A_203 = arith.cmpi slt, %select_n3A_197, %lt3A_202 : i32
      %ne3A_204 = arith.xori %lt3A_201, %lt3A_203 : i1
      %and3A_205 = arith.andi %ne3A_204, %ne3A_200 : i1
      %add3A_206 = arith.addi %rem3A_198, %select_n3A_197 : i32
      %select_n3A_207 = arith.select %and3A_205, %add3A_206, %rem3A_198 : i32
      %mul3A_208 = arith.constant 8 : i32
      %mul3A_209 = arith.muli %select_n3A_207, %mul3A_208 : i32
      %get3A = arith.index_cast %sub3A_193 : i32 to index
      %get3A_210 = arith.index_cast %mul3A_209 : i32 to index
      %get3A_211 = tpu.vector_load %arg16[%get3A, %get3A_210] {strides = array<i32>} : memref<80x128xf32, #tpu.memory_space<vmem>>, vector<16xf32>,
      %lt3A_212 = arith.constant 8 : i32
      %lt3A_213 = vector.broadcast %lt3A_212 : i32 to vector<16xi32>
      %lt3A_214 = arith.cmpi slt, %iota3A, %lt3A_213 : vector<16xi32>
      %jit3A_215 = arith.constant 0.000000e+00 : f32
      %broadcast_in_dim3A = vector.broadcast %jit3A_215 : f32 to vector<16xf32>
      %select_n3A_216 = arith.select %lt3A_214, %get3A_211, %broadcast_in_dim3A : vector<16xi1>, vector<16xf32>
      %jit3A_217 = arith.constant 80 : i32
      %eq3A_218 = arith.constant 0 : i32
      %eq3A_219 = arith.cmpi eq, %jit3A_217, %eq3A_218 : i32
      %jit3A_220 = arith.constant 1 : i32
      %select_n3A_221 = arith.select %eq3A_219, %jit3A_220, %jit3A_217 : i32
      %rem3A_222 = arith.remsi %scan3A_165, %select_n3A_221 : i32
      %ne3A_223 = arith.constant 0 : i32
      %ne3A_224 = arith.cmpi ne, %rem3A_222, %ne3A_223 : i32
      %lt3A_225 = arith.constant 0 : i32
      %lt3A_226 = arith.cmpi slt, %rem3A_222, %lt3A_225 : i32
      %lt3A_227 = arith.constant 0 : i32
      %lt3A_228 = arith.cmpi slt, %select_n3A_221, %lt3A_227 : i32
      %ne3A_229 = arith.xori %lt3A_226, %lt3A_228 : i1
      %and3A_230 = arith.andi %ne3A_229, %ne3A_224 : i1
      %add3A_231 = arith.addi %rem3A_222, %select_n3A_221 : i32
      %select_n3A_232 = arith.select %and3A_230, %add3A_231, %rem3A_222 : i32
      %swap3A = arith.index_cast %select_n3A_232 : i32 to index
      %swap3A_233 = arith.constant 0 : index
      %swap3A_234 = tpu.vector_load %arg15[%swap3A, %swap3A_233] {strides = array<i32>} : memref<80x16xf32, #tpu.memory_space<vmem>>, vector<16xf32>,
      tpu.vector_store %arg15[%swap3A, %swap3A_233], %select_n3A_216 {strides = array<i32>} : memref<80x16xf32, #tpu.memory_space<vmem>>, vector<16xf32>,
    }
    %scan3A_131 = arith.constant 80 : i32
    %mul3A_132 = arith.constant 10240 : i32
    %mul3A_133 = arith.muli %arg0, %mul3A_132 : i32
    %mul3A_134 = arith.constant 640 : i32
    %mul3A_135 = arith.muli %arg1, %mul3A_134 : i32
    %add3A_136 = arith.addi %mul3A_133, %mul3A_135 : i32
    %add3A_137 = arith.constant 400 : i32
    %add3A_138 = arith.addi %add3A_136, %add3A_137 : i32
    "tpu.region"() ({
      %run_scoped3A = tpu.sem_alloc : memref<!tpu.dma_semaphore, #tpu.memory_space<semaphore_mem>>
      %dma_start3A = arith.constant 0 : i32
      %dma_start3A_165 = tpu.memref_slice %arg8[%add3A_138, %dma_start3A] : memref<20480x16xf32, #tpu.memory_space<hbm>> -> memref<80x16xf32, #tpu.memory_space<hbm>>
      %dma_start3A_166 = arith.constant 0 : i32
      %dma_start3A_167 = tpu.memref_slice %arg8[%add3A_138, %dma_start3A_166] : memref<20480x16xf32, #tpu.memory_space<hbm>> -> memref<80x16xf32, #tpu.memory_space<hbm>>
      tpu.enqueue_dma source(%arg15 : memref<80x16xf32, #tpu.memory_space<vmem>>) target(%dma_start3A_167 : memref<80x16xf32, #tpu.memory_space<hbm>>) target_semaphore(%run_scoped3A : memref<!tpu.dma_semaphore, #tpu.memory_space<semaphore_mem>>)
      %dma_wait3A = arith.constant 0 : i32
      %dma_wait3A_168 = tpu.memref_slice %arg8[%add3A_138, %dma_wait3A] : memref<20480x16xf32, #tpu.memory_space<hbm>> -> memref<80x16xf32, #tpu.memory_space<hbm>>
      %dma_wait3A_169 = arith.constant 0 : i32
      %dma_wait3A_170 = tpu.memref_slice %arg8[%add3A_138, %dma_wait3A_169] : memref<20480x16xf32, #tpu.memory_space<hbm>> -> memref<80x16xf32, #tpu.memory_space<hbm>>
      tpu.wait_dma2 semaphore(%run_scoped3A : memref<!tpu.dma_semaphore, #tpu.memory_space<semaphore_mem>>) src(%arg15 : memref<80x16xf32, #tpu.memory_space<vmem>>) dst(%dma_wait3A_170 : memref<80x16xf32, #tpu.memory_space<hbm>>)
      tpu.yield
    }) : () -> ()
    %scan3A_139 = arith.constant 0 : i32
    %scan3A_140 = arith.constant 480 : i32
    %scan3A_141 = arith.constant 80 : i32
    %scan3A_142 = arith.addi %scan3A_140, %scan3A_141 : i32
    %scan3A_143 = arith.constant 1 : i32
    scf.for %scan3A_165 = %scan3A_140 to %scan3A_142 step %scan3A_143  : i32 {
      %mul3A_166 = arith.constant 640 : i32
      %mul3A_167 = arith.muli %arg1, %mul3A_166 : i32
      %add3A_168 = arith.addi %mul3A_167, %scan3A_165 : i32
      %jit3A_169 = arith.constant 14 : i32
      %div3A_170 = arith.divsi %add3A_168, %jit3A_169 : i32
      %sign3A_171 = arith.constant 0 : i32
      %sign3A_172 = arith.cmpi sgt, %add3A_168, %sign3A_171 : i32
      %sign3A_173 = arith.extui %sign3A_172 : i1 to i32
      %sign3A_174 = arith.constant 0 : i32
      %sign3A_175 = arith.cmpi slt, %add3A_168, %sign3A_174 : i32
      %sign3A_176 = arith.extui %sign3A_175 : i1 to i32
      %sign3A_177 = arith.subi %sign3A_173, %sign3A_176 : i32
      %sign3A_178 = arith.constant 0 : i32
      %sign3A_179 = arith.cmpi sgt, %jit3A_169, %sign3A_178 : i32
      %sign3A_180 = arith.extui %sign3A_179 : i1 to i32
      %sign3A_181 = arith.constant 0 : i32
      %sign3A_182 = arith.cmpi slt, %jit3A_169, %sign3A_181 : i32
      %sign3A_183 = arith.extui %sign3A_182 : i1 to i32
      %sign3A_184 = arith.subi %sign3A_180, %sign3A_183 : i32
      %ne3A_185 = arith.cmpi ne, %sign3A_177, %sign3A_184 : i32
      %rem3A_186 = arith.remsi %add3A_168, %jit3A_169 : i32
      %ne3A_187 = arith.constant 0 : i32
      %ne3A_188 = arith.cmpi ne, %rem3A_186, %ne3A_187 : i32
      %and3A_189 = arith.andi %ne3A_185, %ne3A_188 : i1
      %sub3A_190 = arith.constant 1 : i32
      %sub3A_191 = arith.subi %div3A_170, %sub3A_190 : i32
      %select_n3A_192 = arith.select %and3A_189, %sub3A_191, %div3A_170 : i32
      %sub3A_193 = arith.subi %select_n3A_192, %mul3A_60 : i32
      %jit3A_194 = arith.constant 14 : i32
      %eq3A = arith.constant 0 : i32
      %eq3A_195 = arith.cmpi eq, %jit3A_194, %eq3A : i32
      %jit3A_196 = arith.constant 1 : i32
      %select_n3A_197 = arith.select %eq3A_195, %jit3A_196, %jit3A_194 : i32
      %rem3A_198 = arith.remsi %add3A_168, %select_n3A_197 : i32
      %ne3A_199 = arith.constant 0 : i32
      %ne3A_200 = arith.cmpi ne, %rem3A_198, %ne3A_199 : i32
      %lt3A = arith.constant 0 : i32
      %lt3A_201 = arith.cmpi slt, %rem3A_198, %lt3A : i32
      %lt3A_202 = arith.constant 0 : i32
      %lt3A_203 = arith.cmpi slt, %select_n3A_197, %lt3A_202 : i32
      %ne3A_204 = arith.xori %lt3A_201, %lt3A_203 : i1
      %and3A_205 = arith.andi %ne3A_204, %ne3A_200 : i1
      %add3A_206 = arith.addi %rem3A_198, %select_n3A_197 : i32
      %select_n3A_207 = arith.select %and3A_205, %add3A_206, %rem3A_198 : i32
      %mul3A_208 = arith.constant 8 : i32
      %mul3A_209 = arith.muli %select_n3A_207, %mul3A_208 : i32
      %get3A = arith.index_cast %sub3A_193 : i32 to index
      %get3A_210 = arith.index_cast %mul3A_209 : i32 to index
      %get3A_211 = tpu.vector_load %arg16[%get3A, %get3A_210] {strides = array<i32>} : memref<80x128xf32, #tpu.memory_space<vmem>>, vector<16xf32>,
      %lt3A_212 = arith.constant 8 : i32
      %lt3A_213 = vector.broadcast %lt3A_212 : i32 to vector<16xi32>
      %lt3A_214 = arith.cmpi slt, %iota3A, %lt3A_213 : vector<16xi32>
      %jit3A_215 = arith.constant 0.000000e+00 : f32
      %broadcast_in_dim3A = vector.broadcast %jit3A_215 : f32 to vector<16xf32>
      %select_n3A_216 = arith.select %lt3A_214, %get3A_211, %broadcast_in_dim3A : vector<16xi1>, vector<16xf32>
      %jit3A_217 = arith.constant 80 : i32
      %eq3A_218 = arith.constant 0 : i32
      %eq3A_219 = arith.cmpi eq, %jit3A_217, %eq3A_218 : i32
      %jit3A_220 = arith.constant 1 : i32
      %select_n3A_221 = arith.select %eq3A_219, %jit3A_220, %jit3A_217 : i32
      %rem3A_222 = arith.remsi %scan3A_165, %select_n3A_221 : i32
      %ne3A_223 = arith.constant 0 : i32
      %ne3A_224 = arith.cmpi ne, %rem3A_222, %ne3A_223 : i32
      %lt3A_225 = arith.constant 0 : i32
      %lt3A_226 = arith.cmpi slt, %rem3A_222, %lt3A_225 : i32
      %lt3A_227 = arith.constant 0 : i32
      %lt3A_228 = arith.cmpi slt, %select_n3A_221, %lt3A_227 : i32
      %ne3A_229 = arith.xori %lt3A_226, %lt3A_228 : i1
      %and3A_230 = arith.andi %ne3A_229, %ne3A_224 : i1
      %add3A_231 = arith.addi %rem3A_222, %select_n3A_221 : i32
      %select_n3A_232 = arith.select %and3A_230, %add3A_231, %rem3A_222 : i32
      %swap3A = arith.index_cast %select_n3A_232 : i32 to index
      %swap3A_233 = arith.constant 0 : index
      %swap3A_234 = tpu.vector_load %arg15[%swap3A, %swap3A_233] {strides = array<i32>} : memref<80x16xf32, #tpu.memory_space<vmem>>, vector<16xf32>,
      tpu.vector_store %arg15[%swap3A, %swap3A_233], %select_n3A_216 {strides = array<i32>} : memref<80x16xf32, #tpu.memory_space<vmem>>, vector<16xf32>,
    }
    %scan3A_144 = arith.constant 80 : i32
    %mul3A_145 = arith.constant 10240 : i32
    %mul3A_146 = arith.muli %arg0, %mul3A_145 : i32
    %mul3A_147 = arith.constant 640 : i32
    %mul3A_148 = arith.muli %arg1, %mul3A_147 : i32
    %add3A_149 = arith.addi %mul3A_146, %mul3A_148 : i32
    %add3A_150 = arith.constant 480 : i32
    %add3A_151 = arith.addi %add3A_149, %add3A_150 : i32
    "tpu.region"() ({
      %run_scoped3A = tpu.sem_alloc : memref<!tpu.dma_semaphore, #tpu.memory_space<semaphore_mem>>
      %dma_start3A = arith.constant 0 : i32
      %dma_start3A_165 = tpu.memref_slice %arg8[%add3A_151, %dma_start3A] : memref<20480x16xf32, #tpu.memory_space<hbm>> -> memref<80x16xf32, #tpu.memory_space<hbm>>
      %dma_start3A_166 = arith.constant 0 : i32
      %dma_start3A_167 = tpu.memref_slice %arg8[%add3A_151, %dma_start3A_166] : memref<20480x16xf32, #tpu.memory_space<hbm>> -> memref<80x16xf32, #tpu.memory_space<hbm>>
      tpu.enqueue_dma source(%arg15 : memref<80x16xf32, #tpu.memory_space<vmem>>) target(%dma_start3A_167 : memref<80x16xf32, #tpu.memory_space<hbm>>) target_semaphore(%run_scoped3A : memref<!tpu.dma_semaphore, #tpu.memory_space<semaphore_mem>>)
      %dma_wait3A = arith.constant 0 : i32
      %dma_wait3A_168 = tpu.memref_slice %arg8[%add3A_151, %dma_wait3A] : memref<20480x16xf32, #tpu.memory_space<hbm>> -> memref<80x16xf32, #tpu.memory_space<hbm>>
      %dma_wait3A_169 = arith.constant 0 : i32
      %dma_wait3A_170 = tpu.memref_slice %arg8[%add3A_151, %dma_wait3A_169] : memref<20480x16xf32, #tpu.memory_space<hbm>> -> memref<80x16xf32, #tpu.memory_space<hbm>>
      tpu.wait_dma2 semaphore(%run_scoped3A : memref<!tpu.dma_semaphore, #tpu.memory_space<semaphore_mem>>) src(%arg15 : memref<80x16xf32, #tpu.memory_space<vmem>>) dst(%dma_wait3A_170 : memref<80x16xf32, #tpu.memory_space<hbm>>)
      tpu.yield
    }) : () -> ()
    %scan3A_152 = arith.constant 0 : i32
    %scan3A_153 = arith.constant 560 : i32
    %scan3A_154 = arith.constant 80 : i32
    %scan3A_155 = arith.addi %scan3A_153, %scan3A_154 : i32
    %scan3A_156 = arith.constant 1 : i32
    scf.for %scan3A_165 = %scan3A_153 to %scan3A_155 step %scan3A_156  : i32 {
      %mul3A_166 = arith.constant 640 : i32
      %mul3A_167 = arith.muli %arg1, %mul3A_166 : i32
      %add3A_168 = arith.addi %mul3A_167, %scan3A_165 : i32
      %jit3A_169 = arith.constant 14 : i32
      %div3A_170 = arith.divsi %add3A_168, %jit3A_169 : i32
      %sign3A_171 = arith.constant 0 : i32
      %sign3A_172 = arith.cmpi sgt, %add3A_168, %sign3A_171 : i32
      %sign3A_173 = arith.extui %sign3A_172 : i1 to i32
      %sign3A_174 = arith.constant 0 : i32
      %sign3A_175 = arith.cmpi slt, %add3A_168, %sign3A_174 : i32
      %sign3A_176 = arith.extui %sign3A_175 : i1 to i32
      %sign3A_177 = arith.subi %sign3A_173, %sign3A_176 : i32
      %sign3A_178 = arith.constant 0 : i32
      %sign3A_179 = arith.cmpi sgt, %jit3A_169, %sign3A_178 : i32
      %sign3A_180 = arith.extui %sign3A_179 : i1 to i32
      %sign3A_181 = arith.constant 0 : i32
      %sign3A_182 = arith.cmpi slt, %jit3A_169, %sign3A_181 : i32
      %sign3A_183 = arith.extui %sign3A_182 : i1 to i32
      %sign3A_184 = arith.subi %sign3A_180, %sign3A_183 : i32
      %ne3A_185 = arith.cmpi ne, %sign3A_177, %sign3A_184 : i32
      %rem3A_186 = arith.remsi %add3A_168, %jit3A_169 : i32
      %ne3A_187 = arith.constant 0 : i32
      %ne3A_188 = arith.cmpi ne, %rem3A_186, %ne3A_187 : i32
      %and3A_189 = arith.andi %ne3A_185, %ne3A_188 : i1
      %sub3A_190 = arith.constant 1 : i32
      %sub3A_191 = arith.subi %div3A_170, %sub3A_190 : i32
      %select_n3A_192 = arith.select %and3A_189, %sub3A_191, %div3A_170 : i32
      %sub3A_193 = arith.subi %select_n3A_192, %mul3A_60 : i32
      %jit3A_194 = arith.constant 14 : i32
      %eq3A = arith.constant 0 : i32
      %eq3A_195 = arith.cmpi eq, %jit3A_194, %eq3A : i32
      %jit3A_196 = arith.constant 1 : i32
      %select_n3A_197 = arith.select %eq3A_195, %jit3A_196, %jit3A_194 : i32
      %rem3A_198 = arith.remsi %add3A_168, %select_n3A_197 : i32
      %ne3A_199 = arith.constant 0 : i32
      %ne3A_200 = arith.cmpi ne, %rem3A_198, %ne3A_199 : i32
      %lt3A = arith.constant 0 : i32
      %lt3A_201 = arith.cmpi slt, %rem3A_198, %lt3A : i32
      %lt3A_202 = arith.constant 0 : i32
      %lt3A_203 = arith.cmpi slt, %select_n3A_197, %lt3A_202 : i32
      %ne3A_204 = arith.xori %lt3A_201, %lt3A_203 : i1
      %and3A_205 = arith.andi %ne3A_204, %ne3A_200 : i1
      %add3A_206 = arith.addi %rem3A_198, %select_n3A_197 : i32
      %select_n3A_207 = arith.select %and3A_205, %add3A_206, %rem3A_198 : i32
      %mul3A_208 = arith.constant 8 : i32
      %mul3A_209 = arith.muli %select_n3A_207, %mul3A_208 : i32
      %get3A = arith.index_cast %sub3A_193 : i32 to index
      %get3A_210 = arith.index_cast %mul3A_209 : i32 to index
      %get3A_211 = tpu.vector_load %arg16[%get3A, %get3A_210] {strides = array<i32>} : memref<80x128xf32, #tpu.memory_space<vmem>>, vector<16xf32>,
      %lt3A_212 = arith.constant 8 : i32
      %lt3A_213 = vector.broadcast %lt3A_212 : i32 to vector<16xi32>
      %lt3A_214 = arith.cmpi slt, %iota3A, %lt3A_213 : vector<16xi32>
      %jit3A_215 = arith.constant 0.000000e+00 : f32
      %broadcast_in_dim3A = vector.broadcast %jit3A_215 : f32 to vector<16xf32>
      %select_n3A_216 = arith.select %lt3A_214, %get3A_211, %broadcast_in_dim3A : vector<16xi1>, vector<16xf32>
      %jit3A_217 = arith.constant 80 : i32
      %eq3A_218 = arith.constant 0 : i32
      %eq3A_219 = arith.cmpi eq, %jit3A_217, %eq3A_218 : i32
      %jit3A_220 = arith.constant 1 : i32
      %select_n3A_221 = arith.select %eq3A_219, %jit3A_220, %jit3A_217 : i32
      %rem3A_222 = arith.remsi %scan3A_165, %select_n3A_221 : i32
      %ne3A_223 = arith.constant 0 : i32
      %ne3A_224 = arith.cmpi ne, %rem3A_222, %ne3A_223 : i32
      %lt3A_225 = arith.constant 0 : i32
      %lt3A_226 = arith.cmpi slt, %rem3A_222, %lt3A_225 : i32
      %lt3A_227 = arith.constant 0 : i32
      %lt3A_228 = arith.cmpi slt, %select_n3A_221, %lt3A_227 : i32
      %ne3A_229 = arith.xori %lt3A_226, %lt3A_228 : i1
      %and3A_230 = arith.andi %ne3A_229, %ne3A_224 : i1
      %add3A_231 = arith.addi %rem3A_222, %select_n3A_221 : i32
      %select_n3A_232 = arith.select %and3A_230, %add3A_231, %rem3A_222 : i32
      %swap3A = arith.index_cast %select_n3A_232 : i32 to index
      %swap3A_233 = arith.constant 0 : index
      %swap3A_234 = tpu.vector_load %arg15[%swap3A, %swap3A_233] {strides = array<i32>} : memref<80x16xf32, #tpu.memory_space<vmem>>, vector<16xf32>,
      tpu.vector_store %arg15[%swap3A, %swap3A_233], %select_n3A_216 {strides = array<i32>} : memref<80x16xf32, #tpu.memory_space<vmem>>, vector<16xf32>,
    }
    %scan3A_157 = arith.constant 80 : i32
    %mul3A_158 = arith.constant 10240 : i32
    %mul3A_159 = arith.muli %arg0, %mul3A_158 : i32
    %mul3A_160 = arith.constant 640 : i32
    %mul3A_161 = arith.muli %arg1, %mul3A_160 : i32
    %add3A_162 = arith.addi %mul3A_159, %mul3A_161 : i32
    %add3A_163 = arith.constant 560 : i32
    %add3A_164 = arith.addi %add3A_162, %add3A_163 : i32
    "tpu.region"() ({
      %run_scoped3A = tpu.sem_alloc : memref<!tpu.dma_semaphore, #tpu.memory_space<semaphore_mem>>
      %dma_start3A = arith.constant 0 : i32
      %dma_start3A_165 = tpu.memref_slice %arg8[%add3A_164, %dma_start3A] : memref<20480x16xf32, #tpu.memory_space<hbm>> -> memref<80x16xf32, #tpu.memory_space<hbm>>
      %dma_start3A_166 = arith.constant 0 : i32
      %dma_start3A_167 = tpu.memref_slice %arg8[%add3A_164, %dma_start3A_166] : memref<20480x16xf32, #tpu.memory_space<hbm>> -> memref<80x16xf32, #tpu.memory_space<hbm>>
      tpu.enqueue_dma source(%arg15 : memref<80x16xf32, #tpu.memory_space<vmem>>) target(%dma_start3A_167 : memref<80x16xf32, #tpu.memory_space<hbm>>) target_semaphore(%run_scoped3A : memref<!tpu.dma_semaphore, #tpu.memory_space<semaphore_mem>>)
      %dma_wait3A = arith.constant 0 : i32
      %dma_wait3A_168 = tpu.memref_slice %arg8[%add3A_164, %dma_wait3A] : memref<20480x16xf32, #tpu.memory_space<hbm>> -> memref<80x16xf32, #tpu.memory_space<hbm>>
      %dma_wait3A_169 = arith.constant 0 : i32
      %dma_wait3A_170 = tpu.memref_slice %arg8[%add3A_164, %dma_wait3A_169] : memref<20480x16xf32, #tpu.memory_space<hbm>> -> memref<80x16xf32, #tpu.memory_space<hbm>>
      tpu.wait_dma2 semaphore(%run_scoped3A : memref<!tpu.dma_semaphore, #tpu.memory_space<semaphore_mem>>) src(%arg15 : memref<80x16xf32, #tpu.memory_space<vmem>>) dst(%dma_wait3A_170 : memref<80x16xf32, #tpu.memory_space<hbm>>)
      tpu.yield
    }) : () -> ()
    return
  }
}

#map = affine_map<(d0, d1) -> (0, 0)>
#map1 = affine_map<(d0, d1) -> (0)>
module attributes {stable_mosaic.version = 14 : i64} {
  func.func @_pass2(%arg0: i32, %arg1: i32, %arg2: memref<10000x640xf32, #tpu.memory_space<hbm>>, %arg3: memref<320000xi32, #tpu.memory_space<hbm>>, %arg4: memref<320000xi32, #tpu.memory_space<hbm>>, %arg5: memref<320000x16xf32, #tpu.memory_space<hbm>>, %arg6: memref<10000x128xf32, #tpu.memory_space<hbm>>, %arg7: memref<10240x128xf32, #tpu.memory_space<hbm>>, %arg8: memref<80xi32, #tpu.memory_space<vmem>>, %arg9: memref<80xi32, #tpu.memory_space<vmem>>, %arg10: memref<80xi32, #tpu.memory_space<vmem>>, %arg11: memref<80x640xf32, #tpu.memory_space<vmem>>, %arg12: memref<80x16xf32, #tpu.memory_space<vmem>>, %arg13: memref<80x128xf32, #tpu.memory_space<vmem>>, %arg14: memref<80x128xf32, #tpu.memory_space<vmem>>, %arg15: memref<5248x128xf32, #tpu.memory_space<vmem_shared>>, %arg16: memref<!tpu.dma_semaphore, #tpu.memory_space<semaphore_mem>>, %arg17: memref<!tpu.dma_semaphore, #tpu.memory_space<semaphore_mem>>) attributes {dimension_semantics = [#tpu.dimension_semantics<core_parallel>, #tpu.dimension_semantics<subcore_parallel>], iteration_bounds = array<i64: 2, 16>, scalar_prefetch = 0 : i64, scratch_operands = 10 : i64, tpu.core_type = #tpu.core_type<sc_vector_subcore>, window_params = [{transform_indices = #map}, {transform_indices = #map1}, {transform_indices = #map1}, {transform_indices = #map}, {transform_indices = #map}, {transform_indices = #map}]} {
    %mul3A = arith.constant 20000 : i32
    %mul3A_0 = arith.muli %arg1, %mul3A : i32
    %mul3A_1 = arith.constant 5120 : i32
    %mul3A_2 = arith.muli %arg0, %mul3A_1 : i32
    %scan3A = arith.constant 0 : i32
    %scan3A_3 = arith.constant 0 : i32
    %scan3A_4 = arith.constant 80 : i32
    %scan3A_5 = arith.addi %scan3A_3, %scan3A_4 : i32
    %scan3A_6 = arith.constant 1 : i32
    scf.for %scan3A_39 = %scan3A_3 to %scan3A_5 step %scan3A_6  : i32 {
      %broadcast_in_dim3A = arith.constant 0.000000e+00 : f32
      %broadcast_in_dim3A_40 = vector.broadcast %broadcast_in_dim3A : f32 to vector<16xf32>
      %swap3A = arith.index_cast %scan3A_39 : i32 to index
      %swap3A_41 = arith.constant 0 : index
      %swap3A_42 = tpu.vector_load %arg14[%swap3A, %swap3A_41] {strides = array<i32>} : memref<80x128xf32, #tpu.memory_space<vmem>>, vector<16xf32>,
      tpu.vector_store %arg14[%swap3A, %swap3A_41], %broadcast_in_dim3A_40 {strides = array<i32>} : memref<80x128xf32, #tpu.memory_space<vmem>>, vector<16xf32>,
      %broadcast_in_dim3A_43 = arith.constant 0.000000e+00 : f32
      %broadcast_in_dim3A_44 = vector.broadcast %broadcast_in_dim3A_43 : f32 to vector<16xf32>
      %swap3A_45 = arith.index_cast %scan3A_39 : i32 to index
      %swap3A_46 = arith.constant 16 : index
      %swap3A_47 = tpu.vector_load %arg14[%swap3A_45, %swap3A_46] {strides = array<i32>} : memref<80x128xf32, #tpu.memory_space<vmem>>, vector<16xf32>,
      tpu.vector_store %arg14[%swap3A_45, %swap3A_46], %broadcast_in_dim3A_44 {strides = array<i32>} : memref<80x128xf32, #tpu.memory_space<vmem>>, vector<16xf32>,
      %broadcast_in_dim3A_48 = arith.constant 0.000000e+00 : f32
      %broadcast_in_dim3A_49 = vector.broadcast %broadcast_in_dim3A_48 : f32 to vector<16xf32>
      %swap3A_50 = arith.index_cast %scan3A_39 : i32 to index
      %swap3A_51 = arith.constant 32 : index
      %swap3A_52 = tpu.vector_load %arg14[%swap3A_50, %swap3A_51] {strides = array<i32>} : memref<80x128xf32, #tpu.memory_space<vmem>>, vector<16xf32>,
      tpu.vector_store %arg14[%swap3A_50, %swap3A_51], %broadcast_in_dim3A_49 {strides = array<i32>} : memref<80x128xf32, #tpu.memory_space<vmem>>, vector<16xf32>,
      %broadcast_in_dim3A_53 = arith.constant 0.000000e+00 : f32
      %broadcast_in_dim3A_54 = vector.broadcast %broadcast_in_dim3A_53 : f32 to vector<16xf32>
      %swap3A_55 = arith.index_cast %scan3A_39 : i32 to index
      %swap3A_56 = arith.constant 48 : index
      %swap3A_57 = tpu.vector_load %arg14[%swap3A_55, %swap3A_56] {strides = array<i32>} : memref<80x128xf32, #tpu.memory_space<vmem>>, vector<16xf32>,
      tpu.vector_store %arg14[%swap3A_55, %swap3A_56], %broadcast_in_dim3A_54 {strides = array<i32>} : memref<80x128xf32, #tpu.memory_space<vmem>>, vector<16xf32>,
      %broadcast_in_dim3A_58 = arith.constant 0.000000e+00 : f32
      %broadcast_in_dim3A_59 = vector.broadcast %broadcast_in_dim3A_58 : f32 to vector<16xf32>
      %swap3A_60 = arith.index_cast %scan3A_39 : i32 to index
      %swap3A_61 = arith.constant 64 : index
      %swap3A_62 = tpu.vector_load %arg14[%swap3A_60, %swap3A_61] {strides = array<i32>} : memref<80x128xf32, #tpu.memory_space<vmem>>, vector<16xf32>,
      tpu.vector_store %arg14[%swap3A_60, %swap3A_61], %broadcast_in_dim3A_59 {strides = array<i32>} : memref<80x128xf32, #tpu.memory_space<vmem>>, vector<16xf32>,
      %broadcast_in_dim3A_63 = arith.constant 0.000000e+00 : f32
      %broadcast_in_dim3A_64 = vector.broadcast %broadcast_in_dim3A_63 : f32 to vector<16xf32>
      %swap3A_65 = arith.index_cast %scan3A_39 : i32 to index
      %swap3A_66 = arith.constant 80 : index
      %swap3A_67 = tpu.vector_load %arg14[%swap3A_65, %swap3A_66] {strides = array<i32>} : memref<80x128xf32, #tpu.memory_space<vmem>>, vector<16xf32>,
      tpu.vector_store %arg14[%swap3A_65, %swap3A_66], %broadcast_in_dim3A_64 {strides = array<i32>} : memref<80x128xf32, #tpu.memory_space<vmem>>, vector<16xf32>,
      %broadcast_in_dim3A_68 = arith.constant 0.000000e+00 : f32
      %broadcast_in_dim3A_69 = vector.broadcast %broadcast_in_dim3A_68 : f32 to vector<16xf32>
      %swap3A_70 = arith.index_cast %scan3A_39 : i32 to index
      %swap3A_71 = arith.constant 96 : index
      %swap3A_72 = tpu.vector_load %arg14[%swap3A_70, %swap3A_71] {strides = array<i32>} : memref<80x128xf32, #tpu.memory_space<vmem>>, vector<16xf32>,
      tpu.vector_store %arg14[%swap3A_70, %swap3A_71], %broadcast_in_dim3A_69 {strides = array<i32>} : memref<80x128xf32, #tpu.memory_space<vmem>>, vector<16xf32>,
      %broadcast_in_dim3A_73 = arith.constant 0.000000e+00 : f32
      %broadcast_in_dim3A_74 = vector.broadcast %broadcast_in_dim3A_73 : f32 to vector<16xf32>
      %swap3A_75 = arith.index_cast %scan3A_39 : i32 to index
      %swap3A_76 = arith.constant 112 : index
      %swap3A_77 = tpu.vector_load %arg14[%swap3A_75, %swap3A_76] {strides = array<i32>} : memref<80x128xf32, #tpu.memory_space<vmem>>, vector<16xf32>,
      tpu.vector_store %arg14[%swap3A_75, %swap3A_76], %broadcast_in_dim3A_74 {strides = array<i32>} : memref<80x128xf32, #tpu.memory_space<vmem>>, vector<16xf32>,
    }
    %scan3A_7 = arith.constant 80 : i32
    %mul3A_8 = arith.constant 328 : i32
    %mul3A_9 = arith.muli %arg1, %mul3A_8 : i32
    %add3A = arith.constant 0 : i32
    %add3A_10 = arith.addi %mul3A_9, %add3A : i32
    "tpu.region"() ({
      %run_scoped3A = tpu.sem_alloc : memref<!tpu.dma_semaphore, #tpu.memory_space<semaphore_mem>>
      %dma_start3A = arith.constant 0 : i32
      %dma_start3A_39 = tpu.memref_slice %arg15[%add3A_10, %dma_start3A] : memref<5248x128xf32, #tpu.memory_space<vmem_shared>> -> memref<80x128xf32, #tpu.memory_space<vmem_shared>>
      %dma_start3A_40 = arith.constant 0 : i32
      %dma_start3A_41 = tpu.memref_slice %arg15[%add3A_10, %dma_start3A_40] : memref<5248x128xf32, #tpu.memory_space<vmem_shared>> -> memref<80x128xf32, #tpu.memory_space<vmem_shared>>
      tpu.enqueue_dma source(%arg14 : memref<80x128xf32, #tpu.memory_space<vmem>>) target(%dma_start3A_41 : memref<80x128xf32, #tpu.memory_space<vmem_shared>>) target_semaphore(%run_scoped3A : memref<!tpu.dma_semaphore, #tpu.memory_space<semaphore_mem>>)
      %dma_wait3A = arith.constant 0 : i32
      %dma_wait3A_42 = tpu.memref_slice %arg15[%add3A_10, %dma_wait3A] : memref<5248x128xf32, #tpu.memory_space<vmem_shared>> -> memref<80x128xf32, #tpu.memory_space<vmem_shared>>
      %dma_wait3A_43 = arith.constant 0 : i32
      %dma_wait3A_44 = tpu.memref_slice %arg15[%add3A_10, %dma_wait3A_43] : memref<5248x128xf32, #tpu.memory_space<vmem_shared>> -> memref<80x128xf32, #tpu.memory_space<vmem_shared>>
      tpu.wait_dma2 semaphore(%run_scoped3A : memref<!tpu.dma_semaphore, #tpu.memory_space<semaphore_mem>>) src(%arg14 : memref<80x128xf32, #tpu.memory_space<vmem>>) dst(%dma_wait3A_44 : memref<80x128xf32, #tpu.memory_space<vmem_shared>>)
      tpu.yield
    }) : () -> ()
    %mul3A_11 = arith.constant 328 : i32
    %mul3A_12 = arith.muli %arg1, %mul3A_11 : i32
    %add3A_13 = arith.constant 80 : i32
    %add3A_14 = arith.addi %mul3A_12, %add3A_13 : i32
    "tpu.region"() ({
      %run_scoped3A = tpu.sem_alloc : memref<!tpu.dma_semaphore, #tpu.memory_space<semaphore_mem>>
      %dma_start3A = arith.constant 0 : i32
      %dma_start3A_39 = tpu.memref_slice %arg15[%add3A_14, %dma_start3A] : memref<5248x128xf32, #tpu.memory_space<vmem_shared>> -> memref<80x128xf32, #tpu.memory_space<vmem_shared>>
      %dma_start3A_40 = arith.constant 0 : i32
      %dma_start3A_41 = tpu.memref_slice %arg15[%add3A_14, %dma_start3A_40] : memref<5248x128xf32, #tpu.memory_space<vmem_shared>> -> memref<80x128xf32, #tpu.memory_space<vmem_shared>>
      tpu.enqueue_dma source(%arg14 : memref<80x128xf32, #tpu.memory_space<vmem>>) target(%dma_start3A_41 : memref<80x128xf32, #tpu.memory_space<vmem_shared>>) target_semaphore(%run_scoped3A : memref<!tpu.dma_semaphore, #tpu.memory_space<semaphore_mem>>)
      %dma_wait3A = arith.constant 0 : i32
      %dma_wait3A_42 = tpu.memref_slice %arg15[%add3A_14, %dma_wait3A] : memref<5248x128xf32, #tpu.memory_space<vmem_shared>> -> memref<80x128xf32, #tpu.memory_space<vmem_shared>>
      %dma_wait3A_43 = arith.constant 0 : i32
      %dma_wait3A_44 = tpu.memref_slice %arg15[%add3A_14, %dma_wait3A_43] : memref<5248x128xf32, #tpu.memory_space<vmem_shared>> -> memref<80x128xf32, #tpu.memory_space<vmem_shared>>
      tpu.wait_dma2 semaphore(%run_scoped3A : memref<!tpu.dma_semaphore, #tpu.memory_space<semaphore_mem>>) src(%arg14 : memref<80x128xf32, #tpu.memory_space<vmem>>) dst(%dma_wait3A_44 : memref<80x128xf32, #tpu.memory_space<vmem_shared>>)
      tpu.yield
    }) : () -> ()
    %mul3A_15 = arith.constant 328 : i32
    %mul3A_16 = arith.muli %arg1, %mul3A_15 : i32
    %add3A_17 = arith.constant 160 : i32
    %add3A_18 = arith.addi %mul3A_16, %add3A_17 : i32
    "tpu.region"() ({
      %run_scoped3A = tpu.sem_alloc : memref<!tpu.dma_semaphore, #tpu.memory_space<semaphore_mem>>
      %dma_start3A = arith.constant 0 : i32
      %dma_start3A_39 = tpu.memref_slice %arg15[%add3A_18, %dma_start3A] : memref<5248x128xf32, #tpu.memory_space<vmem_shared>> -> memref<80x128xf32, #tpu.memory_space<vmem_shared>>
      %dma_start3A_40 = arith.constant 0 : i32
      %dma_start3A_41 = tpu.memref_slice %arg15[%add3A_18, %dma_start3A_40] : memref<5248x128xf32, #tpu.memory_space<vmem_shared>> -> memref<80x128xf32, #tpu.memory_space<vmem_shared>>
      tpu.enqueue_dma source(%arg14 : memref<80x128xf32, #tpu.memory_space<vmem>>) target(%dma_start3A_41 : memref<80x128xf32, #tpu.memory_space<vmem_shared>>) target_semaphore(%run_scoped3A : memref<!tpu.dma_semaphore, #tpu.memory_space<semaphore_mem>>)
      %dma_wait3A = arith.constant 0 : i32
      %dma_wait3A_42 = tpu.memref_slice %arg15[%add3A_18, %dma_wait3A] : memref<5248x128xf32, #tpu.memory_space<vmem_shared>> -> memref<80x128xf32, #tpu.memory_space<vmem_shared>>
      %dma_wait3A_43 = arith.constant 0 : i32
      %dma_wait3A_44 = tpu.memref_slice %arg15[%add3A_18, %dma_wait3A_43] : memref<5248x128xf32, #tpu.memory_space<vmem_shared>> -> memref<80x128xf32, #tpu.memory_space<vmem_shared>>
      tpu.wait_dma2 semaphore(%run_scoped3A : memref<!tpu.dma_semaphore, #tpu.memory_space<semaphore_mem>>) src(%arg14 : memref<80x128xf32, #tpu.memory_space<vmem>>) dst(%dma_wait3A_44 : memref<80x128xf32, #tpu.memory_space<vmem_shared>>)
      tpu.yield
    }) : () -> ()
    %mul3A_19 = arith.constant 328 : i32
    %mul3A_20 = arith.muli %arg1, %mul3A_19 : i32
    %add3A_21 = arith.constant 240 : i32
    %add3A_22 = arith.addi %mul3A_20, %add3A_21 : i32
    "tpu.region"() ({
      %run_scoped3A = tpu.sem_alloc : memref<!tpu.dma_semaphore, #tpu.memory_space<semaphore_mem>>
      %dma_start3A = arith.constant 0 : i32
      %dma_start3A_39 = tpu.memref_slice %arg15[%add3A_22, %dma_start3A] : memref<5248x128xf32, #tpu.memory_space<vmem_shared>> -> memref<80x128xf32, #tpu.memory_space<vmem_shared>>
      %dma_start3A_40 = arith.constant 0 : i32
      %dma_start3A_41 = tpu.memref_slice %arg15[%add3A_22, %dma_start3A_40] : memref<5248x128xf32, #tpu.memory_space<vmem_shared>> -> memref<80x128xf32, #tpu.memory_space<vmem_shared>>
      tpu.enqueue_dma source(%arg14 : memref<80x128xf32, #tpu.memory_space<vmem>>) target(%dma_start3A_41 : memref<80x128xf32, #tpu.memory_space<vmem_shared>>) target_semaphore(%run_scoped3A : memref<!tpu.dma_semaphore, #tpu.memory_space<semaphore_mem>>)
      %dma_wait3A = arith.constant 0 : i32
      %dma_wait3A_42 = tpu.memref_slice %arg15[%add3A_22, %dma_wait3A] : memref<5248x128xf32, #tpu.memory_space<vmem_shared>> -> memref<80x128xf32, #tpu.memory_space<vmem_shared>>
      %dma_wait3A_43 = arith.constant 0 : i32
      %dma_wait3A_44 = tpu.memref_slice %arg15[%add3A_22, %dma_wait3A_43] : memref<5248x128xf32, #tpu.memory_space<vmem_shared>> -> memref<80x128xf32, #tpu.memory_space<vmem_shared>>
      tpu.wait_dma2 semaphore(%run_scoped3A : memref<!tpu.dma_semaphore, #tpu.memory_space<semaphore_mem>>) src(%arg14 : memref<80x128xf32, #tpu.memory_space<vmem>>) dst(%dma_wait3A_44 : memref<80x128xf32, #tpu.memory_space<vmem_shared>>)
      tpu.yield
    }) : () -> ()
    %mul3A_23 = arith.constant 328 : i32
    %mul3A_24 = arith.muli %arg1, %mul3A_23 : i32
    %add3A_25 = arith.constant 320 : i32
    %add3A_26 = arith.addi %mul3A_24, %add3A_25 : i32
    "tpu.region"() ({
      %run_scoped3A = tpu.sem_alloc : memref<!tpu.dma_semaphore, #tpu.memory_space<semaphore_mem>>
      %dma_start3A = arith.constant 0 : i32
      %dma_start3A_39 = arith.constant 0 : i32
      %dma_start3A_40 = tpu.memref_slice %arg14[%dma_start3A, %dma_start3A_39] : memref<80x128xf32, #tpu.memory_space<vmem>> -> memref<8x128xf32, #tpu.memory_space<vmem>>
      %dma_start3A_41 = arith.constant 0 : i32
      %dma_start3A_42 = tpu.memref_slice %arg15[%add3A_26, %dma_start3A_41] : memref<5248x128xf32, #tpu.memory_space<vmem_shared>> -> memref<8x128xf32, #tpu.memory_space<vmem_shared>>
      %dma_start3A_43 = arith.constant 0 : i32
      %dma_start3A_44 = tpu.memref_slice %arg15[%add3A_26, %dma_start3A_43] : memref<5248x128xf32, #tpu.memory_space<vmem_shared>> -> memref<8x128xf32, #tpu.memory_space<vmem_shared>>
      %dma_start3A_45 = arith.constant 0 : i32
      %dma_start3A_46 = arith.constant 0 : i32
      %dma_start3A_47 = tpu.memref_slice %arg14[%dma_start3A_45, %dma_start3A_46] : memref<80x128xf32, #tpu.memory_space<vmem>> -> memref<8x128xf32, #tpu.memory_space<vmem>>
      tpu.enqueue_dma source(%dma_start3A_47 : memref<8x128xf32, #tpu.memory_space<vmem>>) target(%dma_start3A_44 : memref<8x128xf32, #tpu.memory_space<vmem_shared>>) target_semaphore(%run_scoped3A : memref<!tpu.dma_semaphore, #tpu.memory_space<semaphore_mem>>)
      %dma_wait3A = arith.constant 0 : i32
      %dma_wait3A_48 = arith.constant 0 : i32
      %dma_wait3A_49 = tpu.memref_slice %arg14[%dma_wait3A, %dma_wait3A_48] : memref<80x128xf32, #tpu.memory_space<vmem>> -> memref<8x128xf32, #tpu.memory_space<vmem>>
      %dma_wait3A_50 = arith.constant 0 : i32
      %dma_wait3A_51 = tpu.memref_slice %arg15[%add3A_26, %dma_wait3A_50] : memref<5248x128xf32, #tpu.memory_space<vmem_shared>> -> memref<8x128xf32, #tpu.memory_space<vmem_shared>>
      %dma_wait3A_52 = arith.constant 0 : i32
      %dma_wait3A_53 = tpu.memref_slice %arg15[%add3A_26, %dma_wait3A_52] : memref<5248x128xf32, #tpu.memory_space<vmem_shared>> -> memref<8x128xf32, #tpu.memory_space<vmem_shared>>
      %dma_wait3A_54 = arith.constant 0 : i32
      %dma_wait3A_55 = arith.constant 0 : i32
      %dma_wait3A_56 = tpu.memref_slice %arg14[%dma_wait3A_54, %dma_wait3A_55] : memref<80x128xf32, #tpu.memory_space<vmem>> -> memref<8x128xf32, #tpu.memory_space<vmem>>
      tpu.wait_dma2 semaphore(%run_scoped3A : memref<!tpu.dma_semaphore, #tpu.memory_space<semaphore_mem>>) src(%dma_wait3A_56 : memref<8x128xf32, #tpu.memory_space<vmem>>) dst(%dma_wait3A_53 : memref<8x128xf32, #tpu.memory_space<vmem_shared>>)
      tpu.yield
    }) : () -> ()
    %barrier3A = arith.constant 0 : index
    tpu.barrier barrier_id(%barrier3A)
    %scan3A_27 = arith.constant 0 : i32
    %scan3A_28 = arith.constant 0 : i32
    %scan3A_29 = arith.constant 250 : i32
    %scan3A_30 = arith.addi %scan3A_28, %scan3A_29 : i32
    %scan3A_31 = arith.constant 1 : i32
    scf.for %scan3A_39 = %scan3A_28 to %scan3A_30 step %scan3A_31  : i32 {
      %mul3A_40 = arith.constant 80 : i32
      %mul3A_41 = arith.muli %scan3A_39, %mul3A_40 : i32
      %add3A_42 = arith.addi %mul3A_0, %mul3A_41 : i32
      "tpu.region"() ({
        %run_scoped3A = tpu.sem_alloc : memref<!tpu.dma_semaphore, #tpu.memory_space<semaphore_mem>>
        %dma_start3A_130 = tpu.memref_slice %arg3[%add3A_42] : memref<320000xi32, #tpu.memory_space<hbm>> -> memref<80xi32, #tpu.memory_space<hbm>>
        %dma_start3A_131 = tpu.memref_slice %arg3[%add3A_42] : memref<320000xi32, #tpu.memory_space<hbm>> -> memref<80xi32, #tpu.memory_space<hbm>>
        tpu.enqueue_dma source(%dma_start3A_131 : memref<80xi32, #tpu.memory_space<hbm>>) target(%arg8 : memref<80xi32, #tpu.memory_space<vmem>>) target_semaphore(%run_scoped3A : memref<!tpu.dma_semaphore, #tpu.memory_space<semaphore_mem>>)
        %dma_wait3A_132 = tpu.memref_slice %arg3[%add3A_42] : memref<320000xi32, #tpu.memory_space<hbm>> -> memref<80xi32, #tpu.memory_space<hbm>>
        %dma_wait3A_133 = tpu.memref_slice %arg3[%add3A_42] : memref<320000xi32, #tpu.memory_space<hbm>> -> memref<80xi32, #tpu.memory_space<hbm>>
        tpu.wait_dma2 semaphore(%run_scoped3A : memref<!tpu.dma_semaphore, #tpu.memory_space<semaphore_mem>>) src(%dma_wait3A_133 : memref<80xi32, #tpu.memory_space<hbm>>) dst(%arg8 : memref<80xi32, #tpu.memory_space<vmem>>)
        tpu.yield
      }) : () -> ()
      "tpu.region"() ({
        %run_scoped3A = tpu.sem_alloc : memref<!tpu.dma_semaphore, #tpu.memory_space<semaphore_mem>>
        %dma_start3A_130 = tpu.memref_slice %arg4[%add3A_42] : memref<320000xi32, #tpu.memory_space<hbm>> -> memref<80xi32, #tpu.memory_space<hbm>>
        %dma_start3A_131 = tpu.memref_slice %arg4[%add3A_42] : memref<320000xi32, #tpu.memory_space<hbm>> -> memref<80xi32, #tpu.memory_space<hbm>>
        tpu.enqueue_dma source(%dma_start3A_131 : memref<80xi32, #tpu.memory_space<hbm>>) target(%arg9 : memref<80xi32, #tpu.memory_space<vmem>>) target_semaphore(%run_scoped3A : memref<!tpu.dma_semaphore, #tpu.memory_space<semaphore_mem>>)
        %dma_wait3A_132 = tpu.memref_slice %arg4[%add3A_42] : memref<320000xi32, #tpu.memory_space<hbm>> -> memref<80xi32, #tpu.memory_space<hbm>>
        %dma_wait3A_133 = tpu.memref_slice %arg4[%add3A_42] : memref<320000xi32, #tpu.memory_space<hbm>> -> memref<80xi32, #tpu.memory_space<hbm>>
        tpu.wait_dma2 semaphore(%run_scoped3A : memref<!tpu.dma_semaphore, #tpu.memory_space<semaphore_mem>>) src(%dma_wait3A_133 : memref<80xi32, #tpu.memory_space<hbm>>) dst(%arg9 : memref<80xi32, #tpu.memory_space<vmem>>)
        tpu.yield
      }) : () -> ()
      %dma_start3A = arith.constant 0 : i32
      %dma_start3A_43 = arith.constant 0 : i32
      %dma_start3A_44 = tpu.memref_slice %arg2[%dma_start3A, %dma_start3A_43] : memref<10000x640xf32, #tpu.memory_space<hbm>> -> memref<10000x640xf32, #tpu.memory_space<hbm>>
      tpu.enqueue_indirect_dma source(%dma_start3A_44 : memref<10000x640xf32, #tpu.memory_space<hbm>>) target(%arg11 : memref<80x640xf32, #tpu.memory_space<vmem>>) offsets(%arg8 : memref<80xi32, #tpu.memory_space<vmem>>) semaphore(%arg16 : memref<!tpu.dma_semaphore, #tpu.memory_space<semaphore_mem>>)
      %dma_start3A_45 = arith.constant 0 : i32
      %dma_start3A_46 = arith.constant 0 : i32
      %dma_start3A_47 = tpu.memref_slice %arg6[%dma_start3A_45, %dma_start3A_46] : memref<10000x128xf32, #tpu.memory_space<hbm>> -> memref<10000x128xf32, #tpu.memory_space<hbm>>
      tpu.enqueue_indirect_dma source(%dma_start3A_47 : memref<10000x128xf32, #tpu.memory_space<hbm>>) target(%arg13 : memref<80x128xf32, #tpu.memory_space<vmem>>) offsets(%arg9 : memref<80xi32, #tpu.memory_space<vmem>>) semaphore(%arg17 : memref<!tpu.dma_semaphore, #tpu.memory_space<semaphore_mem>>)
      "tpu.region"() ({
        %run_scoped3A = tpu.sem_alloc : memref<!tpu.dma_semaphore, #tpu.memory_space<semaphore_mem>>
        %dma_start3A_130 = arith.constant 0 : i32
        %dma_start3A_131 = tpu.memref_slice %arg5[%add3A_42, %dma_start3A_130] : memref<320000x16xf32, #tpu.memory_space<hbm>> -> memref<80x16xf32, #tpu.memory_space<hbm>>
        %dma_start3A_132 = arith.constant 0 : i32
        %dma_start3A_133 = tpu.memref_slice %arg5[%add3A_42, %dma_start3A_132] : memref<320000x16xf32, #tpu.memory_space<hbm>> -> memref<80x16xf32, #tpu.memory_space<hbm>>
        tpu.enqueue_dma source(%dma_start3A_133 : memref<80x16xf32, #tpu.memory_space<hbm>>) target(%arg12 : memref<80x16xf32, #tpu.memory_space<vmem>>) target_semaphore(%run_scoped3A : memref<!tpu.dma_semaphore, #tpu.memory_space<semaphore_mem>>)
        %dma_wait3A_134 = arith.constant 0 : i32
        %dma_wait3A_135 = tpu.memref_slice %arg5[%add3A_42, %dma_wait3A_134] : memref<320000x16xf32, #tpu.memory_space<hbm>> -> memref<80x16xf32, #tpu.memory_space<hbm>>
        %dma_wait3A_136 = arith.constant 0 : i32
        %dma_wait3A_137 = tpu.memref_slice %arg5[%add3A_42, %dma_wait3A_136] : memref<320000x16xf32, #tpu.memory_space<hbm>> -> memref<80x16xf32, #tpu.memory_space<hbm>>
        tpu.wait_dma2 semaphore(%run_scoped3A : memref<!tpu.dma_semaphore, #tpu.memory_space<semaphore_mem>>) src(%dma_wait3A_137 : memref<80x16xf32, #tpu.memory_space<hbm>>) dst(%arg12 : memref<80x16xf32, #tpu.memory_space<vmem>>)
        tpu.yield
      }) : () -> ()
      %get3A = arith.constant 0 : index
      %get3A_48 = tpu.vector_load %arg9[%get3A] {strides = array<i32>} : memref<80xi32, #tpu.memory_space<vmem>>, vector<16xi32>,
      %ge3A = vector.broadcast %mul3A_2 : i32 to vector<16xi32>
      %ge3A_49 = arith.cmpi sge, %get3A_48, %ge3A : vector<16xi32>
      %add3A_50 = arith.constant 5120 : i32
      %add3A_51 = arith.addi %mul3A_2, %add3A_50 : i32
      %lt3A = vector.broadcast %add3A_51 : i32 to vector<16xi32>
      %lt3A_52 = arith.cmpi slt, %get3A_48, %lt3A : vector<16xi32>
      %and3A = arith.andi %ge3A_49, %lt3A_52 : vector<16xi1>
      %sub3A = vector.broadcast %mul3A_2 : i32 to vector<16xi32>
      %sub3A_53 = arith.subi %get3A_48, %sub3A : vector<16xi32>
      %jit3A = arith.constant 5120 : i32
      %broadcast_in_dim3A = vector.broadcast %jit3A : i32 to vector<16xi32>
      %select_n3A = arith.select %and3A, %sub3A_53, %broadcast_in_dim3A : vector<16xi1>, vector<16xi32>
      %swap3A = arith.constant 0 : index
      %swap3A_54 = tpu.vector_load %arg10[%swap3A] {strides = array<i32>} : memref<80xi32, #tpu.memory_space<vmem>>, vector<16xi32>,
      tpu.vector_store %arg10[%swap3A], %select_n3A {strides = array<i32>} : memref<80xi32, #tpu.memory_space<vmem>>, vector<16xi32>,
      %get3A_55 = arith.constant 16 : index
      %get3A_56 = tpu.vector_load %arg9[%get3A_55] {strides = array<i32>} : memref<80xi32, #tpu.memory_space<vmem>>, vector<16xi32>,
      %ge3A_57 = vector.broadcast %mul3A_2 : i32 to vector<16xi32>
      %ge3A_58 = arith.cmpi sge, %get3A_56, %ge3A_57 : vector<16xi32>
      %add3A_59 = arith.constant 5120 : i32
      %add3A_60 = arith.addi %mul3A_2, %add3A_59 : i32
      %lt3A_61 = vector.broadcast %add3A_60 : i32 to vector<16xi32>
      %lt3A_62 = arith.cmpi slt, %get3A_56, %lt3A_61 : vector<16xi32>
      %and3A_63 = arith.andi %ge3A_58, %lt3A_62 : vector<16xi1>
      %sub3A_64 = vector.broadcast %mul3A_2 : i32 to vector<16xi32>
      %sub3A_65 = arith.subi %get3A_56, %sub3A_64 : vector<16xi32>
      %jit3A_66 = arith.constant 5120 : i32
      %broadcast_in_dim3A_67 = vector.broadcast %jit3A_66 : i32 to vector<16xi32>
      %select_n3A_68 = arith.select %and3A_63, %sub3A_65, %broadcast_in_dim3A_67 : vector<16xi1>, vector<16xi32>
      %swap3A_69 = arith.constant 16 : index
      %swap3A_70 = tpu.vector_load %arg10[%swap3A_69] {strides = array<i32>} : memref<80xi32, #tpu.memory_space<vmem>>, vector<16xi32>,
      tpu.vector_store %arg10[%swap3A_69], %select_n3A_68 {strides = array<i32>} : memref<80xi32, #tpu.memory_space<vmem>>, vector<16xi32>,
      %get3A_71 = arith.constant 32 : index
      %get3A_72 = tpu.vector_load %arg9[%get3A_71] {strides = array<i32>} : memref<80xi32, #tpu.memory_space<vmem>>, vector<16xi32>,
      %ge3A_73 = vector.broadcast %mul3A_2 : i32 to vector<16xi32>
      %ge3A_74 = arith.cmpi sge, %get3A_72, %ge3A_73 : vector<16xi32>
      %add3A_75 = arith.constant 5120 : i32
      %add3A_76 = arith.addi %mul3A_2, %add3A_75 : i32
      %lt3A_77 = vector.broadcast %add3A_76 : i32 to vector<16xi32>
      %lt3A_78 = arith.cmpi slt, %get3A_72, %lt3A_77 : vector<16xi32>
      %and3A_79 = arith.andi %ge3A_74, %lt3A_78 : vector<16xi1>
      %sub3A_80 = vector.broadcast %mul3A_2 : i32 to vector<16xi32>
      %sub3A_81 = arith.subi %get3A_72, %sub3A_80 : vector<16xi32>
      %jit3A_82 = arith.constant 5120 : i32
      %broadcast_in_dim3A_83 = vector.broadcast %jit3A_82 : i32 to vector<16xi32>
      %select_n3A_84 = arith.select %and3A_79, %sub3A_81, %broadcast_in_dim3A_83 : vector<16xi1>, vector<16xi32>
      %swap3A_85 = arith.constant 32 : index
      %swap3A_86 = tpu.vector_load %arg10[%swap3A_85] {strides = array<i32>} : memref<80xi32, #tpu.memory_space<vmem>>, vector<16xi32>,
      tpu.vector_store %arg10[%swap3A_85], %select_n3A_84 {strides = array<i32>} : memref<80xi32, #tpu.memory_space<vmem>>, vector<16xi32>,
      %get3A_87 = arith.constant 48 : index
      %get3A_88 = tpu.vector_load %arg9[%get3A_87] {strides = array<i32>} : memref<80xi32, #tpu.memory_space<vmem>>, vector<16xi32>,
      %ge3A_89 = vector.broadcast %mul3A_2 : i32 to vector<16xi32>
      %ge3A_90 = arith.cmpi sge, %get3A_88, %ge3A_89 : vector<16xi32>
      %add3A_91 = arith.constant 5120 : i32
      %add3A_92 = arith.addi %mul3A_2, %add3A_91 : i32
      %lt3A_93 = vector.broadcast %add3A_92 : i32 to vector<16xi32>
      %lt3A_94 = arith.cmpi slt, %get3A_88, %lt3A_93 : vector<16xi32>
      %and3A_95 = arith.andi %ge3A_90, %lt3A_94 : vector<16xi1>
      %sub3A_96 = vector.broadcast %mul3A_2 : i32 to vector<16xi32>
      %sub3A_97 = arith.subi %get3A_88, %sub3A_96 : vector<16xi32>
      %jit3A_98 = arith.constant 5120 : i32
      %broadcast_in_dim3A_99 = vector.broadcast %jit3A_98 : i32 to vector<16xi32>
      %select_n3A_100 = arith.select %and3A_95, %sub3A_97, %broadcast_in_dim3A_99 : vector<16xi1>, vector<16xi32>
      %swap3A_101 = arith.constant 48 : index
      %swap3A_102 = tpu.vector_load %arg10[%swap3A_101] {strides = array<i32>} : memref<80xi32, #tpu.memory_space<vmem>>, vector<16xi32>,
      tpu.vector_store %arg10[%swap3A_101], %select_n3A_100 {strides = array<i32>} : memref<80xi32, #tpu.memory_space<vmem>>, vector<16xi32>,
      %get3A_103 = arith.constant 64 : index
      %get3A_104 = tpu.vector_load %arg9[%get3A_103] {strides = array<i32>} : memref<80xi32, #tpu.memory_space<vmem>>, vector<16xi32>,
      %ge3A_105 = vector.broadcast %mul3A_2 : i32 to vector<16xi32>
      %ge3A_106 = arith.cmpi sge, %get3A_104, %ge3A_105 : vector<16xi32>
      %add3A_107 = arith.constant 5120 : i32
      %add3A_108 = arith.addi %mul3A_2, %add3A_107 : i32
      %lt3A_109 = vector.broadcast %add3A_108 : i32 to vector<16xi32>
      %lt3A_110 = arith.cmpi slt, %get3A_104, %lt3A_109 : vector<16xi32>
      %and3A_111 = arith.andi %ge3A_106, %lt3A_110 : vector<16xi1>
      %sub3A_112 = vector.broadcast %mul3A_2 : i32 to vector<16xi32>
      %sub3A_113 = arith.subi %get3A_104, %sub3A_112 : vector<16xi32>
      %jit3A_114 = arith.constant 5120 : i32
      %broadcast_in_dim3A_115 = vector.broadcast %jit3A_114 : i32 to vector<16xi32>
      %select_n3A_116 = arith.select %and3A_111, %sub3A_113, %broadcast_in_dim3A_115 : vector<16xi1>, vector<16xi32>
      %swap3A_117 = arith.constant 64 : index
      %swap3A_118 = tpu.vector_load %arg10[%swap3A_117] {strides = array<i32>} : memref<80xi32, #tpu.memory_space<vmem>>, vector<16xi32>,
      tpu.vector_store %arg10[%swap3A_117], %select_n3A_116 {strides = array<i32>} : memref<80xi32, #tpu.memory_space<vmem>>, vector<16xi32>,
      %dma_wait3A = arith.constant 0 : i32
      %dma_wait3A_119 = arith.constant 0 : i32
      %dma_wait3A_120 = tpu.memref_slice %arg2[%dma_wait3A, %dma_wait3A_119] : memref<10000x640xf32, #tpu.memory_space<hbm>> -> memref<10000x640xf32, #tpu.memory_space<hbm>>
      tpu.wait_indirect_dma semaphore(%arg16 : memref<!tpu.dma_semaphore, #tpu.memory_space<semaphore_mem>>) src(%dma_wait3A_120 : memref<10000x640xf32, #tpu.memory_space<hbm>>) dst(%arg11 : memref<80x640xf32, #tpu.memory_space<vmem>>)
      %dma_wait3A_121 = arith.constant 0 : i32
      %dma_wait3A_122 = arith.constant 0 : i32
      %dma_wait3A_123 = tpu.memref_slice %arg6[%dma_wait3A_121, %dma_wait3A_122] : memref<10000x128xf32, #tpu.memory_space<hbm>> -> memref<10000x128xf32, #tpu.memory_space<hbm>>
      tpu.wait_indirect_dma semaphore(%arg17 : memref<!tpu.dma_semaphore, #tpu.memory_space<semaphore_mem>>) src(%dma_wait3A_123 : memref<10000x128xf32, #tpu.memory_space<hbm>>) dst(%arg13 : memref<80x128xf32, #tpu.memory_space<vmem>>)
      %scan3A_124 = arith.constant 0 : i32
      %scan3A_125 = arith.constant 0 : i32
      %scan3A_126 = arith.constant 80 : i32
      %scan3A_127 = arith.addi %scan3A_125, %scan3A_126 : i32
      %scan3A_128 = arith.constant 1 : i32
      scf.for %scan3A_130 = %scan3A_125 to %scan3A_127 step %scan3A_128  : i32 {
        %get3A_131 = arith.index_cast %scan3A_130 : i32 to index
        %get3A_132 = arith.constant 0 : index
        %get3A_133 = tpu.vector_load %arg12[%get3A_131, %get3A_132] {strides = array<i32>} : memref<80x16xf32, #tpu.memory_space<vmem>>, vector<16xf32>,
        %get3A_134 = arith.index_cast %scan3A_130 : i32 to index
        %get3A_135 = arith.constant 0 : index
        %get3A_136 = tpu.vector_load %arg13[%get3A_134, %get3A_135] {strides = array<i32>} : memref<80x128xf32, #tpu.memory_space<vmem>>, vector<16xf32>,
        %mul3A_137 = arith.mulf %get3A_133, %get3A_136 : vector<16xf32>
        %slice3A = vector.extract_strided_slice %mul3A_137 {offsets = [0], sizes = [1], strides = [1]} : vector<16xf32> to vector<1xf32>
        %squeeze3A = vector.extract %slice3A[0] : f32 from vector<1xf32>
        %slice3A_138 = vector.extract_strided_slice %mul3A_137 {offsets = [1], sizes = [1], strides = [1]} : vector<16xf32> to vector<1xf32>
        %squeeze3A_139 = vector.extract %slice3A_138[0] : f32 from vector<1xf32>
        %slice3A_140 = vector.extract_strided_slice %mul3A_137 {offsets = [2], sizes = [1], strides = [1]} : vector<16xf32> to vector<1xf32>
        %squeeze3A_141 = vector.extract %slice3A_140[0] : f32 from vector<1xf32>
        %slice3A_142 = vector.extract_strided_slice %mul3A_137 {offsets = [3], sizes = [1], strides = [1]} : vector<16xf32> to vector<1xf32>
        %squeeze3A_143 = vector.extract %slice3A_142[0] : f32 from vector<1xf32>
        %slice3A_144 = vector.extract_strided_slice %mul3A_137 {offsets = [4], sizes = [1], strides = [1]} : vector<16xf32> to vector<1xf32>
        %squeeze3A_145 = vector.extract %slice3A_144[0] : f32 from vector<1xf32>
        %get3A_146 = arith.index_cast %scan3A_130 : i32 to index
        %get3A_147 = arith.constant 0 : index
        %get3A_148 = tpu.vector_load %arg11[%get3A_146, %get3A_147] {strides = array<i32>} : memref<80x640xf32, #tpu.memory_space<vmem>>, vector<16xf32>,
        %mul3A_149 = vector.broadcast %squeeze3A : f32 to vector<16xf32>
        %mul3A_150 = arith.mulf %mul3A_149, %get3A_148 : vector<16xf32>
        %get3A_151 = arith.index_cast %scan3A_130 : i32 to index
        %get3A_152 = arith.constant 128 : index
        %get3A_153 = tpu.vector_load %arg11[%get3A_151, %get3A_152] {strides = array<i32>} : memref<80x640xf32, #tpu.memory_space<vmem>>, vector<16xf32>,
        %mul3A_154 = vector.broadcast %squeeze3A_139 : f32 to vector<16xf32>
        %mul3A_155 = arith.mulf %mul3A_154, %get3A_153 : vector<16xf32>
        %add3A_156 = arith.addf %mul3A_150, %mul3A_155 : vector<16xf32>
        %get3A_157 = arith.index_cast %scan3A_130 : i32 to index
        %get3A_158 = arith.constant 256 : index
        %get3A_159 = tpu.vector_load %arg11[%get3A_157, %get3A_158] {strides = array<i32>} : memref<80x640xf32, #tpu.memory_space<vmem>>, vector<16xf32>,
        %mul3A_160 = vector.broadcast %squeeze3A_141 : f32 to vector<16xf32>
        %mul3A_161 = arith.mulf %mul3A_160, %get3A_159 : vector<16xf32>
        %add3A_162 = arith.addf %add3A_156, %mul3A_161 : vector<16xf32>
        %get3A_163 = arith.index_cast %scan3A_130 : i32 to index
        %get3A_164 = arith.constant 384 : index
        %get3A_165 = tpu.vector_load %arg11[%get3A_163, %get3A_164] {strides = array<i32>} : memref<80x640xf32, #tpu.memory_space<vmem>>, vector<16xf32>,
        %mul3A_166 = vector.broadcast %squeeze3A_143 : f32 to vector<16xf32>
        %mul3A_167 = arith.mulf %mul3A_166, %get3A_165 : vector<16xf32>
        %add3A_168 = arith.addf %add3A_162, %mul3A_167 : vector<16xf32>
        %get3A_169 = arith.index_cast %scan3A_130 : i32 to index
        %get3A_170 = arith.constant 512 : index
        %get3A_171 = tpu.vector_load %arg11[%get3A_169, %get3A_170] {strides = array<i32>} : memref<80x640xf32, #tpu.memory_space<vmem>>, vector<16xf32>,
        %mul3A_172 = vector.broadcast %squeeze3A_145 : f32 to vector<16xf32>
        %mul3A_173 = arith.mulf %mul3A_172, %get3A_171 : vector<16xf32>
        %add3A_174 = arith.addf %add3A_168, %mul3A_173 : vector<16xf32>
        %swap3A_175 = arith.index_cast %scan3A_130 : i32 to index
        %swap3A_176 = arith.constant 0 : index
        %swap3A_177 = tpu.vector_load %arg14[%swap3A_175, %swap3A_176] {strides = array<i32>} : memref<80x128xf32, #tpu.memory_space<vmem>>, vector<16xf32>,
        tpu.vector_store %arg14[%swap3A_175, %swap3A_176], %add3A_174 {strides = array<i32>} : memref<80x128xf32, #tpu.memory_space<vmem>>, vector<16xf32>,
        %get3A_178 = arith.index_cast %scan3A_130 : i32 to index
        %get3A_179 = arith.constant 16 : index
        %get3A_180 = tpu.vector_load %arg11[%get3A_178, %get3A_179] {strides = array<i32>} : memref<80x640xf32, #tpu.memory_space<vmem>>, vector<16xf32>,
        %mul3A_181 = vector.broadcast %squeeze3A : f32 to vector<16xf32>
        %mul3A_182 = arith.mulf %mul3A_181, %get3A_180 : vector<16xf32>
        %get3A_183 = arith.index_cast %scan3A_130 : i32 to index
        %get3A_184 = arith.constant 144 : index
        %get3A_185 = tpu.vector_load %arg11[%get3A_183, %get3A_184] {strides = array<i32>} : memref<80x640xf32, #tpu.memory_space<vmem>>, vector<16xf32>,
        %mul3A_186 = vector.broadcast %squeeze3A_139 : f32 to vector<16xf32>
        %mul3A_187 = arith.mulf %mul3A_186, %get3A_185 : vector<16xf32>
        %add3A_188 = arith.addf %mul3A_182, %mul3A_187 : vector<16xf32>
        %get3A_189 = arith.index_cast %scan3A_130 : i32 to index
        %get3A_190 = arith.constant 272 : index
        %get3A_191 = tpu.vector_load %arg11[%get3A_189, %get3A_190] {strides = array<i32>} : memref<80x640xf32, #tpu.memory_space<vmem>>, vector<16xf32>,
        %mul3A_192 = vector.broadcast %squeeze3A_141 : f32 to vector<16xf32>
        %mul3A_193 = arith.mulf %mul3A_192, %get3A_191 : vector<16xf32>
        %add3A_194 = arith.addf %add3A_188, %mul3A_193 : vector<16xf32>
        %get3A_195 = arith.index_cast %scan3A_130 : i32 to index
        %get3A_196 = arith.constant 400 : index
        %get3A_197 = tpu.vector_load %arg11[%get3A_195, %get3A_196] {strides = array<i32>} : memref<80x640xf32, #tpu.memory_space<vmem>>, vector<16xf32>,
        %mul3A_198 = vector.broadcast %squeeze3A_143 : f32 to vector<16xf32>
        %mul3A_199 = arith.mulf %mul3A_198, %get3A_197 : vector<16xf32>
        %add3A_200 = arith.addf %add3A_194, %mul3A_199 : vector<16xf32>
        %get3A_201 = arith.index_cast %scan3A_130 : i32 to index
        %get3A_202 = arith.constant 528 : index
        %get3A_203 = tpu.vector_load %arg11[%get3A_201, %get3A_202] {strides = array<i32>} : memref<80x640xf32, #tpu.memory_space<vmem>>, vector<16xf32>,
        %mul3A_204 = vector.broadcast %squeeze3A_145 : f32 to vector<16xf32>
        %mul3A_205 = arith.mulf %mul3A_204, %get3A_203 : vector<16xf32>
        %add3A_206 = arith.addf %add3A_200, %mul3A_205 : vector<16xf32>
        %swap3A_207 = arith.index_cast %scan3A_130 : i32 to index
        %swap3A_208 = arith.constant 16 : index
        %swap3A_209 = tpu.vector_load %arg14[%swap3A_207, %swap3A_208] {strides = array<i32>} : memref<80x128xf32, #tpu.memory_space<vmem>>, vector<16xf32>,
        tpu.vector_store %arg14[%swap3A_207, %swap3A_208], %add3A_206 {strides = array<i32>} : memref<80x128xf32, #tpu.memory_space<vmem>>, vector<16xf32>,
        %get3A_210 = arith.index_cast %scan3A_130 : i32 to index
        %get3A_211 = arith.constant 32 : index
        %get3A_212 = tpu.vector_load %arg11[%get3A_210, %get3A_211] {strides = array<i32>} : memref<80x640xf32, #tpu.memory_space<vmem>>, vector<16xf32>,
        %mul3A_213 = vector.broadcast %squeeze3A : f32 to vector<16xf32>
        %mul3A_214 = arith.mulf %mul3A_213, %get3A_212 : vector<16xf32>
        %get3A_215 = arith.index_cast %scan3A_130 : i32 to index
        %get3A_216 = arith.constant 160 : index
        %get3A_217 = tpu.vector_load %arg11[%get3A_215, %get3A_216] {strides = array<i32>} : memref<80x640xf32, #tpu.memory_space<vmem>>, vector<16xf32>,
        %mul3A_218 = vector.broadcast %squeeze3A_139 : f32 to vector<16xf32>
        %mul3A_219 = arith.mulf %mul3A_218, %get3A_217 : vector<16xf32>
        %add3A_220 = arith.addf %mul3A_214, %mul3A_219 : vector<16xf32>
        %get3A_221 = arith.index_cast %scan3A_130 : i32 to index
        %get3A_222 = arith.constant 288 : index
        %get3A_223 = tpu.vector_load %arg11[%get3A_221, %get3A_222] {strides = array<i32>} : memref<80x640xf32, #tpu.memory_space<vmem>>, vector<16xf32>,
        %mul3A_224 = vector.broadcast %squeeze3A_141 : f32 to vector<16xf32>
        %mul3A_225 = arith.mulf %mul3A_224, %get3A_223 : vector<16xf32>
        %add3A_226 = arith.addf %add3A_220, %mul3A_225 : vector<16xf32>
        %get3A_227 = arith.index_cast %scan3A_130 : i32 to index
        %get3A_228 = arith.constant 416 : index
        %get3A_229 = tpu.vector_load %arg11[%get3A_227, %get3A_228] {strides = array<i32>} : memref<80x640xf32, #tpu.memory_space<vmem>>, vector<16xf32>,
        %mul3A_230 = vector.broadcast %squeeze3A_143 : f32 to vector<16xf32>
        %mul3A_231 = arith.mulf %mul3A_230, %get3A_229 : vector<16xf32>
        %add3A_232 = arith.addf %add3A_226, %mul3A_231 : vector<16xf32>
        %get3A_233 = arith.index_cast %scan3A_130 : i32 to index
        %get3A_234 = arith.constant 544 : index
        %get3A_235 = tpu.vector_load %arg11[%get3A_233, %get3A_234] {strides = array<i32>} : memref<80x640xf32, #tpu.memory_space<vmem>>, vector<16xf32>,
        %mul3A_236 = vector.broadcast %squeeze3A_145 : f32 to vector<16xf32>
        %mul3A_237 = arith.mulf %mul3A_236, %get3A_235 : vector<16xf32>
        %add3A_238 = arith.addf %add3A_232, %mul3A_237 : vector<16xf32>
        %swap3A_239 = arith.index_cast %scan3A_130 : i32 to index
        %swap3A_240 = arith.constant 32 : index
        %swap3A_241 = tpu.vector_load %arg14[%swap3A_239, %swap3A_240] {strides = array<i32>} : memref<80x128xf32, #tpu.memory_space<vmem>>, vector<16xf32>,
        tpu.vector_store %arg14[%swap3A_239, %swap3A_240], %add3A_238 {strides = array<i32>} : memref<80x128xf32, #tpu.memory_space<vmem>>, vector<16xf32>,
        %get3A_242 = arith.index_cast %scan3A_130 : i32 to index
        %get3A_243 = arith.constant 48 : index
        %get3A_244 = tpu.vector_load %arg11[%get3A_242, %get3A_243] {strides = array<i32>} : memref<80x640xf32, #tpu.memory_space<vmem>>, vector<16xf32>,
        %mul3A_245 = vector.broadcast %squeeze3A : f32 to vector<16xf32>
        %mul3A_246 = arith.mulf %mul3A_245, %get3A_244 : vector<16xf32>
        %get3A_247 = arith.index_cast %scan3A_130 : i32 to index
        %get3A_248 = arith.constant 176 : index
        %get3A_249 = tpu.vector_load %arg11[%get3A_247, %get3A_248] {strides = array<i32>} : memref<80x640xf32, #tpu.memory_space<vmem>>, vector<16xf32>,
        %mul3A_250 = vector.broadcast %squeeze3A_139 : f32 to vector<16xf32>
        %mul3A_251 = arith.mulf %mul3A_250, %get3A_249 : vector<16xf32>
        %add3A_252 = arith.addf %mul3A_246, %mul3A_251 : vector<16xf32>
        %get3A_253 = arith.index_cast %scan3A_130 : i32 to index
        %get3A_254 = arith.constant 304 : index
        %get3A_255 = tpu.vector_load %arg11[%get3A_253, %get3A_254] {strides = array<i32>} : memref<80x640xf32, #tpu.memory_space<vmem>>, vector<16xf32>,
        %mul3A_256 = vector.broadcast %squeeze3A_141 : f32 to vector<16xf32>
        %mul3A_257 = arith.mulf %mul3A_256, %get3A_255 : vector<16xf32>
        %add3A_258 = arith.addf %add3A_252, %mul3A_257 : vector<16xf32>
        %get3A_259 = arith.index_cast %scan3A_130 : i32 to index
        %get3A_260 = arith.constant 432 : index
        %get3A_261 = tpu.vector_load %arg11[%get3A_259, %get3A_260] {strides = array<i32>} : memref<80x640xf32, #tpu.memory_space<vmem>>, vector<16xf32>,
        %mul3A_262 = vector.broadcast %squeeze3A_143 : f32 to vector<16xf32>
        %mul3A_263 = arith.mulf %mul3A_262, %get3A_261 : vector<16xf32>
        %add3A_264 = arith.addf %add3A_258, %mul3A_263 : vector<16xf32>
        %get3A_265 = arith.index_cast %scan3A_130 : i32 to index
        %get3A_266 = arith.constant 560 : index
        %get3A_267 = tpu.vector_load %arg11[%get3A_265, %get3A_266] {strides = array<i32>} : memref<80x640xf32, #tpu.memory_space<vmem>>, vector<16xf32>,
        %mul3A_268 = vector.broadcast %squeeze3A_145 : f32 to vector<16xf32>
        %mul3A_269 = arith.mulf %mul3A_268, %get3A_267 : vector<16xf32>
        %add3A_270 = arith.addf %add3A_264, %mul3A_269 : vector<16xf32>
        %swap3A_271 = arith.index_cast %scan3A_130 : i32 to index
        %swap3A_272 = arith.constant 48 : index
        %swap3A_273 = tpu.vector_load %arg14[%swap3A_271, %swap3A_272] {strides = array<i32>} : memref<80x128xf32, #tpu.memory_space<vmem>>, vector<16xf32>,
        tpu.vector_store %arg14[%swap3A_271, %swap3A_272], %add3A_270 {strides = array<i32>} : memref<80x128xf32, #tpu.memory_space<vmem>>, vector<16xf32>,
        %get3A_274 = arith.index_cast %scan3A_130 : i32 to index
        %get3A_275 = arith.constant 64 : index
        %get3A_276 = tpu.vector_load %arg11[%get3A_274, %get3A_275] {strides = array<i32>} : memref<80x640xf32, #tpu.memory_space<vmem>>, vector<16xf32>,
        %mul3A_277 = vector.broadcast %squeeze3A : f32 to vector<16xf32>
        %mul3A_278 = arith.mulf %mul3A_277, %get3A_276 : vector<16xf32>
        %get3A_279 = arith.index_cast %scan3A_130 : i32 to index
        %get3A_280 = arith.constant 192 : index
        %get3A_281 = tpu.vector_load %arg11[%get3A_279, %get3A_280] {strides = array<i32>} : memref<80x640xf32, #tpu.memory_space<vmem>>, vector<16xf32>,
        %mul3A_282 = vector.broadcast %squeeze3A_139 : f32 to vector<16xf32>
        %mul3A_283 = arith.mulf %mul3A_282, %get3A_281 : vector<16xf32>
        %add3A_284 = arith.addf %mul3A_278, %mul3A_283 : vector<16xf32>
        %get3A_285 = arith.index_cast %scan3A_130 : i32 to index
        %get3A_286 = arith.constant 320 : index
        %get3A_287 = tpu.vector_load %arg11[%get3A_285, %get3A_286] {strides = array<i32>} : memref<80x640xf32, #tpu.memory_space<vmem>>, vector<16xf32>,
        %mul3A_288 = vector.broadcast %squeeze3A_141 : f32 to vector<16xf32>
        %mul3A_289 = arith.mulf %mul3A_288, %get3A_287 : vector<16xf32>
        %add3A_290 = arith.addf %add3A_284, %mul3A_289 : vector<16xf32>
        %get3A_291 = arith.index_cast %scan3A_130 : i32 to index
        %get3A_292 = arith.constant 448 : index
        %get3A_293 = tpu.vector_load %arg11[%get3A_291, %get3A_292] {strides = array<i32>} : memref<80x640xf32, #tpu.memory_space<vmem>>, vector<16xf32>,
        %mul3A_294 = vector.broadcast %squeeze3A_143 : f32 to vector<16xf32>
        %mul3A_295 = arith.mulf %mul3A_294, %get3A_293 : vector<16xf32>
        %add3A_296 = arith.addf %add3A_290, %mul3A_295 : vector<16xf32>
        %get3A_297 = arith.index_cast %scan3A_130 : i32 to index
        %get3A_298 = arith.constant 576 : index
        %get3A_299 = tpu.vector_load %arg11[%get3A_297, %get3A_298] {strides = array<i32>} : memref<80x640xf32, #tpu.memory_space<vmem>>, vector<16xf32>,
        %mul3A_300 = vector.broadcast %squeeze3A_145 : f32 to vector<16xf32>
        %mul3A_301 = arith.mulf %mul3A_300, %get3A_299 : vector<16xf32>
        %add3A_302 = arith.addf %add3A_296, %mul3A_301 : vector<16xf32>
        %swap3A_303 = arith.index_cast %scan3A_130 : i32 to index
        %swap3A_304 = arith.constant 64 : index
        %swap3A_305 = tpu.vector_load %arg14[%swap3A_303, %swap3A_304] {strides = array<i32>} : memref<80x128xf32, #tpu.memory_space<vmem>>, vector<16xf32>,
        tpu.vector_store %arg14[%swap3A_303, %swap3A_304], %add3A_302 {strides = array<i32>} : memref<80x128xf32, #tpu.memory_space<vmem>>, vector<16xf32>,
        %get3A_306 = arith.index_cast %scan3A_130 : i32 to index
        %get3A_307 = arith.constant 80 : index
        %get3A_308 = tpu.vector_load %arg11[%get3A_306, %get3A_307] {strides = array<i32>} : memref<80x640xf32, #tpu.memory_space<vmem>>, vector<16xf32>,
        %mul3A_309 = vector.broadcast %squeeze3A : f32 to vector<16xf32>
        %mul3A_310 = arith.mulf %mul3A_309, %get3A_308 : vector<16xf32>
        %get3A_311 = arith.index_cast %scan3A_130 : i32 to index
        %get3A_312 = arith.constant 208 : index
        %get3A_313 = tpu.vector_load %arg11[%get3A_311, %get3A_312] {strides = array<i32>} : memref<80x640xf32, #tpu.memory_space<vmem>>, vector<16xf32>,
        %mul3A_314 = vector.broadcast %squeeze3A_139 : f32 to vector<16xf32>
        %mul3A_315 = arith.mulf %mul3A_314, %get3A_313 : vector<16xf32>
        %add3A_316 = arith.addf %mul3A_310, %mul3A_315 : vector<16xf32>
        %get3A_317 = arith.index_cast %scan3A_130 : i32 to index
        %get3A_318 = arith.constant 336 : index
        %get3A_319 = tpu.vector_load %arg11[%get3A_317, %get3A_318] {strides = array<i32>} : memref<80x640xf32, #tpu.memory_space<vmem>>, vector<16xf32>,
        %mul3A_320 = vector.broadcast %squeeze3A_141 : f32 to vector<16xf32>
        %mul3A_321 = arith.mulf %mul3A_320, %get3A_319 : vector<16xf32>
        %add3A_322 = arith.addf %add3A_316, %mul3A_321 : vector<16xf32>
        %get3A_323 = arith.index_cast %scan3A_130 : i32 to index
        %get3A_324 = arith.constant 464 : index
        %get3A_325 = tpu.vector_load %arg11[%get3A_323, %get3A_324] {strides = array<i32>} : memref<80x640xf32, #tpu.memory_space<vmem>>, vector<16xf32>,
        %mul3A_326 = vector.broadcast %squeeze3A_143 : f32 to vector<16xf32>
        %mul3A_327 = arith.mulf %mul3A_326, %get3A_325 : vector<16xf32>
        %add3A_328 = arith.addf %add3A_322, %mul3A_327 : vector<16xf32>
        %get3A_329 = arith.index_cast %scan3A_130 : i32 to index
        %get3A_330 = arith.constant 592 : index
        %get3A_331 = tpu.vector_load %arg11[%get3A_329, %get3A_330] {strides = array<i32>} : memref<80x640xf32, #tpu.memory_space<vmem>>, vector<16xf32>,
        %mul3A_332 = vector.broadcast %squeeze3A_145 : f32 to vector<16xf32>
        %mul3A_333 = arith.mulf %mul3A_332, %get3A_331 : vector<16xf32>
        %add3A_334 = arith.addf %add3A_328, %mul3A_333 : vector<16xf32>
        %swap3A_335 = arith.index_cast %scan3A_130 : i32 to index
        %swap3A_336 = arith.constant 80 : index
        %swap3A_337 = tpu.vector_load %arg14[%swap3A_335, %swap3A_336] {strides = array<i32>} : memref<80x128xf32, #tpu.memory_space<vmem>>, vector<16xf32>,
        tpu.vector_store %arg14[%swap3A_335, %swap3A_336], %add3A_334 {strides = array<i32>} : memref<80x128xf32, #tpu.memory_space<vmem>>, vector<16xf32>,
        %get3A_338 = arith.index_cast %scan3A_130 : i32 to index
        %get3A_339 = arith.constant 96 : index
        %get3A_340 = tpu.vector_load %arg11[%get3A_338, %get3A_339] {strides = array<i32>} : memref<80x640xf32, #tpu.memory_space<vmem>>, vector<16xf32>,
        %mul3A_341 = vector.broadcast %squeeze3A : f32 to vector<16xf32>
        %mul3A_342 = arith.mulf %mul3A_341, %get3A_340 : vector<16xf32>
        %get3A_343 = arith.index_cast %scan3A_130 : i32 to index
        %get3A_344 = arith.constant 224 : index
        %get3A_345 = tpu.vector_load %arg11[%get3A_343, %get3A_344] {strides = array<i32>} : memref<80x640xf32, #tpu.memory_space<vmem>>, vector<16xf32>,
        %mul3A_346 = vector.broadcast %squeeze3A_139 : f32 to vector<16xf32>
        %mul3A_347 = arith.mulf %mul3A_346, %get3A_345 : vector<16xf32>
        %add3A_348 = arith.addf %mul3A_342, %mul3A_347 : vector<16xf32>
        %get3A_349 = arith.index_cast %scan3A_130 : i32 to index
        %get3A_350 = arith.constant 352 : index
        %get3A_351 = tpu.vector_load %arg11[%get3A_349, %get3A_350] {strides = array<i32>} : memref<80x640xf32, #tpu.memory_space<vmem>>, vector<16xf32>,
        %mul3A_352 = vector.broadcast %squeeze3A_141 : f32 to vector<16xf32>
        %mul3A_353 = arith.mulf %mul3A_352, %get3A_351 : vector<16xf32>
        %add3A_354 = arith.addf %add3A_348, %mul3A_353 : vector<16xf32>
        %get3A_355 = arith.index_cast %scan3A_130 : i32 to index
        %get3A_356 = arith.constant 480 : index
        %get3A_357 = tpu.vector_load %arg11[%get3A_355, %get3A_356] {strides = array<i32>} : memref<80x640xf32, #tpu.memory_space<vmem>>, vector<16xf32>,
        %mul3A_358 = vector.broadcast %squeeze3A_143 : f32 to vector<16xf32>
        %mul3A_359 = arith.mulf %mul3A_358, %get3A_357 : vector<16xf32>
        %add3A_360 = arith.addf %add3A_354, %mul3A_359 : vector<16xf32>
        %get3A_361 = arith.index_cast %scan3A_130 : i32 to index
        %get3A_362 = arith.constant 608 : index
        %get3A_363 = tpu.vector_load %arg11[%get3A_361, %get3A_362] {strides = array<i32>} : memref<80x640xf32, #tpu.memory_space<vmem>>, vector<16xf32>,
        %mul3A_364 = vector.broadcast %squeeze3A_145 : f32 to vector<16xf32>
        %mul3A_365 = arith.mulf %mul3A_364, %get3A_363 : vector<16xf32>
        %add3A_366 = arith.addf %add3A_360, %mul3A_365 : vector<16xf32>
        %swap3A_367 = arith.index_cast %scan3A_130 : i32 to index
        %swap3A_368 = arith.constant 96 : index
        %swap3A_369 = tpu.vector_load %arg14[%swap3A_367, %swap3A_368] {strides = array<i32>} : memref<80x128xf32, #tpu.memory_space<vmem>>, vector<16xf32>,
        tpu.vector_store %arg14[%swap3A_367, %swap3A_368], %add3A_366 {strides = array<i32>} : memref<80x128xf32, #tpu.memory_space<vmem>>, vector<16xf32>,
        %get3A_370 = arith.index_cast %scan3A_130 : i32 to index
        %get3A_371 = arith.constant 112 : index
        %get3A_372 = tpu.vector_load %arg11[%get3A_370, %get3A_371] {strides = array<i32>} : memref<80x640xf32, #tpu.memory_space<vmem>>, vector<16xf32>,
        %mul3A_373 = vector.broadcast %squeeze3A : f32 to vector<16xf32>
        %mul3A_374 = arith.mulf %mul3A_373, %get3A_372 : vector<16xf32>
        %get3A_375 = arith.index_cast %scan3A_130 : i32 to index
        %get3A_376 = arith.constant 240 : index
        %get3A_377 = tpu.vector_load %arg11[%get3A_375, %get3A_376] {strides = array<i32>} : memref<80x640xf32, #tpu.memory_space<vmem>>, vector<16xf32>,
        %mul3A_378 = vector.broadcast %squeeze3A_139 : f32 to vector<16xf32>
        %mul3A_379 = arith.mulf %mul3A_378, %get3A_377 : vector<16xf32>
        %add3A_380 = arith.addf %mul3A_374, %mul3A_379 : vector<16xf32>
        %get3A_381 = arith.index_cast %scan3A_130 : i32 to index
        %get3A_382 = arith.constant 368 : index
        %get3A_383 = tpu.vector_load %arg11[%get3A_381, %get3A_382] {strides = array<i32>} : memref<80x640xf32, #tpu.memory_space<vmem>>, vector<16xf32>,
        %mul3A_384 = vector.broadcast %squeeze3A_141 : f32 to vector<16xf32>
        %mul3A_385 = arith.mulf %mul3A_384, %get3A_383 : vector<16xf32>
        %add3A_386 = arith.addf %add3A_380, %mul3A_385 : vector<16xf32>
        %get3A_387 = arith.index_cast %scan3A_130 : i32 to index
        %get3A_388 = arith.constant 496 : index
        %get3A_389 = tpu.vector_load %arg11[%get3A_387, %get3A_388] {strides = array<i32>} : memref<80x640xf32, #tpu.memory_space<vmem>>, vector<16xf32>,
        %mul3A_390 = vector.broadcast %squeeze3A_143 : f32 to vector<16xf32>
        %mul3A_391 = arith.mulf %mul3A_390, %get3A_389 : vector<16xf32>
        %add3A_392 = arith.addf %add3A_386, %mul3A_391 : vector<16xf32>
        %get3A_393 = arith.index_cast %scan3A_130 : i32 to index
        %get3A_394 = arith.constant 624 : index
        %get3A_395 = tpu.vector_load %arg11[%get3A_393, %get3A_394] {strides = array<i32>} : memref<80x640xf32, #tpu.memory_space<vmem>>, vector<16xf32>,
        %mul3A_396 = vector.broadcast %squeeze3A_145 : f32 to vector<16xf32>
        %mul3A_397 = arith.mulf %mul3A_396, %get3A_395 : vector<16xf32>
        %add3A_398 = arith.addf %add3A_392, %mul3A_397 : vector<16xf32>
        %swap3A_399 = arith.index_cast %scan3A_130 : i32 to index
        %swap3A_400 = arith.constant 112 : index
        %swap3A_401 = tpu.vector_load %arg14[%swap3A_399, %swap3A_400] {strides = array<i32>} : memref<80x128xf32, #tpu.memory_space<vmem>>, vector<16xf32>,
        tpu.vector_store %arg14[%swap3A_399, %swap3A_400], %add3A_398 {strides = array<i32>} : memref<80x128xf32, #tpu.memory_space<vmem>>, vector<16xf32>,
      }
      %scan3A_129 = arith.constant 80 : i32
      "tpu.region"() ({
        %run_scoped3A = tpu.sem_alloc : memref<!tpu.dma_semaphore, #tpu.memory_space<semaphore_mem>>
        %dma_start3A_130 = arith.constant 0 : i32
        %dma_start3A_131 = arith.constant 0 : i32
        %dma_start3A_132 = tpu.memref_slice %arg15[%dma_start3A_130, %dma_start3A_131] : memref<5248x128xf32, #tpu.memory_space<vmem_shared>> -> memref<5248x128xf32, #tpu.memory_space<vmem_shared>>
        tpu.enqueue_indirect_dma source(%arg14 : memref<80x128xf32, #tpu.memory_space<vmem>>) target(%dma_start3A_132 : memref<5248x128xf32, #tpu.memory_space<vmem_shared>>) offsets(%arg10 : memref<80xi32, #tpu.memory_space<vmem>>) semaphore(%run_scoped3A : memref<!tpu.dma_semaphore, #tpu.memory_space<semaphore_mem>>) {add = true}
        %dma_wait3A_133 = arith.constant 0 : i32
        %dma_wait3A_134 = arith.constant 0 : i32
        %dma_wait3A_135 = tpu.memref_slice %arg15[%dma_wait3A_133, %dma_wait3A_134] : memref<5248x128xf32, #tpu.memory_space<vmem_shared>> -> memref<5248x128xf32, #tpu.memory_space<vmem_shared>>
        tpu.wait_indirect_dma semaphore(%run_scoped3A : memref<!tpu.dma_semaphore, #tpu.memory_space<semaphore_mem>>) src(%arg14 : memref<80x128xf32, #tpu.memory_space<vmem>>) dst(%dma_wait3A_135 : memref<5248x128xf32, #tpu.memory_space<vmem_shared>>)
        tpu.yield
      }) : () -> ()
    }
    %scan3A_32 = arith.constant 250 : i32
    %barrier3A_33 = arith.constant 0 : index
    tpu.barrier barrier_id(%barrier3A_33)
    %mul3A_34 = arith.constant 320 : i32
    %mul3A_35 = arith.muli %arg1, %mul3A_34 : i32
    %mul3A_36 = arith.constant 320 : i32
    %mul3A_37 = arith.muli %arg1, %mul3A_36 : i32
    %add3A_38 = arith.addi %mul3A_2, %mul3A_37 : i32
    "tpu.region"() ({
      %run_scoped3A = tpu.sem_alloc : memref<!tpu.dma_semaphore, #tpu.memory_space<semaphore_mem>>
      %dma_start3A = arith.constant 0 : i32
      %dma_start3A_39 = tpu.memref_slice %arg7[%add3A_38, %dma_start3A] : memref<10240x128xf32, #tpu.memory_space<hbm>> -> memref<320x128xf32, #tpu.memory_space<hbm>>
      %dma_start3A_40 = arith.constant 0 : i32
      %dma_start3A_41 = tpu.memref_slice %arg15[%mul3A_35, %dma_start3A_40] : memref<5248x128xf32, #tpu.memory_space<vmem_shared>> -> memref<320x128xf32, #tpu.memory_space<vmem_shared>>
      tpu.enqueue_dma source(%dma_start3A_41 : memref<320x128xf32, #tpu.memory_space<vmem_shared>>) target(%dma_start3A_39 : memref<320x128xf32, #tpu.memory_space<hbm>>) target_semaphore(%run_scoped3A : memref<!tpu.dma_semaphore, #tpu.memory_space<semaphore_mem>>)
      %dma_wait3A = arith.constant 0 : i32
      %dma_wait3A_42 = tpu.memref_slice %arg7[%add3A_38, %dma_wait3A] : memref<10240x128xf32, #tpu.memory_space<hbm>> -> memref<320x128xf32, #tpu.memory_space<hbm>>
      %dma_wait3A_43 = arith.constant 0 : i32
      %dma_wait3A_44 = tpu.memref_slice %arg15[%mul3A_35, %dma_wait3A_43] : memref<5248x128xf32, #tpu.memory_space<vmem_shared>> -> memref<320x128xf32, #tpu.memory_space<vmem_shared>>
      tpu.wait_dma2 semaphore(%run_scoped3A : memref<!tpu.dma_semaphore, #tpu.memory_space<semaphore_mem>>) src(%dma_wait3A_44 : memref<320x128xf32, #tpu.memory_space<vmem_shared>>) dst(%dma_wait3A_42 : memref<320x128xf32, #tpu.memory_space<hbm>>)
      tpu.yield
    }) : () -> ()
    return
  }
}

module attributes {stable_mosaic.version = 14 : i64} {
  func.func @_pre_body(%arg0: i32, %arg1: memref<400x128xf32, #tpu.memory_space<vmem>>, %arg2: memref<128x640xf32, #tpu.memory_space<vmem>>, %arg3: memref<1x640xf32, #tpu.memory_space<vmem>>, %arg4: memref<128x640xf32, #tpu.memory_space<vmem>>, %arg5: memref<1x640xf32, #tpu.memory_space<vmem>>, %arg6: memref<1x640xf32, #tpu.memory_space<vmem>>, %arg7: memref<400x640xf32, #tpu.memory_space<vmem>>, %arg8: memref<400x640xf32, #tpu.memory_space<vmem>>, %arg9: memref<400x16xf32, #tpu.memory_space<vmem>>) attributes {dimension_semantics = [#tpu.dimension_semantics<arbitrary>], iteration_bounds = array<i64: 25>, scalar_prefetch = 0 : i64, scratch_operands = 0 : i64, tpu.core_type = #tpu.core_type<tc>, window_params = [{transform_indices = @transform_0, window_bounds = array<i64: 400, 128>}, {pipeline_mode = #tpu.pipeline_mode<synchronous>, transform_indices = @transform_1, window_bounds = array<i64: 128, 640>}, {pipeline_mode = #tpu.pipeline_mode<synchronous>, transform_indices = @transform_2, window_bounds = array<i64: 1, 640>}, {pipeline_mode = #tpu.pipeline_mode<synchronous>, transform_indices = @transform_3, window_bounds = array<i64: 128, 640>}, {pipeline_mode = #tpu.pipeline_mode<synchronous>, transform_indices = @transform_4, window_bounds = array<i64: 1, 640>}, {pipeline_mode = #tpu.pipeline_mode<synchronous>, transform_indices = @transform_5, window_bounds = array<i64: 1, 640>}, {transform_indices = @transform_6, window_bounds = array<i64: 400, 640>}, {transform_indices = @transform_7, window_bounds = array<i64: 400, 640>}, {transform_indices = @transform_8, window_bounds = array<i64: 400, 16>}]} {
    %get3A = arith.constant 0 : index
    %get3A_0 = arith.constant 0 : index
    %get3A_1 = vector.load %arg1[%get3A, %get3A_0] : memref<400x128xf32, #tpu.memory_space<vmem>>, vector<400x128xf32>
    %get3A_2 = arith.constant 0 : index
    %get3A_3 = arith.constant 0 : index
    %get3A_4 = vector.load %arg2[%get3A_2, %get3A_3] : memref<128x640xf32, #tpu.memory_space<vmem>>, vector<128x640xf32>
    %dot_general3A = arith.constant dense<0.000000e+00> : vector<400x640xf32>
    %dot_general3A_5 = tpu.matmul %get3A_1, %get3A_4, %dot_general3A {dimension_numbers = #tpu.dot_dimension_numbers<[1], [0], [0], [1], [0, 0, 1, 1], [], []>, transpose_lhs_hint = false} : vector<400x128xf32>, vector<128x640xf32>, vector<400x640xf32> -> vector<400x640xf32>
    %get3A_6 = arith.constant 0 : index
    %get3A_7 = arith.constant 0 : index
    %get3A_8 = vector.load %arg3[%get3A_6, %get3A_7] : memref<1x640xf32, #tpu.memory_space<vmem>>, vector<1x640xf32>
    %add3A = vector.broadcast %get3A_8 : vector<1x640xf32> to vector<400x640xf32>
    %add3A_9 = arith.addf %dot_general3A_5, %add3A : vector<400x640xf32>
    %get3A_10 = arith.constant 0 : index
    %get3A_11 = arith.constant 0 : index
    %get3A_12 = vector.load %arg4[%get3A_10, %get3A_11] : memref<128x640xf32, #tpu.memory_space<vmem>>, vector<128x640xf32>
    %dot_general3A_13 = arith.constant dense<0.000000e+00> : vector<400x640xf32>
    %dot_general3A_14 = tpu.matmul %get3A_1, %get3A_12, %dot_general3A_13 {dimension_numbers = #tpu.dot_dimension_numbers<[1], [0], [0], [1], [0, 0, 1, 1], [], []>, transpose_lhs_hint = false} : vector<400x128xf32>, vector<128x640xf32>, vector<400x640xf32> -> vector<400x640xf32>
    %get3A_15 = arith.constant 0 : index
    %get3A_16 = arith.constant 0 : index
    %get3A_17 = vector.load %arg5[%get3A_15, %get3A_16] : memref<1x640xf32, #tpu.memory_space<vmem>>, vector<1x640xf32>
    %add3A_18 = vector.broadcast %get3A_17 : vector<1x640xf32> to vector<400x640xf32>
    %add3A_19 = arith.addf %dot_general3A_14, %add3A_18 : vector<400x640xf32>
    %swap3A = arith.constant 0 : index
    %swap3A_20 = arith.constant 0 : index
    %swap3A_21 = vector.load %arg7[%swap3A, %swap3A_20] : memref<400x640xf32, #tpu.memory_space<vmem>>, vector<400x640xf32>
    tpu.vector_store %arg7[%swap3A, %swap3A_20], %add3A_9 {strides = array<i32>} : memref<400x640xf32, #tpu.memory_space<vmem>>, vector<400x640xf32>,
    %swap3A_22 = arith.constant 0 : index
    %swap3A_23 = arith.constant 0 : index
    %swap3A_24 = vector.load %arg8[%swap3A_22, %swap3A_23] : memref<400x640xf32, #tpu.memory_space<vmem>>, vector<400x640xf32>
    tpu.vector_store %arg8[%swap3A_22, %swap3A_23], %add3A_19 {strides = array<i32>} : memref<400x640xf32, #tpu.memory_space<vmem>>, vector<400x640xf32>,
    %add3A_25 = arith.addf %add3A_9, %add3A_19 : vector<400x640xf32>
    %mul3A = arith.constant 2.000000e-01 : f32
    %mul3A_26 = vector.broadcast %mul3A : f32 to vector<400x640xf32>
    %mul3A_27 = arith.mulf %mul3A_26, %add3A_25 : vector<400x640xf32>
    %max3A = arith.maximumf %add3A_25, %mul3A_27 : vector<400x640xf32>
    %get3A_28 = arith.constant 0 : index
    %get3A_29 = arith.constant 0 : index
    %get3A_30 = vector.load %arg6[%get3A_28, %get3A_29] : memref<1x640xf32, #tpu.memory_space<vmem>>, vector<1x640xf32>
    %mul3A_31 = vector.broadcast %get3A_30 : vector<1x640xf32> to vector<400x640xf32>
    %mul3A_32 = arith.mulf %max3A, %mul3A_31 : vector<400x640xf32>
    %slice3A = vector.extract_strided_slice %mul3A_32 {offsets = [0, 0], sizes = [400, 128], strides = [1, 1]} : vector<400x640xf32> to vector<400x128xf32>
    %reduce_sum3A = arith.constant dense<0.000000e+00> : vector<400xf32>
    %reduce_sum3A_33 = vector.multi_reduction <add>, %slice3A, %reduce_sum3A [1] : vector<400x128xf32> to vector<400xf32>
    %broadcast_in_dim3A = vector.shape_cast %reduce_sum3A_33 : vector<400xf32> to vector<400x1xf32>
    %exp3A = math.exp %broadcast_in_dim3A : vector<400x1xf32>
    %slice3A_34 = vector.extract_strided_slice %mul3A_32 {offsets = [0, 128], sizes = [400, 128], strides = [1, 1]} : vector<400x640xf32> to vector<400x128xf32>
    %reduce_sum3A_35 = arith.constant dense<0.000000e+00> : vector<400xf32>
    %reduce_sum3A_36 = vector.multi_reduction <add>, %slice3A_34, %reduce_sum3A_35 [1] : vector<400x128xf32> to vector<400xf32>
    %broadcast_in_dim3A_37 = vector.shape_cast %reduce_sum3A_36 : vector<400xf32> to vector<400x1xf32>
    %exp3A_38 = math.exp %broadcast_in_dim3A_37 : vector<400x1xf32>
    %slice3A_39 = vector.extract_strided_slice %mul3A_32 {offsets = [0, 256], sizes = [400, 128], strides = [1, 1]} : vector<400x640xf32> to vector<400x128xf32>
    %reduce_sum3A_40 = arith.constant dense<0.000000e+00> : vector<400xf32>
    %reduce_sum3A_41 = vector.multi_reduction <add>, %slice3A_39, %reduce_sum3A_40 [1] : vector<400x128xf32> to vector<400xf32>
    %broadcast_in_dim3A_42 = vector.shape_cast %reduce_sum3A_41 : vector<400xf32> to vector<400x1xf32>
    %exp3A_43 = math.exp %broadcast_in_dim3A_42 : vector<400x1xf32>
    %slice3A_44 = vector.extract_strided_slice %mul3A_32 {offsets = [0, 384], sizes = [400, 128], strides = [1, 1]} : vector<400x640xf32> to vector<400x128xf32>
    %reduce_sum3A_45 = arith.constant dense<0.000000e+00> : vector<400xf32>
    %reduce_sum3A_46 = vector.multi_reduction <add>, %slice3A_44, %reduce_sum3A_45 [1] : vector<400x128xf32> to vector<400xf32>
    %broadcast_in_dim3A_47 = vector.shape_cast %reduce_sum3A_46 : vector<400xf32> to vector<400x1xf32>
    %exp3A_48 = math.exp %broadcast_in_dim3A_47 : vector<400x1xf32>
    %slice3A_49 = vector.extract_strided_slice %mul3A_32 {offsets = [0, 512], sizes = [400, 128], strides = [1, 1]} : vector<400x640xf32> to vector<400x128xf32>
    %reduce_sum3A_50 = arith.constant dense<0.000000e+00> : vector<400xf32>
    %reduce_sum3A_51 = vector.multi_reduction <add>, %slice3A_49, %reduce_sum3A_50 [1] : vector<400x128xf32> to vector<400xf32>
    %broadcast_in_dim3A_52 = vector.shape_cast %reduce_sum3A_51 : vector<400xf32> to vector<400x1xf32>
    %exp3A_53 = math.exp %broadcast_in_dim3A_52 : vector<400x1xf32>
    %broadcast_in_dim3A_54 = arith.constant 0.000000e+00 : f32
    %broadcast_in_dim3A_55 = vector.broadcast %broadcast_in_dim3A_54 : f32 to vector<400x11xf32>
    %concatenate3A = tpu.concatenate %exp3A, %exp3A_38, %exp3A_43, %exp3A_48, %exp3A_53, %broadcast_in_dim3A_55 in 1 : vector<400x1xf32>, vector<400x1xf32>, vector<400x1xf32>, vector<400x1xf32>, vector<400x1xf32>, vector<400x11xf32> -> vector<400x16xf32>
    %swap3A_56 = arith.constant 0 : index
    %swap3A_57 = arith.constant 0 : index
    %swap3A_58 = vector.load %arg9[%swap3A_56, %swap3A_57] : memref<400x16xf32, #tpu.memory_space<vmem>>, vector<400x16xf32>
    tpu.vector_store %arg9[%swap3A_56, %swap3A_57], %concatenate3A {strides = array<i32>} : memref<400x16xf32, #tpu.memory_space<vmem>>, vector<400x16xf32>,
    return
  }
  func.func @transform_0(%arg0: i32) -> (i32, i32) {
    %c0_i32 = arith.constant 0 : i32
    %c0_i32_0 = arith.constant 0 : i32
    return %arg0, %c0_i32 : i32, i32
  }
  func.func @transform_1(%arg0: i32) -> (i32, i32) {
    %c0_i32 = arith.constant 0 : i32
    %c0_i32_0 = arith.constant 0 : i32
    %c0_i32_1 = arith.constant 0 : i32
    return %c0_i32, %c0_i32_0 : i32, i32
  }
  func.func @transform_2(%arg0: i32) -> (i32, i32) {
    %c0_i32 = arith.constant 0 : i32
    %c0_i32_0 = arith.constant 0 : i32
    %c0_i32_1 = arith.constant 0 : i32
    return %c0_i32, %c0_i32_0 : i32, i32
  }
  func.func @transform_3(%arg0: i32) -> (i32, i32) {
    %c0_i32 = arith.constant 0 : i32
    %c0_i32_0 = arith.constant 0 : i32
    %c0_i32_1 = arith.constant 0 : i32
    return %c0_i32, %c0_i32_0 : i32, i32
  }
  func.func @transform_4(%arg0: i32) -> (i32, i32) {
    %c0_i32 = arith.constant 0 : i32
    %c0_i32_0 = arith.constant 0 : i32
    %c0_i32_1 = arith.constant 0 : i32
    return %c0_i32, %c0_i32_0 : i32, i32
  }
  func.func @transform_5(%arg0: i32) -> (i32, i32) {
    %c0_i32 = arith.constant 0 : i32
    %c0_i32_0 = arith.constant 0 : i32
    %c0_i32_1 = arith.constant 0 : i32
    return %c0_i32, %c0_i32_0 : i32, i32
  }
  func.func @transform_6(%arg0: i32) -> (i32, i32) {
    %c0_i32 = arith.constant 0 : i32
    %c0_i32_0 = arith.constant 0 : i32
    return %arg0, %c0_i32 : i32, i32
  }
  func.func @transform_7(%arg0: i32) -> (i32, i32) {
    %c0_i32 = arith.constant 0 : i32
    %c0_i32_0 = arith.constant 0 : i32
    return %arg0, %c0_i32 : i32, i32
  }
  func.func @transform_8(%arg0: i32) -> (i32, i32) {
    %c0_i32 = arith.constant 0 : i32
    %c0_i32_0 = arith.constant 0 : i32
    return %arg0, %c0_i32 : i32, i32
  }
}

module attributes {stable_mosaic.version = 14 : i64} {
  func.func @_mid_body(%arg0: i32, %arg1: memref<80x16xf32, #tpu.memory_space<vmem>>, %arg2: memref<80x16xf32, #tpu.memory_space<vmem>>, %arg3: memref<80x16xf32, #tpu.memory_space<vmem>>, %arg4: memref<80x128xf32, #tpu.memory_space<vmem>>) attributes {dimension_semantics = [#tpu.dimension_semantics<arbitrary>], iteration_bounds = array<i64: 125>, scalar_prefetch = 0 : i64, scratch_operands = 0 : i64, tpu.core_type = #tpu.core_type<tc>, window_params = [{transform_indices = @transform_0, window_bounds = array<i64: 80, 16>}, {transform_indices = @transform_1, window_bounds = array<i64: 80, 16>}, {transform_indices = @transform_2, window_bounds = array<i64: 80, 16>}, {transform_indices = @transform_3, window_bounds = array<i64: 80, 128>}]} {
    %get3A = arith.constant 0 : index
    %get3A_0 = arith.constant 0 : index
    %get3A_1 = vector.load %arg1[%get3A, %get3A_0] : memref<80x16xf32, #tpu.memory_space<vmem>>, vector<80x16xf32>
    %get3A_2 = arith.constant 0 : index
    %get3A_3 = arith.constant 0 : index
    %get3A_4 = vector.load %arg2[%get3A_2, %get3A_3] : memref<80x16xf32, #tpu.memory_space<vmem>>, vector<80x16xf32>
    %add3A = arith.addf %get3A_1, %get3A_4 : vector<80x16xf32>
    %get3A_5 = arith.constant 0 : index
    %get3A_6 = arith.constant 0 : index
    %get3A_7 = vector.load %arg3[%get3A_5, %get3A_6] : memref<80x16xf32, #tpu.memory_space<vmem>>, vector<80x16xf32>
    %add3A_8 = arith.addf %add3A, %get3A_7 : vector<80x16xf32>
    %mul3A = arith.constant 5.000000e+00 : f32
    %mul3A_9 = vector.broadcast %mul3A : f32 to vector<80x16xf32>
    %mul3A_10 = arith.mulf %mul3A_9, %add3A_8 : vector<80x16xf32>
    %add3A_11 = arith.constant 5.000000e-16 : f32
    %add3A_12 = vector.broadcast %add3A_11 : f32 to vector<80x16xf32>
    %add3A_13 = arith.addf %mul3A_10, %add3A_12 : vector<80x16xf32>
    %div3A = arith.constant 1.000000e+00 : f32
    %div3A_14 = vector.broadcast %div3A : f32 to vector<80x16xf32>
    %div3A_15 = arith.divf %div3A_14, %add3A_13 : vector<80x16xf32>
    %broadcast_in_dim3A = arith.constant 0.000000e+00 : f32
    %broadcast_in_dim3A_16 = vector.broadcast %broadcast_in_dim3A : f32 to vector<80x112xf32>
    %concatenate3A = tpu.concatenate %div3A_15, %broadcast_in_dim3A_16 in 1 : vector<80x16xf32>, vector<80x112xf32> -> vector<80x128xf32>
    %swap3A = arith.constant 0 : index
    %swap3A_17 = arith.constant 0 : index
    %swap3A_18 = vector.load %arg4[%swap3A, %swap3A_17] : memref<80x128xf32, #tpu.memory_space<vmem>>, vector<80x128xf32>
    tpu.vector_store %arg4[%swap3A, %swap3A_17], %concatenate3A {strides = array<i32>} : memref<80x128xf32, #tpu.memory_space<vmem>>, vector<80x128xf32>,
    return
  }
  func.func @transform_0(%arg0: i32) -> (i32, i32) {
    %c0_i32 = arith.constant 0 : i32
    %c0_i32_0 = arith.constant 0 : i32
    return %arg0, %c0_i32 : i32, i32
  }
  func.func @transform_1(%arg0: i32) -> (i32, i32) {
    %add3A = arith.constant 128 : i32
    %add3A_0 = arith.addi %arg0, %add3A : i32
    %c0_i32 = arith.constant 0 : i32
    %c0_i32_1 = arith.constant 0 : i32
    return %add3A_0, %c0_i32 : i32, i32
  }
  func.func @transform_2(%arg0: i32) -> (i32, i32) {
    %c0_i32 = arith.constant 0 : i32
    %c0_i32_0 = arith.constant 0 : i32
    return %arg0, %c0_i32 : i32, i32
  }
  func.func @transform_3(%arg0: i32) -> (i32, i32) {
    %c0_i32 = arith.constant 0 : i32
    %c0_i32_0 = arith.constant 0 : i32
    return %arg0, %c0_i32 : i32, i32
  }
}

module attributes {stable_mosaic.version = 14 : i64} {
  func.func @_epi_body(%arg0: i32, %arg1: memref<80x128xf32, #tpu.memory_space<vmem>>, %arg2: memref<80x128xf32, #tpu.memory_space<vmem>>, %arg3: memref<80x16xf32, #tpu.memory_space<vmem>>, %arg4: memref<80x128xf32, #tpu.memory_space<vmem>>, %arg5: memref<80x640xf32, #tpu.memory_space<vmem>>, %arg6: memref<1x128xf32, #tpu.memory_space<vmem>>, %arg7: memref<1x128xf32, #tpu.memory_space<vmem>>, %arg8: memref<1x128xf32, #tpu.memory_space<vmem>>, %arg9: memref<80x128xf32, #tpu.memory_space<vmem>>) attributes {dimension_semantics = [#tpu.dimension_semantics<arbitrary>], iteration_bounds = array<i64: 125>, scalar_prefetch = 0 : i64, scratch_operands = 0 : i64, tpu.core_type = #tpu.core_type<tc>, window_params = [{transform_indices = @transform_0, window_bounds = array<i64: 80, 128>}, {transform_indices = @transform_1, window_bounds = array<i64: 80, 128>}, {transform_indices = @transform_2, window_bounds = array<i64: 80, 16>}, {transform_indices = @transform_3, window_bounds = array<i64: 80, 128>}, {transform_indices = @transform_4, window_bounds = array<i64: 80, 640>}, {pipeline_mode = #tpu.pipeline_mode<synchronous>, transform_indices = @transform_5, window_bounds = array<i64: 1, 128>}, {pipeline_mode = #tpu.pipeline_mode<synchronous>, transform_indices = @transform_6, window_bounds = array<i64: 1, 128>}, {pipeline_mode = #tpu.pipeline_mode<synchronous>, transform_indices = @transform_7, window_bounds = array<i64: 1, 128>}, {transform_indices = @transform_8, window_bounds = array<i64: 80, 128>}]} {
    %get3A = arith.constant 0 : index
    %get3A_0 = arith.constant 0 : index
    %get3A_1 = vector.load %arg2[%get3A, %get3A_0] : memref<80x128xf32, #tpu.memory_space<vmem>>, vector<80x128xf32>
    %get3A_2 = arith.constant 0 : index
    %get3A_3 = arith.constant 0 : index
    %get3A_4 = vector.load %arg3[%get3A_2, %get3A_3] : memref<80x16xf32, #tpu.memory_space<vmem>>, vector<80x16xf32>
    %get3A_5 = arith.constant 0 : index
    %get3A_6 = arith.constant 0 : index
    %get3A_7 = vector.load %arg4[%get3A_5, %get3A_6] : memref<80x128xf32, #tpu.memory_space<vmem>>, vector<80x16xf32>
    %mul3A = arith.mulf %get3A_4, %get3A_7 : vector<80x16xf32>
    %get3A_8 = arith.constant 0 : index
    %get3A_9 = arith.constant 0 : index
    %get3A_10 = vector.load %arg5[%get3A_8, %get3A_9] : memref<80x640xf32, #tpu.memory_space<vmem>>, vector<80x640xf32>
    %slice3A = vector.extract_strided_slice %mul3A {offsets = [0, 0], sizes = [80, 1], strides = [1, 1]} : vector<80x16xf32> to vector<80x1xf32>
    %slice3A_11 = vector.extract_strided_slice %get3A_10 {offsets = [0, 0], sizes = [80, 128], strides = [1, 1]} : vector<80x640xf32> to vector<80x128xf32>
    %mul3A_12 = vector.broadcast %slice3A : vector<80x1xf32> to vector<80x128xf32>
    %mul3A_13 = arith.mulf %mul3A_12, %slice3A_11 : vector<80x128xf32>
    %add3A = arith.addf %get3A_1, %mul3A_13 : vector<80x128xf32>
    %slice3A_14 = vector.extract_strided_slice %mul3A {offsets = [0, 1], sizes = [80, 1], strides = [1, 1]} : vector<80x16xf32> to vector<80x1xf32>
    %slice3A_15 = vector.extract_strided_slice %get3A_10 {offsets = [0, 128], sizes = [80, 128], strides = [1, 1]} : vector<80x640xf32> to vector<80x128xf32>
    %mul3A_16 = vector.broadcast %slice3A_14 : vector<80x1xf32> to vector<80x128xf32>
    %mul3A_17 = arith.mulf %mul3A_16, %slice3A_15 : vector<80x128xf32>
    %add3A_18 = arith.addf %add3A, %mul3A_17 : vector<80x128xf32>
    %slice3A_19 = vector.extract_strided_slice %mul3A {offsets = [0, 2], sizes = [80, 1], strides = [1, 1]} : vector<80x16xf32> to vector<80x1xf32>
    %slice3A_20 = vector.extract_strided_slice %get3A_10 {offsets = [0, 256], sizes = [80, 128], strides = [1, 1]} : vector<80x640xf32> to vector<80x128xf32>
    %mul3A_21 = vector.broadcast %slice3A_19 : vector<80x1xf32> to vector<80x128xf32>
    %mul3A_22 = arith.mulf %mul3A_21, %slice3A_20 : vector<80x128xf32>
    %add3A_23 = arith.addf %add3A_18, %mul3A_22 : vector<80x128xf32>
    %slice3A_24 = vector.extract_strided_slice %mul3A {offsets = [0, 3], sizes = [80, 1], strides = [1, 1]} : vector<80x16xf32> to vector<80x1xf32>
    %slice3A_25 = vector.extract_strided_slice %get3A_10 {offsets = [0, 384], sizes = [80, 128], strides = [1, 1]} : vector<80x640xf32> to vector<80x128xf32>
    %mul3A_26 = vector.broadcast %slice3A_24 : vector<80x1xf32> to vector<80x128xf32>
    %mul3A_27 = arith.mulf %mul3A_26, %slice3A_25 : vector<80x128xf32>
    %add3A_28 = arith.addf %add3A_23, %mul3A_27 : vector<80x128xf32>
    %slice3A_29 = vector.extract_strided_slice %mul3A {offsets = [0, 4], sizes = [80, 1], strides = [1, 1]} : vector<80x16xf32> to vector<80x1xf32>
    %slice3A_30 = vector.extract_strided_slice %get3A_10 {offsets = [0, 512], sizes = [80, 128], strides = [1, 1]} : vector<80x640xf32> to vector<80x128xf32>
    %mul3A_31 = vector.broadcast %slice3A_29 : vector<80x1xf32> to vector<80x128xf32>
    %mul3A_32 = arith.mulf %mul3A_31, %slice3A_30 : vector<80x128xf32>
    %add3A_33 = arith.addf %add3A_28, %mul3A_32 : vector<80x128xf32>
    %get3A_34 = arith.constant 0 : index
    %get3A_35 = arith.constant 0 : index
    %get3A_36 = vector.load %arg1[%get3A_34, %get3A_35] : memref<80x128xf32, #tpu.memory_space<vmem>>, vector<80x128xf32>
    %add3A_37 = arith.addf %get3A_36, %add3A_33 : vector<80x128xf32>
    %get3A_38 = arith.constant 0 : index
    %get3A_39 = arith.constant 0 : index
    %get3A_40 = vector.load %arg6[%get3A_38, %get3A_39] : memref<1x128xf32, #tpu.memory_space<vmem>>, vector<1x128xf32>
    %add3A_41 = vector.broadcast %get3A_40 : vector<1x128xf32> to vector<80x128xf32>
    %add3A_42 = arith.addf %add3A_37, %add3A_41 : vector<80x128xf32>
    %reduce_sum3A = arith.constant dense<0.000000e+00> : vector<80xf32>
    %reduce_sum3A_43 = vector.multi_reduction <add>, %add3A_42, %reduce_sum3A [1] : vector<80x128xf32> to vector<80xf32>
    %broadcast_in_dim3A = vector.shape_cast %reduce_sum3A_43 : vector<80xf32> to vector<80x1xf32>
    %div3A = arith.constant 1.280000e+02 : f32
    %div3A_44 = vector.broadcast %div3A : f32 to vector<80x1xf32>
    %div3A_45 = arith.divf %broadcast_in_dim3A, %div3A_44 : vector<80x1xf32>
    %sub3A = vector.broadcast %div3A_45 : vector<80x1xf32> to vector<80x128xf32>
    %sub3A_46 = arith.subf %add3A_42, %sub3A : vector<80x128xf32>
    %mul3A_47 = arith.mulf %sub3A_46, %sub3A_46 : vector<80x128xf32>
    %reduce_sum3A_48 = arith.constant dense<0.000000e+00> : vector<80xf32>
    %reduce_sum3A_49 = vector.multi_reduction <add>, %mul3A_47, %reduce_sum3A_48 [1] : vector<80x128xf32> to vector<80xf32>
    %broadcast_in_dim3A_50 = vector.shape_cast %reduce_sum3A_49 : vector<80xf32> to vector<80x1xf32>
    %div3A_51 = arith.constant 1.280000e+02 : f32
    %div3A_52 = vector.broadcast %div3A_51 : f32 to vector<80x1xf32>
    %div3A_53 = arith.divf %broadcast_in_dim3A_50, %div3A_52 : vector<80x1xf32>
    %add3A_54 = arith.constant 9.99999974E-6 : f32
    %add3A_55 = vector.broadcast %add3A_54 : f32 to vector<80x1xf32>
    %add3A_56 = arith.addf %div3A_53, %add3A_55 : vector<80x1xf32>
    %rsqrt3A = math.rsqrt %add3A_56 : vector<80x1xf32>
    %mul3A_57 = vector.broadcast %rsqrt3A : vector<80x1xf32> to vector<80x128xf32>
    %mul3A_58 = arith.mulf %sub3A_46, %mul3A_57 : vector<80x128xf32>
    %get3A_59 = arith.constant 0 : index
    %get3A_60 = arith.constant 0 : index
    %get3A_61 = vector.load %arg7[%get3A_59, %get3A_60] : memref<1x128xf32, #tpu.memory_space<vmem>>, vector<1x128xf32>
    %mul3A_62 = vector.broadcast %get3A_61 : vector<1x128xf32> to vector<80x128xf32>
    %mul3A_63 = arith.mulf %mul3A_58, %mul3A_62 : vector<80x128xf32>
    %get3A_64 = arith.constant 0 : index
    %get3A_65 = arith.constant 0 : index
    %get3A_66 = vector.load %arg8[%get3A_64, %get3A_65] : memref<1x128xf32, #tpu.memory_space<vmem>>, vector<1x128xf32>
    %add3A_67 = vector.broadcast %get3A_66 : vector<1x128xf32> to vector<80x128xf32>
    %add3A_68 = arith.addf %mul3A_63, %add3A_67 : vector<80x128xf32>
    %swap3A = arith.constant 0 : index
    %swap3A_69 = arith.constant 0 : index
    %swap3A_70 = vector.load %arg9[%swap3A, %swap3A_69] : memref<80x128xf32, #tpu.memory_space<vmem>>, vector<80x128xf32>
    tpu.vector_store %arg9[%swap3A, %swap3A_69], %add3A_68 {strides = array<i32>} : memref<80x128xf32, #tpu.memory_space<vmem>>, vector<80x128xf32>,
    return
  }
  func.func @transform_0(%arg0: i32) -> (i32, i32) {
    %c0_i32 = arith.constant 0 : i32
    %c0_i32_0 = arith.constant 0 : i32
    return %arg0, %c0_i32 : i32, i32
  }
  func.func @transform_1(%arg0: i32) -> (i32, i32) {
    %c0_i32 = arith.constant 0 : i32
    %c0_i32_0 = arith.constant 0 : i32
    return %arg0, %c0_i32 : i32, i32
  }
  func.func @transform_2(%arg0: i32) -> (i32, i32) {
    %c0_i32 = arith.constant 0 : i32
    %c0_i32_0 = arith.constant 0 : i32
    return %arg0, %c0_i32 : i32, i32
  }
  func.func @transform_3(%arg0: i32) -> (i32, i32) {
    %c0_i32 = arith.constant 0 : i32
    %c0_i32_0 = arith.constant 0 : i32
    return %arg0, %c0_i32 : i32, i32
  }
  func.func @transform_4(%arg0: i32) -> (i32, i32) {
    %c0_i32 = arith.constant 0 : i32
    %c0_i32_0 = arith.constant 0 : i32
    return %arg0, %c0_i32 : i32, i32
  }
  func.func @transform_5(%arg0: i32) -> (i32, i32) {
    %c0_i32 = arith.constant 0 : i32
    %c0_i32_0 = arith.constant 0 : i32
    %c0_i32_1 = arith.constant 0 : i32
    return %c0_i32, %c0_i32_0 : i32, i32
  }
  func.func @transform_6(%arg0: i32) -> (i32, i32) {
    %c0_i32 = arith.constant 0 : i32
    %c0_i32_0 = arith.constant 0 : i32
    %c0_i32_1 = arith.constant 0 : i32
    return %c0_i32, %c0_i32_0 : i32, i32
  }
  func.func @transform_7(%arg0: i32) -> (i32, i32) {
    %c0_i32 = arith.constant 0 : i32
    %c0_i32_0 = arith.constant 0 : i32
    %c0_i32_1 = arith.constant 0 : i32
    return %c0_i32, %c0_i32_0 : i32, i32
  }
  func.func @transform_8(%arg0: i32) -> (i32, i32) {
    %c0_i32 = arith.constant 0 : i32
    %c0_i32_0 = arith.constant 0 : i32
    return %arg0, %c0_i32 : i32, i32
  }
}

</mosaic_0001>

<sc_bundles>
// kernel: kernel.10.cloned.1.call-start
scs
__scs_entry_jumppad:
0x0: {  	(pc) =	sbr.rel $0x88, $3  }
0x1: {  	(tag) =	ssettag $0x0;
	lr =	simm.s32 $0x1  }
0x2: {  	[smem:$0x3F97] =	sst lr;
	_ =	strace $0xD0000000  }
0x3: {  	_ = 	snop  }
0x4: {  	_ = 	snop  }
0x5: {  	_ = 	snop  }
0x6: {  	_ = 	snop  }
0x7: {  	_ = 	snop  }
__scs_overlays_trampoline_lowered:
0x8: {  	[smem:$0x3FA6] =	sst s0  }
0x9: {  	[smem:$0x3FA7] =	sst s1  }
0xa: {  	[smem:$0x3FA8] =	sst s2  }
0xb: {  	[smem:$0x3FA9] =	sst s3  }
0xc: {  	[smem:$0x3FAA] =	sst s4  }
0xd: {  	[smem:$0x3FAB] =	sst s5  }
0xe: {  	[smem:$0x3FAC] =	sst s6  }
0xf: {  	[smem:$0x3FAD] =	sst s7  }
0x10: {  	[smem:$0x3FAE] =	sst s8  }
0x11: {  	[smem:$0x3FAF] =	sst s9;
	s0 =	simm.s32 @!p0 $0x0  }
0x12: {  	s1 =	sld [smem:$0x3F95];
	s0 =	simm.s32 @p0 $0x1  }
0x13: {  	[smem:$0x3FB0] =	sst s0;
	s0 =	simm.s32 @!p1 $0x0  }
0x14: {  	s2 =	sld [smem:$0x3F94];
	s0 =	simm.s32 @p1 $0x1  }
0x15: {  	[smem:$0x3FB1] =	sst s0;
	s0 =	simm.s32 @!p2 $0x0  }
0x16: {  	s3 =	sld [smem:$0x3FDB];
	s0 =	simm.s32 @p2 $0x1  }
0x17: {  	s4 =	simm.s32 $0x1BF5;
	[smem:$0x3FB3] =	sst s0  }
0x18: {  	s0 =	sld [smem:$0x3F96];
	_ =	swait.ge [sflag:s4], $0x0  }
0x19: {  	s7 =	sld [smem:$0x3F97]  }
0x1a: {  	s8 =	sadd.s32 $0xFFFFE003, lr  }
0x1b: {  	s9 =	sadd.s32 $0xFFFFFEF7, lr;
	s5 =	simm.s32 $0xFFFFFFFF;
	p2 =	slt.u32 s8, $0xFFFFF086  }
0x1c: {  	p1 =	slt.u32 s9, $0xF7A;
	s5 =	simm.s32 @!p2 $0x0  }
0x1d: {  	s5 =	simm.s32 @p1 $0x1;
	p0 =	seq.s32 s7, s2  }
0x1e: {  	s7 =	smul.u32 @!p0 $0xF7A, s2;
	p2 =	seq.s32 @!p0 s5, $0x0  }
0x1f: {  	s9 =	smul.u32 $0xF7A, s1;
	s8 =	simm.s32 @!p0 $0x1BF5;
	p2 =	por !p2, p0  }
0x20: {  	[sflag:s8] =	ssyncset.s32 @!p0 $0xFFFFF086;
	s6 =	sadd.s32 @!p0 s3, s7;
	s7 =	simm.s32 @!p0 $0x108  }
0x21: {  	s3 =	sadd.s32 s3, s9;
	s6 =	sadd.s32 @!p0 $0x88, s6;
	s7 =	simm.s32 @p2 $0x1082  }
0x22: {  	[simem:s7], [sflag:s8] =	dma.local @!p0 [hbm:s6], $0xF7A  }
0x23: {  	s9 =	sor.u32 $0xD0000000, s2;
	s6 =	simm.s32 $0x108;
	_ =	swait.ge @!p0 [sflag:s8], $0x0  }
0x24: {  	s3 =	sadd.s32 $0x88, s3;
	s6 =	simm.s32 @!p1 $0x1082;
	[sflag:s4] =	ssyncset.s32 $0xFFFFF086  }
0x25: {  	[simem:s6], [sflag:s4] =	dma.local [hbm:s3], $0xF7A  }
0x26: {  	[smem:$0x3F97] =	sst s1;
	(tag) =	ssettag s2;
	_ =	strace s9  }
0x27: {  	s1 =	sld [smem:$0x3FA7]  }
0x28: {  	s2 =	sld [smem:$0x3FA8]  }
0x29: {  	s4 =	sld [smem:$0x3FAA]  }
0x2a: {  	p0 =	seq.s32 s5, $0x0;
	s5 =	sld [smem:$0x3FAB]  }
0x2b: {  	s6 =	sld [smem:$0x3FAC]  }
0x2c: {  	s7 =	sld [smem:$0x3FAD]  }
0x2d: {  	s3 =	simm.s32 $0x108;
	s8 =	sld [smem:$0x3FAE]  }
0x2e: {  	s3 =	simm.s32 @!p0 $0x1082;
	s9 =	sld [smem:$0x3FAF]  }
0x2f: {  	lr =	sadd.s32 s0, s3;
	s0 =	sld [smem:$0x3FA6]  }
0x30: {  	s3 =	sld [smem:$0x3FA9]  }
0x31: {  	[smem:$0x3FB2] =	sst s10  }
0x32: {  	s10 =	sld [smem:$0x3FB0];
	_ =	sdelay $0x3  }
0x33: {  	p0 =	seq.s32 s10, $0x1;
	s10 =	sld [smem:$0x3FB2];
	_ =	sdelay $0x3  }
0x34: {  	[smem:$0x3FB2] =	sst s10  }
0x35: {  	s10 =	sld [smem:$0x3FB1];
	_ =	sdelay $0x3  }
0x36: {  	p1 =	seq.s32 s10, $0x1;
	s10 =	sld [smem:$0x3FB2];
	_ =	sdelay $0x3  }
0x37: {  	[smem:$0x3FB2] =	sst s10  }
0x38: {  	s10 =	sld [smem:$0x3FB3]  }
0x39: {  	_ = 	snop;
	(pc) =	sbr.ind lr, $3  }
0x3a: {  	_ = 	snop  }
0x3b: {  	_ = 	snop  }
0x3c: {  	p2 =	seq.s32 s10, $0x1;
	s10 =	sld [smem:$0x3FB2]  }
0x3d: {  	_ =	shalt  }
0x3e: {  	_ =	shalt  }
0x3f: {  	_ =	shalt  }
0x40: {  	_ =	shalt  }
0x41: {  	_ =	shalt  }
0x42: {  	_ =	shalt  }
0x43: {  	_ =	shalt  }
0x44: {  	_ =	shalt  }
0x45: {  	_ =	shalt  }
0x46: {  	_ =	shalt  }
0x47: {  	_ =	shalt  }
0x48: {  	_ =	shalt  }
0x49: {  	_ =	shalt  }
0x4a: {  	_ =	shalt  }
0x4b: {  	_ =	shalt  }
0x4c: {  	_ =	shalt  }
0x4d: {  	_ =	shalt  }
0x4e: {  	_ =	shalt  }
0x4f: {  	_ =	shalt  }
0x50: {  	_ =	shalt  }
0x51: {  	_ =	shalt  }
0x52: {  	_ =	shalt  }
0x53: {  	_ =	shalt  }
0x54: {  	_ =	shalt  }
0x55: {  	_ =	shalt  }
0x56: {  	_ =	shalt  }
0x57: {  	_ =	shalt  }
0x58: {  	_ =	shalt  }
0x59: {  	_ =	shalt  }
0x5a: {  	_ =	shalt  }
0x5b: {  	_ =	shalt  }
0x5c: {  	_ =	shalt  }
0x5d: {  	_ =	shalt  }
0x5e: {  	_ =	shalt  }
0x5f: {  	_ =	shalt  }
0x60: {  	_ =	shalt  }
0x61: {  	_ =	shalt  }
0x62: {  	_ =	shalt  }
0x63: {  	_ =	shalt  }
0x64: {  	_ =	shalt  }
0x65: {  	_ =	shalt  }
0x66: {  	_ =	shalt  }
0x67: {  	_ =	shalt  }
0x68: {  	_ =	shalt  }
0x69: {  	_ =	shalt  }
0x6a: {  	_ =	shalt  }
0x6b: {  	_ =	shalt  }
0x6c: {  	_ =	shalt  }
0x6d: {  	_ =	shalt  }
0x6e: {  	_ =	shalt  }
0x6f: {  	_ =	shalt  }
0x70: {  	_ =	shalt  }
0x71: {  	_ =	shalt  }
0x72: {  	_ =	shalt  }
0x73: {  	_ =	shalt  }
0x74: {  	_ =	shalt  }
0x75: {  	_ =	shalt  }
0x76: {  	_ =	shalt  }
0x77: {  	_ =	shalt  }
0x78: {  	_ =	shalt  }
0x79: {  	_ =	shalt  }
0x7a: {  	_ =	shalt  }
0x7b: {  	_ =	shalt  }
0x7c: {  	_ =	shalt  }
0x7d: {  	_ =	shalt  }
0x7e: {  	_ =	shalt  }
0x7f: {  	_ =	shalt  }
0x80: {  	_ =	shalt  }
0x81: {  	_ =	shalt  }
0x82: {  	_ =	shalt  }
0x83: {  	_ =	shalt  }
0x84: {  	_ =	shalt  }
0x85: {  	_ =	shalt  }
0x86: {  	_ =	shalt  }
0x87: {  	_ =	shalt  }
.Lfunc_end0:
.L_simem_size_0:
called_computation.1_lowered:
.L_overlay_start_0:
0x88: {  	s2 =	sld [smem:$0x3FD9]  }
0x89: {  	s3 =	sld [smem:$0x3FFE];
	_ =	sdelay $0x1  }
0x8a: {  	s1 =	srdreg.scid  }
0x8b: {  	s0 =	sand.u32 $0x1, s1  }
0x8c: {  	s17 =	sshll.u32 s0, $0xA;
	s2 =	sadd.s32 s3, s2  }
0x8d: {  	s2 =	sadd.s32 s2, s17  }
0x8e: {  	[smem:$0x3FBE] =	sst s2  }
0x8f: {  	_ = 	snop  }
0x90: {  	s2 =	sld [smem:$0x3FD0];
	(tm) =	ssettm $0x1  }
0x91: {  	s18 =	sld [smem:$0x3FFB];
	_ =	sdelay $0x3  }
0x92: {  	_ =	strace s18  }
0x93: {  	s3 =	sld [smem:$0x3FFC];
	_ =	sdelay $0x3  }
0x94: {  	_ =	strace s3  }
0x95: {  	s3 =	sld [smem:$0x3FFD];
	_ =	sdelay $0x3  }
0x96: {  	_ =	strace s3  }
0x97: {  	_ =	strace $0x8FFFFFFF  }
0x98: {  	s19 =	sld [smem:$0x3FDB];
	_ =	sdelay $0x1  }
0x99: {  	s4 =	simm.s32 $_scs_section_size  }
0x9a: {  	s5 =	simm.s32 $_size__tile_overlayer_lowered;
	s6 =	simm.s32 $_tile_overlayer_lowered  }
0x9b: {  	s22 =	simm.s32 $0x1BFF;
	s21 =	sshll.u32 s6, $0x1;
	s3 =	sadd.s32 s4, s19  }
0x9c: {  	s7 =	simm.s32 $0x0;
	s20 =	sshll.u32 s5, $0x1;
	s5 =	sadd.s32 s21, s3  }
0x9d: {  	[timem:s7], [sflag:s22] =	dma.local [hbm:s5], s20  }
0x9e: {  	_ =	swait.ge [sflag:s22], s20  }
0x9f: {  	s4 =	ssub.s32 $0x0, s20;
	[sflag:s22] =	ssyncset.done $0x0  }
0xa0: {  	[sflag:s22] =	ssyncadd.s32 s4;
	_ =	sdelay $0x1  }
0xa1: {  	s23 =	simm.s32 $0x1B8B  }
0xa2: {  	_ =	swait.ge [sflag:s23], $0x1  }
0xa3: {  	[sflag:s23] =	ssyncset.done $0x0  }
0xa4: {  	s25 =	simm.s32 $0x1B8E;
	s24 =	sld [smem:$0x3FFE];
	[sflag:s23] =	ssyncadd.s32 $0xFFFFFFFF  }
0xa5: {  	s26 =	simm.s32 $execute0_lowered;
	[smem:$0x3FD2] =	sst s25  }
0xa6: {  	s5 =	sshll.u32 s26, $0x1;
	_ =	strace $0x80000049;
	[dreg:$0x1] =	wrdreg $0xFFFFFFFF  }
0xa7: {  	s28 =	simm.s32 $_size_execute0_lowered;
	s3 =	sadd.s32 s3, s5;
	[dreg:$0x0] =	wrdreg $0x0  }
0xa8: {  	s5 =	sshll.u32 s28, $0x1;
	[dreg:$0x2] =	wrdreg s3  }
0xa9: {  	[dreg:$0x3] =	wrdreg s5  }
0xaa: {  	[dreg:$0x4] =	wrdreg $0xC0  }
0xab: {  	_ =	task [dreg:s7], $0x5FFFF  }
0xac: {  	[dreg:$0x1] =	wrdreg $0xFFFFFFFF  }
0xad: {  	[dreg:$0x0] =	wrdreg $0x60  }
0xae: {  	[dreg:$0x2] =	wrdreg s24  }
0xaf: {  	[dreg:$0x3] =	wrdreg s2  }
0xb0: {  	[dreg:$0x4] =	wrdreg $0x141800  }
0xb1: {  	[dreg:$0x5] =	wrdreg $0x9  }
0xb2: {  	_ =	task.clear_ibuf [dreg:s7], $0x6FFFF;
	_ =	strace $0x90000049  }
0xb3: {  	s29 =	simm.s32 $0x9;
	_ =	strace $0x8000004B  }
0xb4: {  	_ =	swait.ge [sflag:s29], $0x1  }
0xb5: {  	[sflag:s29] =	ssyncadd.s32 $0xFFFFFFFF  }
0xb6: {  	_ =	strace $0x9000004B  }
0xb7: {  	_ =	sfence  }
0xb8: {  	s30 =	sld [smem:$0x0];
	_ =	sdelay $0x2  }
0xb9: {  	s31 =	sshll.u32 s1, $0xD;
	s1 =	sshrl.u32 s1, $0x2  }
0xba: {  	s3 =	sand.u32 $0x4000, s31;
	s1 =	sadd.s32 s1, s30  }
0xbb: {  	s0 =	sor.u32 s3, s0;
	s1 =	sshll.u32 s1, $0x11  }
0xbc: {  	s0 =	sor.u32 s1, s0  }
0xbd: {  	s0 =	sadd.s32 $0x8F2B, s0  }
0xbe: {  	[sflag:s0] =	ssyncadd.remote.s32 $0x1  }
0xbf: {  	_ =	sfence.sel $0xFFFF  }
0xc0: {  	[dreg:$0x0] =	wrdreg $0xFFFFFFFF;
	(pc) =	sbr.abs _section_cstart, $3  }
0xc1: {  	[dreg:$0x1] =	wrdreg $0xFFFFFFFF  }
0xc2: {  	_ =	task.clear_ibuf [dreg:s7], $0x2FFFF;
	_ =	strace $0x9FFFFFFF  }
0xc3: {  	(tm) =	ssettm $0x7FFFFFFF  }
tec
execute0_lowered:
.L_overlay_start_1:
0x0: {  	(tag) =	ssettag $0x1  }
0x1: {  	s0 =	rddreg [dreg:$0x0]  }
0x2: {  	s11 =	rddreg [dreg:$0x2];
	s1 =	srdreg.scid;
	s14 =	simm.s32 $0x0  }
0x3: {  	s12 =	stileid.u32;
	s19 =	simm.s32 $0x11980;
	s26 =	simm.s32 $0xA180  }
0x4: {  	s28 =	simm.s32 $0xA980;
	s29 =	simm.s32 $0xB180;
	s30 =	simm.s32 $0xB580  }
0x5: {  	s31 =	simm.s32 $0xBD80;
	s1 =	sand.u32 $0x1, s1;
	s3 =	smul.u32 $0x140, s12  }
0x6: {  	[smem:$0x7FF] =	sst s14;
	s5 =	sadd.s32 $0xD8E00, s0;
	s4 =	smul.u32 $0x29000, s12  }
0x7: {  	s6 =	sadd.s32 $0xBA00, s0;
	s7 =	sadd.s32 $0x1C00, s0;
	s9 =	smul.u32 $0x4E20, s12  }
0x8: {  	s8 =	sadd.s32 $0x213600, s0;
	s20 =	smul.u32 $0x28000, s12;
	s15 =	sadd.s32 $0xD8F00, s0  }
0x9: {  	s16 =	sadd.s32 $0xD9000, s0;
	s12 =	simm.s32 $0x2;
	s2 =	smul.u32 $0x1400, s1  }
0xa: {  	_ =	strace $0x8000004A;
	s1 =	ssub.s32 $0x2, s1;
	s4 =	sshrl.u32 s4, $0x2  }
0xb: {  	s10 =	sshrl.u32 s1, $0x1;
	s24 =	sshrl.u32 s20, $0x2;
	s20 =	simm.s32 $0x3  }
0xc: {  	s3 =	sadd.s32 s3, s2;
	s13 =	sadd.s32 s4, s11;
	s1 =	ssub.s32 s1, s10  }
0xd: {  	s25 =	sadd.s32 $0x1400, s2;
	s4 =	sadd.s32 $0x2800, s13;
	[dreg:$0x5] =	wrdreg s13  }
0xe: {  	s3 =	sshll.u32 s3, $0x4;
	s21 =	sadd.s32 $0x5000, s13;
	[dreg:$0x6] =	wrdreg s4  }
0xf: {  	s22 =	sadd.s32 $0x7800, s13;
	s23 =	sadd.s32 $0xA000, s13;
	[dreg:$0x7] =	wrdreg s21  }
0x10: {  	s1 =	smax.u32 s1, $0x1;
	s13 =	simm.s32 $0x100;
	[dreg:$0x8] =	wrdreg s22  }
0x11: {  	v5 =	vlaneseq.u32;
	s3 =	sadd.s32 s3, s0;
	[dreg:$0x9] =	wrdreg s23;
	s0 =	sadd.s32 s24, s11  }
0x12: {  	v2 =	vimm.f32 $0.0e+00;
	vm0 =	vmmov $0xffff;
	vm1 =	vmmov $0xff;
	[dreg:$0xb] =	wrdreg s1;
	s21 =	simm.s32 $0x80;
	s3 =	sadd.s32 $0x1C3600, s3  }
0x13: {  	v4 =	vshrl.u32 v5, $0x3;
	v3 =	vand.u32 $0x7, v5;
	v5 =	vor.u32 $0x8, v5;
	s11 =	simm.s32 $0x1;
	s0 =	sshrl.u32 s0, $0x3;
	[dreg:$0xa] =	wrdreg s3  }
0x14: {  	v4 =	vmul.u32 $0x8, v4;
	v0 =	vmov s2;
	v1 =	vmov s25;
	[dreg:$0xc] =	wrdreg s0;
	s0 =	simm.s32 $0xC580;
	s3 =	simm.s32 $0x50  }
.LBB2_1:
0x15: {  	[dreg:$0x4] =	wrdreg s14;
	s1 =	simm.s32 $0x0;
	s2 =	simm.s32 $0x200  }
.LBB2_2:
0x16: {  	p0 =	sne.s32 s2, $0x9E00;
	[tilespmem:s1+$0x119F0] =	vst v2  }
0x17: {  	[tilespmem:s1+$0x11980] =	vst v2  }
0x18: {  	[tilespmem:s1+$0x11990] =	vst v2  }
.Ltmp0:
0x19: {  	[tilespmem:s1+$0x119A0] =	vst v2;
	(pc) =	sbr.rel @p0 .LBB2_2-.Ltmp0, $4  }
0x1a: {  	[tilespmem:s1+$0x119B0] =	vst v2  }
0x1b: {  	[tilespmem:s1+$0x119C0] =	vst v2  }
0x1c: {  	[tilespmem:s1+$0x119D0] =	vst v2  }
0x1d: {  	[tilespmem:s1+$0x119E0] =	vst v2;
	s1 =	sshra.s32 s2, $0x2;
	s2 =	sadd.s32 $0x200, s2  }
0x1e: {  	[tilespmem:s1+$0x119F0] =	vst v2  }
0x1f: {  	[tilespmem:s1+$0x11980] =	vst v2  }
0x20: {  	[tilespmem:s1+$0x11990] =	vst v2  }
0x21: {  	[tilespmem:s1+$0x119A0] =	vst v2  }
0x22: {  	[tilespmem:s1+$0x119B0] =	vst v2  }
0x23: {  	[tilespmem:s1+$0x119C0] =	vst v2  }
0x24: {  	[tilespmem:s1+$0x119D0] =	vst v2  }
0x25: {  	[tilespmem:s1+$0x119E0] =	vst v2;
	s18 =	rddreg [dreg:$0x5]  }
0x26: {  	[spmem:s18] =	stream.linear.scatter [tilespmem:s19], [sflag:$0x3], $0x2800, $0x38;
	[tilespmem:$0x1E580] =	vst v63  }
0x27: {  	_ =	swait.ge [sflag:s20], $0x2800  }
0x28: {  	[sflag:s20] =	ssyncset.done $0x0  }
0x29: {  	s22 =	rddreg [dreg:$0x6];
	[sflag:s20] =	ssyncadd.s32 $0xFFFFD800  }
0x2a: {  	[spmem:s22] =	stream.linear.scatter [tilespmem:s19], [sflag:$0x3], $0x2800, $0x38;
	[tilespmem:$0x1E580] =	vst v63  }
0x2b: {  	_ =	swait.ge [sflag:s20], $0x2800  }
0x2c: {  	[sflag:s20] =	ssyncset.done $0x0  }
0x2d: {  	s23 =	rddreg [dreg:$0x7];
	[sflag:s20] =	ssyncadd.s32 $0xFFFFD800  }
0x2e: {  	[spmem:s23] =	stream.linear.scatter [tilespmem:s19], [sflag:$0x3], $0x2800, $0x38;
	[tilespmem:$0x1E580] =	vst v63  }
0x2f: {  	_ =	swait.ge [sflag:s20], $0x2800  }
0x30: {  	[sflag:s20] =	ssyncset.done $0x0  }
0x31: {  	s24 =	rddreg [dreg:$0x8];
	[sflag:s20] =	ssyncadd.s32 $0xFFFFD800  }
0x32: {  	[spmem:s24] =	stream.linear.scatter [tilespmem:s19], [sflag:$0x3], $0x2800, $0x38;
	[tilespmem:$0x1E580] =	vst v63  }
0x33: {  	_ =	swait.ge [sflag:s20], $0x2800  }
0x34: {  	[sflag:s20] =	ssyncset.done $0x0  }
0x35: {  	s25 =	rddreg [dreg:$0x9];
	[sflag:s20] =	ssyncadd.s32 $0xFFFFD800  }
0x36: {  	[spmem:s25] =	stream.linear.scatter [tilespmem:s19], [sflag:$0x3], $0x400, $0x38;
	[tilespmem:$0x1E580] =	vst v63  }
0x37: {  	_ =	swait.ge [sflag:s20], $0x400  }
0x38: {  	[sflag:s20] =	ssyncset.done $0x0  }
0x39: {  	[sflag:s20] =	ssyncadd.s32 $0xFFFFFC00  }
0x3a: {  	s14 =	simm.s32 $0x0;
	s17 =	simm.s32 $0x0;
	[bflag:$0x0] =	sbarrier.arrive $0xFFFF  }
.LBB2_4:
0x3b: {  	s1 =	smul.u32 $0x50, s17;
	_ =	sdelay $0x1  }
0x3c: {  	s1 =	sadd.s32 s9, s1  }
0x3d: {  	s2 =	sshrl.u32 s1, $0x3  }
0x3e: {  	s4 =	sadd.s32 s6, s2  }
0x3f: {  	[tilespmem:s14], [sflag:$0x3] =	stream.linear.gather [hbm4b:s4+s14], $0x50, $0x38;
	[tilespmem:$0x1E580] =	vst v63  }
0x40: {  	_ =	swait.ge [sflag:s20], $0x50  }
0x41: {  	[sflag:s20] =	ssyncset.done $0x0  }
0x42: {  	s2 =	sadd.s32 s7, s2;
	[sflag:s20] =	ssyncadd.s32 $0xFFFFFFB0  }
0x43: {  	[tilespmem:s21], [sflag:$0x3] =	stream.linear.gather [hbm4b:s2+s14], $0x50, $0x38;
	[tilespmem:$0x1E580] =	vst v63  }
0x44: {  	_ =	swait.ge [sflag:s20], $0x50  }
0x45: {  	[sflag:s20] =	ssyncset.done $0x0  }
0x46: {  	[sflag:s20] =	ssyncadd.s32 $0xFFFFFFB0  }
0x47: {  	v6 =	vld [tilespmem:$0x0];
	_ =	sdelay $0x4  }
0x48: {  	v7 =	vshrl.u32 v6, $0x3  }
0x49: {  	v7 =	vmul.u32 $0x28, v7  }
0x4a: {  	v6 =	vand.u32 $0x7, v6  }
0x4b: {  	v6 =	vor.u32 v6, v7  }
0x4c: {  	v7 =	vperm.xlane v6, v3;
	_ =	sdelay $0x1  }
0x4d: {  	v7 =	vadd.s32 v4, v7;
	_ =	sdelay $0x3  }
0x4e: {  	s10 =	simm.s32 $0x180;
	v6 =	vperm.xlane v6, v5  }
0x4f: {  	[tilespmem:s10], [sflag:$0x1] =	stream.indirect_vreg.gather [hbm4b:s5+s14], $0x80, v7, vm0, $0xb8;
	[tilespmem:$0x1E580] =	vst v63  }
0x50: {  	s18 =	simm.s32 $0x980;
	v6 =	vadd.s32 v4, v6  }
0x51: {  	[tilespmem:s18], [sflag:$0x1] =	stream.indirect_vreg.gather [hbm4b:s15+s14], $0x80, v7, vm0, $0xb8;
	[tilespmem:$0x1E580] =	vst v63  }
0x52: {  	s22 =	simm.s32 $0x1180  }
0x53: {  	[tilespmem:s22], [sflag:$0x1] =	stream.indirect_vreg.gather [hbm4b:s16+s14], $0x80, v7, vm1, $0xb8;
	[tilespmem:$0x1E580] =	vst v63  }
0x54: {  	s23 =	simm.s32 $0x1580  }
0x55: {  	[tilespmem:s23], [sflag:$0x1] =	stream.indirect_vreg.gather [hbm4b:s5+s14], $0x80, v6, vm0, $0xb8;
	[tilespmem:$0x1E580] =	vst v63  }
0x56: {  	s24 =	simm.s32 $0x1D80  }
0x57: {  	[tilespmem:s24], [sflag:$0x1] =	stream.indirect_vreg.gather [hbm4b:s15+s14], $0x80, v6, vm0, $0xb8;
	[tilespmem:$0x1E580] =	vst v63  }
0x58: {  	s25 =	simm.s32 $0x2580  }
0x59: {  	[tilespmem:s25], [sflag:$0x1] =	stream.indirect_vreg.gather [hbm4b:s16+s14], $0x80, v6, vm1, $0xb8;
	[tilespmem:$0x1E580] =	vst v63  }
0x5a: {  	v6 =	vld [tilespmem:$0x10];
	_ =	sdelay $0x4  }
0x5b: {  	v7 =	vshrl.u32 v6, $0x3  }
0x5c: {  	v7 =	vmul.u32 $0x28, v7  }
0x5d: {  	v6 =	vand.u32 $0x7, v6  }
0x5e: {  	v6 =	vor.u32 v6, v7  }
0x5f: {  	v7 =	vperm.xlane v6, v3;
	_ =	sdelay $0x1  }
0x60: {  	v7 =	vadd.s32 v4, v7;
	_ =	sdelay $0x3  }
0x61: {  	s4 =	simm.s32 $0x2980;
	v6 =	vperm.xlane v6, v5  }
0x62: {  	[tilespmem:s4], [sflag:$0x1] =	stream.indirect_vreg.gather [hbm4b:s5+s14], $0x80, v7, vm0, $0xb8;
	[tilespmem:$0x1E580] =	vst v63  }
0x63: {  	s10 =	simm.s32 $0x3180;
	v6 =	vadd.s32 v4, v6  }
0x64: {  	[tilespmem:s10], [sflag:$0x1] =	stream.indirect_vreg.gather [hbm4b:s15+s14], $0x80, v7, vm0, $0xb8;
	[tilespmem:$0x1E580] =	vst v63  }
0x65: {  	s18 =	simm.s32 $0x3980  }
0x66: {  	[tilespmem:s18], [sflag:$0x1] =	stream.indirect_vreg.gather [hbm4b:s16+s14], $0x80, v7, vm1, $0xb8;
	[tilespmem:$0x1E580] =	vst v63  }
0x67: {  	s22 =	simm.s32 $0x3D80  }
0x68: {  	[tilespmem:s22], [sflag:$0x1] =	stream.indirect_vreg.gather [hbm4b:s5+s14], $0x80, v6, vm0, $0xb8;
	[tilespmem:$0x1E580] =	vst v63  }
0x69: {  	s23 =	simm.s32 $0x4580  }
0x6a: {  	[tilespmem:s23], [sflag:$0x1] =	stream.indirect_vreg.gather [hbm4b:s15+s14], $0x80, v6, vm0, $0xb8;
	[tilespmem:$0x1E580] =	vst v63  }
0x6b: {  	s24 =	simm.s32 $0x4D80  }
0x6c: {  	[tilespmem:s24], [sflag:$0x1] =	stream.indirect_vreg.gather [hbm4b:s16+s14], $0x80, v6, vm1, $0xb8;
	[tilespmem:$0x1E580] =	vst v63  }
0x6d: {  	v6 =	vld [tilespmem:$0x20];
	_ =	sdelay $0x4  }
0x6e: {  	v7 =	vshrl.u32 v6, $0x3  }
0x6f: {  	v7 =	vmul.u32 $0x28, v7  }
0x70: {  	v6 =	vand.u32 $0x7, v6  }
0x71: {  	v6 =	vor.u32 v6, v7  }
0x72: {  	v7 =	vperm.xlane v6, v3;
	_ =	sdelay $0x1  }
0x73: {  	v7 =	vadd.s32 v4, v7;
	_ =	sdelay $0x3  }
0x74: {  	s25 =	simm.s32 $0x5180;
	v6 =	vperm.xlane v6, v5  }
0x75: {  	[tilespmem:s25], [sflag:$0x1] =	stream.indirect_vreg.gather [hbm4b:s5+s14], $0x80, v7, vm0, $0xb8;
	[tilespmem:$0x1E580] =	vst v63  }
0x76: {  	s4 =	simm.s32 $0x5980;
	v6 =	vadd.s32 v4, v6  }
0x77: {  	[tilespmem:s4], [sflag:$0x1] =	stream.indirect_vreg.gather [hbm4b:s15+s14], $0x80, v7, vm0, $0xb8;
	[tilespmem:$0x1E580] =	vst v63  }
0x78: {  	s10 =	simm.s32 $0x6180  }
0x79: {  	[tilespmem:s10], [sflag:$0x1] =	stream.indirect_vreg.gather [hbm4b:s16+s14], $0x80, v7, vm1, $0xb8;
	[tilespmem:$0x1E580] =	vst v63  }
0x7a: {  	s18 =	simm.s32 $0x6580  }
0x7b: {  	[tilespmem:s18], [sflag:$0x1] =	stream.indirect_vreg.gather [hbm4b:s5+s14], $0x80, v6, vm0, $0xb8;
	[tilespmem:$0x1E580] =	vst v63  }
0x7c: {  	s22 =	simm.s32 $0x6D80  }
0x7d: {  	[tilespmem:s22], [sflag:$0x1] =	stream.indirect_vreg.gather [hbm4b:s15+s14], $0x80, v6, vm0, $0xb8;
	[tilespmem:$0x1E580] =	vst v63  }
0x7e: {  	s23 =	simm.s32 $0x7580  }
0x7f: {  	[tilespmem:s23], [sflag:$0x1] =	stream.indirect_vreg.gather [hbm4b:s16+s14], $0x80, v6, vm1, $0xb8;
	[tilespmem:$0x1E580] =	vst v63  }
0x80: {  	v6 =	vld [tilespmem:$0x30];
	_ =	sdelay $0x4  }
0x81: {  	v7 =	vshrl.u32 v6, $0x3  }
0x82: {  	v7 =	vmul.u32 $0x28, v7  }
0x83: {  	v6 =	vand.u32 $0x7, v6  }
0x84: {  	v6 =	vor.u32 v6, v7  }
0x85: {  	v7 =	vperm.xlane v6, v3;
	_ =	sdelay $0x1  }
0x86: {  	v7 =	vadd.s32 v4, v7;
	_ =	sdelay $0x3  }
0x87: {  	s24 =	simm.s32 $0x7980;
	v6 =	vperm.xlane v6, v5  }
0x88: {  	[tilespmem:s24], [sflag:$0x1] =	stream.indirect_vreg.gather [hbm4b:s5+s14], $0x80, v7, vm0, $0xb8;
	[tilespmem:$0x1E580] =	vst v63  }
0x89: {  	s25 =	simm.s32 $0x8180;
	v6 =	vadd.s32 v4, v6  }
0x8a: {  	[tilespmem:s25], [sflag:$0x1] =	stream.indirect_vreg.gather [hbm4b:s15+s14], $0x80, v7, vm0, $0xb8;
	[tilespmem:$0x1E580] =	vst v63  }
0x8b: {  	s4 =	simm.s32 $0x8980  }
0x8c: {  	[tilespmem:s4], [sflag:$0x1] =	stream.indirect_vreg.gather [hbm4b:s16+s14], $0x80, v7, vm1, $0xb8;
	[tilespmem:$0x1E580] =	vst v63  }
0x8d: {  	s10 =	simm.s32 $0x8D80  }
0x8e: {  	[tilespmem:s10], [sflag:$0x1] =	stream.indirect_vreg.gather [hbm4b:s5+s14], $0x80, v6, vm0, $0xb8;
	[tilespmem:$0x1E580] =	vst v63  }
0x8f: {  	s18 =	simm.s32 $0x9580  }
0x90: {  	[tilespmem:s18], [sflag:$0x1] =	stream.indirect_vreg.gather [hbm4b:s15+s14], $0x80, v6, vm0, $0xb8;
	[tilespmem:$0x1E580] =	vst v63  }
0x91: {  	s22 =	simm.s32 $0x9D80  }
0x92: {  	[tilespmem:s22], [sflag:$0x1] =	stream.indirect_vreg.gather [hbm4b:s16+s14], $0x80, v6, vm1, $0xb8;
	[tilespmem:$0x1E580] =	vst v63  }
0x93: {  	v6 =	vld [tilespmem:$0x40];
	_ =	sdelay $0x4  }
0x94: {  	v7 =	vshrl.u32 v6, $0x3  }
0x95: {  	v7 =	vmul.u32 $0x28, v7  }
0x96: {  	v6 =	vand.u32 $0x7, v6  }
0x97: {  	v6 =	vor.u32 v6, v7  }
0x98: {  	v7 =	vperm.xlane v6, v3;
	_ =	sdelay $0x1  }
0x99: {  	v7 =	vadd.s32 v4, v7;
	_ =	sdelay $0x3  }
0x9a: {  	v6 =	vperm.xlane v6, v5  }
0x9b: {  	[tilespmem:s26], [sflag:$0x1] =	stream.indirect_vreg.gather [hbm4b:s5+s14], $0x80, v7, vm0, $0xb8;
	[tilespmem:$0x1E580] =	vst v63  }
0x9c: {  	v6 =	vadd.s32 v4, v6  }
0x9d: {  	[tilespmem:s28], [sflag:$0x1] =	stream.indirect_vreg.gather [hbm4b:s15+s14], $0x80, v7, vm0, $0xb8;
	[tilespmem:$0x1E580] =	vst v63  }
0x9e: {  	_ = 	snop  }
0x9f: {  	[tilespmem:s29], [sflag:$0x1] =	stream.indirect_vreg.gather [hbm4b:s16+s14], $0x80, v7, vm1, $0xb8;
	[tilespmem:$0x1E580] =	vst v63  }
0xa0: {  	_ = 	snop  }
0xa1: {  	[tilespmem:s30], [sflag:$0x1] =	stream.indirect_vreg.gather [hbm4b:s5+s14], $0x80, v6, vm0, $0xb8;
	[tilespmem:$0x1E580] =	vst v63  }
0xa2: {  	_ = 	snop  }
0xa3: {  	[tilespmem:s31], [sflag:$0x1] =	stream.indirect_vreg.gather [hbm4b:s15+s14], $0x80, v6, vm0, $0xb8;
	[tilespmem:$0x1E580] =	vst v63  }
0xa4: {  	_ = 	snop  }
0xa5: {  	[tilespmem:s0], [sflag:$0x1] =	stream.indirect_vreg.gather [hbm4b:s16+s14], $0x80, v6, vm1, $0xb8;
	[tilespmem:$0x1E580] =	vst v63  }
0xa6: {  	s1 =	sshll.u32 s1, $0x4;
	s23 =	rddreg [dreg:$0x1];
	s18 =	simm.s32 $0xF180  }
0xa7: {  	[tilespmem:s18], [sflag:$0x2] =	stream.indirect.gather [hbm4b:s23+s3], $0x80, s21, s3, $0xb8;
	[tilespmem:$0x1E580] =	vst v63  }
0xa8: {  	s1 =	sadd.s32 s8, s1;
	s23 =	simm.s32 $0xC980  }
0xa9: {  	[tilespmem:s23], [sflag:$0x3] =	stream.linear.gather [hbm4b:s1+s14], $0x2800, $0x38;
	[tilespmem:$0x1E580] =	vst v63  }
0xaa: {  	_ =	swait.ge [sflag:s20], $0x2800  }
0xab: {  	[sflag:s20] =	ssyncset.done $0x0  }
0xac: {  	[sflag:s20] =	ssyncadd.s32 $0xFFFFD800  }
0xad: {  	v6 =	vld [tilespmem:$0x80]  }
0xae: {  	v8 =	vld [tilespmem:$0xA0]  }
0xaf: {  	v9 =	vld [tilespmem:$0xB0]  }
0xb0: {  	v7 =	vld [tilespmem:$0x90];
	_ =	sdelay $0x1  }
0xb1: {  	v10 =	vld [tilespmem:$0xC0];
	vm2 =	vge.s32 v6, v0;
	vm3 =	vlt.s32 v6, v1;
	v6 =	vsub.s32 v6, v0  }
0xb2: {  	vm4 =	vge.s32 v8, v0;
	vm5 =	vlt.s32 v8, v1;
	v8 =	vsub.s32 v8, v0  }
0xb3: {  	vm13 =	vge.s32 v9, v0;
	vm14 =	vlt.s32 v9, v1;
	vm2 =	vmand vm2, vm3  }
0xb4: {  	vm3 =	vlt.s32 v7, v1;
	v6 =	vnsel vm2, $0x1400, v6;
	vm2 =	vge.s32 v7, v0  }
0xb5: {  	v7 =	vsub.s32 v7, v0;
	vm2 =	vmand vm2, vm3;
	vm3 =	vmand vm4, vm5  }
0xb6: {  	vm15 =	vlt.s32 v10, v1;
	[tilespmem:$0x100] =	vst v6;
	v7 =	vnsel vm2, $0x1400, v7;
	v6 =	vnsel vm3, $0x1400, v8  }
0xb7: {  	vm2 =	vmand vm13, vm14;
	vm3 =	vge.s32 v10, v0;
	[tilespmem:$0x110] =	vst v7;
	v7 =	vsub.s32 v9, v0  }
0xb8: {  	[tilespmem:$0x120] =	vst v6;
	v6 =	vsub.s32 v10, v0;
	v7 =	vnsel vm2, $0x1400, v7;
	vm2 =	vmand vm3, vm15  }
0xb9: {  	[tilespmem:$0x130] =	vst v7;
	v6 =	vnsel vm2, $0x1400, v6  }
0xba: {  	[tilespmem:$0x140] =	vst v6  }
0xbb: {  	_ =	swait.ge [sflag:s11], $0xC800  }
0xbc: {  	[sflag:s11] =	ssyncset.done $0x0  }
0xbd: {  	[sflag:s11] =	ssyncadd.s32 $0xFFFF3800  }
0xbe: {  	_ =	swait.ge [sflag:s12], $0x2800  }
0xbf: {  	[sflag:s12] =	ssyncset.done $0x0  }
0xc0: {  	s24 =	simm.s32 $0x0;
	[sflag:s12] =	ssyncadd.s32 $0xFFFFD800  }
0xc1: {  	s1 =	smul.u32 $0x5000, s24;
	v6 =	vld [tilespmem:s18+$0x0]  }
0xc2: {  	v7 =	vld [tilespmem:s23+$0x0]  }
0xc3: {  	s25 =	sand.u32 $0x380, s14;
	s1 =	sshra.s32 s1, $0x2  }
0xc4: {  	s10 =	sor.u32 s25, s1  }
0xc5: {  	v8 =	vld [tilespmem:s10+$0x180]  }
0xc6: {  	v10 =	vld [tilespmem:s10+$0x580]  }
0xc7: {  	v11 =	vmul.f32 v6, v7  }
0xc8: {  	v12 =	vld [tilespmem:s10+$0x980]  }
0xc9: {  	v6 =	vbroadcast v11, $0x0;
	v9 =	vbroadcast v11, $0x1  }
0xca: {  	v13 =	vld [tilespmem:s10+$0xD80];
	v7 =	vbroadcast v11, $0x2  }
0xcb: {  	v14 =	vmul.f32 v6, v8;
	v10 =	vmul.f32 v10, v9  }
0xcc: {  	v15 =	vld [tilespmem:s10+$0x1180]  }
0xcd: {  	v8 =	vbroadcast v11, $0x3;
	v12 =	vmul.f32 v12, v7;
	v14 =	vadd.f32 v10, v14;
	_ =	sdelay $0x1  }
0xce: {  	v10 =	vbroadcast v11, $0x4;
	v11 =	vadd.f32 v12, v14;
	v12 =	vmul.f32 v13, v8;
	_ =	sdelay $0x1  }
0xcf: {  	v11 =	vadd.f32 v12, v11;
	v12 =	vmul.f32 v15, v10;
	_ =	sdelay $0x1  }
0xd0: {  	v11 =	vadd.f32 v12, v11  }
0xd1: {  	s4 =	simm.s32 $0x119C0  }
0xd2: {  	[tilespmem:s4+$0xFFFFFFC0] =	vst v11  }
0xd3: {  	v11 =	vld [tilespmem:s10+$0x190]  }
0xd4: {  	v12 =	vld [tilespmem:s10+$0x590];
	_ =	sdelay $0x1  }
0xd5: {  	v13 =	vld [tilespmem:s10+$0x990];
	_ =	sdelay $0x1  }
0xd6: {  	v14 =	vld [tilespmem:s10+$0xD90]  }
0xd7: {  	v11 =	vmul.f32 v11, v6;
	v12 =	vmul.f32 v12, v9  }
0xd8: {  	v15 =	vld [tilespmem:s10+$0x1190]  }
0xd9: {  	v11 =	vadd.f32 v12, v11;
	v12 =	vmul.f32 v13, v7;
	_ =	sdelay $0x1  }
0xda: {  	v11 =	vadd.f32 v12, v11;
	v12 =	vmul.f32 v14, v8;
	_ =	sdelay $0x1  }
0xdb: {  	v11 =	vadd.f32 v12, v11;
	v12 =	vmul.f32 v15, v10;
	_ =	sdelay $0x1  }
0xdc: {  	v11 =	vadd.f32 v12, v11;
	_ =	sdelay $0x1  }
0xdd: {  	[tilespmem:s4+$0xFFFFFFD0] =	vst v11  }
0xde: {  	v11 =	vld [tilespmem:s10+$0x1A0]  }
0xdf: {  	v12 =	vld [tilespmem:s10+$0x5A0];
	_ =	sdelay $0x1  }
0xe0: {  	v13 =	vld [tilespmem:s10+$0x9A0];
	_ =	sdelay $0x1  }
0xe1: {  	v14 =	vld [tilespmem:s10+$0xDA0]  }
0xe2: {  	v11 =	vmul.f32 v11, v6;
	v12 =	vmul.f32 v12, v9  }
0xe3: {  	v15 =	vld [tilespmem:s10+$0x11A0]  }
0xe4: {  	v11 =	vadd.f32 v12, v11;
	v12 =	vmul.f32 v13, v7;
	_ =	sdelay $0x1  }
0xe5: {  	v11 =	vadd.f32 v12, v11;
	v12 =	vmul.f32 v14, v8;
	_ =	sdelay $0x1  }
0xe6: {  	v11 =	vadd.f32 v12, v11;
	v12 =	vmul.f32 v15, v10;
	_ =	sdelay $0x1  }
0xe7: {  	v11 =	vadd.f32 v12, v11;
	_ =	sdelay $0x1  }
0xe8: {  	[tilespmem:s4+$0xFFFFFFE0] =	vst v11  }
0xe9: {  	v11 =	vld [tilespmem:s10+$0x1B0]  }
0xea: {  	v12 =	vld [tilespmem:s10+$0x5B0];
	_ =	sdelay $0x1  }
0xeb: {  	v13 =	vld [tilespmem:s10+$0x9B0];
	_ =	sdelay $0x1  }
0xec: {  	v14 =	vld [tilespmem:s10+$0xDB0]  }
0xed: {  	v11 =	vmul.f32 v11, v6;
	v12 =	vmul.f32 v12, v9  }
0xee: {  	v15 =	vld [tilespmem:s10+$0x11B0]  }
0xef: {  	v11 =	vadd.f32 v12, v11;
	v12 =	vmul.f32 v13, v7;
	_ =	sdelay $0x1  }
0xf0: {  	v11 =	vadd.f32 v12, v11;
	v12 =	vmul.f32 v14, v8;
	_ =	sdelay $0x1  }
0xf1: {  	v11 =	vadd.f32 v12, v11;
	v12 =	vmul.f32 v15, v10;
	_ =	sdelay $0x1  }
0xf2: {  	v11 =	vadd.f32 v12, v11;
	_ =	sdelay $0x1  }
0xf3: {  	[tilespmem:s4+$0xFFFFFFF0] =	vst v11  }
0xf4: {  	v11 =	vld [tilespmem:s10+$0x1C0]  }
0xf5: {  	v12 =	vld [tilespmem:s10+$0x5C0];
	_ =	sdelay $0x1  }
0xf6: {  	v13 =	vld [tilespmem:s10+$0x9C0];
	_ =	sdelay $0x1  }
0xf7: {  	v14 =	vld [tilespmem:s10+$0xDC0]  }
0xf8: {  	v11 =	vmul.f32 v11, v6;
	v12 =	vmul.f32 v12, v9  }
0xf9: {  	v15 =	vld [tilespmem:s10+$0x11C0]  }
0xfa: {  	v13 =	vmul.f32 v13, v7;
	v11 =	vadd.f32 v12, v11;
	_ =	sdelay $0x1  }
0xfb: {  	v12 =	vmul.f32 v14, v8;
	v11 =	vadd.f32 v13, v11;
	_ =	sdelay $0x1  }
0xfc: {  	v13 =	vmul.f32 v15, v10;
	v11 =	vadd.f32 v12, v11;
	_ =	sdelay $0x1  }
0xfd: {  	v11 =	vadd.f32 v13, v11;
	_ =	sdelay $0x1  }
0xfe: {  	[tilespmem:s4+$0x0] =	vst v11  }
0xff: {  	v11 =	vld [tilespmem:s10+$0x5D0]  }
0x100: {  	v12 =	vld [tilespmem:s10+$0x1D0];
	_ =	sdelay $0x1  }
0x101: {  	v13 =	vld [tilespmem:s10+$0x9D0];
	_ =	sdelay $0x1  }
0x102: {  	v14 =	vld [tilespmem:s10+$0xDD0]  }
0x103: {  	v11 =	vmul.f32 v11, v9;
	v12 =	vmul.f32 v12, v6  }
0x104: {  	v15 =	vld [tilespmem:s10+$0x11D0]  }
0x105: {  	v13 =	vmul.f32 v13, v7;
	v11 =	vadd.f32 v11, v12;
	_ =	sdelay $0x1  }
0x106: {  	v12 =	vmul.f32 v14, v8;
	v11 =	vadd.f32 v13, v11;
	_ =	sdelay $0x1  }
0x107: {  	v13 =	vmul.f32 v15, v10;
	v11 =	vadd.f32 v12, v11;
	_ =	sdelay $0x1  }
0x108: {  	v11 =	vadd.f32 v13, v11;
	_ =	sdelay $0x1  }
0x109: {  	[tilespmem:s4+$0x10] =	vst v11  }
0x10a: {  	v11 =	vld [tilespmem:s10+$0x1E0]  }
0x10b: {  	v12 =	vld [tilespmem:s10+$0x5E0]  }
0x10c: {  	v13 =	vld [tilespmem:s10+$0x9E0]  }
0x10d: {  	v15 =	vld [tilespmem:s10+$0xDE0];
	_ =	sdelay $0x2  }
0x10e: {  	v14 =	vmul.f32 v11, v6;
	v12 =	vmul.f32 v12, v9  }
0x10f: {  	v11 =	vld [tilespmem:s10+$0x11E0]  }
0x110: {  	s2 =	simm.s32 $0x11A40;
	s22 =	simm.s32 $0x0;
	s1 =	simm.s32 $0x1;
	v13 =	vmul.f32 v13, v7;
	v14 =	vadd.f32 v12, v14;
	v12 =	vmul.f32 v15, v8  }
.LBB2_5:
0x111: {  	s22 =	sadd.s32 $0x80, s22;
	s23 =	sadd.s32 $0x80, s23;
	s18 =	sadd.s32 $0x80, s18  }
0x112: {  	p0 =	sne.s32 s1, $0x4F;
	s24 =	smov.u32 s1;
	s1 =	sadd.s32 $0x1, s1;
	v13 =	vadd.f32 v13, v14  }
0x113: {  	_ = 	snop  }
0x114: {  	v11 =	vmul.f32 v11, v10;
	v12 =	vadd.f32 v12, v13;
	_ =	sdelay $0x1  }
0x115: {  	v11 =	vadd.f32 v11, v12;
	_ =	sdelay $0x1  }
0x116: {  	[tilespmem:s4+$0x20] =	vst v11  }
0x117: {  	v11 =	vld [tilespmem:s10+$0x5F0]  }
0x118: {  	s24 =	sshrl.u32 s24, $0x3;
	v12 =	vld [tilespmem:s10+$0x1F0]  }
0x119: {  	s24 =	smul.u32 $0x5000, s24;
	v13 =	vld [tilespmem:s10+$0x9F0]  }
0x11a: {  	v14 =	vld [tilespmem:s10+$0xDF0]  }
0x11b: {  	s25 =	sand.u32 $0x380, s22;
	s24 =	sshra.s32 s24, $0x2;
	v15 =	vld [tilespmem:s10+$0x11F0]  }
0x11c: {  	s10 =	sor.u32 s25, s24;
	v9 =	vmul.f32 v11, v9  }
0x11d: {  	v6 =	vmul.f32 v12, v6  }
0x11e: {  	v7 =	vmul.f32 v13, v7  }
0x11f: {  	v6 =	vadd.f32 v9, v6;
	v8 =	vmul.f32 v14, v8  }
0x120: {  	v9 =	vmul.f32 v15, v10  }
0x121: {  	v6 =	vadd.f32 v7, v6;
	_ =	sdelay $0x1  }
0x122: {  	v6 =	vadd.f32 v8, v6;
	_ =	sdelay $0x1  }
0x123: {  	v6 =	vadd.f32 v9, v6;
	_ =	sdelay $0x1  }
0x124: {  	[tilespmem:s4+$0x30] =	vst v6;
	s4 =	smov.u32 s2  }
0x125: {  	v6 =	vld [tilespmem:s18+$0x0]  }
0x126: {  	v7 =	vld [tilespmem:s23+$0x0];
	_ =	sdelay $0x1  }
0x127: {  	v10 =	vld [tilespmem:s10+$0x180];
	_ =	sdelay $0x1  }
0x128: {  	v11 =	vld [tilespmem:s10+$0x580]  }
0x129: {  	v12 =	vmul.f32 v6, v7  }
0x12a: {  	v13 =	vld [tilespmem:s10+$0x980]  }
0x12b: {  	v6 =	vbroadcast v12, $0x0;
	v9 =	vbroadcast v12, $0x1  }
0x12c: {  	v7 =	vbroadcast v12, $0x2;
	v8 =	vbroadcast v12, $0x3;
	v14 =	vld [tilespmem:s10+$0xD80]  }
0x12d: {  	v15 =	vmul.f32 v6, v10;
	v11 =	vmul.f32 v11, v9  }
0x12e: {  	v10 =	vbroadcast v12, $0x4;
	v16 =	vld [tilespmem:s10+$0x1180]  }
0x12f: {  	v11 =	vadd.f32 v11, v15;
	v12 =	vmul.f32 v13, v7;
	_ =	sdelay $0x1  }
0x130: {  	v11 =	vadd.f32 v12, v11;
	v12 =	vmul.f32 v14, v8;
	_ =	sdelay $0x1  }
0x131: {  	v11 =	vadd.f32 v12, v11;
	v12 =	vmul.f32 v16, v10;
	_ =	sdelay $0x1  }
0x132: {  	v11 =	vadd.f32 v12, v11;
	_ =	sdelay $0x1  }
0x133: {  	[tilespmem:s2+$0xFFFFFFC0] =	vst v11  }
0x134: {  	v11 =	vld [tilespmem:s10+$0x190]  }
0x135: {  	v12 =	vld [tilespmem:s10+$0x590];
	_ =	sdelay $0x1  }
0x136: {  	v13 =	vld [tilespmem:s10+$0x990];
	_ =	sdelay $0x1  }
0x137: {  	v11 =	vmul.f32 v11, v6;
	v14 =	vld [tilespmem:s10+$0xD90]  }
0x138: {  	v12 =	vmul.f32 v12, v9  }
0x139: {  	v15 =	vld [tilespmem:s10+$0x1190]  }
0x13a: {  	v11 =	vadd.f32 v12, v11;
	v12 =	vmul.f32 v13, v7;
	_ =	sdelay $0x1  }
0x13b: {  	v11 =	vadd.f32 v12, v11;
	v12 =	vmul.f32 v14, v8;
	_ =	sdelay $0x1  }
0x13c: {  	v11 =	vadd.f32 v12, v11;
	v12 =	vmul.f32 v15, v10;
	_ =	sdelay $0x1  }
0x13d: {  	v11 =	vadd.f32 v12, v11;
	_ =	sdelay $0x1  }
0x13e: {  	[tilespmem:s2+$0xFFFFFFD0] =	vst v11  }
0x13f: {  	v11 =	vld [tilespmem:s10+$0x1A0]  }
0x140: {  	v12 =	vld [tilespmem:s10+$0x5A0];
	_ =	sdelay $0x1  }
0x141: {  	v13 =	vld [tilespmem:s10+$0x9A0];
	_ =	sdelay $0x1  }
0x142: {  	v11 =	vmul.f32 v11, v6;
	v14 =	vld [tilespmem:s10+$0xDA0]  }
0x143: {  	v12 =	vmul.f32 v12, v9  }
0x144: {  	v15 =	vld [tilespmem:s10+$0x11A0]  }
0x145: {  	v11 =	vadd.f32 v12, v11;
	v12 =	vmul.f32 v13, v7;
	_ =	sdelay $0x1  }
0x146: {  	v11 =	vadd.f32 v12, v11;
	v12 =	vmul.f32 v14, v8;
	_ =	sdelay $0x1  }
0x147: {  	v11 =	vadd.f32 v12, v11;
	v12 =	vmul.f32 v15, v10;
	_ =	sdelay $0x1  }
0x148: {  	v11 =	vadd.f32 v12, v11;
	_ =	sdelay $0x1  }
0x149: {  	[tilespmem:s2+$0xFFFFFFE0] =	vst v11  }
0x14a: {  	v11 =	vld [tilespmem:s10+$0x1B0]  }
0x14b: {  	v12 =	vld [tilespmem:s10+$0x5B0]  }
0x14c: {  	v13 =	vld [tilespmem:s10+$0x9B0];
	_ =	sdelay $0x2  }
0x14d: {  	v11 =	vmul.f32 v11, v6;
	v14 =	vld [tilespmem:s10+$0xDB0]  }
0x14e: {  	v12 =	vmul.f32 v12, v9  }
0x14f: {  	v15 =	vld [tilespmem:s10+$0x11B0]  }
0x150: {  	v11 =	vadd.f32 v12, v11;
	v12 =	vmul.f32 v13, v7;
	_ =	sdelay $0x1  }
0x151: {  	v11 =	vadd.f32 v12, v11;
	v12 =	vmul.f32 v14, v8;
	_ =	sdelay $0x1  }
0x152: {  	v11 =	vadd.f32 v12, v11;
	v12 =	vmul.f32 v15, v10;
	_ =	sdelay $0x1  }
0x153: {  	v11 =	vadd.f32 v12, v11;
	_ =	sdelay $0x1  }
0x154: {  	[tilespmem:s2+$0xFFFFFFF0] =	vst v11  }
0x155: {  	v11 =	vld [tilespmem:s10+$0x1C0]  }
0x156: {  	v12 =	vld [tilespmem:s10+$0x5C0]  }
0x157: {  	v13 =	vld [tilespmem:s10+$0x9C0]  }
0x158: {  	v14 =	vld [tilespmem:s10+$0xDC0]  }
0x159: {  	v15 =	vld [tilespmem:s10+$0x11C0]  }
0x15a: {  	v11 =	vmul.f32 v11, v6  }
0x15b: {  	v12 =	vmul.f32 v12, v9  }
0x15c: {  	v13 =	vmul.f32 v13, v7  }
0x15d: {  	v11 =	vadd.f32 v12, v11;
	v12 =	vmul.f32 v14, v8  }
0x15e: {  	v14 =	vmul.f32 v15, v10  }
0x15f: {  	v11 =	vadd.f32 v13, v11;
	_ =	sdelay $0x1  }
0x160: {  	v11 =	vadd.f32 v12, v11;
	_ =	sdelay $0x1  }
0x161: {  	v11 =	vadd.f32 v14, v11;
	_ =	sdelay $0x1  }
0x162: {  	[tilespmem:s2+$0x0] =	vst v11  }
0x163: {  	v11 =	vld [tilespmem:s10+$0xDD0]  }
0x164: {  	v12 =	vld [tilespmem:s10+$0x5D0]  }
0x165: {  	v13 =	vld [tilespmem:s10+$0x1D0]  }
0x166: {  	v14 =	vld [tilespmem:s10+$0x9D0]  }
0x167: {  	v15 =	vld [tilespmem:s10+$0x11D0];
	_ =	sdelay $0x1  }
0x168: {  	v11 =	vmul.f32 v11, v8;
	v12 =	vmul.f32 v12, v9  }
0x169: {  	v13 =	vmul.f32 v13, v6  }
0x16a: {  	v14 =	vmul.f32 v14, v7  }
0x16b: {  	v12 =	vadd.f32 v12, v13;
	v13 =	vmul.f32 v15, v10;
	_ =	sdelay $0x1  }
0x16c: {  	v12 =	vadd.f32 v14, v12;
	_ =	sdelay $0x1  }
0x16d: {  	v11 =	vadd.f32 v11, v12;
	_ =	sdelay $0x1  }
0x16e: {  	v11 =	vadd.f32 v13, v11;
	_ =	sdelay $0x1  }
0x16f: {  	[tilespmem:s2+$0x10] =	vst v11  }
0x170: {  	v12 =	vld [tilespmem:s10+$0x1E0]  }
0x171: {  	v13 =	vld [tilespmem:s10+$0x5E0]  }
0x172: {  	v14 =	vld [tilespmem:s10+$0x9E0]  }
0x173: {  	v15 =	vld [tilespmem:s10+$0xDE0]  }
.Ltmp1:
0x174: {  	v11 =	vld [tilespmem:s10+$0x11E0];
	(pc) =	sbr.rel @p0 .LBB2_5-.Ltmp1, $4  }
0x175: {  	v12 =	vmul.f32 v12, v6  }
0x176: {  	v16 =	vmul.f32 v13, v9  }
0x177: {  	v13 =	vmul.f32 v14, v7  }
0x178: {  	s2 =	sadd.s32 $0x80, s2;
	v14 =	vadd.f32 v16, v12;
	v12 =	vmul.f32 v15, v8  }
0x179: {  	_ = 	snop  }
0x17a: {  	v13 =	vadd.f32 v13, v14;
	_ =	sdelay $0x1  }
0x17b: {  	v11 =	vmul.f32 v11, v10;
	v12 =	vadd.f32 v12, v13;
	_ =	sdelay $0x1  }
0x17c: {  	v11 =	vadd.f32 v11, v12;
	_ =	sdelay $0x1  }
0x17d: {  	[tilespmem:s4+$0x20] =	vst v11  }
0x17e: {  	v11 =	vld [tilespmem:s10+$0x5F0]  }
0x17f: {  	v60 =	vld [tilespmem:s10+$0x1F0];
	_ =	sdelay $0x1  }
0x180: {  	v61 =	vld [tilespmem:s10+$0x9F0];
	_ =	sdelay $0x1  }
0x181: {  	v62 =	vld [tilespmem:s10+$0xDF0]  }
0x182: {  	v9 =	vmul.f32 v11, v9;
	v6 =	vmul.f32 v60, v6  }
0x183: {  	v63 =	vld [tilespmem:s10+$0x11F0]  }
0x184: {  	v7 =	vmul.f32 v61, v7;
	v6 =	vadd.f32 v9, v6;
	_ =	sdelay $0x1  }
0x185: {  	v8 =	vmul.f32 v62, v8;
	v6 =	vadd.f32 v7, v6;
	_ =	sdelay $0x1  }
0x186: {  	v7 =	vmul.f32 v63, v10;
	v6 =	vadd.f32 v8, v6;
	_ =	sdelay $0x1  }
0x187: {  	s17 =	sadd.s32 $0x1, s17;
	v6 =	vadd.f32 v7, v6  }
0x188: {  	p0 =	sne.s32 s17, $0xFA  }
.Ltmp2:
0x189: {  	s1 =	rddreg [dreg:$0x2];
	[tilespmem:s4+$0x30] =	vst v6;
	(pc) =	sbr.rel @p0 .LBB2_4-.Ltmp2, $4  }
0x18a: {  	[spmem:s1] =	stream.indirect.scatter.add.f32 [tilespmem:s19], [sflag:$0x3], $0x80, s13, s3, $0xb8;
	[tilespmem:$0x1E580] =	vst v63  }
0x18b: {  	_ =	swait.ge [sflag:s20], $0x2800  }
0x18c: {  	[sflag:s20] =	ssyncset.done $0x0  }
0x18d: {  	[sflag:s20] =	ssyncadd.s32 $0xFFFFD800  }
0x18e: {  	s1 =	stileid.u32;
	[bflag:$0x0] =	sbarrier.arrive $0xFFFF  }
0x18f: {  	s1 =	sshll.u32 s1, $0x6;
	s2 =	rddreg [dreg:$0xa]  }
0x190: {  	s4 =	rddreg [dreg:$0xc];
	s1 =	sor.u32 $0x1C03, s1  }
0x191: {  	[hbm:s2], [sflag:s1] =	dma.local [spmem:s4], $0x1400  }
0x192: {  	_ =	swait.ge [sflag:s20], $0x1400  }
0x193: {  	s14 =	rddreg [dreg:$0x4]  }
0x194: {  	s25 =	rddreg [dreg:$0xb];
	s14 =	sadd.s32 $0x1, s14  }
0x195: {  	p0 =	sne.s32 s14, s25  }
.Ltmp3:
0x196: {  	_ = 	snop;
	(pc) =	sbr.rel @p0 .LBB2_1-.Ltmp3, $3  }
0x197: {  	_ =	sdelay $0x1  }
0x198: {  	[sflag:s20] =	ssyncset.done $0x0  }
0x199: {  	[sflag:s20] =	ssyncadd.s32 $0xFFFFEC00  }
0x19a: {  	_ =	sfence.sel $0x180000  }
0x19b: {  	[bflag:$0x0] =	sbarrier.arrive $0xFFFF  }
0x19c: {  	_ =	strace $0x9000004A  }
0x19d: {  	s0 =	stileid.u32;
	[bflag:$0x2] =	sbarrier.arrive $0xFFFF  }
0x19e: {  	p0 =	sne.s32 s0, $0x0;
	s0 =	rddreg [dreg:$0x3]  }
0x19f: {  	s0 =	sadd.s32 @!p0 $0x100000, s0  }
0x1a0: {  	[sflag:s0] =	ssyncadd.tile.s32 @!p0 $0x1;
	_ =	shalt  }
.Lfunc_end2:
_tile_overlayer_lowered:
.L_overlay_start_2:
0x1a1: {  	(tag) =	ssettag $0x2  }
0x1a2: {  	s0 =	rddreg [dreg:$0x0];
	s2 =	stileid.u32  }
0x1a3: {  	s1 =	rddreg [dreg:$0x1];
	p0 =	sne.s32 s2, $0x0  }
0x1a4: {  	s3 =	rddreg [dreg:$0x2];
	[bflag:$0x3] =	sbarrier.arrive $0xFFFF;
	s2 =	simm.s32 @!p0 $0x1C03  }
0x1a5: {  	[timem:s3], [sflag:s2] =	dma.local @!p0 [hbm:s0], s1  }
0x1a6: {  	s0 =	simm.s32 @!p0 $0x3  }
0x1a7: {  	_ =	swait.ge @!p0 [sflag:s0], s1  }
0x1a8: {  	s1 =	ssub.s32 @!p0 $0x0, s1;
	[sflag:s0] =	ssyncset.done @!p0 $0x0  }
0x1a9: {  	[sflag:s0] =	ssyncadd.s32 @!p0 s1  }
0x1aa: {  	[bflag:$0x3] =	sbarrier.arrive $0xFFFF  }
0x1ab: {  	_ =	shalt  }

// kernel: kernel.7.cloned.1.call-start
scs
__scs_entry_jumppad:
0x0: {  	(pc) =	sbr.rel $0x88, $3  }
0x1: {  	(tag) =	ssettag $0x0;
	lr =	simm.s32 $0x1  }
0x2: {  	[smem:$0x3F97] =	sst lr;
	_ =	strace $0xD0000000  }
0x3: {  	_ = 	snop  }
0x4: {  	_ = 	snop  }
0x5: {  	_ = 	snop  }
0x6: {  	_ = 	snop  }
0x7: {  	_ = 	snop  }
__scs_overlays_trampoline_lowered:
0x8: {  	[smem:$0x3FA6] =	sst s0  }
0x9: {  	[smem:$0x3FA7] =	sst s1  }
0xa: {  	[smem:$0x3FA8] =	sst s2  }
0xb: {  	[smem:$0x3FA9] =	sst s3  }
0xc: {  	[smem:$0x3FAA] =	sst s4  }
0xd: {  	[smem:$0x3FAB] =	sst s5  }
0xe: {  	[smem:$0x3FAC] =	sst s6  }
0xf: {  	[smem:$0x3FAD] =	sst s7  }
0x10: {  	[smem:$0x3FAE] =	sst s8  }
0x11: {  	[smem:$0x3FAF] =	sst s9;
	s0 =	simm.s32 @!p0 $0x0  }
0x12: {  	s1 =	sld [smem:$0x3F95];
	s0 =	simm.s32 @p0 $0x1  }
0x13: {  	[smem:$0x3FB0] =	sst s0;
	s0 =	simm.s32 @!p1 $0x0  }
0x14: {  	s2 =	sld [smem:$0x3F94];
	s0 =	simm.s32 @p1 $0x1  }
0x15: {  	[smem:$0x3FB1] =	sst s0;
	s0 =	simm.s32 @!p2 $0x0  }
0x16: {  	s3 =	sld [smem:$0x3FDB];
	s0 =	simm.s32 @p2 $0x1  }
0x17: {  	s4 =	simm.s32 $0x1BF5;
	[smem:$0x3FB3] =	sst s0  }
0x18: {  	s0 =	sld [smem:$0x3F96];
	_ =	swait.ge [sflag:s4], $0x0  }
0x19: {  	s7 =	sld [smem:$0x3F97]  }
0x1a: {  	s8 =	sadd.s32 $0xFFFFE003, lr  }
0x1b: {  	s9 =	sadd.s32 $0xFFFFFEF7, lr;
	s5 =	simm.s32 $0xFFFFFFFF;
	p2 =	slt.u32 s8, $0xFFFFF086  }
0x1c: {  	p1 =	slt.u32 s9, $0xF7A;
	s5 =	simm.s32 @!p2 $0x0  }
0x1d: {  	s5 =	simm.s32 @p1 $0x1;
	p0 =	seq.s32 s7, s2  }
0x1e: {  	s7 =	smul.u32 @!p0 $0xF7A, s2;
	p2 =	seq.s32 @!p0 s5, $0x0  }
0x1f: {  	s9 =	smul.u32 $0xF7A, s1;
	s8 =	simm.s32 @!p0 $0x1BF5;
	p2 =	por !p2, p0  }
0x20: {  	[sflag:s8] =	ssyncset.s32 @!p0 $0xFFFFF086;
	s6 =	sadd.s32 @!p0 s3, s7;
	s7 =	simm.s32 @!p0 $0x108  }
0x21: {  	s3 =	sadd.s32 s3, s9;
	s6 =	sadd.s32 @!p0 $0x88, s6;
	s7 =	simm.s32 @p2 $0x1082  }
0x22: {  	[simem:s7], [sflag:s8] =	dma.local @!p0 [hbm:s6], $0xF7A  }
0x23: {  	s9 =	sor.u32 $0xD0000000, s2;
	s6 =	simm.s32 $0x108;
	_ =	swait.ge @!p0 [sflag:s8], $0x0  }
0x24: {  	s3 =	sadd.s32 $0x88, s3;
	s6 =	simm.s32 @!p1 $0x1082;
	[sflag:s4] =	ssyncset.s32 $0xFFFFF086  }
0x25: {  	[simem:s6], [sflag:s4] =	dma.local [hbm:s3], $0xF7A  }
0x26: {  	[smem:$0x3F97] =	sst s1;
	(tag) =	ssettag s2;
	_ =	strace s9  }
0x27: {  	s1 =	sld [smem:$0x3FA7]  }
0x28: {  	s2 =	sld [smem:$0x3FA8]  }
0x29: {  	s4 =	sld [smem:$0x3FAA]  }
0x2a: {  	p0 =	seq.s32 s5, $0x0;
	s5 =	sld [smem:$0x3FAB]  }
0x2b: {  	s6 =	sld [smem:$0x3FAC]  }
0x2c: {  	s7 =	sld [smem:$0x3FAD]  }
0x2d: {  	s3 =	simm.s32 $0x108;
	s8 =	sld [smem:$0x3FAE]  }
0x2e: {  	s3 =	simm.s32 @!p0 $0x1082;
	s9 =	sld [smem:$0x3FAF]  }
0x2f: {  	lr =	sadd.s32 s0, s3;
	s0 =	sld [smem:$0x3FA6]  }
0x30: {  	s3 =	sld [smem:$0x3FA9]  }
0x31: {  	[smem:$0x3FB2] =	sst s10  }
0x32: {  	s10 =	sld [smem:$0x3FB0];
	_ =	sdelay $0x3  }
0x33: {  	p0 =	seq.s32 s10, $0x1;
	s10 =	sld [smem:$0x3FB2];
	_ =	sdelay $0x3  }
0x34: {  	[smem:$0x3FB2] =	sst s10  }
0x35: {  	s10 =	sld [smem:$0x3FB1];
	_ =	sdelay $0x3  }
0x36: {  	p1 =	seq.s32 s10, $0x1;
	s10 =	sld [smem:$0x3FB2];
	_ =	sdelay $0x3  }
0x37: {  	[smem:$0x3FB2] =	sst s10  }
0x38: {  	s10 =	sld [smem:$0x3FB3]  }
0x39: {  	_ = 	snop;
	(pc) =	sbr.ind lr, $3  }
0x3a: {  	_ = 	snop  }
0x3b: {  	_ = 	snop  }
0x3c: {  	p2 =	seq.s32 s10, $0x1;
	s10 =	sld [smem:$0x3FB2]  }
0x3d: {  	_ =	shalt  }
0x3e: {  	_ =	shalt  }
0x3f: {  	_ =	shalt  }
0x40: {  	_ =	shalt  }
0x41: {  	_ =	shalt  }
0x42: {  	_ =	shalt  }
0x43: {  	_ =	shalt  }
0x44: {  	_ =	shalt  }
0x45: {  	_ =	shalt  }
0x46: {  	_ =	shalt  }
0x47: {  	_ =	shalt  }
0x48: {  	_ =	shalt  }
0x49: {  	_ =	shalt  }
0x4a: {  	_ =	shalt  }
0x4b: {  	_ =	shalt  }
0x4c: {  	_ =	shalt  }
0x4d: {  	_ =	shalt  }
0x4e: {  	_ =	shalt  }
0x4f: {  	_ =	shalt  }
0x50: {  	_ =	shalt  }
0x51: {  	_ =	shalt  }
0x52: {  	_ =	shalt  }
0x53: {  	_ =	shalt  }
0x54: {  	_ =	shalt  }
0x55: {  	_ =	shalt  }
0x56: {  	_ =	shalt  }
0x57: {  	_ =	shalt  }
0x58: {  	_ =	shalt  }
0x59: {  	_ =	shalt  }
0x5a: {  	_ =	shalt  }
0x5b: {  	_ =	shalt  }
0x5c: {  	_ =	shalt  }
0x5d: {  	_ =	shalt  }
0x5e: {  	_ =	shalt  }
0x5f: {  	_ =	shalt  }
0x60: {  	_ =	shalt  }
0x61: {  	_ =	shalt  }
0x62: {  	_ =	shalt  }
0x63: {  	_ =	shalt  }
0x64: {  	_ =	shalt  }
0x65: {  	_ =	shalt  }
0x66: {  	_ =	shalt  }
0x67: {  	_ =	shalt  }
0x68: {  	_ =	shalt  }
0x69: {  	_ =	shalt  }
0x6a: {  	_ =	shalt  }
0x6b: {  	_ =	shalt  }
0x6c: {  	_ =	shalt  }
0x6d: {  	_ =	shalt  }
0x6e: {  	_ =	shalt  }
0x6f: {  	_ =	shalt  }
0x70: {  	_ =	shalt  }
0x71: {  	_ =	shalt  }
0x72: {  	_ =	shalt  }
0x73: {  	_ =	shalt  }
0x74: {  	_ =	shalt  }
0x75: {  	_ =	shalt  }
0x76: {  	_ =	shalt  }
0x77: {  	_ =	shalt  }
0x78: {  	_ =	shalt  }
0x79: {  	_ =	shalt  }
0x7a: {  	_ =	shalt  }
0x7b: {  	_ =	shalt  }
0x7c: {  	_ =	shalt  }
0x7d: {  	_ =	shalt  }
0x7e: {  	_ =	shalt  }
0x7f: {  	_ =	shalt  }
0x80: {  	_ =	shalt  }
0x81: {  	_ =	shalt  }
0x82: {  	_ =	shalt  }
0x83: {  	_ =	shalt  }
0x84: {  	_ =	shalt  }
0x85: {  	_ =	shalt  }
0x86: {  	_ =	shalt  }
0x87: {  	_ =	shalt  }
.Lfunc_end0:
.L_simem_size_0:
called_computation_lowered:
.L_overlay_start_0:
0x88: {  	s2 =	sld [smem:$0x3FD9]  }
0x89: {  	s3 =	sld [smem:$0x3FFE];
	_ =	sdelay $0x1  }
0x8a: {  	s1 =	srdreg.scid  }
0x8b: {  	s0 =	sand.u32 $0x1, s1  }
0x8c: {  	s17 =	sshll.u32 s0, $0xA;
	s2 =	sadd.s32 s3, s2  }
0x8d: {  	s2 =	sadd.s32 s2, s17  }
0x8e: {  	[smem:$0x3FBE] =	sst s2  }
0x8f: {  	_ = 	snop  }
0x90: {  	s2 =	sld [smem:$0x3FC3];
	(tm) =	ssettm $0x1  }
0x91: {  	s18 =	sld [smem:$0x3FFB];
	_ =	sdelay $0x3  }
0x92: {  	_ =	strace s18  }
0x93: {  	s3 =	sld [smem:$0x3FFC];
	_ =	sdelay $0x3  }
0x94: {  	_ =	strace s3  }
0x95: {  	s3 =	sld [smem:$0x3FFD];
	_ =	sdelay $0x3  }
0x96: {  	_ =	strace s3  }
0x97: {  	_ =	strace $0x8FFFFFFF  }
0x98: {  	s19 =	sld [smem:$0x3FDB];
	_ =	sdelay $0x1  }
0x99: {  	s4 =	simm.s32 $_scs_section_size  }
0x9a: {  	s5 =	simm.s32 $_size__tile_overlayer_lowered;
	s6 =	simm.s32 $_tile_overlayer_lowered  }
0x9b: {  	s22 =	simm.s32 $0x1BFF;
	s21 =	sshll.u32 s6, $0x1;
	s3 =	sadd.s32 s4, s19  }
0x9c: {  	s7 =	simm.s32 $0x0;
	s20 =	sshll.u32 s5, $0x1;
	s5 =	sadd.s32 s21, s3  }
0x9d: {  	[timem:s7], [sflag:s22] =	dma.local [hbm:s5], s20  }
0x9e: {  	_ =	swait.ge [sflag:s22], s20  }
0x9f: {  	s4 =	ssub.s32 $0x0, s20;
	[sflag:s22] =	ssyncset.done $0x0  }
0xa0: {  	[sflag:s22] =	ssyncadd.s32 s4;
	_ =	sdelay $0x1  }
0xa1: {  	s23 =	simm.s32 $0x1B8B  }
0xa2: {  	_ =	swait.ge [sflag:s23], $0x1  }
0xa3: {  	[sflag:s23] =	ssyncset.done $0x0  }
0xa4: {  	s25 =	simm.s32 $0x1B8E;
	s24 =	sld [smem:$0x3FFE];
	[sflag:s23] =	ssyncadd.s32 $0xFFFFFFFF  }
0xa5: {  	s26 =	simm.s32 $execute0_lowered;
	[smem:$0x3FD2] =	sst s25  }
0xa6: {  	s5 =	sshll.u32 s26, $0x1;
	_ =	strace $0x80000046;
	[dreg:$0x1] =	wrdreg $0xFFFFFFFF  }
0xa7: {  	s28 =	simm.s32 $_size_execute0_lowered;
	s3 =	sadd.s32 s3, s5;
	[dreg:$0x0] =	wrdreg $0x0  }
0xa8: {  	s5 =	sshll.u32 s28, $0x1;
	[dreg:$0x2] =	wrdreg s3  }
0xa9: {  	[dreg:$0x3] =	wrdreg s5  }
0xaa: {  	[dreg:$0x4] =	wrdreg $0xC0  }
0xab: {  	_ =	task [dreg:s7], $0x5FFFF  }
0xac: {  	[dreg:$0x1] =	wrdreg $0xFFFFFFFF  }
0xad: {  	[dreg:$0x0] =	wrdreg $0x60  }
0xae: {  	[dreg:$0x2] =	wrdreg s24  }
0xaf: {  	[dreg:$0x3] =	wrdreg s2  }
0xb0: {  	[dreg:$0x4] =	wrdreg $0x1E4000  }
0xb1: {  	[dreg:$0x5] =	wrdreg $0x9  }
0xb2: {  	_ =	task.clear_ibuf [dreg:s7], $0x6FFFF;
	_ =	strace $0x90000046  }
0xb3: {  	s29 =	simm.s32 $0x9;
	_ =	strace $0x80000048  }
0xb4: {  	_ =	swait.ge [sflag:s29], $0x1  }
0xb5: {  	[sflag:s29] =	ssyncadd.s32 $0xFFFFFFFF  }
0xb6: {  	_ =	strace $0x90000048  }
0xb7: {  	_ =	sfence  }
0xb8: {  	s30 =	sld [smem:$0x0];
	_ =	sdelay $0x2  }
0xb9: {  	s31 =	sshll.u32 s1, $0xD;
	s1 =	sshrl.u32 s1, $0x2  }
0xba: {  	s3 =	sand.u32 $0x4000, s31;
	s1 =	sadd.s32 s1, s30  }
0xbb: {  	s0 =	sor.u32 s3, s0;
	s1 =	sshll.u32 s1, $0x11  }
0xbc: {  	s0 =	sor.u32 s1, s0  }
0xbd: {  	s0 =	sadd.s32 $0x8F2B, s0  }
0xbe: {  	[sflag:s0] =	ssyncadd.remote.s32 $0x1  }
0xbf: {  	_ =	sfence.sel $0xFFFF  }
0xc0: {  	[dreg:$0x0] =	wrdreg $0xFFFFFFFF;
	(pc) =	sbr.abs _section_cstart, $3  }
0xc1: {  	[dreg:$0x1] =	wrdreg $0xFFFFFFFF  }
0xc2: {  	_ =	task.clear_ibuf [dreg:s7], $0x2FFFF;
	_ =	strace $0x9FFFFFFF  }
0xc3: {  	(tm) =	ssettm $0x7FFFFFFF  }
tec
execute0_lowered:
.L_overlay_start_1:
0x0: {  	(tag) =	ssettag $0x1  }
0x1: {  	s0 =	rddreg [dreg:$0x0]  }
0x2: {  	s10 =	rddreg [dreg:$0x2];
	s1 =	srdreg.scid  }
0x3: {  	s9 =	stileid.u32;
	s11 =	simm.s32 $0x0;
	s1 =	sand.u32 $0x1, s1  }
0x4: {  	s12 =	smul.u32 $0x280, s9;
	[smem:$0x7FF] =	sst s11;
	s3 =	sadd.s32 $0xD8E00, s0  }
0x5: {  	s8 =	sadd.s32 $0x15800, s0;
	_ =	strace $0x80000047;
	[dreg:$0x5] =	wrdreg s3  }
0x6: {  	s13 =	sadd.s32 $0xBA00, s0;
	s14 =	sadd.s32 $0x1C00, s0;
	[dreg:$0x6] =	wrdreg s8  }
0x7: {  	s4 =	smul.u32 $0xB6DC80, s9;
	s5 =	sadd.s32 $0x213600, s0;
	[dreg:$0x7] =	wrdreg s13  }
0x8: {  	s6 =	sshll.u32 s9, $0x1;
	s7 =	smul.u32 $0x6000, s9;
	[dreg:$0x8] =	wrdreg s14  }
0x9: {  	s20 =	sadd.s32 $0xD8F00, s0;
	s21 =	sadd.s32 $0xD9000, s0;
	[dreg:$0x9] =	wrdreg s5  }
0xa: {  	s22 =	sadd.s32 $0x15900, s0;
	s2 =	smul.u32 $0x2800, s1;
	[dreg:$0xc] =	wrdreg s20  }
0xb: {  	s15 =	ssub.s32 $0x2, s1;
	s1 =	sor.u32 s1, s6;
	[dreg:$0xd] =	wrdreg s21  }
0xc: {  	[dreg:$0xe] =	wrdreg s22;
	s16 =	sshrl.u32 s15, $0x1;
	s1 =	smul.u32 $0x2710, s1  }
0xd: {  	s18 =	sshrl.u32 s7, $0x2;
	[dreg:$0x4] =	wrdreg s12;
	s2 =	sadd.s32 s12, s2  }
0xe: {  	s3 =	ssub.s32 s15, s16;
	s19 =	sadd.s32 s18, s10;
	[dreg:$0xa] =	wrdreg s1  }
0xf: {  	s2 =	sshll.u32 s2, $0x4;
	[dreg:$0xb] =	wrdreg s19;
	s3 =	smax.u32 s3, $0x1  }
0x10: {  	s2 =	sadd.s32 s2, s0;
	s0 =	sadd.s32 $0x15A00, s0;
	[dreg:$0x19] =	wrdreg s3  }
0x11: {  	p0 =	seq.s32 s9, $0x0;
	[dreg:$0xf] =	wrdreg s0;
	s24 =	sadd.s32 $0x1C3600, s2  }
0x12: {  	s25 =	smul.u32 $0x5000, s9;
	s29 =	sadd.s32 $0x1C3B00, s2;
	[dreg:$0x10] =	wrdreg s24  }
0x13: {  	s8 =	sshrl.u32 s4, $0x12;
	s30 =	sadd.s32 $0x1C4000, s2;
	[dreg:$0x11] =	wrdreg s29  }
0x14: {  	s4 =	sshrl.u32 s4, $0x15;
	s31 =	sadd.s32 $0x1C4500, s2;
	[dreg:$0x12] =	wrdreg s30  }
0x15: {  	s17 =	sand.u32 $0x7, s8;
	s5 =	sadd.s32 $0x1C4A00, s2;
	[dreg:$0x13] =	wrdreg s31  }
0x16: {  	p1 =	sne.s32 s17, $0x0;
	s7 =	sadd.s32 $0x1C4F00, s2;
	[dreg:$0x14] =	wrdreg s5  }
0x17: {  	s1 =	simm.s32 $0x1;
	s8 =	sadd.s32 $0x1C5400, s2;
	[dreg:$0x16] =	wrdreg s7  }
0x18: {  	p0 =	por !p0, !p1;
	s9 =	sadd.s32 $0x1C5900, s2;
	[dreg:$0x17] =	wrdreg s8  }
0x19: {  	p0 =	por !p0, !p0;
	[dreg:$0x18] =	wrdreg s9;
	s24 =	sadd.s32 $0xA0, s12  }
0x1a: {  	s1 =	simm.s32 @!p0 $0x0;
	s29 =	sadd.s32 $0x190, s12;
	[smem:$0x7F8] =	sst s24  }
0x1b: {  	s30 =	sadd.s32 $0x1E0, s12;
	s23 =	ssub.s32 s4, s1;
	[smem:$0x7FB] =	sst s29  }
0x1c: {  	s31 =	sadd.s32 $0x230, s12;
	[smem:$0x7FC] =	sst s30;
	s0 =	sshll.u32 s23, $0xC  }
0x1d: {  	[smem:$0x7FD] =	sst s31;
	s23 =	sor.u32 $0x50, s12;
	s26 =	sshra.s32 s0, $0x2  }
0x1e: {  	s0 =	ssub.s32 s25, s0;
	[smem:$0x7F7] =	sst s23;
	s25 =	sadd.s32 $0xF0, s12  }
0x1f: {  	s6 =	sadd.s32 s26, s10;
	s10 =	sshra.s32 s0, $0x2;
	s13 =	sor.u32 $0xA00, s0  }
0x20: {  	s15 =	sadd.s32 $0x1400, s0;
	s16 =	sadd.s32 $0x1E00, s0;
	s17 =	sadd.s32 $0x2800, s0  }
0x21: {  	s20 =	sadd.s32 $0x3200, s0;
	s21 =	sadd.s32 $0x3C00, s0;
	[smem:$0x7F9] =	sst s25  }
0x22: {  	v0 =	vimm.f32 $0.0e+00;
	s0 =	sadd.s32 $0x4600, s0;
	s26 =	sadd.s32 $0x140, s12;
	[dreg:$0x15] =	wrdreg s6  }
0x23: {  	v1 =	vlaneseq.u32;
	v4 =	vimm.s32 $0xECA86420;
	vm0 =	vmmov $0xffff;
	s1 =	sadd.s32 $0x1BC00, s10;
	s14 =	sshra.s32 s13, $0x2;
	[smem:$0x7FA] =	sst s26  }
0x24: {  	vm1 =	vmmov $0xff;
	vm2 =	vcmask $0xB08;
	vm3 =	vcmask $0x1310;
	s2 =	sshra.s32 s16, $0x2;
	[dreg:$0x1a] =	wrdreg s1;
	s1 =	sadd.s32 $0x1BC00, s14  }
0x25: {  	vm4 =	vcmask $0x1B18;
	vm5 =	vcmask $0x300;
	v2 =	vand.u32 $0x7, v1;
	s0 =	sshra.s32 s0, $0x2;
	s18 =	sadd.s32 $0x1BC00, s2;
	[dreg:$0x1b] =	wrdreg s1  }
0x26: {  	vm6 =	vcmask $0x2320;
	vm14 =	vcmask $0x2B28;
	[tilespmem:$0x1FFC0] =	vst v2;
	v2 =	vimm.s32 $0x0;
	s0 =	sadd.s32 $0x1BC00, s0;
	s1 =	sshra.s32 s15, $0x2;
	[dreg:$0x1d] =	wrdreg s18  }
0x27: {  	vm8 =	vcmask $0x3330;
	vm9 =	vcmask $0x3B38;
	v2 =	vsel vm0, $0xFFFFFFFF, v2;
	s19 =	sshra.s32 s17, $0x2;
	[smem:$0x7F6] =	sst s0;
	s1 =	sadd.s32 $0x1BC00, s1  }
0x28: {  	vm7 =	vmmov $0x1;
	vm12 =	vcmask $0x314;
	[tilespmem:$0x1FFD0] =	vst v2;
	v2 =	vor.u32 $0x8, v1;
	s2 =	sshra.s32 s21, $0x2;
	[dreg:$0x1c] =	wrdreg s1;
	s1 =	sadd.s32 $0x1BC00, s19  }
0x29: {  	vm10 =	vcmask $0xB14;
	v5 =	vunpack.c.l.s4.s8 v4;
	[tilespmem:$0x1FFE0] =	vst v2;
	v2 =	vimm.s32 $0x0;
	s22 =	sadd.s32 $0x1BC00, s2;
	[dreg:$0x1e] =	wrdreg s1;
	s1 =	sshra.s32 s20, $0x2  }
0x2a: {  	vm13 =	vcmask $0xF14;
	s28 =	simm.s32 $0x0;
	v3 =	vshrl.u32 v1, $0x3;
	v2 =	vsel vm7, $0xFFFFFFFF, v2;
	[smem:$0x7F5] =	sst s22;
	s1 =	sadd.s32 $0x1BC00, s1  }
0x2b: {  	v6 =	vmul.u32 $0x2, v1;
	v3 =	vmul.u32 $0x8, v3;
	v5 =	vunpack.c.0.s8.s32 v5;
	[tilespmem:$0x1FFF0] =	vst v2;
	s8 =	simm.s32 $0x3;
	[dreg:$0x1f] =	wrdreg s1;
	s1 =	simm.s32 $0x0  }
.LBB2_1:
0x2c: {  	[smem:$0x7F4] =	sst s1  }
0x2d: {  	s0 =	rddreg [dreg:$0x1]  }
0x2e: {  	[tilespmem:s11], [sflag:$0x3] =	stream.linear.gather [hbm4b:s0+s11], $0x280, $0x38;
	[tilespmem:$0x1FC00] =	vst v63  }
0x2f: {  	_ =	swait.ge [sflag:s8], $0x280  }
0x30: {  	[sflag:s8] =	ssyncset.done $0x0  }
0x31: {  	s1 =	simm.s32 $0x200;
	s0 =	simm.s32 $0x0;
	[sflag:s8] =	ssyncadd.s32 $0xFFFFFD80  }
.LBB2_2:
0x32: {  	p0 =	sne.s32 s1, $0x9E00;
	[tilespmem:s0+$0x1BC70] =	vst v0  }
0x33: {  	[tilespmem:s0+$0x1BC00] =	vst v0  }
0x34: {  	[tilespmem:s0+$0x1BC10] =	vst v0  }
.Ltmp0:
0x35: {  	[tilespmem:s0+$0x1BC20] =	vst v0;
	(pc) =	sbr.rel @p0 .LBB2_2-.Ltmp0, $4  }
0x36: {  	[tilespmem:s0+$0x1BC30] =	vst v0  }
0x37: {  	[tilespmem:s0+$0x1BC40] =	vst v0  }
0x38: {  	[tilespmem:s0+$0x1BC50] =	vst v0  }
0x39: {  	[tilespmem:s0+$0x1BC60] =	vst v0;
	s0 =	sshra.s32 s1, $0x2;
	s1 =	sadd.s32 $0x200, s1  }
0x3a: {  	[tilespmem:s0+$0x1BC70] =	vst v0  }
0x3b: {  	[tilespmem:s0+$0x1BC00] =	vst v0  }
0x3c: {  	[tilespmem:s0+$0x1BC10] =	vst v0  }
0x3d: {  	[tilespmem:s0+$0x1BC20] =	vst v0  }
0x3e: {  	[tilespmem:s0+$0x1BC30] =	vst v0  }
0x3f: {  	[tilespmem:s0+$0x1BC40] =	vst v0  }
0x40: {  	[tilespmem:s0+$0x1BC50] =	vst v0  }
0x41: {  	[tilespmem:s0+$0x1BC60] =	vst v0;
	s31 =	rddreg [dreg:$0xb];
	s1 =	simm.s32 $0x1BC00  }
0x42: {  	[spmem:s31] =	stream.linear.scatter [tilespmem:s1], [sflag:$0x3], $0x1800, $0x38;
	[tilespmem:$0x1FC00] =	vst v63  }
0x43: {  	_ =	swait.ge [sflag:s8], $0x1800  }
0x44: {  	[sflag:s8] =	ssyncset.done $0x0  }
0x45: {  	[sflag:s8] =	ssyncadd.s32 $0xFFFFE800  }
0x46: {  	s0 =	simm.s32 $0x0;
	[bflag:$0x0] =	sbarrier.arrive $0xFFFF  }
.LBB2_4:
0x47: {  	[smem:$0x7D2] =	sst s0;
	s25 =	smul.u32 $0x50, s0  }
0x48: {  	s1 =	rddreg [dreg:$0xa]  }
0x49: {  	s26 =	rddreg [dreg:$0x7];
	s0 =	sadd.s32 s1, s25  }
0x4a: {  	[smem:$0x7D3] =	sst s0;
	s0 =	sshrl.u32 s0, $0x3  }
0x4b: {  	s2 =	simm.s32 $0x280;
	s1 =	sadd.s32 s26, s0  }
0x4c: {  	[tilespmem:s2], [sflag:$0x3] =	stream.linear.gather [hbm4b:s1+s28], $0x50, $0x38;
	[tilespmem:$0x1FC00] =	vst v63  }
0x4d: {  	_ =	swait.ge [sflag:s8], $0x50  }
0x4e: {  	[sflag:s8] =	ssyncset.done $0x0;
	s30 =	rddreg [dreg:$0x8]  }
0x4f: {  	s31 =	simm.s32 $0x300;
	[sflag:s8] =	ssyncadd.s32 $0xFFFFFFB0;
	s0 =	sadd.s32 s30, s0  }
0x50: {  	[tilespmem:s31], [sflag:$0x3] =	stream.linear.gather [hbm4b:s0+s28], $0x50, $0x38;
	[tilespmem:$0x1FC00] =	vst v63  }
0x51: {  	_ =	swait.ge [sflag:s8], $0x50  }
0x52: {  	[sflag:s8] =	ssyncset.done $0x0  }
0x53: {  	[sflag:s8] =	ssyncadd.s32 $0xFFFFFFB0  }
0x54: {  	v8 =	vld [tilespmem:$0x280];
	_ =	sdelay $0x3  }
0x55: {  	v2 =	vld [tilespmem:$0x1FFC0]  }
0x56: {  	v9 =	vshrl.u32 v8, $0x3  }
0x57: {  	v9 =	vmul.u32 $0x28, v9  }
0x58: {  	v8 =	vand.u32 $0x7, v8  }
0x59: {  	v8 =	vor.u32 v8, v9  }
0x5a: {  	v4 =	vld [tilespmem:$0x1FFE0];
	v9 =	vperm.xlane v8, v2  }
0x5b: {  	v7 =	vld [tilespmem:$0x1FFD0]  }
0x5c: {  	v9 =	vadd.s32 v3, v9;
	_ =	sdelay $0x3  }
0x5d: {  	s2 =	simm.s32 $0x400;
	s0 =	rddreg [dreg:$0x5];
	vm0 =	vnez.u8 v7;
	v8 =	vperm.xlane v8, v4  }
0x5e: {  	[tilespmem:s2], [sflag:$0x1] =	stream.indirect_vreg.gather [hbm4b:s0+s28], $0x80, v9, vm0, $0xb8;
	[tilespmem:$0x1FC00] =	vst v63  }
0x5f: {  	s3 =	simm.s32 $0xC00;
	s1 =	rddreg [dreg:$0xc];
	v8 =	vadd.s32 v3, v8  }
0x60: {  	[tilespmem:s3], [sflag:$0x1] =	stream.indirect_vreg.gather [hbm4b:s1+s28], $0x80, v9, vm0, $0xb8;
	[tilespmem:$0x1FC00] =	vst v63  }
0x61: {  	s2 =	rddreg [dreg:$0xd];
	s3 =	simm.s32 $0x1400  }
0x62: {  	[tilespmem:s3], [sflag:$0x1] =	stream.indirect_vreg.gather [hbm4b:s2+s28], $0x80, v9, vm1, $0xb8;
	[tilespmem:$0x1FC00] =	vst v63  }
0x63: {  	s4 =	simm.s32 $0x1800  }
0x64: {  	[tilespmem:s4], [sflag:$0x1] =	stream.indirect_vreg.gather [hbm4b:s0+s28], $0x80, v8, vm0, $0xb8;
	[tilespmem:$0x1FC00] =	vst v63  }
0x65: {  	s5 =	simm.s32 $0x2000  }
0x66: {  	[tilespmem:s5], [sflag:$0x1] =	stream.indirect_vreg.gather [hbm4b:s1+s28], $0x80, v8, vm0, $0xb8;
	[tilespmem:$0x1FC00] =	vst v63  }
0x67: {  	s6 =	simm.s32 $0x2800  }
0x68: {  	[tilespmem:s6], [sflag:$0x1] =	stream.indirect_vreg.gather [hbm4b:s2+s28], $0x80, v8, vm1, $0xb8;
	[tilespmem:$0x1FC00] =	vst v63  }
0x69: {  	v8 =	vld [tilespmem:$0x290];
	_ =	sdelay $0x4  }
0x6a: {  	v24 =	vshrl.u32 v8, $0x3  }
0x6b: {  	v9 =	vmul.u32 $0x28, v24  }
0x6c: {  	v8 =	vand.u32 $0x7, v8  }
0x6d: {  	v8 =	vor.u32 v8, v9  }
0x6e: {  	v9 =	vperm.xlane v8, v2;
	_ =	sdelay $0x1  }
0x6f: {  	v9 =	vadd.s32 v3, v9;
	_ =	sdelay $0x3  }
0x70: {  	s7 =	simm.s32 $0x2C00;
	v8 =	vperm.xlane v8, v4  }
0x71: {  	[tilespmem:s7], [sflag:$0x1] =	stream.indirect_vreg.gather [hbm4b:s0+s28], $0x80, v9, vm0, $0xb8;
	[tilespmem:$0x1FC00] =	vst v63  }
0x72: {  	s8 =	simm.s32 $0x3400;
	v8 =	vadd.s32 v3, v8  }
0x73: {  	[tilespmem:s8], [sflag:$0x1] =	stream.indirect_vreg.gather [hbm4b:s1+s28], $0x80, v9, vm0, $0xb8;
	[tilespmem:$0x1FC00] =	vst v63  }
0x74: {  	s9 =	simm.s32 $0x3C00  }
0x75: {  	[tilespmem:s9], [sflag:$0x1] =	stream.indirect_vreg.gather [hbm4b:s2+s28], $0x80, v9, vm1, $0xb8;
	[tilespmem:$0x1FC00] =	vst v63  }
0x76: {  	s10 =	simm.s32 $0x4000  }
0x77: {  	[tilespmem:s10], [sflag:$0x1] =	stream.indirect_vreg.gather [hbm4b:s0+s28], $0x80, v8, vm0, $0xb8;
	[tilespmem:$0x1FC00] =	vst v63  }
0x78: {  	s11 =	simm.s32 $0x4800  }
0x79: {  	[tilespmem:s11], [sflag:$0x1] =	stream.indirect_vreg.gather [hbm4b:s1+s28], $0x80, v8, vm0, $0xb8;
	[tilespmem:$0x1FC00] =	vst v63  }
0x7a: {  	s12 =	simm.s32 $0x5000  }
0x7b: {  	[tilespmem:s12], [sflag:$0x1] =	stream.indirect_vreg.gather [hbm4b:s2+s28], $0x80, v8, vm1, $0xb8;
	[tilespmem:$0x1FC00] =	vst v63  }
0x7c: {  	v8 =	vld [tilespmem:$0x2A0];
	_ =	sdelay $0x4  }
0x7d: {  	v25 =	vshrl.u32 v8, $0x3  }
0x7e: {  	v9 =	vmul.u32 $0x28, v25  }
0x7f: {  	v8 =	vand.u32 $0x7, v8  }
0x80: {  	v8 =	vor.u32 v8, v9  }
0x81: {  	v9 =	vperm.xlane v8, v2;
	_ =	sdelay $0x1  }
0x82: {  	v9 =	vadd.s32 v3, v9;
	_ =	sdelay $0x3  }
0x83: {  	s13 =	simm.s32 $0x5400;
	v8 =	vperm.xlane v8, v4  }
0x84: {  	[tilespmem:s13], [sflag:$0x1] =	stream.indirect_vreg.gather [hbm4b:s0+s28], $0x80, v9, vm0, $0xb8;
	[tilespmem:$0x1FC00] =	vst v63  }
0x85: {  	s14 =	simm.s32 $0x5C00;
	v8 =	vadd.s32 v3, v8  }
0x86: {  	[tilespmem:s14], [sflag:$0x1] =	stream.indirect_vreg.gather [hbm4b:s1+s28], $0x80, v9, vm0, $0xb8;
	[tilespmem:$0x1FC00] =	vst v63  }
0x87: {  	s15 =	simm.s32 $0x6400  }
0x88: {  	[tilespmem:s15], [sflag:$0x1] =	stream.indirect_vreg.gather [hbm4b:s2+s28], $0x80, v9, vm1, $0xb8;
	[tilespmem:$0x1FC00] =	vst v63  }
0x89: {  	s16 =	simm.s32 $0x6800  }
0x8a: {  	[tilespmem:s16], [sflag:$0x1] =	stream.indirect_vreg.gather [hbm4b:s0+s28], $0x80, v8, vm0, $0xb8;
	[tilespmem:$0x1FC00] =	vst v63  }
0x8b: {  	s17 =	simm.s32 $0x7000  }
0x8c: {  	[tilespmem:s17], [sflag:$0x1] =	stream.indirect_vreg.gather [hbm4b:s1+s28], $0x80, v8, vm0, $0xb8;
	[tilespmem:$0x1FC00] =	vst v63  }
0x8d: {  	s18 =	simm.s32 $0x7800  }
0x8e: {  	[tilespmem:s18], [sflag:$0x1] =	stream.indirect_vreg.gather [hbm4b:s2+s28], $0x80, v8, vm1, $0xb8;
	[tilespmem:$0x1FC00] =	vst v63  }
0x8f: {  	v8 =	vld [tilespmem:$0x2B0];
	_ =	sdelay $0x4  }
0x90: {  	v26 =	vshrl.u32 v8, $0x3  }
0x91: {  	v9 =	vmul.u32 $0x28, v26  }
0x92: {  	v8 =	vand.u32 $0x7, v8  }
0x93: {  	v8 =	vor.u32 v8, v9  }
0x94: {  	v9 =	vperm.xlane v8, v2;
	_ =	sdelay $0x1  }
0x95: {  	v9 =	vadd.s32 v3, v9;
	_ =	sdelay $0x3  }
0x96: {  	s19 =	simm.s32 $0x7C00;
	v8 =	vperm.xlane v8, v4  }
0x97: {  	[tilespmem:s19], [sflag:$0x1] =	stream.indirect_vreg.gather [hbm4b:s0+s28], $0x80, v9, vm0, $0xb8;
	[tilespmem:$0x1FC00] =	vst v63  }
0x98: {  	s20 =	simm.s32 $0x8400;
	v8 =	vadd.s32 v3, v8  }
0x99: {  	[tilespmem:s20], [sflag:$0x1] =	stream.indirect_vreg.gather [hbm4b:s1+s28], $0x80, v9, vm0, $0xb8;
	[tilespmem:$0x1FC00] =	vst v63  }
0x9a: {  	s21 =	simm.s32 $0x8C00  }
0x9b: {  	[tilespmem:s21], [sflag:$0x1] =	stream.indirect_vreg.gather [hbm4b:s2+s28], $0x80, v9, vm1, $0xb8;
	[tilespmem:$0x1FC00] =	vst v63  }
0x9c: {  	s22 =	simm.s32 $0x9000  }
0x9d: {  	[tilespmem:s22], [sflag:$0x1] =	stream.indirect_vreg.gather [hbm4b:s0+s28], $0x80, v8, vm0, $0xb8;
	[tilespmem:$0x1FC00] =	vst v63  }
0x9e: {  	s23 =	simm.s32 $0x9800  }
0x9f: {  	[tilespmem:s23], [sflag:$0x1] =	stream.indirect_vreg.gather [hbm4b:s1+s28], $0x80, v8, vm0, $0xb8;
	[tilespmem:$0x1FC00] =	vst v63  }
0xa0: {  	s24 =	simm.s32 $0xA000  }
0xa1: {  	[tilespmem:s24], [sflag:$0x1] =	stream.indirect_vreg.gather [hbm4b:s2+s28], $0x80, v8, vm1, $0xb8;
	[tilespmem:$0x1FC00] =	vst v63  }
0xa2: {  	v8 =	vld [tilespmem:$0x2C0];
	_ =	sdelay $0x4  }
0xa3: {  	v27 =	vshrl.u32 v8, $0x3  }
0xa4: {  	v9 =	vmul.u32 $0x28, v27  }
0xa5: {  	v8 =	vand.u32 $0x7, v8  }
0xa6: {  	v8 =	vor.u32 v8, v9  }
0xa7: {  	v9 =	vperm.xlane v8, v2;
	_ =	sdelay $0x1  }
0xa8: {  	v9 =	vadd.s32 v3, v9;
	_ =	sdelay $0x3  }
0xa9: {  	s25 =	simm.s32 $0xA400;
	v8 =	vperm.xlane v8, v4  }
0xaa: {  	[tilespmem:s25], [sflag:$0x1] =	stream.indirect_vreg.gather [hbm4b:s0+s28], $0x80, v9, vm0, $0xb8;
	[tilespmem:$0x1FC00] =	vst v63  }
0xab: {  	s26 =	simm.s32 $0xAC00;
	v8 =	vadd.s32 v3, v8  }
0xac: {  	[tilespmem:s26], [sflag:$0x1] =	stream.indirect_vreg.gather [hbm4b:s1+s28], $0x80, v9, vm0, $0xb8;
	[tilespmem:$0x1FC00] =	vst v63  }
0xad: {  	s30 =	simm.s32 $0xB400  }
0xae: {  	[tilespmem:s30], [sflag:$0x1] =	stream.indirect_vreg.gather [hbm4b:s2+s28], $0x80, v9, vm1, $0xb8;
	[tilespmem:$0x1FC00] =	vst v63  }
0xaf: {  	s31 =	simm.s32 $0xB800  }
0xb0: {  	[tilespmem:s31], [sflag:$0x1] =	stream.indirect_vreg.gather [hbm4b:s0+s28], $0x80, v8, vm0, $0xb8;
	[tilespmem:$0x1FC00] =	vst v63  }
0xb1: {  	s3 =	simm.s32 $0xC000  }
0xb2: {  	[tilespmem:s3], [sflag:$0x1] =	stream.indirect_vreg.gather [hbm4b:s1+s28], $0x80, v8, vm0, $0xb8;
	[tilespmem:$0x1FC00] =	vst v63  }
0xb3: {  	s4 =	simm.s32 $0xC800  }
0xb4: {  	[tilespmem:s4], [sflag:$0x1] =	stream.indirect_vreg.gather [hbm4b:s2+s28], $0x80, v8, vm1, $0xb8;
	[tilespmem:$0x1FC00] =	vst v63  }
0xb5: {  	v8 =	vld [tilespmem:$0x300];
	_ =	sdelay $0x4  }
0xb6: {  	v28 =	vshrl.u32 v8, $0x3  }
0xb7: {  	v9 =	vmul.u32 $0x28, v28  }
0xb8: {  	v8 =	vand.u32 $0x7, v8  }
0xb9: {  	v8 =	vor.u32 v8, v9  }
0xba: {  	v9 =	vperm.xlane v8, v2;
	_ =	sdelay $0x1  }
0xbb: {  	v9 =	vadd.s32 v3, v9;
	_ =	sdelay $0x3  }
0xbc: {  	s5 =	simm.s32 $0xCC00;
	s0 =	rddreg [dreg:$0x6];
	v8 =	vperm.xlane v8, v4  }
0xbd: {  	[tilespmem:s5], [sflag:$0x2] =	stream.indirect_vreg.gather [hbm4b:s0+s28], $0x80, v9, vm0, $0xb8;
	[tilespmem:$0x1FC00] =	vst v63  }
0xbe: {  	s6 =	simm.s32 $0xD400;
	s1 =	rddreg [dreg:$0xe];
	v8 =	vadd.s32 v3, v8  }
0xbf: {  	[tilespmem:s6], [sflag:$0x2] =	stream.indirect_vreg.gather [hbm4b:s1+s28], $0x80, v9, vm0, $0xb8;
	[tilespmem:$0x1FC00] =	vst v63  }
0xc0: {  	s7 =	simm.s32 $0xDC00;
	s2 =	rddreg [dreg:$0xf]  }
0xc1: {  	[tilespmem:s7], [sflag:$0x2] =	stream.indirect_vreg.gather [hbm4b:s2+s28], $0x80, v9, vm1, $0xb8;
	[tilespmem:$0x1FC00] =	vst v63  }
0xc2: {  	s8 =	simm.s32 $0xE000  }
0xc3: {  	[tilespmem:s8], [sflag:$0x2] =	stream.indirect_vreg.gather [hbm4b:s0+s28], $0x80, v8, vm0, $0xb8;
	[tilespmem:$0x1FC00] =	vst v63  }
0xc4: {  	s9 =	simm.s32 $0xE800  }
0xc5: {  	[tilespmem:s9], [sflag:$0x2] =	stream.indirect_vreg.gather [hbm4b:s1+s28], $0x80, v8, vm0, $0xb8;
	[tilespmem:$0x1FC00] =	vst v63  }
0xc6: {  	s10 =	simm.s32 $0xF000  }
0xc7: {  	[tilespmem:s10], [sflag:$0x2] =	stream.indirect_vreg.gather [hbm4b:s2+s28], $0x80, v8, vm1, $0xb8;
	[tilespmem:$0x1FC00] =	vst v63  }
0xc8: {  	v8 =	vld [tilespmem:$0x310];
	_ =	sdelay $0x4  }
0xc9: {  	v29 =	vshrl.u32 v8, $0x3  }
0xca: {  	v9 =	vmul.u32 $0x28, v29  }
0xcb: {  	v8 =	vand.u32 $0x7, v8  }
0xcc: {  	v8 =	vor.u32 v8, v9  }
0xcd: {  	v9 =	vperm.xlane v8, v2;
	_ =	sdelay $0x1  }
0xce: {  	v9 =	vadd.s32 v3, v9;
	_ =	sdelay $0x3  }
0xcf: {  	s11 =	simm.s32 $0xF400;
	v8 =	vperm.xlane v8, v4  }
0xd0: {  	[tilespmem:s11], [sflag:$0x2] =	stream.indirect_vreg.gather [hbm4b:s0+s28], $0x80, v9, vm0, $0xb8;
	[tilespmem:$0x1FC00] =	vst v63  }
0xd1: {  	s12 =	simm.s32 $0xFC00;
	v8 =	vadd.s32 v3, v8  }
0xd2: {  	[tilespmem:s12], [sflag:$0x2] =	stream.indirect_vreg.gather [hbm4b:s1+s28], $0x80, v9, vm0, $0xb8;
	[tilespmem:$0x1FC00] =	vst v63  }
0xd3: {  	s13 =	simm.s32 $0x10400  }
0xd4: {  	[tilespmem:s13], [sflag:$0x2] =	stream.indirect_vreg.gather [hbm4b:s2+s28], $0x80, v9, vm1, $0xb8;
	[tilespmem:$0x1FC00] =	vst v63  }
0xd5: {  	s14 =	simm.s32 $0x10800  }
0xd6: {  	[tilespmem:s14], [sflag:$0x2] =	stream.indirect_vreg.gather [hbm4b:s0+s28], $0x80, v8, vm0, $0xb8;
	[tilespmem:$0x1FC00] =	vst v63  }
0xd7: {  	s15 =	simm.s32 $0x11000  }
0xd8: {  	[tilespmem:s15], [sflag:$0x2] =	stream.indirect_vreg.gather [hbm4b:s1+s28], $0x80, v8, vm0, $0xb8;
	[tilespmem:$0x1FC00] =	vst v63  }
0xd9: {  	s16 =	simm.s32 $0x11800  }
0xda: {  	[tilespmem:s16], [sflag:$0x2] =	stream.indirect_vreg.gather [hbm4b:s2+s28], $0x80, v8, vm1, $0xb8;
	[tilespmem:$0x1FC00] =	vst v63  }
0xdb: {  	v8 =	vld [tilespmem:$0x320];
	_ =	sdelay $0x4  }
0xdc: {  	v30 =	vshrl.u32 v8, $0x3  }
0xdd: {  	v9 =	vmul.u32 $0x28, v30  }
0xde: {  	v8 =	vand.u32 $0x7, v8  }
0xdf: {  	v8 =	vor.u32 v8, v9  }
0xe0: {  	v9 =	vperm.xlane v8, v2;
	_ =	sdelay $0x1  }
0xe1: {  	v9 =	vadd.s32 v3, v9;
	_ =	sdelay $0x3  }
0xe2: {  	s17 =	simm.s32 $0x11C00;
	v8 =	vperm.xlane v8, v4  }
0xe3: {  	[tilespmem:s17], [sflag:$0x2] =	stream.indirect_vreg.gather [hbm4b:s0+s28], $0x80, v9, vm0, $0xb8;
	[tilespmem:$0x1FC00] =	vst v63  }
0xe4: {  	s18 =	simm.s32 $0x12400;
	v8 =	vadd.s32 v3, v8  }
0xe5: {  	[tilespmem:s18], [sflag:$0x2] =	stream.indirect_vreg.gather [hbm4b:s1+s28], $0x80, v9, vm0, $0xb8;
	[tilespmem:$0x1FC00] =	vst v63  }
0xe6: {  	s19 =	simm.s32 $0x12C00  }
0xe7: {  	[tilespmem:s19], [sflag:$0x2] =	stream.indirect_vreg.gather [hbm4b:s2+s28], $0x80, v9, vm1, $0xb8;
	[tilespmem:$0x1FC00] =	vst v63  }
0xe8: {  	s20 =	simm.s32 $0x13000  }
0xe9: {  	[tilespmem:s20], [sflag:$0x2] =	stream.indirect_vreg.gather [hbm4b:s0+s28], $0x80, v8, vm0, $0xb8;
	[tilespmem:$0x1FC00] =	vst v63  }
0xea: {  	s21 =	simm.s32 $0x13800  }
0xeb: {  	[tilespmem:s21], [sflag:$0x2] =	stream.indirect_vreg.gather [hbm4b:s1+s28], $0x80, v8, vm0, $0xb8;
	[tilespmem:$0x1FC00] =	vst v63  }
0xec: {  	s22 =	simm.s32 $0x14000  }
0xed: {  	[tilespmem:s22], [sflag:$0x2] =	stream.indirect_vreg.gather [hbm4b:s2+s28], $0x80, v8, vm1, $0xb8;
	[tilespmem:$0x1FC00] =	vst v63  }
0xee: {  	v8 =	vld [tilespmem:$0x330];
	_ =	sdelay $0x4  }
0xef: {  	v31 =	vshrl.u32 v8, $0x3  }
0xf0: {  	v9 =	vmul.u32 $0x28, v31  }
0xf1: {  	v8 =	vand.u32 $0x7, v8  }
0xf2: {  	v8 =	vor.u32 v8, v9  }
0xf3: {  	v9 =	vperm.xlane v8, v2;
	_ =	sdelay $0x1  }
0xf4: {  	v9 =	vadd.s32 v3, v9;
	_ =	sdelay $0x3  }
0xf5: {  	s23 =	simm.s32 $0x14400;
	v8 =	vperm.xlane v8, v4  }
0xf6: {  	[tilespmem:s23], [sflag:$0x2] =	stream.indirect_vreg.gather [hbm4b:s0+s28], $0x80, v9, vm0, $0xb8;
	[tilespmem:$0x1FC00] =	vst v63  }
0xf7: {  	s24 =	simm.s32 $0x14C00;
	v8 =	vadd.s32 v3, v8  }
0xf8: {  	[tilespmem:s24], [sflag:$0x2] =	stream.indirect_vreg.gather [hbm4b:s1+s28], $0x80, v9, vm0, $0xb8;
	[tilespmem:$0x1FC00] =	vst v63  }
0xf9: {  	s25 =	simm.s32 $0x15400  }
0xfa: {  	[tilespmem:s25], [sflag:$0x2] =	stream.indirect_vreg.gather [hbm4b:s2+s28], $0x80, v9, vm1, $0xb8;
	[tilespmem:$0x1FC00] =	vst v63  }
0xfb: {  	s26 =	simm.s32 $0x15800  }
0xfc: {  	[tilespmem:s26], [sflag:$0x2] =	stream.indirect_vreg.gather [hbm4b:s0+s28], $0x80, v8, vm0, $0xb8;
	[tilespmem:$0x1FC00] =	vst v63  }
0xfd: {  	s30 =	simm.s32 $0x16000  }
0xfe: {  	[tilespmem:s30], [sflag:$0x2] =	stream.indirect_vreg.gather [hbm4b:s1+s28], $0x80, v8, vm0, $0xb8;
	[tilespmem:$0x1FC00] =	vst v63  }
0xff: {  	s31 =	simm.s32 $0x16800  }
0x100: {  	[tilespmem:s31], [sflag:$0x2] =	stream.indirect_vreg.gather [hbm4b:s2+s28], $0x80, v8, vm1, $0xb8;
	[tilespmem:$0x1FC00] =	vst v63  }
0x101: {  	v8 =	vld [tilespmem:$0x340];
	_ =	sdelay $0x4  }
0x102: {  	v32 =	vshrl.u32 v8, $0x3  }
0x103: {  	v9 =	vmul.u32 $0x28, v32  }
0x104: {  	v8 =	vand.u32 $0x7, v8  }
0x105: {  	v8 =	vor.u32 v8, v9  }
0x106: {  	v9 =	vperm.xlane v8, v2;
	_ =	sdelay $0x1  }
0x107: {  	v9 =	vadd.s32 v3, v9;
	_ =	sdelay $0x3  }
0x108: {  	s4 =	simm.s32 $0x16C00;
	v8 =	vperm.xlane v8, v4  }
0x109: {  	[tilespmem:s4], [sflag:$0x2] =	stream.indirect_vreg.gather [hbm4b:s0+s28], $0x80, v9, vm0, $0xb8;
	[tilespmem:$0x1FC00] =	vst v63  }
0x10a: {  	s5 =	simm.s32 $0x17400;
	v8 =	vadd.s32 v3, v8  }
0x10b: {  	[tilespmem:s5], [sflag:$0x2] =	stream.indirect_vreg.gather [hbm4b:s1+s28], $0x80, v9, vm0, $0xb8;
	[tilespmem:$0x1FC00] =	vst v63  }
0x10c: {  	s6 =	simm.s32 $0x17C00  }
0x10d: {  	[tilespmem:s6], [sflag:$0x2] =	stream.indirect_vreg.gather [hbm4b:s2+s28], $0x80, v9, vm1, $0xb8;
	[tilespmem:$0x1FC00] =	vst v63  }
0x10e: {  	s7 =	simm.s32 $0x18000  }
0x10f: {  	[tilespmem:s7], [sflag:$0x2] =	stream.indirect_vreg.gather [hbm4b:s0+s28], $0x80, v8, vm0, $0xb8;
	[tilespmem:$0x1FC00] =	vst v63  }
0x110: {  	s8 =	simm.s32 $0x18800  }
0x111: {  	[tilespmem:s8], [sflag:$0x2] =	stream.indirect_vreg.gather [hbm4b:s1+s28], $0x80, v8, vm0, $0xb8;
	[tilespmem:$0x1FC00] =	vst v63  }
0x112: {  	s9 =	simm.s32 $0x19000  }
0x113: {  	[tilespmem:s9], [sflag:$0x2] =	stream.indirect_vreg.gather [hbm4b:s2+s28], $0x80, v8, vm1, $0xb8;
	[tilespmem:$0x1FC00] =	vst v63  }
0x114: {  	v8 =	vld [tilespmem:$0x300];
	_ =	sdelay $0x4  }
0x115: {  	(v2sf) =	vpush v8, $0xD;
	_ =	sdelay $0x1  }
0x116: {  	(v2sf) =	vpush v8, $0xC;
	_ =	sdelay $0x1  }
0x117: {  	(v2sf) =	vpush v8, $0xE;
	_ =	sdelay $0x1  }
0x118: {  	(v2sf) =	vpush v8, $0xF;
	_ =	sdelay $0x1  }
0x119: {  	(v2sf) =	vpush v8, $0x9;
	_ =	sdelay $0x1  }
0x11a: {  	(v2sf) =	vpush v8, $0x8;
	_ =	sdelay $0x1  }
0x11b: {  	(v2sf) =	vpush v8, $0xA;
	_ =	sdelay $0x1  }
0x11c: {  	(v2sf) =	vpush v8, $0xB  }
0x11d: {  	(v2sf) =	vpush v8, $0x1;
	s10 =	spop (v2sf)  }
0x11e: {  	s11 =	smulhi.u32 $0x92492493, s10;
	s12 =	sshra.s32 s10, $0x1F  }
0x11f: {  	s13 =	spop (v2sf);
	s2 =	smul.u32 $0x92492493, s12  }
0x120: {  	s14 =	smulhi.u32 $0x92492493, s13;
	s4 =	sshra.s32 s13, $0x1F  }
0x121: {  	s16 =	spop (v2sf);
	s15 =	smul.u32 $0x92492493, s4  }
0x122: {  	(v2sf) =	vpush v8, $0x0;
	s0 =	ssub.s32 s11, s10;
	s17 =	smulhi.u32 $0x92492493, s16;
	s18 =	sshra.s32 s16, $0x1F  }
0x123: {  	s20 =	spop (v2sf);
	s5 =	sadd.s32 s2, s0;
	s19 =	smul.u32 $0x92492493, s18  }
0x124: {  	(v2sf) =	vpush v8, $0x2;
	s1 =	ssub.s32 s14, s13;
	s21 =	smulhi.u32 $0x92492493, s20;
	s22 =	sshra.s32 s20, $0x1F  }
0x125: {  	s24 =	spop (v2sf);
	s30 =	sadd.s32 s15, s1;
	s23 =	smul.u32 $0x92492493, s22  }
0x126: {  	(v2sf) =	vpush v8, $0x3;
	s2 =	ssub.s32 s17, s16;
	s25 =	smulhi.u32 $0x92492493, s24;
	s26 =	sshra.s32 s24, $0x1F  }
0x127: {  	s8 =	spop (v2sf);
	s7 =	sadd.s32 s19, s2;
	s6 =	smul.u32 $0x92492493, s26  }
0x128: {  	(v2sf) =	vpush v8, $0x4;
	s1 =	ssub.s32 s21, s20;
	s9 =	smulhi.u32 $0x92492493, s8;
	s10 =	sshra.s32 s8, $0x1F  }
0x129: {  	s12 =	spop (v2sf);
	s31 =	sadd.s32 s23, s1;
	s11 =	smul.u32 $0x92492493, s10  }
0x12a: {  	(v2sf) =	vpush v8, $0x5;
	s2 =	ssub.s32 s25, s24;
	s13 =	smulhi.u32 $0x92492493, s12;
	s14 =	sshra.s32 s12, $0x1F  }
0x12b: {  	v9 =	vld [tilespmem:$0x310];
	(v2sf) =	vpush v8, $0x6;
	s16 =	spop (v2sf);
	s0 =	sadd.s32 s6, s2;
	s15 =	smul.u32 $0x92492493, s14  }
0x12c: {  	s17 =	smulhi.u32 $0x92492493, s16;
	s18 =	sshra.s32 s16, $0x1F;
	s20 =	spop (v2sf)  }
0x12d: {  	s1 =	ssub.s32 s9, s8;
	[smem:$0x7D8] =	sst s0;
	s19 =	smul.u32 $0x92492493, s18  }
0x12e: {  	(v2sf) =	vpush v8, $0x7;
	s0 =	sadd.s32 s11, s1;
	s2 =	ssub.s32 s13, s12;
	s21 =	smulhi.u32 $0x92492493, s20  }
0x12f: {  	s22 =	sshra.s32 s20, $0x1F;
	[smem:$0x7D6] =	sst s0;
	s0 =	sadd.s32 s15, s2  }
0x130: {  	(v2sf) =	vpush v9, $0xD;
	s1 =	ssub.s32 s17, s16;
	s23 =	smul.u32 $0x92492493, s22;
	[smem:$0x7DA] =	sst s0  }
0x131: {  	s0 =	sadd.s32 s19, s1;
	s2 =	ssub.s32 s21, s20;
	s24 =	spop (v2sf)  }
0x132: {  	[smem:$0x7DC] =	sst s0;
	s25 =	smulhi.u32 $0x92492493, s24;
	s26 =	sshra.s32 s24, $0x1F  }
0x133: {  	s0 =	sadd.s32 s23, s2;
	s8 =	spop (v2sf);
	s6 =	smul.u32 $0x92492493, s26  }
0x134: {  	[smem:$0x7D4] =	sst s0;
	(v2sf) =	vpush v9, $0xC;
	s9 =	smulhi.u32 $0x92492493, s8;
	s10 =	sshra.s32 s8, $0x1F  }
0x135: {  	s12 =	spop (v2sf);
	s11 =	smul.u32 $0x92492493, s10  }
0x136: {  	(v2sf) =	vpush v9, $0xE;
	s1 =	ssub.s32 s25, s24;
	s13 =	smulhi.u32 $0x92492493, s12;
	s14 =	sshra.s32 s12, $0x1F  }
0x137: {  	s16 =	spop (v2sf);
	s6 =	sadd.s32 s6, s1;
	s15 =	smul.u32 $0x92492493, s14  }
0x138: {  	(v2sf) =	vpush v9, $0xF;
	s2 =	ssub.s32 s9, s8;
	s17 =	smulhi.u32 $0x92492493, s16;
	s18 =	sshra.s32 s16, $0x1F  }
0x139: {  	s20 =	spop (v2sf);
	s0 =	sadd.s32 s11, s2;
	s19 =	smul.u32 $0x92492493, s18  }
0x13a: {  	(v2sf) =	vpush v9, $0x9;
	s21 =	smulhi.u32 $0x92492493, s20;
	s22 =	sshra.s32 s20, $0x1F;
	s24 =	spop (v2sf)  }
0x13b: {  	s1 =	ssub.s32 s13, s12;
	[smem:$0x7D5] =	sst s0;
	s23 =	smul.u32 $0x92492493, s22  }
0x13c: {  	(v2sf) =	vpush v9, $0x8;
	s0 =	sadd.s32 s15, s1;
	s2 =	ssub.s32 s17, s16;
	s25 =	smulhi.u32 $0x92492493, s24  }
0x13d: {  	s26 =	sshra.s32 s24, $0x1F;
	s9 =	spop (v2sf);
	[smem:$0x7D7] =	sst s0  }
0x13e: {  	(v2sf) =	vpush v9, $0xA;
	s0 =	sadd.s32 s19, s2;
	s1 =	ssub.s32 s21, s20;
	s8 =	smul.u32 $0x92492493, s26  }
0x13f: {  	s10 =	smulhi.u32 $0x92492493, s9;
	s11 =	sshra.s32 s9, $0x1F;
	s13 =	spop (v2sf)  }
0x140: {  	(v2sf) =	vpush v9, $0xB;
	[smem:$0x7D9] =	sst s0;
	s0 =	sadd.s32 s23, s1;
	s12 =	smul.u32 $0x92492493, s11  }
0x141: {  	s2 =	ssub.s32 s25, s24;
	s14 =	smulhi.u32 $0x92492493, s13;
	s15 =	sshra.s32 s13, $0x1F  }
0x142: {  	[smem:$0x7DB] =	sst s0;
	s0 =	sadd.s32 s8, s2;
	s16 =	smul.u32 $0x92492493, s15  }
0x143: {  	(v2sf) =	vpush v9, $0x1;
	s1 =	ssub.s32 s10, s9;
	[smem:$0x7DD] =	sst s0;
	s17 =	spop (v2sf)  }
0x144: {  	s0 =	sadd.s32 s12, s1;
	s18 =	smulhi.u32 $0x92492493, s17;
	s19 =	sshra.s32 s17, $0x1F  }
0x145: {  	s2 =	ssub.s32 s14, s13;
	s21 =	spop (v2sf);
	s20 =	smul.u32 $0x92492493, s19  }
0x146: {  	[smem:$0x7DF] =	sst s0;
	s22 =	smulhi.u32 $0x92492493, s21;
	s23 =	sshra.s32 s21, $0x1F  }
0x147: {  	s0 =	sadd.s32 s16, s2;
	(v2sf) =	vpush v9, $0x0;
	s25 =	spop (v2sf);
	s24 =	smul.u32 $0x92492493, s23  }
0x148: {  	[smem:$0x7E0] =	sst s0;
	s26 =	smulhi.u32 $0x92492493, s25;
	s8 =	sshra.s32 s25, $0x1F  }
0x149: {  	(v2sf) =	vpush v9, $0x2;
	s1 =	ssub.s32 s18, s17;
	s10 =	spop (v2sf);
	s9 =	smul.u32 $0x92492493, s8  }
0x14a: {  	s0 =	sadd.s32 s20, s1;
	s2 =	ssub.s32 s22, s21;
	s11 =	smulhi.u32 $0x92492493, s10  }
0x14b: {  	(v2sf) =	vpush v9, $0x3;
	s12 =	sshra.s32 s10, $0x1F;
	s14 =	spop (v2sf);
	[smem:$0x7DE] =	sst s0  }
0x14c: {  	s0 =	sadd.s32 s24, s2;
	s1 =	ssub.s32 s26, s25;
	s13 =	smul.u32 $0x92492493, s12  }
0x14d: {  	(v2sf) =	vpush v9, $0x4;
	s15 =	smulhi.u32 $0x92492493, s14;
	s16 =	sshra.s32 s14, $0x1F;
	s18 =	spop (v2sf)  }
0x14e: {  	[smem:$0x7E2] =	sst s0;
	s0 =	sadd.s32 s9, s1;
	s17 =	smul.u32 $0x92492493, s16  }
0x14f: {  	(v2sf) =	vpush v9, $0x5;
	s19 =	smulhi.u32 $0x92492493, s18;
	s20 =	sshra.s32 s18, $0x1F;
	s22 =	spop (v2sf)  }
0x150: {  	v10 =	vld [tilespmem:$0x320];
	(v2sf) =	vpush v9, $0x6;
	s2 =	ssub.s32 s11, s10;
	[smem:$0x7E4] =	sst s0;
	s21 =	smul.u32 $0x92492493, s20  }
0x151: {  	s0 =	sadd.s32 s13, s2;
	s1 =	ssub.s32 s15, s14;
	s23 =	smulhi.u32 $0x92492493, s22  }
0x152: {  	s24 =	sshra.s32 s22, $0x1F;
	s26 =	spop (v2sf);
	[smem:$0x7E6] =	sst s0  }
0x153: {  	(v2sf) =	vpush v9, $0x7;
	s29 =	sadd.s32 s17, s1;
	s2 =	ssub.s32 s19, s18;
	s25 =	smul.u32 $0x92492493, s24  }
0x154: {  	s8 =	smulhi.u32 $0x92492493, s26;
	s9 =	sshra.s32 s26, $0x1F;
	s0 =	sadd.s32 s21, s2  }
0x155: {  	(v2sf) =	vpush v10, $0xD;
	s1 =	ssub.s32 s23, s22;
	s10 =	smul.u32 $0x92492493, s9;
	[smem:$0x7E8] =	sst s0  }
0x156: {  	s0 =	sadd.s32 s25, s1;
	s2 =	ssub.s32 s8, s26;
	s11 =	spop (v2sf)  }
0x157: {  	[smem:$0x7EA] =	sst s0;
	s12 =	smulhi.u32 $0x92492493, s11;
	s13 =	sshra.s32 s11, $0x1F  }
0x158: {  	s0 =	sadd.s32 s10, s2;
	s15 =	spop (v2sf);
	s14 =	smul.u32 $0x92492493, s13  }
0x159: {  	[smem:$0x7E1] =	sst s0;
	(v2sf) =	vpush v10, $0xC;
	s16 =	smulhi.u32 $0x92492493, s15;
	s17 =	sshra.s32 s15, $0x1F  }
0x15a: {  	s19 =	spop (v2sf);
	s18 =	smul.u32 $0x92492493, s17  }
0x15b: {  	(v2sf) =	vpush v10, $0xE;
	s1 =	ssub.s32 s12, s11;
	s20 =	smulhi.u32 $0x92492493, s19;
	s21 =	sshra.s32 s19, $0x1F  }
0x15c: {  	s23 =	spop (v2sf);
	s25 =	sadd.s32 s14, s1;
	s22 =	smul.u32 $0x92492493, s21  }
0x15d: {  	(v2sf) =	vpush v10, $0xF;
	s2 =	ssub.s32 s16, s15;
	s24 =	smulhi.u32 $0x92492493, s23;
	s26 =	sshra.s32 s23, $0x1F  }
0x15e: {  	s9 =	spop (v2sf);
	s0 =	sadd.s32 s18, s2;
	s8 =	smul.u32 $0x92492493, s26  }
0x15f: {  	(v2sf) =	vpush v10, $0x9;
	s10 =	smulhi.u32 $0x92492493, s9;
	s11 =	sshra.s32 s9, $0x1F;
	s13 =	spop (v2sf)  }
0x160: {  	s1 =	ssub.s32 s20, s19;
	[smem:$0x7E3] =	sst s0;
	s12 =	smul.u32 $0x92492493, s11  }
0x161: {  	(v2sf) =	vpush v10, $0x8;
	s0 =	sadd.s32 s22, s1;
	s2 =	ssub.s32 s24, s23;
	s14 =	smulhi.u32 $0x92492493, s13  }
0x162: {  	s15 =	sshra.s32 s13, $0x1F;
	s17 =	spop (v2sf);
	[smem:$0x7E5] =	sst s0  }
0x163: {  	(v2sf) =	vpush v10, $0xA;
	s0 =	sadd.s32 s8, s2;
	s1 =	ssub.s32 s10, s9;
	s16 =	smul.u32 $0x92492493, s15  }
0x164: {  	s18 =	smulhi.u32 $0x92492493, s17;
	s19 =	sshra.s32 s17, $0x1F;
	s21 =	spop (v2sf)  }
0x165: {  	(v2sf) =	vpush v10, $0xB;
	[smem:$0x7E7] =	sst s0;
	s0 =	sadd.s32 s12, s1;
	s20 =	smul.u32 $0x92492493, s19  }
0x166: {  	s2 =	ssub.s32 s14, s13;
	s22 =	smulhi.u32 $0x92492493, s21;
	s23 =	sshra.s32 s21, $0x1F  }
0x167: {  	[smem:$0x7E9] =	sst s0;
	s0 =	sadd.s32 s16, s2;
	s24 =	smul.u32 $0x92492493, s23  }
0x168: {  	(v2sf) =	vpush v10, $0x1;
	s1 =	ssub.s32 s18, s17;
	[smem:$0x7EB] =	sst s0;
	s26 =	spop (v2sf)  }
0x169: {  	s0 =	sadd.s32 s20, s1;
	s8 =	smulhi.u32 $0x92492493, s26;
	s9 =	sshra.s32 s26, $0x1F  }
0x16a: {  	s2 =	ssub.s32 s22, s21;
	s11 =	spop (v2sf);
	s10 =	smul.u32 $0x92492493, s9  }
0x16b: {  	[smem:$0x7EC] =	sst s0;
	(v2sf) =	vpush v10, $0x0;
	s12 =	smulhi.u32 $0x92492493, s11;
	s13 =	sshra.s32 s11, $0x1F  }
0x16c: {  	s0 =	sadd.s32 s24, s2;
	s15 =	spop (v2sf);
	s14 =	smul.u32 $0x92492493, s13  }
0x16d: {  	[smem:$0x7EE] =	sst s0;
	(v2sf) =	vpush v10, $0x2;
	s16 =	smulhi.u32 $0x92492493, s15;
	s17 =	sshra.s32 s15, $0x1F  }
0x16e: {  	s1 =	ssub.s32 s8, s26;
	s19 =	spop (v2sf);
	s18 =	smul.u32 $0x92492493, s17  }
0x16f: {  	(v2sf) =	vpush v10, $0x3;
	s0 =	sadd.s32 s10, s1;
	s2 =	ssub.s32 s12, s11;
	s20 =	smulhi.u32 $0x92492493, s19  }
0x170: {  	s21 =	sshra.s32 s19, $0x1F;
	s23 =	spop (v2sf);
	[smem:$0x7ED] =	sst s0  }
0x171: {  	(v2sf) =	vpush v10, $0x4;
	s0 =	sadd.s32 s14, s2;
	s1 =	ssub.s32 s16, s15;
	s22 =	smul.u32 $0x92492493, s21  }
0x172: {  	s24 =	smulhi.u32 $0x92492493, s23;
	s26 =	sshra.s32 s23, $0x1F;
	s9 =	spop (v2sf)  }
0x173: {  	(v2sf) =	vpush v10, $0x5;
	[smem:$0x7EF] =	sst s0;
	s0 =	sadd.s32 s18, s1;
	s8 =	smul.u32 $0x92492493, s26  }
0x174: {  	v11 =	vld [tilespmem:$0x330];
	s10 =	smulhi.u32 $0x92492493, s9;
	s11 =	sshra.s32 s9, $0x1F;
	s13 =	spop (v2sf)  }
0x175: {  	(v2sf) =	vpush v10, $0x6;
	s2 =	ssub.s32 s20, s19;
	[smem:$0x7F1] =	sst s0;
	s12 =	smul.u32 $0x92492493, s11  }
0x176: {  	s0 =	sadd.s32 s22, s2;
	s1 =	ssub.s32 s24, s23;
	s14 =	smulhi.u32 $0x92492493, s13  }
0x177: {  	(v2sf) =	vpush v10, $0x7;
	s15 =	sshra.s32 s13, $0x1F;
	s17 =	spop (v2sf);
	[smem:$0x7F0] =	sst s0  }
0x178: {  	s26 =	sadd.s32 s8, s1;
	s2 =	ssub.s32 s10, s9;
	s16 =	smul.u32 $0x92492493, s15  }
0x179: {  	(v2sf) =	vpush v11, $0xD;
	s18 =	smulhi.u32 $0x92492493, s17;
	s19 =	sshra.s32 s17, $0x1F;
	s0 =	sadd.s32 s12, s2  }
0x17a: {  	s1 =	ssub.s32 s14, s13;
	s20 =	smul.u32 $0x92492493, s19;
	s21 =	spop (v2sf)  }
0x17b: {  	[smem:$0x7F2] =	sst s0;
	(v2sf) =	vpush v11, $0xC;
	s22 =	smulhi.u32 $0x92492493, s21;
	s23 =	sshra.s32 s21, $0x1F  }
0x17c: {  	s0 =	sadd.s32 s16, s1;
	s8 =	spop (v2sf);
	s4 =	smul.u32 $0x92492493, s23  }
0x17d: {  	s2 =	ssub.s32 s18, s17;
	(v2sf) =	vpush v11, $0xE;
	s9 =	smulhi.u32 $0x92492493, s8;
	s10 =	sshra.s32 s8, $0x1F  }
0x17e: {  	s24 =	sadd.s32 s20, s2;
	s12 =	spop (v2sf);
	s11 =	smul.u32 $0x92492493, s10  }
0x17f: {  	(v2sf) =	vpush v11, $0xF;
	s1 =	ssub.s32 s22, s21;
	s14 =	smulhi.u32 $0x92492493, s12;
	s15 =	sshra.s32 s12, $0x1F  }
0x180: {  	s17 =	spop (v2sf);
	s13 =	sadd.s32 s4, s1;
	s16 =	smul.u32 $0x92492493, s15  }
0x181: {  	(v2sf) =	vpush v11, $0x9;
	s2 =	ssub.s32 s9, s8;
	s18 =	smulhi.u32 $0x92492493, s17;
	s20 =	sshra.s32 s17, $0x1F  }
0x182: {  	s23 =	spop (v2sf);
	s22 =	sadd.s32 s11, s2;
	s21 =	smul.u32 $0x92492493, s20  }
0x183: {  	s1 =	ssub.s32 s14, s12;
	s8 =	smulhi.u32 $0x92492493, s23;
	s9 =	sshra.s32 s23, $0x1F  }
0x184: {  	(v2sf) =	vpush v11, $0x8;
	s11 =	spop (v2sf);
	s19 =	sadd.s32 s16, s1;
	s10 =	smul.u32 $0x92492493, s9  }
0x185: {  	s2 =	ssub.s32 s18, s17;
	s12 =	smulhi.u32 $0x92492493, s11;
	s14 =	sshra.s32 s11, $0x1F  }
0x186: {  	(v2sf) =	vpush v11, $0xA;
	s16 =	spop (v2sf);
	s21 =	sadd.s32 s21, s2;
	s15 =	smul.u32 $0x92492493, s14  }
0x187: {  	s1 =	ssub.s32 s8, s23;
	s18 =	smulhi.u32 $0x92492493, s16;
	s23 =	sshra.s32 s16, $0x1F  }
0x188: {  	(v2sf) =	vpush v11, $0xB;
	s9 =	spop (v2sf);
	s20 =	sadd.s32 s10, s1;
	s8 =	smul.u32 $0x92492493, s23  }
0x189: {  	s2 =	ssub.s32 s12, s11;
	s10 =	smulhi.u32 $0x92492493, s9;
	s11 =	sshra.s32 s9, $0x1F  }
0x18a: {  	(v2sf) =	vpush v11, $0x1;
	s17 =	sadd.s32 s15, s2;
	s12 =	smul.u32 $0x92492493, s11;
	s14 =	spop (v2sf)  }
0x18b: {  	s1 =	ssub.s32 s18, s16;
	s15 =	smulhi.u32 $0x92492493, s14;
	s18 =	sshra.s32 s14, $0x1F  }
0x18c: {  	s23 =	sadd.s32 s8, s1;
	s8 =	spop (v2sf);
	s4 =	smul.u32 $0x92492493, s18  }
0x18d: {  	s2 =	ssub.s32 s10, s9;
	(v2sf) =	vpush v11, $0x0;
	s9 =	smulhi.u32 $0x92492493, s8;
	s10 =	sshra.s32 s8, $0x1F  }
0x18e: {  	s16 =	sadd.s32 s12, s2;
	(v2sf) =	vpush v11, $0x2;
	s12 =	spop (v2sf);
	s11 =	smul.u32 $0x92492493, s10  }
0x18f: {  	s1 =	ssub.s32 s15, s14;
	s18 =	smulhi.u32 $0x92492493, s12  }
0x190: {  	s10 =	spop (v2sf);
	s2 =	ssub.s32 s9, s8;
	s8 =	sshra.s32 s12, $0x1F  }
0x191: {  	s14 =	sadd.s32 s4, s1;
	s15 =	sadd.s32 s11, s2;
	s9 =	smul.u32 $0x92492493, s8  }
0x192: {  	s1 =	ssub.s32 s18, s12;
	s11 =	smulhi.u32 $0x92492493, s10;
	s12 =	sshra.s32 s10, $0x1F  }
0x193: {  	s8 =	smul.u32 $0x92492493, s12;
	s18 =	sadd.s32 s9, s1;
	s9 =	spop (v2sf)  }
0x194: {  	s2 =	ssub.s32 s11, s10;
	s10 =	smulhi.u32 $0x92492493, s9;
	s12 =	sshra.s32 s9, $0x1F  }
0x195: {  	s11 =	sadd.s32 s8, s2;
	s8 =	spop (v2sf);
	s4 =	smul.u32 $0x92492493, s12  }
0x196: {  	s12 =	sshra.s32 s8, $0x1F;
	s1 =	ssub.s32 s10, s9;
	s10 =	smulhi.u32 $0x92492493, s8  }
0x197: {  	(v2sf) =	vpush v11, $0x3;
	s9 =	sadd.s32 s4, s1;
	s4 =	smul.u32 $0x92492493, s12;
	s1 =	spop (v2sf)  }
0x198: {  	s2 =	ssub.s32 s10, s8;
	s8 =	smulhi.u32 $0x92492493, s1;
	s12 =	sshra.s32 s1, $0x1F  }
0x199: {  	s10 =	sadd.s32 s4, s2;
	s4 =	smul.u32 $0x92492493, s12;
	s2 =	spop (v2sf)  }
0x19a: {  	(v2sf) =	vpush v11, $0x4;
	s1 =	ssub.s32 s8, s1;
	s3 =	smulhi.u32 $0x92492493, s2;
	s8 =	sshra.s32 s2, $0x1F  }
0x19b: {  	s8 =	smul.u32 $0x92492493, s8  }
0x19c: {  	s12 =	sadd.s32 s4, s1;
	s1 =	spop (v2sf);
	s2 =	ssub.s32 s3, s2  }
0x19d: {  	s8 =	sadd.s32 s8, s2;
	s2 =	spop (v2sf)  }
0x19e: {  	v13 =	vmov s6;
	[smem:$0x7F3] =	sst s0;
	s6 =	sshra.s32 s2, $0x1F  }
0x19f: {  	s0 =	smul.u32 $0x92492493, s6;
	s6 =	sld [smem:$0x7D4]  }
0x1a0: {  	v14 =	vmov s30  }
0x1a1: {  	v14 =	vsel vm2, s5, v14;
	v13 =	vnsel vm5, $0x0, v13  }
0x1a2: {  	v14 =	vsel vm3, s7, v14;
	s3 =	smulhi.u32 $0x92492493, s1;
	s4 =	sshra.s32 s1, $0x1F;
	v13 =	vsel vm2, s6, v13;
	s6 =	sld [smem:$0x7D6]  }
0x1a3: {  	v14 =	vsel vm4, s31, v14;
	s31 =	sld [smem:$0x7D8];
	(v2sf) =	vpush v11, $0x5;
	s4 =	smul.u32 $0x92492493, s4  }
0x1a4: {  	s30 =	sld [smem:$0x7D5];
	s1 =	ssub.s32 s3, s1;
	s3 =	smulhi.u32 $0x92492493, s2  }
0x1a5: {  	(v2sf) =	vpush v11, $0x6;
	s4 =	sadd.s32 s4, s1;
	v15 =	vmov s6  }
0x1a6: {  	s1 =	spop (v2sf);
	s2 =	ssub.s32 s3, s2;
	v15 =	vsel vm2, s31, v15;
	s31 =	sld [smem:$0x7DA]  }
0x1a7: {  	s3 =	smulhi.u32 $0x92492493, s1;
	s5 =	sshra.s32 s1, $0x1F;
	v13 =	vsel vm3, s30, v13;
	s30 =	sld [smem:$0x7D7]  }
0x1a8: {  	s7 =	sadd.s32 s0, s2;
	s0 =	smul.u32 $0x92492493, s5;
	s6 =	sld [smem:$0x7D9]  }
0x1a9: {  	s2 =	spop (v2sf);
	v15 =	vsel vm3, s31, v15;
	s31 =	sld [smem:$0x7DC]  }
0x1aa: {  	s1 =	ssub.s32 s3, s1;
	v13 =	vsel vm4, s30, v13;
	s30 =	sshra.s32 s2, $0x1F  }
0x1ab: {  	v13 =	vsel vm6, s6, v13;
	s6 =	sadd.s32 s0, s1;
	s0 =	smul.u32 $0x92492493, s30;
	s30 =	sld [smem:$0x7DB]  }
0x1ac: {  	v15 =	vsel vm4, s31, v15;
	s31 =	sld [smem:$0x7DD]  }
0x1ad: {  	s3 =	sld [smem:$0x7DF]  }
0x1ae: {  	v13 =	vsel vm14, s30, v13  }
0x1af: {  	v13 =	vsel vm8, s31, v13;
	s31 =	sld [smem:$0x7DE]  }
0x1b0: {  	s5 =	smulhi.u32 $0x92492493, s2;
	v13 =	vsel vm9, s3, v13;
	s3 =	sld [smem:$0x7E0]  }
0x1b1: {  	_ = 	snop  }
0x1b2: {  	s2 =	ssub.s32 s5, s2;
	s1 =	spop (v2sf);
	v17 =	vmov s31  }
0x1b3: {  	s5 =	smulhi.u32 $0x92492493, s1;
	s30 =	sshra.s32 s1, $0x1F;
	v17 =	vsel vm2, s3, v17;
	s3 =	sld [smem:$0x7E1]  }
0x1b4: {  	v16 =	vmov s25;
	s25 =	sadd.s32 s0, s2;
	s0 =	smul.u32 $0x92492493, s30;
	s30 =	spop (v2sf)  }
0x1b5: {  	v16 =	vnsel vm5, $0x0, v16;
	s1 =	ssub.s32 s5, s1;
	s31 =	sshra.s32 s30, $0x1F  }
0x1b6: {  	v12 =	vld [tilespmem:$0x340];
	v16 =	vsel vm2, s3, v16;
	s3 =	sadd.s32 s0, s1;
	s0 =	smul.u32 $0x92492493, s31;
	s31 =	sld [smem:$0x7E2]  }
0x1b7: {  	s2 =	sld [smem:$0x7E4]  }
0x1b8: {  	(v2sf) =	vpush v11, $0x7  }
0x1b9: {  	v17 =	vsel vm3, s31, v17;
	s31 =	sld [smem:$0x7E3]  }
0x1ba: {  	s5 =	smulhi.u32 $0x92492493, s30;
	v17 =	vsel vm4, s2, v17;
	s2 =	sld [smem:$0x7E5]  }
0x1bb: {  	(v2sf) =	vpush v12, $0xD  }
0x1bc: {  	s5 =	ssub.s32 s5, s30;
	v16 =	vsel vm3, s31, v16  }
0x1bd: {  	(v2sf) =	vpush v12, $0xC;
	v16 =	vsel vm4, s2, v16;
	s2 =	sadd.s32 s0, s5;
	s0 =	sld [smem:$0x7E6]  }
0x1be: {  	v18 =	vmov s29;
	s29 =	sld [smem:$0x7E8];
	_ =	sdelay $0x1  }
0x1bf: {  	(v2sf) =	vpush v12, $0xE;
	v18 =	vsel vm2, s0, v18;
	s0 =	sld [smem:$0x7E7]  }
0x1c0: {  	v18 =	vsel vm3, s29, v18;
	s29 =	sld [smem:$0x7E9];
	_ =	sdelay $0x1  }
0x1c1: {  	v16 =	vsel vm6, s0, v16  }
0x1c2: {  	(v2sf) =	vpush v12, $0xF;
	v16 =	vsel vm14, s29, v16;
	s29 =	sld [smem:$0x7EA];
	_ =	sdelay $0x1  }
0x1c3: {  	(v2sf) =	vpush v12, $0x9  }
0x1c4: {  	s1 =	spop (v2sf);
	v18 =	vsel vm4, s29, v18;
	s29 =	sld [smem:$0x7EB]  }
0x1c5: {  	s30 =	smulhi.u32 $0x92492493, s1;
	s31 =	sshra.s32 s1, $0x1F  }
0x1c6: {  	(v2sf) =	vpush v12, $0x8;
	s5 =	smul.u32 $0x92492493, s31  }
0x1c7: {  	s31 =	spop (v2sf);
	v16 =	vsel vm8, s29, v16;
	s29 =	sld [smem:$0x7EC]  }
0x1c8: {  	(v2sf) =	vpush v12, $0xA;
	s1 =	ssub.s32 s30, s1;
	s30 =	smulhi.u32 $0x92492493, s31  }
0x1c9: {  	(v2sf) =	vpush v12, $0xB;
	s1 =	sadd.s32 s5, s1;
	s5 =	spop (v2sf);
	s0 =	sshra.s32 s31, $0x1F  }
0x1ca: {  	s0 =	smul.u32 $0x92492493, s0;
	v16 =	vsel vm9, s29, v16;
	s29 =	sld [smem:$0x7ED]  }
0x1cb: {  	v19 =	vmov s13;
	s13 =	ssub.s32 s30, s31;
	s30 =	smulhi.u32 $0x92492493, s5;
	s31 =	sshra.s32 s5, $0x1F  }
0x1cc: {  	vm7 =	vmmov vm5;
	v19 =	vnsel vm5, $0x0, v19;
	(v2sf) =	vpush v12, $0x1;
	s13 =	sadd.s32 s0, s13;
	s0 =	smul.u32 $0x92492493, s31;
	s31 =	spop (v2sf)  }
0x1cd: {  	v19 =	vsel vm2, s24, v19;
	(v2sf) =	vpush v12, $0x0;
	s5 =	ssub.s32 s30, s5;
	s30 =	sshra.s32 s31, $0x1F;
	v20 =	vmov s29;
	s29 =	sld [smem:$0x7EE]  }
0x1ce: {  	v2 =	vimm.s32 $0x0;
	vm0 =	vmmov vm10;
	v19 =	vsel vm3, s22, v19;
	s22 =	sadd.s32 s0, s5;
	s0 =	smul.u32 $0x92492493, s30;
	s30 =	sld [smem:$0x7F0]  }
0x1cf: {  	vm10 =	vmmov vm9;
	v44 =	vsub.s32 $0x0, v8;
	v21 =	vmov s26;
	s24 =	smulhi.u32 $0x92492493, s31  }
0x1d0: {  	v19 =	vsel vm4, s19, v19;
	(v2sf) =	vpush v12, $0x2;
	s5 =	spop (v2sf);
	v20 =	vsel vm2, s29, v20;
	s29 =	sld [smem:$0x7EF]  }
0x1d1: {  	v19 =	vsel vm6, s21, v19;
	(v2sf) =	vpush v12, $0x3;
	s26 =	ssub.s32 s24, s31;
	s31 =	sshra.s32 s5, $0x1F;
	v21 =	vsel vm2, s30, v21;
	s30 =	smulhi.u32 $0x92492493, s5  }
0x1d2: {  	v26 =	vsub.s32 $0x0, v9;
	v55 =	vsub.s32 $0x0, v11;
	v19 =	vsel vm14, s20, v19;
	s21 =	spop (v2sf);
	s19 =	sadd.s32 s0, s26;
	s0 =	smul.u32 $0x92492493, s31  }
0x1d3: {  	v23 =	vmov s14;
	(v2sf) =	vpush v12, $0x4;
	s30 =	ssub.s32 s30, s5;
	s5 =	smulhi.u32 $0x92492493, s21;
	v20 =	vsel vm3, s29, v20;
	s29 =	sld [smem:$0x7F1]  }
0x1d4: {  	v19 =	vsel vm8, s17, v19;
	v23 =	vsel vm2, s16, v23;
	v22 =	vmov s4;
	s31 =	sshra.s32 s21, $0x1F;
	s26 =	sld [smem:$0x7F3];
	s4 =	sadd.s32 s0, s30  }
0x1d5: {  	v57 =	vsub.s32 $0x0, v12;
	v19 =	vsel vm9, s23, v19;
	v23 =	vsel vm3, s15, v23;
	s30 =	smul.u32 $0x92492493, s31;
	s31 =	spop (v2sf);
	s5 =	ssub.s32 s5, s21  }
0x1d6: {  	v22 =	vnsel vm5, $0x0, v22;
	(v2sf) =	vpush v12, $0x5;
	s20 =	smulhi.u32 $0x92492493, s31;
	s21 =	sshra.s32 s31, $0x1F;
	v20 =	vsel vm4, s29, v20;
	s29 =	sld [smem:$0x7F2]  }
0x1d7: {  	v24 =	vmov s9;
	v22 =	vsel vm2, s8, v22;
	v14 =	vcombine.low v15, v14;
	s24 =	spop (v2sf);
	s23 =	smul.u32 $0x92492493, s21  }
0x1d8: {  	v24 =	vsel vm2, s11, v24;
	v22 =	vsel vm3, s7, v22;
	(v2sf) =	vpush v12, $0x6;
	s5 =	sadd.s32 s30, s5;
	s30 =	smulhi.u32 $0x92492493, s24;
	s14 =	spop (v2sf)  }
0x1d9: {  	v22 =	vsel vm4, s6, v22;
	v14 =	vperm.xlane v14, v5;
	s16 =	smulhi.u32 $0x92492493, s14;
	s17 =	sshra.s32 s14, $0x1F;
	v21 =	vsel vm3, s29, v21  }
0x1da: {  	v13 =	vperm.xlane v13, v6;
	(v2sf) =	vpush v12, $0x7;
	s21 =	smul.u32 $0x92492493, s17;
	v21 =	vsel vm4, s26, v21;
	s26 =	ssub.s32 s20, s31;
	s31 =	sshra.s32 s24, $0x1F  }
0x1db: {  	v34 =	vsel vm4, s18, v23;
	v35 =	vsel vm3, s10, v24;
	v22 =	vsel vm6, s25, v22;
	s15 =	ssub.s32 s30, s24;
	s20 =	spop (v2sf);
	s11 =	smul.u32 $0x92492493, s31  }
0x1dc: {  	v23 =	vsel vm4, s12, v35;
	v13 =	vsel vm1, v13, v14;
	v33 =	vsel vm14, s3, v22;
	s6 =	sadd.s32 s23, s26;
	s23 =	spop (v2sf);
	s24 =	smulhi.u32 $0x92492493, s20  }
0x1dd: {  	v47 =	vcombine.low v23, v34;
	v13 =	vadd.s32 v8, v13;
	v15 =	vsel vm8, s2, v33;
	s3 =	sshra.s32 s20, $0x1F;
	s25 =	smulhi.u32 $0x92492493, s23  }
0x1de: {  	v25 =	vshrl.u32 v13, $0x1F;
	v13 =	vshra.s32 v13, $0x3;
	v15 =	vsel vm9, s1, v15;
	s7 =	ssub.s32 s16, s14;
	s26 =	sshra.s32 s23, $0x1F;
	s3 =	smul.u32 $0x92492493, s3  }
0x1df: {  	v49 =	vperm.xlane v47, v5;
	v13 =	vadd.s32 v25, v13;
	v15 =	vperm.xlane v15, v6;
	s0 =	sadd.s32 s21, s7;
	s30 =	spop (v2sf);
	s7 =	smul.u32 $0x92492493, s26  }
0x1e0: {  	v19 =	vperm.xlane v19, v6;
	v25 =	vmul.u32 $0xFFFFFFF2, v13;
	v37 =	vcombine.low v18, v17;
	s31 =	smulhi.u32 $0x92492493, s30;
	s8 =	spop (v2sf)  }
0x1e1: {  	v15 =	vsel vm1, v15, v49;
	v36 =	vmov s22;
	v39 =	vmov s6;
	s18 =	sadd.s32 s11, s15;
	s10 =	smulhi.u32 $0x92492493, s8;
	s11 =	sshra.s32 s8, $0x1F  }
0x1e2: {  	v14 =	vperm.xlane v37, v5;
	v16 =	vperm.xlane v16, v6;
	v18 =	vsel vm2, s5, v39;
	s1 =	ssub.s32 s25, s23;
	s12 =	spop (v2sf);
	s5 =	smul.u32 $0x92492493, s11  }
0x1e3: {  	vm15 =	vne.s32 v25, v44;
	v15 =	vadd.s32 v11, v15;
	v24 =	vsel vm2, s13, v36;
	s1 =	sadd.s32 s7, s1;
	s7 =	sshra.s32 s30, $0x1F;
	s13 =	smulhi.u32 $0x92492493, s12  }
0x1e4: {  	v51 =	vshrl.u32 v15, $0x1F;
	v24 =	vsel vm3, s19, v24;
	v14 =	vsel vm1, v16, v14;
	s9 =	ssub.s32 s24, s20;
	s14 =	sshra.s32 s12, $0x1F;
	s6 =	smul.u32 $0x92492493, s7  }
0x1e5: {  	v15 =	vshra.s32 v15, $0x3;
	v38 =	vsel vm4, s4, v24;
	v14 =	vadd.s32 v9, v14;
	s3 =	sadd.s32 s3, s9;
	s15 =	spop (v2sf);
	s4 =	smul.u32 $0x92492493, s14  }
0x1e6: {  	v52 =	vadd.s32 v51, v15;
	v43 =	vshrl.u32 v14, $0x1F;
	s9 =	ssub.s32 s31, s30;
	v40 =	vmov s1;
	s1 =	ssub.s32 s10, s8;
	s17 =	smulhi.u32 $0x92492493, s15  }
0x1e7: {  	v14 =	vshra.s32 v14, $0x3;
	v41 =	vsel vm3, s18, v18;
	s18 =	sshra.s32 s15, $0x1F;
	s19 =	spop (v2sf);
	v42 =	vnsel vm5, $0x0, v40;
	s1 =	sadd.s32 s5, s1  }
0x1e8: {  	v15 =	vmul.u32 $0xFFFFFFF2, v52;
	v14 =	vadd.s32 v43, v14;
	s16 =	ssub.s32 s13, s12;
	s21 =	smulhi.u32 $0x92492493, s19;
	v18 =	vsel vm2, s3, v42;
	s2 =	sadd.s32 s6, s9  }
0x1e9: {  	v24 =	vmul.u32 $0xFFFFFFF2, v14;
	v20 =	vcombine.low v21, v20;
	s22 =	sshra.s32 s19, $0x1F;
	s24 =	spop (v2sf);
	s3 =	smul.u32 $0x92492493, s18;
	v18 =	vsel vm3, s2, v18  }
0x1ea: {  	v45 =	vsel vm4, s0, v41;
	vm5 =	vmmov vm13;
	s20 =	ssub.s32 s17, s15;
	s23 =	smul.u32 $0x92492493, s22;
	v18 =	vsel vm4, s1, v18;
	s1 =	sadd.s32 s4, s16  }
0x1eb: {  	vm13 =	vlt.s32 v9, $0x1;
	v9 =	vcombine.low v45, v38;
	s25 =	smulhi.u32 $0x92492493, s24;
	s26 =	sshra.s32 s24, $0x1F;
	v18 =	vsel vm6, s1, v18;
	s1 =	sadd.s32 s3, s20  }
0x1ec: {  	vm11 =	vne.s32 v24, v26;
	v20 =	vperm.xlane v20, v5;
	s2 =	ssub.s32 s21, s19;
	v46 =	vsel vm14, s1, v18;
	s1 =	smul.u32 $0x92492493, s26  }
0x1ed: {  	vm11 =	vmand vm13, vm11;
	vm13 =	vlt.s32 v10, $0x1;
	v9 =	vperm.xlane v9, v5;
	s2 =	sadd.s32 s23, s2;
	s0 =	ssub.s32 s25, s24  }
0x1ee: {  	v58 =	vsel vm11, $0xFFFFFFFF, v2;
	vm6 =	vmmov vm12;
	v16 =	vsel vm8, s2, v46;
	s0 =	sadd.s32 s1, s0  }
0x1ef: {  	vm12 =	vlt.s32 v8, $0x1;
	v8 =	vsel vm1, v19, v20;
	v16 =	vsel vm9, s0, v16  }
0x1f0: {  	v60 =	vadd.s32 v58, v14;
	v8 =	vadd.s32 v10, v8;
	v16 =	vperm.xlane v16, v6  }
0x1f1: {  	vm12 =	vmand vm12, vm15;
	v10 =	vsub.s32 $0x0, v10;
	v48 =	vshrl.u32 v8, $0x1F  }
0x1f2: {  	v8 =	vshra.s32 v8, $0x3;
	v54 =	vsel vm12, $0xFFFFFFFF, v2;
	v9 =	vsel vm1, v16, v9  }
0x1f3: {  	vm12 =	vlt.s32 v11, $0x1;
	v8 =	vadd.s32 v48, v8;
	v9 =	vadd.s32 v12, v9  }
0x1f4: {  	v50 =	vmul.u32 $0xFFFFFFF2, v8;
	v53 =	vshrl.u32 v9, $0x1F;
	v9 =	vshra.s32 v9, $0x3  }
0x1f5: {  	vm9 =	vmmov vm8;
	vm8 =	vmmov vm14;
	v9 =	vadd.s32 v53, v9  }
0x1f6: {  	vm14 =	vne.s32 v15, v55;
	vm15 =	vne.s32 v50, v10;
	v56 =	vmul.u32 $0xFFFFFFF2, v9  }
0x1f7: {  	v59 =	vadd.s32 v54, v13;
	vm12 =	vmand vm12, vm14;
	vm13 =	vmand vm13, vm15  }
0x1f8: {  	[tilespmem:$0x390] =	vst v60;
	v61 =	vsel vm13, $0xFFFFFFFF, v2;
	vm13 =	vlt.s32 v12, $0x1;
	vm11 =	vne.s32 v56, v57  }
0x1f9: {  	[tilespmem:$0x380] =	vst v59;
	v62 =	vsel vm12, $0xFFFFFFFF, v2;
	v8 =	vadd.s32 v61, v8;
	vm11 =	vmand vm13, vm11  }
0x1fa: {  	[tilespmem:$0x3A0] =	vst v8;
	v8 =	vadd.s32 v62, v52;
	v63 =	vsel vm11, $0xFFFFFFFF, v2  }
0x1fb: {  	[tilespmem:$0x3B0] =	vst v8;
	v8 =	vadd.s32 v63, v9  }
0x1fc: {  	s30 =	simm.s32 $0x1;
	[tilespmem:$0x3C0] =	vst v8  }
0x1fd: {  	v4 =	vld [tilespmem:$0x1FFF0];
	_ =	swait.ge [sflag:s30], $0xC800  }
0x1fe: {  	[sflag:s30] =	ssyncset.done $0x0  }
0x1ff: {  	s31 =	simm.s32 $0x2;
	vm14 =	vmmov vm8;
	[sflag:s30] =	ssyncadd.s32 $0xFFFF3800  }
0x200: {  	vm8 =	vmmov vm9;
	vm9 =	vmmov vm10;
	vm10 =	vmmov vm0;
	_ =	swait.ge [sflag:s31], $0xC800  }
0x201: {  	s29 =	simm.s32 $0x0;
	s18 =	simm.s32 $0x1BC00;
	vm0 =	vcmask $0x714;
	vm12 =	vmmov vm6;
	vm6 =	vcmask $0x2320;
	[sflag:s31] =	ssyncset.done $0x0  }
0x202: {  	s19 =	simm.s32 $0x19400;
	s20 =	simm.s32 $0x0;
	vm13 =	vmmov vm5;
	vm5 =	vmmov vm7;
	vm7 =	vnez.u8 v4;
	[sflag:s31] =	ssyncadd.s32 $0xFFFF3800  }
.LBB2_5:
0x203: {  	v12 =	vld [tilespmem:$0x0]  }
0x204: {  	v15 =	vld [tilespmem:$0x10]  }
0x205: {  	v18 =	vld [tilespmem:$0x20]  }
0x206: {  	v21 =	vld [tilespmem:$0x30]  }
0x207: {  	v24 =	vld [tilespmem:$0x40]  }
0x208: {  	v27 =	vld [tilespmem:$0x50]  }
0x209: {  	v30 =	vld [tilespmem:$0x60]  }
0x20a: {  	v33 =	vld [tilespmem:$0x70]  }
0x20b: {  	v36 =	vld [tilespmem:$0x80]  }
0x20c: {  	v39 =	vld [tilespmem:$0x90]  }
0x20d: {  	v42 =	vld [tilespmem:$0xA0]  }
0x20e: {  	v45 =	vld [tilespmem:$0xB0]  }
0x20f: {  	v48 =	vld [tilespmem:$0xC0]  }
0x210: {  	v51 =	vld [tilespmem:$0xD0]  }
0x211: {  	v11 =	vld [tilespmem:$0xE0]  }
0x212: {  	v10 =	vld [tilespmem:$0xF0]  }
0x213: {  	s0 =	sshrl.u32 s20, $0x3;
	v58 =	vld [tilespmem:$0x100]  }
0x214: {  	v61 =	vld [tilespmem:$0x110];
	s0 =	smul.u32 $0x1400, s0  }
0x215: {  	s1 =	sand.u32 $0x380, s29;
	v7 =	vld [tilespmem:$0x120]  }
0x216: {  	v4 =	vld [tilespmem:$0x130];
	s0 =	sor.u32 s1, s0  }
0x217: {  	v8 =	vld [tilespmem:s0+$0x400]  }
0x218: {  	v9 =	vld [tilespmem:s0+$0xCC00]  }
0x219: {  	v13 =	vld [tilespmem:s0+$0x410]  }
0x21a: {  	v14 =	vld [tilespmem:s0+$0xCC10]  }
0x21b: {  	v16 =	vld [tilespmem:s0+$0x420]  }
0x21c: {  	v17 =	vld [tilespmem:s0+$0xCC20]  }
0x21d: {  	v19 =	vld [tilespmem:s0+$0x430]  }
0x21e: {  	v20 =	vld [tilespmem:s0+$0xCC30]  }
0x21f: {  	v22 =	vld [tilespmem:s0+$0x440]  }
0x220: {  	v23 =	vld [tilespmem:s0+$0xCC40]  }
0x221: {  	v25 =	vld [tilespmem:s0+$0x450]  }
0x222: {  	v26 =	vld [tilespmem:s0+$0xCC50]  }
0x223: {  	v28 =	vld [tilespmem:s0+$0x460]  }
0x224: {  	v29 =	vld [tilespmem:s0+$0xCC60]  }
0x225: {  	v31 =	vld [tilespmem:s0+$0x470]  }
0x226: {  	v32 =	vld [tilespmem:s0+$0xCC70]  }
0x227: {  	v34 =	vld [tilespmem:s0+$0x800]  }
0x228: {  	v35 =	vld [tilespmem:s0+$0xD000]  }
0x229: {  	v37 =	vld [tilespmem:s0+$0x810]  }
0x22a: {  	v38 =	vld [tilespmem:s0+$0xD010]  }
0x22b: {  	v40 =	vld [tilespmem:s0+$0x820]  }
0x22c: {  	v41 =	vld [tilespmem:s0+$0xD020]  }
0x22d: {  	v43 =	vld [tilespmem:s0+$0x830]  }
0x22e: {  	v44 =	vld [tilespmem:s0+$0xD030]  }
0x22f: {  	v46 =	vld [tilespmem:s0+$0x840]  }
0x230: {  	v47 =	vld [tilespmem:s0+$0xD040]  }
0x231: {  	v49 =	vld [tilespmem:s0+$0x850]  }
0x232: {  	v50 =	vld [tilespmem:s0+$0xD050]  }
0x233: {  	v52 =	vld [tilespmem:s0+$0x860]  }
0x234: {  	v53 =	vld [tilespmem:s0+$0xD060]  }
0x235: {  	v54 =	vld [tilespmem:s0+$0x870]  }
0x236: {  	v55 =	vld [tilespmem:s0+$0xD070]  }
0x237: {  	v56 =	vld [tilespmem:s0+$0xC00]  }
0x238: {  	v57 =	vld [tilespmem:s0+$0xD400]  }
0x239: {  	v59 =	vld [tilespmem:s0+$0xC10]  }
0x23a: {  	v60 =	vld [tilespmem:s0+$0xD410]  }
0x23b: {  	v62 =	vld [tilespmem:s0+$0xC20]  }
0x23c: {  	v63 =	vld [tilespmem:s0+$0xD420];
	v8 =	vadd.f32 v9, v8;
	v9 =	vadd.f32 v14, v13  }
0x23d: {  	v2 =	vld [tilespmem:s0+$0xC30]  }
0x23e: {  	v16 =	vadd.f32 v17, v16;
	v17 =	vld [tilespmem:s0+$0xD430];
	v34 =	vadd.f32 v35, v34;
	v14 =	vmul.f32 $2.000000030e-01, v9  }
0x23f: {  	v35 =	vadd.f32 v38, v37;
	v31 =	vadd.f32 v32, v31;
	v32 =	vld [tilespmem:s0+$0x1010]  }
0x240: {  	v37 =	vmul.f32 $2.000000030e-01, v34;
	v9 =	vmax.f32 v9, v14;
	v14 =	vadd.f32 v20, v19;
	v19 =	vld [tilespmem:s0+$0xC40]  }
0x241: {  	v13 =	vmul.f32 $2.000000030e-01, v8;
	v20 =	vld [tilespmem:$0x140]  }
0x242: {  	v41 =	vadd.f32 v41, v40;
	v37 =	vmax.f32 v34, v37;
	v34 =	vld [tilespmem:$0x180]  }
0x243: {  	v8 =	vmax.f32 v8, v13;
	v13 =	vmul.f32 $2.000000030e-01, v16;
	v9 =	vmul.f32 v9, v15;
	v15 =	vld [tilespmem:s0+$0xD440]  }
0x244: {  	v40 =	vadd.f32 v44, v43;
	v8 =	vmul.f32 v8, v12;
	v2 =	vadd.f32 v17, v2;
	v17 =	vld [tilespmem:$0x1C0]  }
0x245: {  	v12 =	vmax.f32 v16, v13;
	v13 =	vmul.f32 $2.000000030e-01, v14;
	v16 =	vadd.f32 v23, v22;
	v22 =	vld [tilespmem:s0+$0xD450]  }
0x246: {  	v43 =	vadd.f32 v47, v46;
	v47 =	vadd.f32 v50, v49;
	v23 =	vld [tilespmem:s0+$0xC60]  }
0x247: {  	v8 =	vadd.f32 v9, v8;
	v9 =	vmul.f32 v12, v18;
	v18 =	vld [tilespmem:s0+$0xC50];
	v12 =	vmax.f32 v14, v13  }
0x248: {  	v13 =	vmul.f32 $2.000000030e-01, v16;
	v14 =	vadd.f32 v26, v25;
	v25 =	vmul.f32 v12, v21;
	v21 =	vld [tilespmem:$0x150]  }
0x249: {  	v57 =	vadd.f32 v57, v56;
	v54 =	vadd.f32 v55, v54;
	v12 =	vld [tilespmem:s0+$0xC70]  }
0x24a: {  	v56 =	vmul.f32 $2.000000030e-01, v2;
	v8 =	vadd.f32 v9, v8;
	v9 =	vld [tilespmem:$0x170];
	v26 =	vmax.f32 v16, v13  }
0x24b: {  	v13 =	vmul.f32 $2.000000030e-01, v14;
	v16 =	vadd.f32 v29, v28;
	v15 =	vadd.f32 v15, v19;
	v19 =	vld [tilespmem:s0+$0xD850]  }
0x24c: {  	v38 =	vmul.f32 $2.000000030e-01, v35;
	v8 =	vadd.f32 v25, v8;
	v29 =	vmul.f32 v26, v24;
	v24 =	vld [tilespmem:s0+$0xD460]  }
0x24d: {  	v2 =	vmax.f32 v2, v56;
	v25 =	vld [tilespmem:s0+$0xD800];
	v26 =	vmax.f32 v14, v13;
	v28 =	vmul.f32 $2.000000030e-01, v16  }
0x24e: {  	v2 =	vmul.f32 v2, v4;
	v14 =	vld [tilespmem:$0x160];
	v8 =	vadd.f32 v29, v8;
	v29 =	vmul.f32 v26, v27  }
0x24f: {  	v13 =	vld [tilespmem:s0+$0xD470];
	v26 =	vmax.f32 v35, v38;
	v38 =	vmul.f32 $2.000000030e-01, v41;
	v16 =	vmax.f32 v16, v28  }
0x250: {  	v4 =	vadd.f32 v22, v18;
	v18 =	vld [tilespmem:s0+$0xD860];
	v8 =	vadd.f32 v29, v8;
	v16 =	vmul.f32 v16, v30  }
0x251: {  	v46 =	vmul.f32 $2.000000030e-01, v43;
	v26 =	vmul.f32 v26, v39;
	v39 =	vld [tilespmem:s0+$0x1020];
	v27 =	vmax.f32 v41, v38  }
0x252: {  	v30 =	vld [tilespmem:s0+$0x1000];
	v41 =	vmul.f32 $2.000000030e-01, v40;
	v8 =	vadd.f32 v16, v8;
	v16 =	vmul.f32 v37, v36  }
0x253: {  	v29 =	vmax.f32 v43, v46;
	v46 =	vadd.f32 v60, v59;
	v60 =	vmul.f32 $2.000000030e-01, v4;
	v43 =	vld [tilespmem:s0+$0xDC60]  }
0x254: {  	v44 =	vmul.f32 $2.000000030e-01, v31;
	v27 =	vmul.f32 v27, v42;
	v42 =	vld [tilespmem:s0+$0x1040];
	v16 =	vadd.f32 v26, v16  }
0x255: {  	v50 =	vmul.f32 $2.000000030e-01, v47;
	v36 =	vld [tilespmem:s0+$0xD810];
	v28 =	vmax.f32 v40, v41;
	v4 =	vmax.f32 v4, v60  }
0x256: {  	v37 =	vld [tilespmem:$0x190];
	v49 =	vmul.f32 v28, v45;
	v45 =	vmul.f32 $2.000000030e-01, v57;
	v16 =	vadd.f32 v27, v16  }
0x257: {  	v40 =	vld [tilespmem:$0x1A0];
	v26 =	vmax.f32 v31, v44;
	v44 =	vmul.f32 v29, v48;
	v31 =	vmax.f32 v47, v50  }
0x258: {  	v41 =	vld [tilespmem:s0+$0xD830];
	v50 =	vadd.f32 v63, v62;
	v16 =	vadd.f32 v49, v16;
	v49 =	vmul.f32 $2.000000030e-01, v46  }
0x259: {  	v28 =	vld [tilespmem:s0+$0xD820];
	v26 =	vmul.f32 v26, v33;
	v47 =	vmul.f32 v31, v51;
	v48 =	vmax.f32 v57, v45  }
0x25a: {  	v29 =	vld [tilespmem:s0+$0x1030];
	v51 =	vadd.f32 v53, v52;
	v53 =	vmul.f32 $2.000000030e-01, v50;
	v33 =	vmax.f32 v46, v49  }
0x25b: {  	v12 =	vadd.f32 v13, v12;
	v62 =	vld [tilespmem:s0+$0x1400];
	v31 =	vmul.f32 v48, v58;
	v33 =	vmul.f32 v33, v61  }
0x25c: {  	v4 =	vmul.f32 v4, v21;
	v63 =	vld [tilespmem:s0+$0xDC00];
	v57 =	vmul.f32 $2.000000030e-01, v54;
	v35 =	vmax.f32 v50, v53  }
0x25d: {  	v52 =	vld [tilespmem:s0+$0xD840];
	v58 =	vmul.f32 $2.000000030e-01, v15;
	v7 =	vmul.f32 v35, v7;
	v31 =	vadd.f32 v33, v31  }
0x25e: {  	v45 =	vld [tilespmem:s0+$0x1060];
	v8 =	vadd.f32 v26, v8;
	v55 =	vmul.f32 $2.000000030e-01, v51;
	v59 =	vmax.f32 v54, v57  }
0x25f: {  	v27 =	vld [tilespmem:$0x1B0];
	v15 =	vmax.f32 v15, v58;
	v10 =	vmul.f32 v59, v10;
	v7 =	vadd.f32 v7, v31  }
0x260: {  	v54 =	vld [tilespmem:$0x220];
	v39 =	vadd.f32 v28, v39;
	v26 =	vmax.f32 v51, v55;
	v35 =	vadd.f32 v24, v23  }
0x261: {  	v57 =	vld [tilespmem:s0+$0x1430];
	v29 =	vadd.f32 v41, v29;
	v2 =	vadd.f32 v2, v7;
	v7 =	vmul.f32 v15, v20  }
0x262: {  	v50 =	vld [tilespmem:s0+$0x1420];
	v16 =	vadd.f32 v44, v16;
	v11 =	vmul.f32 v26, v11;
	v61 =	vadd.f32 v25, v30  }
0x263: {  	v53 =	vld [tilespmem:s0+$0xDC20];
	v48 =	vmul.f32 $2.000000030e-01, v39;
	v2 =	vadd.f32 v7, v2;
	v7 =	vadd.f32 v36, v32  }
0x264: {  	v46 =	vld [tilespmem:s0+$0x1050];
	v52 =	vadd.f32 v52, v42;
	v51 =	vmul.f32 $2.000000030e-01, v29;
	v16 =	vadd.f32 v47, v16  }
0x265: {  	v62 =	vadd.f32 v63, v62;
	v44 =	vld [tilespmem:s0+$0x1410];
	v36 =	vmul.f32 $2.000000030e-01, v61;
	v38 =	vmul.f32 $2.000000030e-01, v7  }
0x266: {  	v47 =	vld [tilespmem:s0+$0xDC10];
	v56 =	vmul.f32 $2.000000030e-01, v52;
	v11 =	vadd.f32 v11, v16;
	v2 =	vadd.f32 v4, v2  }
0x267: {  	v58 =	vld [tilespmem:s0+$0xDC30];
	v4 =	vmul.f32 $2.000000030e-01, v35;
	v16 =	vmax.f32 v61, v36;
	v7 =	vmax.f32 v7, v38  }
0x268: {  	v24 =	vld [tilespmem:$0x200];
	v18 =	vadd.f32 v18, v45;
	v16 =	vmul.f32 v16, v34;
	v7 =	vmul.f32 v7, v37  }
0x269: {  	v63 =	vld [tilespmem:s0+$0x1440];
	v10 =	vadd.f32 v10, v11;
	v11 =	vmax.f32 v39, v48;
	v4 =	vmax.f32 v35, v4  }
0x26a: {  	v49 =	vld [tilespmem:$0x210];
	v11 =	vmul.f32 v11, v40;
	v4 =	vmul.f32 v4, v14;
	v7 =	vadd.f32 v7, v16  }
0x26b: {  	v33 =	vld [tilespmem:$0x1D0];
	v55 =	vmax.f32 v29, v51;
	v19 =	vadd.f32 v19, v46;
	v31 =	vadd.f32 v47, v44  }
0x26c: {  	v34 =	vld [tilespmem:s0+$0xDC40];
	v2 =	vadd.f32 v4, v2;
	v4 =	vadd.f32 v11, v7;
	v7 =	vmul.f32 v55, v27  }
0x26d: {  	v26 =	vld [tilespmem:s0+$0x1070];
	v21 =	vadd.f32 v53, v50;
	v59 =	vmax.f32 v52, v56;
	v60 =	vmul.f32 $2.000000030e-01, v19  }
0x26e: {  	v42 =	vld [tilespmem:s0+$0x1460];
	v37 =	vmul.f32 $2.000000030e-01, v31;
	v4 =	vadd.f32 v7, v4;
	v7 =	vmul.f32 v59, v17  }
0x26f: {  	v41 =	vmul.f32 $2.000000030e-01, v21;
	v39 =	vld [tilespmem:s0+$0xDC50];
	v35 =	vmul.f32 $2.000000030e-01, v62;
	v16 =	vmax.f32 v19, v60  }
0x270: {  	v20 =	vld [tilespmem:s0+$0xD870];
	v40 =	vmax.f32 v31, v37;
	v4 =	vadd.f32 v7, v4;
	v7 =	vmul.f32 v16, v33  }
0x271: {  	v46 =	vmul.f32 $2.000000030e-01, v18;
	v38 =	vld [tilespmem:s0+$0x1450];
	v13 =	vmul.f32 v40, v49;
	v15 =	vadd.f32 v34, v63  }
0x272: {  	v61 =	vld [tilespmem:$0x230];
	v11 =	vadd.f32 v58, v57;
	v4 =	vadd.f32 v7, v4;
	v7 =	vmax.f32 v62, v35  }
0x273: {  	v45 =	vld [tilespmem:s0+$0x1470];
	v27 =	vmul.f32 $2.000000030e-01, v12;
	v7 =	vmul.f32 v7, v24  }
0x274: {  	v36 =	vld [tilespmem:$0x240];
	v48 =	vmul.f32 $2.000000030e-01, v15;
	v44 =	vmul.f32 $2.000000030e-01, v11;
	v16 =	vmax.f32 v21, v41  }
0x275: {  	v47 =	vld [tilespmem:s0+$0xDC70];
	v12 =	vmax.f32 v12, v27;
	v14 =	vmul.f32 v16, v54;
	v7 =	vadd.f32 v13, v7  }
0x276: {  	v49 =	vld [tilespmem:$0x250];
	v9 =	vmul.f32 v12, v9;
	v12 =	vadd.f32 v39, v38;
	v11 =	vmax.f32 v11, v44  }
0x277: {  	v50 =	vld [tilespmem:$0x1E0];
	v20 =	vadd.f32 v20, v26;
	v11 =	vmul.f32 v11, v61;
	v7 =	vadd.f32 v14, v7  }
0x278: {  	v52 =	vld [tilespmem:$0x260];
	v17 =	vadd.f32 v43, v42;
	v15 =	vmax.f32 v15, v48;
	v51 =	vmul.f32 $2.000000030e-01, v12  }
0x279: {  	v58 =	vmul.f32 $2.000000030e-01, v20;
	v53 =	vmul.f32 v15, v36;
	v54 =	vld [tilespmem:$0x1F0];
	v7 =	vadd.f32 v11, v7  }
0x27a: {  	v56 =	vld [tilespmem:$0x270];
	v55 =	vmul.f32 $2.000000030e-01, v17;
	v16 =	vadd.f32 v47, v45;
	v12 =	vmax.f32 v12, v51  }
0x27b: {  	v57 =	vmul.f32 v12, v49;
	v13 =	vmax.f32 v18, v46;
	v7 =	vadd.f32 v53, v7  }
0x27c: {  	v59 =	vmax.f32 v17, v55;
	v60 =	vmul.f32 $2.000000030e-01, v16;
	v13 =	vmul.f32 v13, v50  }
0x27d: {  	v61 =	vmul.f32 v59, v52;
	v12 =	vmax.f32 v20, v58;
	v7 =	vadd.f32 v57, v7  }
0x27e: {  	v62 =	vmax.f32 v16, v60;
	v12 =	vmul.f32 v12, v54;
	v4 =	vadd.f32 v13, v4  }
0x27f: {  	(xrf2) =	vadd.scan.msk.f32 $0xffff, v8;
	v2 =	vadd.f32 v9, v2;
	v8 =	vmul.f32 v62, v56;
	v7 =	vadd.f32 v61, v7  }
0x280: {  	(xrf2) =	vadd.scan.msk.f32 $0xffff, v10;
	v4 =	vadd.f32 v12, v4  }
0x281: {  	(xrf2) =	vadd.scan.msk.f32 $0xffff, v2;
	v2 =	vadd.f32 v8, v7  }
0x282: {  	(xrf2) =	vadd.scan.msk.f32 $0xffff, v4  }
0x283: {  	(xrf2) =	vadd.scan.msk.f32 $0xffff, v2;
	_ =	sdelay $0x5  }
0x284: {  	v2, _, _ =	vpop (xrf2)  }
0x285: {  	v4, _, _ =	vpop (xrf2);
	v2 =	vbroadcast v2, $0xF  }
0x286: {  	v7, _, _ =	vpop (xrf2);
	v4 =	vbroadcast v4, $0xF  }
0x287: {  	v8, _, _ =	vpop (xrf2);
	v2 =	vnsel vm7, $0x0, v2;
	v7 =	vbroadcast v7, $0xF  }
0x288: {  	v2 =	vsel vm12, v2, v4;
	v4 =	vbroadcast v8, $0xF;
	v8, _, _ =	vpop (xrf2)  }
0x289: {  	v2 =	vsel vm0, v2, v7;
	v7 =	vbroadcast v8, $0xF  }
0x28a: {  	v2 =	vsel vm10, v2, v4  }
0x28b: {  	v2 =	vsel vm13, v2, v7  }
0x28c: {  	v2 =	vmul.f32 $1.442695020e+00, v2;
	_ =	sdelay $0x1  }
0x28d: {  	(erf) = vpow2.f32 v2;
	_ =	sdelay $0x8  }
0x28e: {  	v8 =	vpop (erf)  }
0x28f: {  	s14 =	sand.u32 $0x70, s20;
	[tilespmem:s19+$0x0] =	vst v8  }
0x290: {  	v63 =	vld [tilespmem:s14+$0x300];
	_ =	sdelay $0x4  }
0x291: {  	(v2sf) =	vpush v63, $0xD;
	_ =	sdelay $0x1  }
0x292: {  	(v2sf) =	vpush v63, $0xC;
	_ =	sdelay $0x1  }
0x293: {  	(v2sf) =	vpush v63, $0xE  }
0x294: {  	(v2sf) =	vpush v63, $0xF  }
0x295: {  	(v2sf) =	vpush v63, $0x9;
	_ =	sdelay $0x1  }
0x296: {  	(v2sf) =	vpush v63, $0x8;
	_ =	sdelay $0x1  }
0x297: {  	(v2sf) =	vpush v63, $0xA;
	_ =	sdelay $0x1  }
0x298: {  	(v2sf) =	vpush v63, $0xB;
	_ =	sdelay $0x1  }
0x299: {  	(v2sf) =	vpush v63, $0x1  }
0x29a: {  	s15 =	spop (v2sf);
	(v2sf) =	vpush v63, $0x0  }
0x29b: {  	s16 =	smulhi.u32 $0x92492493, s15;
	s2 =	sshra.s32 s15, $0x1F  }
0x29c: {  	s3 =	spop (v2sf);
	s2 =	smul.u32 $0x92492493, s2  }
0x29d: {  	s5 =	smulhi.u32 $0x92492493, s3;
	s6 =	sshra.s32 s3, $0x1F  }
0x29e: {  	s4 =	spop (v2sf);
	s6 =	smul.u32 $0x92492493, s6  }
0x29f: {  	(v2sf) =	vpush v63, $0x2;
	s7 =	spop (v2sf);
	s8 =	smulhi.u32 $0x92492493, s4;
	s9 =	sshra.s32 s4, $0x1F  }
0x2a0: {  	s0 =	ssub.s32 s16, s15;
	s10 =	spop (v2sf);
	s9 =	smul.u32 $0x92492493, s9  }
0x2a1: {  	(v2sf) =	vpush v63, $0x3;
	s12 =	smulhi.u32 $0x92492493, s7;
	s17 =	sshra.s32 s7, $0x1F;
	s0 =	sadd.s32 s2, s0  }
0x2a2: {  	s21 =	ssub.s32 s5, s3;
	s11 =	spop (v2sf);
	s22 =	smul.u32 $0x92492493, s17  }
0x2a3: {  	(v2sf) =	vpush v63, $0x4;
	s13 =	smulhi.u32 $0x92492493, s10;
	s31 =	sshra.s32 s10, $0x1F;
	s3 =	sadd.s32 s6, s21  }
0x2a4: {  	s4 =	ssub.s32 s8, s4;
	s14 =	spop (v2sf);
	s6 =	smul.u32 $0x92492493, s31  }
0x2a5: {  	(v2sf) =	vpush v63, $0x5;
	s23 =	smulhi.u32 $0x92492493, s11;
	s24 =	sshra.s32 s11, $0x1F;
	s1 =	sadd.s32 s9, s4  }
0x2a6: {  	s25 =	ssub.s32 s12, s7;
	s15 =	spop (v2sf);
	s26 =	smul.u32 $0x92492493, s24  }
0x2a7: {  	(v2sf) =	vpush v63, $0x6;
	s30 =	smulhi.u32 $0x92492493, s14;
	s31 =	sshra.s32 s14, $0x1F;
	s2 =	sadd.s32 s22, s25  }
0x2a8: {  	s13 =	ssub.s32 s13, s10;
	s12 =	spop (v2sf);
	s9 =	smul.u32 $0x92492493, s31  }
0x2a9: {  	s21 =	smulhi.u32 $0x92492493, s15;
	s22 =	sshra.s32 s15, $0x1F;
	s16 =	spop (v2sf);
	(v2sf) =	vpush v63, $0x7  }
0x2aa: {  	s4 =	sadd.s32 s6, s13;
	s6 =	ssub.s32 s23, s11;
	s5 =	smul.u32 $0x92492493, s22  }
0x2ab: {  	s23 =	smulhi.u32 $0x92492493, s12;
	s24 =	sshra.s32 s12, $0x1F;
	s25 =	ssub.s32 s30, s14  }
0x2ac: {  	s6 =	sadd.s32 s26, s6;
	s26 =	smul.u32 $0x92492493, s24;
	s7 =	sadd.s32 s9, s25  }
0x2ad: {  	s10 =	ssub.s32 s21, s15;
	s30 =	smulhi.u32 $0x92492493, s16;
	s31 =	sshra.s32 s16, $0x1F  }
0x2ae: {  	s11 =	ssub.s32 s23, s12;
	s17 =	spop (v2sf);
	s13 =	smul.u32 $0x92492493, s31  }
0x2af: {  	s5 =	sadd.s32 s5, s10;
	s21 =	smulhi.u32 $0x92492493, s17;
	s22 =	sshra.s32 s17, $0x1F  }
0x2b0: {  	s8 =	sadd.s32 s26, s11;
	s14 =	spop (v2sf);
	s23 =	smul.u32 $0x92492493, s22  }
0x2b1: {  	s9 =	ssub.s32 s30, s16;
	s24 =	smulhi.u32 $0x92492493, s14;
	s25 =	sshra.s32 s14, $0x1F  }
0x2b2: {  	s16 =	spop (v2sf);
	s9 =	sadd.s32 s13, s9;
	s26 =	smul.u32 $0x92492493, s25  }
0x2b3: {  	s12 =	ssub.s32 s21, s17;
	s30 =	smulhi.u32 $0x92492493, s16;
	s31 =	sshra.s32 s16, $0x1F  }
0x2b4: {  	s21 =	spop (v2sf);
	s10 =	sadd.s32 s23, s12;
	s17 =	smul.u32 $0x92492493, s31  }
0x2b5: {  	v2 =	vmov s9;
	s22 =	ssub.s32 s24, s14;
	s23 =	smulhi.u32 $0x92492493, s21;
	s24 =	sshra.s32 s21, $0x1F  }
0x2b6: {  	s25 =	spop (v2sf);
	s9 =	sadd.s32 s26, s22;
	v2 =	vnsel vm5, $0x0, v2;
	s14 =	smul.u32 $0x92492493, s24  }
0x2b7: {  	s26 =	ssub.s32 s30, s16;
	s30 =	smulhi.u32 $0x92492493, s25;
	s31 =	sshra.s32 s25, $0x1F;
	v2 =	vsel vm2, s8, v2  }
0x2b8: {  	v4 =	vmov s3;
	v7 =	vmov s6;
	s6 =	sadd.s32 s17, s26;
	s8 =	smul.u32 $0x92492493, s31;
	v2 =	vsel vm3, s10, v2;
	s10 =	spop (v2sf)  }
0x2b9: {  	v4 =	vsel vm2, s0, v4;
	v7 =	vsel vm2, s4, v7;
	s12 =	ssub.s32 s23, s21;
	v2 =	vsel vm4, s9, v2;
	s16 =	smulhi.u32 $0x92492493, s10;
	s17 =	sshra.s32 s10, $0x1F  }
0x2ba: {  	v4 =	vsel vm3, s1, v4;
	v7 =	vsel vm3, s7, v7;
	s0 =	sadd.s32 s14, s12;
	s21 =	ssub.s32 s30, s25;
	v2 =	vsel vm6, s6, v2;
	s22 =	smul.u32 $0x92492493, s17  }
0x2bb: {  	v4 =	vsel vm4, s2, v4;
	v7 =	vsel vm4, s5, v7;
	s23 =	sadd.s32 s8, s21;
	v2 =	vsel vm14, s0, v2;
	s24 =	ssub.s32 s16, s10  }
0x2bc: {  	v4 =	vcombine.low v7, v4;
	v2 =	vsel vm8, s23, v2;
	s25 =	sadd.s32 s22, s24  }
0x2bd: {  	v2 =	vsel vm9, s25, v2  }
0x2be: {  	v4 =	vperm.xlane v4, v5;
	v2 =	vperm.xlane v2, v6;
	_ =	sdelay $0x1  }
0x2bf: {  	v2 =	vsel vm1, v2, v4  }
0x2c0: {  	v2 =	vadd.s32 v63, v2  }
0x2c1: {  	v4 =	vshrl.u32 v2, $0x1F;
	v2 =	vshra.s32 v2, $0x3  }
0x2c2: {  	v2 =	vadd.s32 v4, v2  }
0x2c3: {  	v2 =	vmul.u32 $0xE, v2;
	_ =	sdelay $0x1  }
0x2c4: {  	v2 =	vsub.s32 v63, v2  }
0x2c5: {  	s26 =	sand.u32 $0xF, s20;
	v4 =	vshll.u32 v2, $0x3  }
0x2c6: {  	v7 =	vmov s26;
	vm11 =	vlt.s32 v2, $0x0;
	v2 =	vadd.s32 $0x70, v4  }
0x2c7: {  	v2 =	vsel vm11, v2, v4;
	vm11 =	veq.s32 v7, v1  }
0x2c8: {  	v2 =	vnsel vm11, $0x0, v2  }
0x2c9: {  	(xrf0) =	vadd.scan.msk.s32 $0xffff, v2;
	_ =	sdelay $0x5  }
0x2ca: {  	v2, _, _ =	vpop (xrf0)  }
0x2cb: {  	(v2sf) =	vpush v2, $0xF;
	_ =	sdelay $0xc  }
0x2cc: {  	[tilespmem:s18+$0x0] =	vst v0  }
0x2cd: {  	[tilespmem:s18+$0x10] =	vst v0  }
0x2ce: {  	[tilespmem:s18+$0x20] =	vst v0;
	s30 =	spop (v2sf)  }
0x2cf: {  	p0 =	sne.s32 s20, $0x4F;
	[tilespmem:s18+$0x30] =	vst v0;
	s31 =	sand.u32 $0x7F, s30;
	s0 =	sshll.u32 s30, $0x2  }
.Ltmp1:
0x2d0: {  	[tilespmem:s18+$0x40] =	vst v0;
	s0 =	sand.u32 $0xFFFFFE00, s0;
	s1 =	sshll.u32 s31, $0x2;
	(pc) =	sbr.rel @p0 .LBB2_5-.Ltmp1, $4  }
0x2d1: {  	[tilespmem:s18+$0x50] =	vst v0;
	s0 =	sor.u32 s1, s0  }
0x2d2: {  	[tilespmem:s18+$0x60] =	vst v0;
	s0 =	sshra.s32 s0, $0x2  }
0x2d3: {  	s29 =	sadd.s32 $0x80, s29;
	[tilespmem:s18+$0x70] =	vst v0;
	v2 =	vnsel vm1, $0x0, v8;
	s0 =	sadd.s32 s0, s18  }
0x2d4: {  	s19 =	sadd.s32 $0x80, s19;
	s20 =	sadd.s32 $0x1, s20;
	s18 =	sadd.s32 $0x80, s18;
	[tilespmem:s0+$0x0] =	vst v2  }
0x2d5: {  	s0 =	sld [smem:$0x7D3];
	_ =	sdelay $0x2  }
0x2d6: {  	s1 =	rddreg [dreg:$0x9];
	s11 =	simm.s32 $0x0;
	s0 =	sshll.u32 s0, $0x4  }
0x2d7: {  	s26 =	simm.s32 $0x19400;
	s8 =	simm.s32 $0x3;
	s0 =	sadd.s32 s1, s0  }
0x2d8: {  	[hbm4b:s0+s11] =	stream.linear.scatter [tilespmem:s26], [sflag:$0x3], $0x2800, $0x38;
	[tilespmem:$0x1FC00] =	vst v63  }
0x2d9: {  	_ =	swait.ge [sflag:s8], $0x2800  }
0x2da: {  	[sflag:s8] =	ssyncset.done $0x0  }
0x2db: {  	s30 =	simm.s32 $0x1BC00;
	[sflag:s8] =	ssyncadd.s32 $0xFFFFD800  }
0x2dc: {  	s2 =	simm.s32 $0x50;
	s3 =	simm.s32 $0x380;
	s29 =	rddreg [dreg:$0x2]  }
0x2dd: {  	[spmem:s29] =	stream.indirect.scatter.add.f32 [tilespmem:s30], [sflag:$0x3], $0x80, s3, s2, $0xb8;
	[tilespmem:$0x1FC00] =	vst v63  }
0x2de: {  	_ =	swait.ge [sflag:s8], $0x2800  }
0x2df: {  	s31 =	sld [smem:$0x7D2];
	_ =	sdelay $0x2  }
0x2e0: {  	s0 =	sadd.s32 $0x1, s31  }
0x2e1: {  	p0 =	sne.s32 s0, $0x7D  }
.Ltmp2:
0x2e2: {  	_ = 	snop;
	(pc) =	sbr.rel @p0 .LBB2_4-.Ltmp2, $3  }
0x2e3: {  	_ =	sdelay $0x1  }
0x2e4: {  	[sflag:s8] =	ssyncset.done $0x0  }
0x2e5: {  	[sflag:s8] =	ssyncadd.s32 $0xFFFFD800  }
0x2e6: {  	[bflag:$0x0] =	sbarrier.arrive $0xFFFF  }
0x2e7: {  	s0 =	rddreg [dreg:$0x15]  }
0x2e8: {  	s1 =	simm.s32 $0x1BC00;
	s3 =	rddreg [dreg:$0x4]  }
0x2e9: {  	[tilespmem:s1], [sflag:$0x3] =	stream.linear.gather [spmem:s0], $0x1E80, $0x38;
	[tilespmem:$0x1FC00] =	vst v63  }
0x2ea: {  	s31 =	sshrl.u32 s3, $0x1  }
0x2eb: {  	s0 =	smulhi.u32 $0x92492493, s31;
	_ =	sdelay $0x1  }
0x2ec: {  	_ =	swait.ge [sflag:s8], $0x1E80;
	s0 =	sshll.u32 s0, $0x2  }
0x2ed: {  	[sflag:s8] =	ssyncset.done $0x0;
	s6 =	rddreg [dreg:$0x1a];
	s0 =	sand.u32 $0x3FFFFFF0, s0  }
0x2ee: {  	[sflag:s8] =	ssyncadd.s32 $0xFFFFE180;
	s2 =	sadd.s32 s0, s6  }
0x2ef: {  	s4 =	simm.s32 $0x400;
	s1 =	simm.s32 $0x0;
	s3 =	sadd.s32 $0x1, s3;
	v8 =	vld [tilespmem:s2+$0x0]  }
0x2f0: {  	s5 =	sshrl.u32 s3, $0x1;
	s0 =	simm.s32 $0x200;
	s2 =	smov.u32 s6  }
.LBB2_8:
0x2f1: {  	p0 =	sne.s32 s4, $0x9E00;
	s5 =	smulhi.u32 $0x92492493, s5;
	_ =	sdelay $0x1  }
.Ltmp3:
0x2f2: {  	s5 =	sshll.u32 s5, $0x2;
	(pc) =	sbr.rel @p0 .LBB2_8-.Ltmp3, $4  }
0x2f3: {  	s1 =	sshra.s32 s1, $0x2;
	s2 =	sadd.s32 $0x8, s2;
	s5 =	sand.u32 $0x3FFFFFF0, s5;
	v2 =	vnsel vm1, $0x0, v8  }
0x2f4: {  	s5 =	sadd.s32 s5, s2;
	[tilespmem:s1+$0x19400] =	vst v2;
	s1 =	smov.u32 s0;
	s0 =	smov.u32 s4  }
0x2f5: {  	s3 =	sadd.s32 $0x1, s3;
	v8 =	vld [tilespmem:s5+$0x0]  }
0x2f6: {  	s4 =	sadd.s32 $0x200, s4;
	s5 =	sshrl.u32 s3, $0x1  }
0x2f7: {  	s3 =	smulhi.u32 $0x92492493, s5;
	_ =	sdelay $0x1  }
0x2f8: {  	s3 =	sshll.u32 s3, $0x2  }
0x2f9: {  	s1 =	sshra.s32 s1, $0x2;
	s2 =	sadd.s32 $0x8, s2;
	s3 =	sand.u32 $0x3FFFFFF0, s3;
	v2 =	vnsel vm1, $0x0, v8  }
0x2fa: {  	s2 =	sadd.s32 s3, s2;
	[tilespmem:s1+$0x19400] =	vst v2  }
0x2fb: {  	v2 =	vld [tilespmem:s2+$0x0];
	_ =	sdelay $0x1  }
0x2fc: {  	s26 =	sld [smem:$0x7F7];
	_ =	sdelay $0x2  }
0x2fd: {  	s0 =	sshra.s32 s0, $0x2;
	s30 =	rddreg [dreg:$0x10];
	s29 =	sshrl.u32 s26, $0x1;
	v2 =	vnsel vm1, $0x0, v2  }
0x2fe: {  	s4 =	simm.s32 $0x19400;
	s1 =	smulhi.u32 $0x92492493, s29;
	[tilespmem:s0+$0x19400] =	vst v2;
	s0 =	simm.s32 $0x0  }
0x2ff: {  	[hbm4b:s30+s0] =	stream.linear.scatter [tilespmem:s4], [sflag:$0x3], $0x2800, $0x38;
	[tilespmem:$0x1FC00] =	vst v63  }
0x300: {  	s1 =	sshll.u32 s1, $0x2;
	_ =	swait.ge [sflag:s8], $0x2800  }
0x301: {  	s1 =	sand.u32 $0x3FFFFFF0, s1;
	[sflag:s8] =	ssyncset.done $0x0;
	s6 =	rddreg [dreg:$0x1b]  }
0x302: {  	s3 =	sadd.s32 $0x1, s26;
	[sflag:s8] =	ssyncadd.s32 $0xFFFFD800;
	s31 =	sadd.s32 s1, s6  }
0x303: {  	s5 =	sshrl.u32 s3, $0x1;
	v8 =	vld [tilespmem:s31+$0x0]  }
0x304: {  	s4 =	simm.s32 $0x400;
	s1 =	simm.s32 $0x200;
	s2 =	smov.u32 s6  }
.LBB2_10:
0x305: {  	p0 =	sne.s32 s4, $0x9E00;
	s5 =	smulhi.u32 $0x92492493, s5;
	_ =	sdelay $0x1  }
.Ltmp4:
0x306: {  	s5 =	sshll.u32 s5, $0x2;
	(pc) =	sbr.rel @p0 .LBB2_10-.Ltmp4, $4  }
0x307: {  	s0 =	sshra.s32 s0, $0x2;
	s2 =	sadd.s32 $0x8, s2;
	s5 =	sand.u32 $0x3FFFFFF0, s5;
	v2 =	vnsel vm1, $0x0, v8  }
0x308: {  	s5 =	sadd.s32 s5, s2;
	[tilespmem:s0+$0x19400] =	vst v2;
	s0 =	smov.u32 s1;
	s1 =	smov.u32 s4  }
0x309: {  	s3 =	sadd.s32 $0x1, s3;
	v8 =	vld [tilespmem:s5+$0x0]  }
0x30a: {  	s4 =	sadd.s32 $0x200, s4;
	s5 =	sshrl.u32 s3, $0x1  }
0x30b: {  	s3 =	smulhi.u32 $0x92492493, s5;
	_ =	sdelay $0x1  }
0x30c: {  	s3 =	sshll.u32 s3, $0x2  }
0x30d: {  	s0 =	sshra.s32 s0, $0x2;
	s2 =	sadd.s32 $0x8, s2;
	s3 =	sand.u32 $0x3FFFFFF0, s3;
	v2 =	vnsel vm1, $0x0, v8  }
0x30e: {  	s2 =	sadd.s32 s3, s2;
	[tilespmem:s0+$0x19400] =	vst v2  }
0x30f: {  	s26 =	sld [smem:$0x7F8];
	v2 =	vld [tilespmem:s2+$0x0];
	_ =	sdelay $0x1  }
0x310: {  	s23 =	sshra.s32 s1, $0x2;
	s1 =	simm.s32 $0xA0  }
0x311: {  	s30 =	smul.u32 $0xCD, s1;
	s29 =	sshrl.u32 s26, $0x1  }
0x312: {  	s0 =	smulhi.u32 $0x92492493, s29  }
0x313: {  	s24 =	rddreg [dreg:$0x11];
	s25 =	simm.s32 $0x19400;
	v2 =	vnsel vm1, $0x0, v2  }
0x314: {  	s2 =	sshrl.u32 s30, $0xE;
	s31 =	sshll.u32 s0, $0x2;
	s0 =	simm.s32 $0xA1;
	[tilespmem:s23+$0x19400] =	vst v2  }
0x315: {  	[hbm4b:s24+s11] =	stream.linear.scatter [tilespmem:s25], [sflag:$0x3], $0x2800, $0x38;
	[tilespmem:$0x1FC00] =	vst v63  }
0x316: {  	s2 =	sand.u32 $0x3, s2;
	s3 =	sand.u32 $0x3FFFFFF0, s31;
	_ =	swait.ge [sflag:s8], $0x2800  }
0x317: {  	s6 =	smul.u32 $0x50, s2;
	[sflag:s8] =	ssyncset.done $0x0;
	s7 =	rddreg [dreg:$0x1c]  }
0x318: {  	[sflag:s8] =	ssyncadd.s32 $0xFFFFD800;
	s4 =	sadd.s32 s3, s7;
	s3 =	sadd.s32 $0x1, s26  }
0x319: {  	s2 =	smov.u32 s7;
	v8 =	vld [tilespmem:s4+$0x0];
	s5 =	sshrl.u32 s3, $0x1;
	s4 =	simm.s32 $0xA2  }
.LBB2_12:
0x31a: {  	p0 =	sne.s32 s4, $0xEF  }
0x31b: {  	s5 =	smulhi.u32 $0x92492493, s5;
	s6 =	ssub.s32 s1, s6;
	s1 =	smov.u32 s0  }
0x31c: {  	s0 =	smov.u32 s4;
	s7 =	smul.u32 $0xCD, s1  }
.Ltmp5:
0x31d: {  	s5 =	sshll.u32 s5, $0x2;
	s6 =	sand.u32 $0xFF, s6;
	(pc) =	sbr.rel @p0 .LBB2_12-.Ltmp5, $4  }
0x31e: {  	s2 =	sadd.s32 $0x8, s2;
	s5 =	sand.u32 $0x3FFFFFF0, s5;
	v2 =	vnsel vm1, $0x0, v8;
	s6 =	sshll.u32 s6, $0x7  }
0x31f: {  	s5 =	sadd.s32 s5, s2;
	s7 =	sshrl.u32 s7, $0xE;
	[tilespmem:s6+$0x19400] =	vst v2  }
0x320: {  	s3 =	sadd.s32 $0x1, s3;
	v8 =	vld [tilespmem:s5+$0x0];
	s6 =	sand.u32 $0x3, s7  }
0x321: {  	s4 =	sadd.s32 $0x1, s4;
	s5 =	sshrl.u32 s3, $0x1;
	s6 =	smul.u32 $0x50, s6  }
0x322: {  	s3 =	smulhi.u32 $0x92492493, s5  }
0x323: {  	s1 =	ssub.s32 s1, s6  }
0x324: {  	s4 =	smul.u32 $0xCD, s0;
	s3 =	sshll.u32 s3, $0x2;
	s1 =	sand.u32 $0xFF, s1  }
0x325: {  	s2 =	sadd.s32 $0x8, s2;
	s3 =	sand.u32 $0x3FFFFFF0, s3;
	v2 =	vnsel vm1, $0x0, v8;
	s1 =	sshll.u32 s1, $0x7  }
0x326: {  	s20 =	sshrl.u32 s4, $0xE;
	s2 =	sadd.s32 s3, s2;
	[tilespmem:s1+$0x19400] =	vst v2  }
0x327: {  	s21 =	sand.u32 $0x3, s20;
	v2 =	vld [tilespmem:s2+$0x0]  }
0x328: {  	s1 =	smul.u32 $0x50, s21  }
0x329: {  	s25 =	sld [smem:$0x7F9]  }
0x32a: {  	s22 =	ssub.s32 s0, s1  }
0x32b: {  	s0 =	sand.u32 $0xFF, s22  }
0x32c: {  	s23 =	rddreg [dreg:$0x12];
	s26 =	sshrl.u32 s25, $0x1;
	s0 =	sshll.u32 s0, $0x7;
	v2 =	vnsel vm1, $0x0, v2  }
0x32d: {  	s24 =	simm.s32 $0x19400;
	s1 =	simm.s32 $0xF0;
	[tilespmem:s0+$0x19400] =	vst v2;
	s0 =	smulhi.u32 $0x92492493, s26  }
0x32e: {  	[hbm4b:s23+s11] =	stream.linear.scatter [tilespmem:s24], [sflag:$0x3], $0x2800, $0x38;
	[tilespmem:$0x1FC00] =	vst v63  }
0x32f: {  	s30 =	smul.u32 $0xCCCD, s1;
	_ =	swait.ge [sflag:s8], $0x2800;
	s29 =	sshll.u32 s0, $0x2  }
0x330: {  	[sflag:s8] =	ssyncset.done $0x0;
	s2 =	sand.u32 $0x3FFFFFF0, s29;
	s7 =	rddreg [dreg:$0x1d]  }
0x331: {  	s3 =	sadd.s32 $0x1, s25;
	[sflag:s8] =	ssyncadd.s32 $0xFFFFD800;
	s2 =	sadd.s32 s2, s7  }
0x332: {  	s4 =	simm.s32 $0xF2;
	s5 =	sshrl.u32 s3, $0x1;
	s31 =	sshrl.u32 s30, $0x16;
	v8 =	vld [tilespmem:s2+$0x0]  }
0x333: {  	s6 =	smul.u32 $0x50, s31;
	s0 =	simm.s32 $0xF1;
	s2 =	smov.u32 s7  }
.LBB2_14:
0x334: {  	p0 =	sne.s32 s4, $0x13F;
	s5 =	smulhi.u32 $0x92492493, s5;
	s2 =	sadd.s32 $0x8, s2  }
0x335: {  	s6 =	ssub.s32 s1, s6;
	s1 =	smov.u32 s0;
	s0 =	smov.u32 s4  }
.Ltmp6:
0x336: {  	s5 =	sshll.u32 s5, $0x2;
	s6 =	sand.u32 $0xFFFF, s6;
	(pc) =	sbr.rel @p0 .LBB2_14-.Ltmp6, $4  }
0x337: {  	s7 =	smul.u32 $0xCCCD, s1;
	s5 =	sand.u32 $0x3FFFFFF0, s5;
	v2 =	vnsel vm1, $0x0, v8;
	s6 =	sshll.u32 s6, $0x7  }
0x338: {  	s5 =	sadd.s32 s5, s2;
	[tilespmem:s6+$0x19400] =	vst v2  }
0x339: {  	s3 =	sadd.s32 $0x1, s3;
	s6 =	sshrl.u32 s7, $0x16;
	v8 =	vld [tilespmem:s5+$0x0]  }
0x33a: {  	s4 =	sadd.s32 $0x1, s4;
	s5 =	sshrl.u32 s3, $0x1;
	s6 =	smul.u32 $0x50, s6  }
0x33b: {  	s3 =	smulhi.u32 $0x92492493, s5  }
0x33c: {  	s1 =	ssub.s32 s1, s6  }
0x33d: {  	s2 =	sadd.s32 $0x8, s2;
	s3 =	sshll.u32 s3, $0x2;
	s1 =	sand.u32 $0xFFFF, s1  }
0x33e: {  	s4 =	smul.u32 $0xCCCD, s0;
	s3 =	sand.u32 $0x3FFFFFF0, s3;
	v2 =	vnsel vm1, $0x0, v8;
	s1 =	sshll.u32 s1, $0x7  }
0x33f: {  	s2 =	sadd.s32 s3, s2;
	[tilespmem:s1+$0x19400] =	vst v2  }
0x340: {  	s21 =	sshrl.u32 s4, $0x16;
	v2 =	vld [tilespmem:s2+$0x0]  }
0x341: {  	s1 =	smul.u32 $0x50, s21  }
0x342: {  	s25 =	sld [smem:$0x7FA]  }
0x343: {  	s22 =	ssub.s32 s0, s1  }
0x344: {  	s0 =	sand.u32 $0xFFFF, s22  }
0x345: {  	s23 =	rddreg [dreg:$0x13];
	s26 =	sshrl.u32 s25, $0x1;
	s0 =	sshll.u32 s0, $0x7;
	v2 =	vnsel vm1, $0x0, v2  }
0x346: {  	s24 =	simm.s32 $0x19400;
	s1 =	simm.s32 $0x140;
	[tilespmem:s0+$0x19400] =	vst v2;
	s0 =	smulhi.u32 $0x92492493, s26  }
0x347: {  	[hbm4b:s23+s11] =	stream.linear.scatter [tilespmem:s24], [sflag:$0x3], $0x2800, $0x38;
	[tilespmem:$0x1FC00] =	vst v63  }
0x348: {  	s30 =	smul.u32 $0xCCCD, s1;
	_ =	swait.ge [sflag:s8], $0x2800;
	s29 =	sshll.u32 s0, $0x2  }
0x349: {  	[sflag:s8] =	ssyncset.done $0x0;
	s2 =	sand.u32 $0x3FFFFFF0, s29;
	s7 =	rddreg [dreg:$0x1e]  }
0x34a: {  	s3 =	sadd.s32 $0x1, s25;
	[sflag:s8] =	ssyncadd.s32 $0xFFFFD800;
	s2 =	sadd.s32 s2, s7  }
0x34b: {  	s4 =	simm.s32 $0x142;
	s5 =	sshrl.u32 s3, $0x1;
	s31 =	sshrl.u32 s30, $0x16;
	v8 =	vld [tilespmem:s2+$0x0]  }
0x34c: {  	s6 =	smul.u32 $0x50, s31;
	s0 =	simm.s32 $0x141;
	s2 =	smov.u32 s7  }
.LBB2_16:
0x34d: {  	p0 =	sne.s32 s4, $0x18F;
	s5 =	smulhi.u32 $0x92492493, s5;
	s2 =	sadd.s32 $0x8, s2  }
0x34e: {  	s6 =	ssub.s32 s1, s6;
	s1 =	smov.u32 s0;
	s0 =	smov.u32 s4  }
.Ltmp7:
0x34f: {  	s5 =	sshll.u32 s5, $0x2;
	s6 =	sand.u32 $0xFFFF, s6;
	(pc) =	sbr.rel @p0 .LBB2_16-.Ltmp7, $4  }
0x350: {  	s7 =	smul.u32 $0xCCCD, s1;
	s5 =	sand.u32 $0x3FFFFFF0, s5;
	v2 =	vnsel vm1, $0x0, v8;
	s6 =	sshll.u32 s6, $0x7  }
0x351: {  	s5 =	sadd.s32 s5, s2;
	[tilespmem:s6+$0x19400] =	vst v2  }
0x352: {  	s3 =	sadd.s32 $0x1, s3;
	s6 =	sshrl.u32 s7, $0x16;
	v8 =	vld [tilespmem:s5+$0x0]  }
0x353: {  	s4 =	sadd.s32 $0x1, s4;
	s5 =	sshrl.u32 s3, $0x1;
	s6 =	smul.u32 $0x50, s6  }
0x354: {  	s3 =	smulhi.u32 $0x92492493, s5  }
0x355: {  	s1 =	ssub.s32 s1, s6  }
0x356: {  	s2 =	sadd.s32 $0x8, s2;
	s3 =	sshll.u32 s3, $0x2;
	s1 =	sand.u32 $0xFFFF, s1  }
0x357: {  	s4 =	smul.u32 $0xCCCD, s0;
	s3 =	sand.u32 $0x3FFFFFF0, s3;
	v2 =	vnsel vm1, $0x0, v8;
	s1 =	sshll.u32 s1, $0x7  }
0x358: {  	s2 =	sadd.s32 s3, s2;
	[tilespmem:s1+$0x19400] =	vst v2  }
0x359: {  	s21 =	sshrl.u32 s4, $0x16;
	v2 =	vld [tilespmem:s2+$0x0]  }
0x35a: {  	s1 =	smul.u32 $0x50, s21  }
0x35b: {  	s25 =	sld [smem:$0x7FB]  }
0x35c: {  	s22 =	ssub.s32 s0, s1  }
0x35d: {  	s0 =	sand.u32 $0xFFFF, s22  }
0x35e: {  	s23 =	rddreg [dreg:$0x14];
	s26 =	sshrl.u32 s25, $0x1;
	s0 =	sshll.u32 s0, $0x7;
	v2 =	vnsel vm1, $0x0, v2  }
0x35f: {  	s24 =	simm.s32 $0x19400;
	s1 =	simm.s32 $0x190;
	[tilespmem:s0+$0x19400] =	vst v2;
	s0 =	smulhi.u32 $0x92492493, s26  }
0x360: {  	[hbm4b:s23+s11] =	stream.linear.scatter [tilespmem:s24], [sflag:$0x3], $0x2800, $0x38;
	[tilespmem:$0x1FC00] =	vst v63  }
0x361: {  	s30 =	smul.u32 $0xCCCD, s1;
	_ =	swait.ge [sflag:s8], $0x2800;
	s29 =	sshll.u32 s0, $0x2  }
0x362: {  	[sflag:s8] =	ssyncset.done $0x0;
	s2 =	sand.u32 $0x3FFFFFF0, s29;
	s7 =	rddreg [dreg:$0x1f]  }
0x363: {  	s3 =	sadd.s32 $0x1, s25;
	[sflag:s8] =	ssyncadd.s32 $0xFFFFD800;
	s2 =	sadd.s32 s2, s7  }
0x364: {  	s4 =	simm.s32 $0x192;
	s5 =	sshrl.u32 s3, $0x1;
	s31 =	sshrl.u32 s30, $0x16;
	v8 =	vld [tilespmem:s2+$0x0]  }
0x365: {  	s6 =	smul.u32 $0x50, s31;
	s0 =	simm.s32 $0x191;
	s2 =	smov.u32 s7  }
.LBB2_18:
0x366: {  	p0 =	sne.s32 s4, $0x1DF;
	s5 =	smulhi.u32 $0x92492493, s5;
	s2 =	sadd.s32 $0x8, s2  }
0x367: {  	s6 =	ssub.s32 s1, s6;
	s1 =	smov.u32 s0;
	s0 =	smov.u32 s4  }
.Ltmp8:
0x368: {  	s5 =	sshll.u32 s5, $0x2;
	s6 =	sand.u32 $0xFFFF, s6;
	(pc) =	sbr.rel @p0 .LBB2_18-.Ltmp8, $4  }
0x369: {  	s7 =	smul.u32 $0xCCCD, s1;
	s5 =	sand.u32 $0x3FFFFFF0, s5;
	v2 =	vnsel vm1, $0x0, v8;
	s6 =	sshll.u32 s6, $0x7  }
0x36a: {  	s5 =	sadd.s32 s5, s2;
	[tilespmem:s6+$0x19400] =	vst v2  }
0x36b: {  	s3 =	sadd.s32 $0x1, s3;
	s6 =	sshrl.u32 s7, $0x16;
	v8 =	vld [tilespmem:s5+$0x0]  }
0x36c: {  	s4 =	sadd.s32 $0x1, s4;
	s5 =	sshrl.u32 s3, $0x1;
	s6 =	smul.u32 $0x50, s6  }
0x36d: {  	s3 =	smulhi.u32 $0x92492493, s5  }
0x36e: {  	s1 =	ssub.s32 s1, s6  }
0x36f: {  	s2 =	sadd.s32 $0x8, s2;
	s3 =	sshll.u32 s3, $0x2;
	s1 =	sand.u32 $0xFFFF, s1  }
0x370: {  	s4 =	smul.u32 $0xCCCD, s0;
	s3 =	sand.u32 $0x3FFFFFF0, s3;
	v2 =	vnsel vm1, $0x0, v8;
	s1 =	sshll.u32 s1, $0x7  }
0x371: {  	s2 =	sadd.s32 s3, s2;
	[tilespmem:s1+$0x19400] =	vst v2  }
0x372: {  	s21 =	sshrl.u32 s4, $0x16;
	v2 =	vld [tilespmem:s2+$0x0]  }
0x373: {  	s1 =	smul.u32 $0x50, s21;
	_ =	sdelay $0x1  }
0x374: {  	s25 =	sld [smem:$0x7FC];
	s22 =	ssub.s32 s0, s1  }
0x375: {  	s0 =	sand.u32 $0xFFFF, s22  }
0x376: {  	s0 =	sshll.u32 s0, $0x7;
	v2 =	vnsel vm1, $0x0, v2  }
0x377: {  	s23 =	rddreg [dreg:$0x16];
	s24 =	simm.s32 $0x19400;
	s26 =	sshrl.u32 s25, $0x1;
	[tilespmem:s0+$0x19400] =	vst v2  }
0x378: {  	[hbm4b:s23+s11] =	stream.linear.scatter [tilespmem:s24], [sflag:$0x3], $0x2800, $0x38;
	[tilespmem:$0x1FC00] =	vst v63  }
0x379: {  	s0 =	smulhi.u32 $0x92492493, s26;
	_ =	swait.ge [sflag:s8], $0x2800  }
0x37a: {  	s7 =	sld [smem:$0x7F5]  }
0x37b: {  	s1 =	simm.s32 $0x1E0;
	s29 =	sshll.u32 s0, $0x2  }
0x37c: {  	s30 =	smul.u32 $0xCCCD, s1;
	[sflag:s8] =	ssyncset.done $0x0;
	s2 =	sand.u32 $0x3FFFFFF0, s29  }
0x37d: {  	s3 =	sadd.s32 $0x1, s25;
	[sflag:s8] =	ssyncadd.s32 $0xFFFFD800;
	s2 =	sadd.s32 s2, s7  }
0x37e: {  	s4 =	simm.s32 $0x1E2;
	s5 =	sshrl.u32 s3, $0x1;
	s31 =	sshrl.u32 s30, $0x16;
	v8 =	vld [tilespmem:s2+$0x0]  }
0x37f: {  	s6 =	smul.u32 $0x50, s31;
	s0 =	simm.s32 $0x1E1;
	s2 =	smov.u32 s7  }
.LBB2_20:
0x380: {  	p0 =	sne.s32 s4, $0x22F;
	s5 =	smulhi.u32 $0x92492493, s5;
	s2 =	sadd.s32 $0x8, s2  }
0x381: {  	s6 =	ssub.s32 s1, s6;
	s1 =	smov.u32 s0;
	s0 =	smov.u32 s4  }
.Ltmp9:
0x382: {  	s5 =	sshll.u32 s5, $0x2;
	s6 =	sand.u32 $0xFFFF, s6;
	(pc) =	sbr.rel @p0 .LBB2_20-.Ltmp9, $4  }
0x383: {  	s7 =	smul.u32 $0xCCCD, s1;
	s5 =	sand.u32 $0x3FFFFFF0, s5;
	v2 =	vnsel vm1, $0x0, v8;
	s6 =	sshll.u32 s6, $0x7  }
0x384: {  	s5 =	sadd.s32 s5, s2;
	[tilespmem:s6+$0x19400] =	vst v2  }
0x385: {  	s3 =	sadd.s32 $0x1, s3;
	s6 =	sshrl.u32 s7, $0x16;
	v8 =	vld [tilespmem:s5+$0x0]  }
0x386: {  	s4 =	sadd.s32 $0x1, s4;
	s5 =	sshrl.u32 s3, $0x1;
	s6 =	smul.u32 $0x50, s6  }
0x387: {  	s3 =	smulhi.u32 $0x92492493, s5  }
0x388: {  	s1 =	ssub.s32 s1, s6  }
0x389: {  	s2 =	sadd.s32 $0x8, s2;
	s3 =	sshll.u32 s3, $0x2;
	s1 =	sand.u32 $0xFFFF, s1  }
0x38a: {  	s4 =	smul.u32 $0xCCCD, s0;
	s3 =	sand.u32 $0x3FFFFFF0, s3;
	v2 =	vnsel vm1, $0x0, v8;
	s1 =	sshll.u32 s1, $0x7  }
0x38b: {  	s2 =	sadd.s32 s3, s2;
	[tilespmem:s1+$0x19400] =	vst v2  }
0x38c: {  	s21 =	sshrl.u32 s4, $0x16;
	v2 =	vld [tilespmem:s2+$0x0]  }
0x38d: {  	s1 =	smul.u32 $0x50, s21;
	_ =	sdelay $0x1  }
0x38e: {  	s25 =	sld [smem:$0x7FD];
	s22 =	ssub.s32 s0, s1  }
0x38f: {  	s0 =	sand.u32 $0xFFFF, s22  }
0x390: {  	s0 =	sshll.u32 s0, $0x7;
	v2 =	vnsel vm1, $0x0, v2  }
0x391: {  	s23 =	rddreg [dreg:$0x17];
	s24 =	simm.s32 $0x19400;
	s26 =	sshrl.u32 s25, $0x1;
	[tilespmem:s0+$0x19400] =	vst v2  }
0x392: {  	[hbm4b:s23+s11] =	stream.linear.scatter [tilespmem:s24], [sflag:$0x3], $0x2800, $0x38;
	[tilespmem:$0x1FC00] =	vst v63  }
0x393: {  	s0 =	smulhi.u32 $0x92492493, s26;
	_ =	swait.ge [sflag:s8], $0x2800  }
0x394: {  	s7 =	sld [smem:$0x7F6]  }
0x395: {  	s1 =	simm.s32 $0x230;
	s29 =	sshll.u32 s0, $0x2  }
0x396: {  	s30 =	smul.u32 $0xCCCD, s1;
	[sflag:s8] =	ssyncset.done $0x0;
	s2 =	sand.u32 $0x3FFFFFF0, s29  }
0x397: {  	s3 =	sadd.s32 $0x1, s25;
	[sflag:s8] =	ssyncadd.s32 $0xFFFFD800;
	s2 =	sadd.s32 s2, s7  }
0x398: {  	s4 =	simm.s32 $0x232;
	s5 =	sshrl.u32 s3, $0x1;
	s31 =	sshrl.u32 s30, $0x16;
	v8 =	vld [tilespmem:s2+$0x0]  }
0x399: {  	s6 =	smul.u32 $0x50, s31;
	s0 =	simm.s32 $0x231;
	s2 =	smov.u32 s7  }
.LBB2_22:
0x39a: {  	p0 =	sne.s32 s4, $0x27F;
	s5 =	smulhi.u32 $0x92492493, s5;
	s2 =	sadd.s32 $0x8, s2  }
0x39b: {  	s6 =	ssub.s32 s1, s6;
	s1 =	smov.u32 s0;
	s0 =	smov.u32 s4  }
.Ltmp10:
0x39c: {  	s5 =	sshll.u32 s5, $0x2;
	s6 =	sand.u32 $0xFFFF, s6;
	(pc) =	sbr.rel @p0 .LBB2_22-.Ltmp10, $4  }
0x39d: {  	s7 =	smul.u32 $0xCCCD, s1;
	s5 =	sand.u32 $0x3FFFFFF0, s5;
	v2 =	vnsel vm1, $0x0, v8;
	s6 =	sshll.u32 s6, $0x7  }
0x39e: {  	s5 =	sadd.s32 s5, s2;
	[tilespmem:s6+$0x19400] =	vst v2  }
0x39f: {  	s3 =	sadd.s32 $0x1, s3;
	s6 =	sshrl.u32 s7, $0x16;
	v8 =	vld [tilespmem:s5+$0x0]  }
0x3a0: {  	s4 =	sadd.s32 $0x1, s4;
	s5 =	sshrl.u32 s3, $0x1;
	s6 =	smul.u32 $0x50, s6  }
0x3a1: {  	s3 =	smulhi.u32 $0x92492493, s5  }
0x3a2: {  	s1 =	ssub.s32 s1, s6  }
0x3a3: {  	s2 =	sadd.s32 $0x8, s2;
	s3 =	sshll.u32 s3, $0x2;
	s1 =	sand.u32 $0xFFFF, s1  }
0x3a4: {  	s4 =	smul.u32 $0xCCCD, s0;
	s3 =	sand.u32 $0x3FFFFFF0, s3;
	v2 =	vnsel vm1, $0x0, v8;
	s1 =	sshll.u32 s1, $0x7  }
0x3a5: {  	s2 =	sadd.s32 s3, s2;
	[tilespmem:s1+$0x19400] =	vst v2  }
0x3a6: {  	s24 =	sshrl.u32 s4, $0x16;
	v2 =	vld [tilespmem:s2+$0x0]  }
0x3a7: {  	s1 =	smul.u32 $0x50, s24;
	_ =	sdelay $0x1  }
0x3a8: {  	s25 =	ssub.s32 s0, s1  }
0x3a9: {  	s0 =	sand.u32 $0xFFFF, s25  }
0x3aa: {  	s0 =	sshll.u32 s0, $0x7;
	v2 =	vnsel vm1, $0x0, v2  }
0x3ab: {  	s26 =	rddreg [dreg:$0x18];
	s29 =	simm.s32 $0x19400;
	[tilespmem:s0+$0x19400] =	vst v2  }
0x3ac: {  	[hbm4b:s26+s11] =	stream.linear.scatter [tilespmem:s29], [sflag:$0x3], $0x2800, $0x38;
	[tilespmem:$0x1FC00] =	vst v63  }
0x3ad: {  	_ =	swait.ge [sflag:s8], $0x2800  }
0x3ae: {  	s30 =	sld [smem:$0x7F4];
	_ =	sdelay $0x2  }
0x3af: {  	s31 =	rddreg [dreg:$0x19];
	s1 =	sadd.s32 $0x1, s30  }
0x3b0: {  	p0 =	sne.s32 s1, s31  }
.Ltmp11:
0x3b1: {  	_ = 	snop;
	(pc) =	sbr.rel @p0 .LBB2_1-.Ltmp11, $3  }
0x3b2: {  	_ =	sdelay $0x1  }
0x3b3: {  	[sflag:s8] =	ssyncset.done $0x0  }
0x3b4: {  	[sflag:s8] =	ssyncadd.s32 $0xFFFFD800  }
0x3b5: {  	_ =	sfence.sel $0x180000  }
0x3b6: {  	[bflag:$0x0] =	sbarrier.arrive $0xFFFF  }
0x3b7: {  	_ =	strace $0x90000047  }
0x3b8: {  	s0 =	stileid.u32;
	[bflag:$0x2] =	sbarrier.arrive $0xFFFF  }
0x3b9: {  	p0 =	sne.s32 s0, $0x0;
	s0 =	rddreg [dreg:$0x3]  }
0x3ba: {  	s0 =	sadd.s32 @!p0 $0x100000, s0  }
0x3bb: {  	[sflag:s0] =	ssyncadd.tile.s32 @!p0 $0x1;
	_ =	shalt  }
.Lfunc_end2:
_tile_overlayer_lowered:
.L_overlay_start_2:
0x3bc: {  	(tag) =	ssettag $0x2  }
0x3bd: {  	s0 =	rddreg [dreg:$0x0];
	s2 =	stileid.u32  }
0x3be: {  	s1 =	rddreg [dreg:$0x1];
	p0 =	sne.s32 s2, $0x0  }
0x3bf: {  	s3 =	rddreg [dreg:$0x2];
	[bflag:$0x3] =	sbarrier.arrive $0xFFFF;
	s2 =	simm.s32 @!p0 $0x1C03  }
0x3c0: {  	[timem:s3], [sflag:s2] =	dma.local @!p0 [hbm:s0], s1  }
0x3c1: {  	s0 =	simm.s32 @!p0 $0x3  }
0x3c2: {  	_ =	swait.ge @!p0 [sflag:s0], s1  }
0x3c3: {  	s1 =	ssub.s32 @!p0 $0x0, s1;
	[sflag:s0] =	ssyncset.done @!p0 $0x0  }
0x3c4: {  	[sflag:s0] =	ssyncadd.s32 @!p0 s1  }
0x3c5: {  	[bflag:$0x3] =	sbarrier.arrive $0xFFFF  }
0x3c6: {  	_ =	shalt  }

</sc_bundles>
